<compile_context>
chip_gen: v7x
topology: tpu7x:2x2x1
jax: 0.10.2.dev20260603
libtpu: 0.0.44.dev20260713+nightly
codegen_flags: <defaults>
</compile_context>

<pallas_src>
import functools

import jax
import jax.numpy as jnp
from jax import lax
from jax.experimental import pallas as pl
from jax.experimental.pallas import tpu as pltpu
from jax.experimental.pallas import tpu_sc as plsc

N = 10000
E = 320000
DF = 128
DH = 16
NCLS = 16

NCORE = 2
NSUB = 16
NTILE = NCORE * NSUB

N_PAD = 10240
ROWS_PER_TILE = N_PAD // NSUB
BATCH = 128
NCHUNKS = E // BATCH
TPC = 80
LAST_C = NCHUNKS - (NTILE - 1) * TPC

NPK = N // 8
NPK_PAD = N_PAD // 8

_mesh = plsc.VectorSubcoreMesh(core_axis_name="c", subcore_axis_name="s")
_sc_params = pltpu.CompilerParams(use_tc_tiling_on_sc=False)


@functools.partial(
    pl.kernel,
    out_type=jax.ShapeDtypeStruct((NCORE, N_PAD), jnp.float32),
    mesh=_mesh,
    scratch_types=[
        pltpu.VMEM_SHARED((N_PAD,), jnp.float32),
        pltpu.VMEM((TPC, BATCH), jnp.int32),
        pltpu.VMEM((BATCH,), jnp.float32),
        pltpu.VMEM((ROWS_PER_TILE,), jnp.float32),
        *([pltpu.SemaphoreType.DMA] * 8),
    ],
    compiler_params=_sc_params,
)
def _deg_kernel(src_hbm, dst_hbm, out_hbm, acc, didx, ones_v, stage,
                s0, s1, s2, s3, s4, s5, s6, s7):
    del src_hbm
    cid = lax.axis_index("c")
    sid = lax.axis_index("s")
    tile = cid * NSUB + sid
    is_last = tile == NTILE - 1

    def _fill(i, _):
        ones_v[pl.ds(i * 16, 16)] = jnp.ones((16,), jnp.float32)
        return 0

    lax.fori_loop(0, BATCH // 16, _fill, 0, unroll=True)

    def _zero(i, _):
        stage[pl.ds(i * 16, 16)] = jnp.zeros((16,), jnp.float32)
        return 0

    lax.fori_loop(0, ROWS_PER_TILE // 16, _zero, 0)
    pltpu.sync_copy(stage, acc.at[pl.ds(sid * ROWS_PER_TILE, ROWS_PER_TILE)])

    @pl.when(jnp.logical_not(is_last))
    def _():
        pltpu.sync_copy(dst_hbm.at[pl.ds(tile * TPC, TPC)], didx)

    @pl.when(is_last)
    def _():
        pltpu.sync_copy(dst_hbm.at[pl.ds(tile * TPC, LAST_C)],
                        didx.at[pl.ds(0, LAST_C)])

    plsc.subcore_barrier()
    sems = (s0, s1, s2, s3, s4, s5, s6, s7)

    def _run_deg(nch, depth):
        for b in range(depth):
            pltpu.async_copy(ones_v, acc.at[didx.at[b]], sems[b], add=True)

        def _bd(k, _):
            j = depth * k
            for b in range(depth):
                pltpu.make_async_copy(ones_v, acc.at[didx.at[j + b]],
                                      sems[b]).wait()
                pltpu.async_copy(ones_v, acc.at[didx.at[j + depth + b]],
                                 sems[b], add=True)
            return 0

        lax.fori_loop(0, nch // depth - 1, _bd, 0)
        jT = nch - depth
        for b in range(depth):
            pltpu.make_async_copy(ones_v, acc.at[didx.at[jT + b]],
                                  sems[b]).wait()

    @pl.when(jnp.logical_not(is_last))
    def _():
        _run_deg(TPC, 8)

    @pl.when(is_last)
    def _():
        _run_deg(LAST_C, 4)

    plsc.subcore_barrier()
    sl = pl.ds(sid * ROWS_PER_TILE, ROWS_PER_TILE)
    pltpu.sync_copy(acc.at[sl], out_hbm.at[cid, sl])


@functools.partial(
    pl.kernel,
    out_type=jax.ShapeDtypeStruct((NCORE, N_PAD, DH), jnp.float32),
    mesh=_mesh,
    scratch_types=[
        pltpu.VMEM_SHARED((N_PAD, DH), jnp.float32),
        pltpu.VMEM((TPC, BATCH), jnp.int32),
        pltpu.VMEM((TPC, BATCH), jnp.int32),
        *([pltpu.VMEM((BATCH, DH), jnp.float32)] * 10),
        pltpu.VMEM((ROWS_PER_TILE, DH), jnp.float32),
        *([pltpu.SemaphoreType.DMA] * 20),
    ],
    compiler_params=_sc_params,
)
def _agg_kernel(hs_hbm, src_hbm, dst_hbm, out_hbm,
                acc, sidx, didx, *bufs_and_sems):
    rows = bufs_and_sems[:10]
    stage = bufs_and_sems[10]
    gsem = bufs_and_sems[11:21]
    ssem = bufs_and_sems[21:31]
    cid = lax.axis_index("c")
    sid = lax.axis_index("s")
    tile = cid * NSUB + sid
    is_last = tile == NTILE - 1

    def _zero(i, _):
        stage[i, :] = jnp.zeros((DH,), jnp.float32)
        return 0

    lax.fori_loop(0, ROWS_PER_TILE, _zero, 0, unroll=8)
    pltpu.sync_copy(stage, acc.at[pl.ds(sid * ROWS_PER_TILE, ROWS_PER_TILE)])

    @pl.when(jnp.logical_not(is_last))
    def _():
        pltpu.sync_copy(src_hbm.at[pl.ds(tile * TPC, TPC)], sidx)
        pltpu.sync_copy(dst_hbm.at[pl.ds(tile * TPC, TPC)], didx)

    @pl.when(is_last)
    def _():
        pltpu.sync_copy(src_hbm.at[pl.ds(tile * TPC, LAST_C)],
                        sidx.at[pl.ds(0, LAST_C)])
        pltpu.sync_copy(dst_hbm.at[pl.ds(tile * TPC, LAST_C)],
                        didx.at[pl.ds(0, LAST_C)])

    plsc.subcore_barrier()

    def _run_pipe(nch, depth):
        for b in range(depth):
            pltpu.async_copy(hs_hbm.at[sidx.at[b]], rows[b], gsem[b])

        def _bd(k, _):
            j = depth * k
            for b in range(depth):
                pltpu.make_async_copy(
                    hs_hbm.at[sidx.at[j + b]], rows[b], gsem[b]).wait()
                pltpu.async_copy(rows[b], acc.at[didx.at[j + b]], ssem[b],
                                 add=True)
            for b in range(depth):
                pltpu.make_async_copy(rows[b], acc.at[didx.at[j + b]],
                                      ssem[b]).wait()
                pltpu.async_copy(hs_hbm.at[sidx.at[j + depth + b]], rows[b],
                                 gsem[b])
            return 0

        lax.fori_loop(0, nch // depth - 1, _bd, 0)
        jT = nch - depth
        for b in range(depth):
            pltpu.make_async_copy(hs_hbm.at[sidx.at[jT + b]], rows[b],
                                  gsem[b]).wait()
            pltpu.sync_copy(rows[b], acc.at[didx.at[jT + b]], add=True)

    @pl.when(jnp.logical_not(is_last))
    def _():
        _run_pipe(TPC, 10)

    @pl.when(is_last)
    def _():
        _run_pipe(LAST_C, 4)

    plsc.subcore_barrier()
    sl = pl.ds(sid * ROWS_PER_TILE, ROWS_PER_TILE)
    pltpu.sync_copy(acc.at[sl], out_hbm.at[cid, sl])


def _tc_mm_body(xr_ref, w1bd_ref, h_ref):
    h_ref[...] = jnp.dot(xr_ref[...], w1bd_ref[...],
                         preferred_element_type=jnp.float32)


_tc_mm = pl.pallas_call(
    _tc_mm_body,
    out_shape=jax.ShapeDtypeStruct((NPK, 8 * DH), jnp.float32),
)


def _tc_scale_body(h_ref, deg8_ref, dinv16_ref, hs_ref):
    sel = jnp.repeat(jnp.eye(8, dtype=jnp.float32), 16, axis=1)
    deg = deg8_ref[0] + deg8_ref[1]
    deg16 = jnp.dot(deg, sel, preferred_element_type=jnp.float32) + 1.0
    dinv16 = lax.rsqrt(deg16)
    dinv16_ref[...] = dinv16
    hs_ref[...] = h_ref[...] * dinv16[:NPK]


_tc_scale = pl.pallas_call(
    _tc_scale_body,
    out_shape=(
        jax.ShapeDtypeStruct((NPK_PAD, 8 * DH), jnp.float32),
        jax.ShapeDtypeStruct((NPK, 8 * DH), jnp.float32),
    ),
)


def _tc_b_body(hs1_ref, agg_ref, dinv16_ref, w2bd_ref, b1_ref, hs2_ref):
    dinv16 = dinv16_ref[:NPK]
    agg = agg_ref[0, :NPK] + agg_ref[1, :NPK]
    out1 = (agg + hs1_ref[...]) * dinv16 + b1_ref[...]
    r = jnp.maximum(out1, 0.0)
    h2 = jnp.dot(r, w2bd_ref[...], preferred_element_type=jnp.float32)
    hs2_ref[...] = h2 * dinv16


_tc_b = pl.pallas_call(
    _tc_b_body,
    out_shape=jax.ShapeDtypeStruct((NPK, 8 * NCLS), jnp.float32),
)


def _tc_c_body(hs2_ref, agg_ref, dinv16_ref, b2_ref, out_ref):
    agg = agg_ref[0, :NPK] + agg_ref[1, :NPK]
    out_ref[...] = (agg + hs2_ref[...]) * dinv16_ref[:NPK] + b2_ref[...]


_tc_c = pl.pallas_call(
    _tc_c_body,
    out_shape=jax.ShapeDtypeStruct((NPK, 8 * NCLS), jnp.float32),
)


def _block_diag8(w):
    a, b = w.shape
    z = jnp.zeros((a, b), w.dtype)
    rows = [jnp.concatenate([w if i == j else z for j in range(8)], axis=1)
            for i in range(8)]
    return jnp.concatenate(rows, axis=0)


def kernel(x, edge_index, W1, b1, W2, b2):
    ei = edge_index.astype(jnp.int32).reshape(2, NCHUNKS, BATCH)
    src2d = ei[0]
    dst2d = ei[1]

    w1bd = _block_diag8(W1)
    w2bd = _block_diag8(W2)
    b1t = jnp.tile(b1, 8).reshape(1, 8 * DH)
    b2t = jnp.tile(b2, 8).reshape(1, 8 * NCLS)
    xr = x.reshape(NPK, 8 * DF)

    h1p = _tc_mm(xr, w1bd)
    degp = _deg_kernel(src2d, dst2d)
    deg8 = degp.reshape(NCORE, NPK_PAD, 8)
    dinv16, hs1p = _tc_scale(h1p, deg8)
    hs1 = hs1p.reshape(N, DH)
    agg1 = _agg_kernel(hs1, src2d, dst2d)
    agg1p = agg1.reshape(NCORE, NPK_PAD, 8 * DH)
    hs2p = _tc_b(hs1p, agg1p, dinv16, w2bd, b1t)
    hs2 = hs2p.reshape(N, DH)
    agg2 = _agg_kernel(hs2, src2d, dst2d)
    agg2p = agg2.reshape(NCORE, NPK_PAD, 8 * NCLS)
    outp = _tc_c(hs2p, agg2p, dinv16, b2t)
    return outp.reshape(N, NCLS)

# --- scband reference (transcript-rebuilt; emitter-appended) ---
"""Pipeline reference for scband-gcn-mlc-32478542692725 (READ-ONLY COPY).

The authoritative reference and input builder live on the scoring server;
editing this copy changes nothing except your own understanding.
"""

import jax, jax.numpy as jnp
import numpy as np

N_NODES = 10000
N_EDGES = 320000
D_FEAT = 128
D_HID = 16
N_CLS = 16


def glorot(key, shape):
    fan_in, fan_out = shape[0], shape[1]
    limit = np.sqrt(6.0 / (fan_in + fan_out))
    return jax.random.uniform(key, shape, minval=-limit, maxval=limit, dtype=jnp.float32)


def setup_inputs(seed: int = 0) -> dict:
    key = jax.random.key(seed)
    k_x, k_e, k_w1, k_w2 = jax.random.split(key, 4)
    x = jax.random.normal(k_x, (N_NODES, D_FEAT), dtype=jnp.float32)
    edge_index = jax.random.randint(k_e, (2, N_EDGES), 0, N_NODES, dtype=jnp.int64)
    W1 = glorot(k_w1, (D_FEAT, D_HID))
    b1 = jnp.zeros((D_HID,), dtype=jnp.float32)
    W2 = glorot(k_w2, (D_HID, N_CLS))
    b2 = jnp.zeros((N_CLS,), dtype=jnp.float32)
    return {"x": x, "edge_index": edge_index, "W1": W1, "b1": b1, "W2": W2, "b2": b2}


def gcn_conv(x, src, dst, W, b):
    # PyG GCNConv semantics: add self-loops, symmetric normalization D^-1/2 (A+I) D^-1/2 X W + b
    n = x.shape[0]
    h = x @ W
    ones = jnp.ones(src.shape[0], dtype=jnp.float32)
    deg = jnp.zeros((n,), dtype=jnp.float32).at[dst].add(ones)
    dinv = jax.lax.rsqrt(jnp.maximum(deg, 1.0))
    norm = dinv[src] * dinv[dst]
    msg = jnp.take(h, src, axis=0) * norm[:, None]
    out = jnp.zeros((n, W.shape[1]), dtype=jnp.float32).at[dst].add(msg)
    return out + b


def reference(x, edge_index, W1, b1, W2, b2):
    n = x.shape[0]
    loop = jnp.arange(n, dtype=edge_index.dtype)
    src = jnp.concatenate([edge_index[0], loop])
    dst = jnp.concatenate([edge_index[1], loop])
    h = gcn_conv(x, src, dst, W1, b1)
    h = jax.nn.relu(h)
    # dropout p=0.5 is identity in eval mode (self.training=False)
    out = gcn_conv(h, src, dst, W2, b2)
    return out

if __name__ == "__main__":
    import jax
    _d = setup_inputs()
    print(jax.jit(kernel)(*tuple(_d.values())))

</pallas_src>

<mosaic_0001>
#map = affine_map<(d0, d1) -> (0, 0)>
module attributes {stable_mosaic.version = 14 : i64} {
  func.func @_deg_kernel(%arg0: i32, %arg1: i32, %arg2: memref<2500x128xi32, #tpu.memory_space<hbm>>, %arg3: memref<2500x128xi32, #tpu.memory_space<hbm>>, %arg4: memref<2x10240xf32, #tpu.memory_space<hbm>>, %arg5: memref<10240xf32, #tpu.memory_space<vmem_shared>>, %arg6: memref<80x128xi32, #tpu.memory_space<vmem>>, %arg7: memref<128xf32, #tpu.memory_space<vmem>>, %arg8: memref<640xf32, #tpu.memory_space<vmem>>, %arg9: memref<!tpu.dma_semaphore, #tpu.memory_space<semaphore_mem>>, %arg10: memref<!tpu.dma_semaphore, #tpu.memory_space<semaphore_mem>>, %arg11: memref<!tpu.dma_semaphore, #tpu.memory_space<semaphore_mem>>, %arg12: memref<!tpu.dma_semaphore, #tpu.memory_space<semaphore_mem>>, %arg13: memref<!tpu.dma_semaphore, #tpu.memory_space<semaphore_mem>>, %arg14: memref<!tpu.dma_semaphore, #tpu.memory_space<semaphore_mem>>, %arg15: memref<!tpu.dma_semaphore, #tpu.memory_space<semaphore_mem>>, %arg16: memref<!tpu.dma_semaphore, #tpu.memory_space<semaphore_mem>>) attributes {dimension_semantics = [#tpu.dimension_semantics<core_parallel>, #tpu.dimension_semantics<subcore_parallel>], iteration_bounds = array<i64: 2, 16>, scalar_prefetch = 0 : i64, scratch_operands = 12 : i64, tpu.core_type = #tpu.core_type<sc_vector_subcore>, window_params = [{transform_indices = #map}, {transform_indices = #map}, {transform_indices = #map}]} {
    %mul3A = arith.constant 16 : i32
    %mul3A_0 = arith.muli %arg0, %mul3A : i32
    %add3A = arith.addi %mul3A_0, %arg1 : i32
    %eq3A = arith.constant 31 : i32
    %eq3A_1 = arith.cmpi eq, %add3A, %eq3A : i32
    %scan3A = arith.constant 0 : i32
    %scan3A_2 = arith.constant 0 : i32
    %broadcast_in_dim3A = arith.constant 1.000000e+00 : f32
    %broadcast_in_dim3A_3 = vector.broadcast %broadcast_in_dim3A : f32 to vector<16xf32>
    %mul3A_4 = arith.constant 16 : i32
    %mul3A_5 = arith.muli %scan3A_2, %mul3A_4 : i32
    %swap3A = arith.index_cast %mul3A_5 : i32 to index
    %swap3A_6 = tpu.vector_load %arg7[%swap3A] {strides = array<i32>} : memref<128xf32, #tpu.memory_space<vmem>>, vector<16xf32>,
    %swap3A_7 = vector.shape_cast %swap3A_6 : vector<16xf32> to vector<16xf32>
    %swap3A_8 = vector.shape_cast %broadcast_in_dim3A_3 : vector<16xf32> to vector<16xf32>
    tpu.vector_store %arg7[%swap3A], %swap3A_8 {strides = array<i32>} : memref<128xf32, #tpu.memory_space<vmem>>, vector<16xf32>,
    %scan3A_9 = arith.constant 0 : i32
    %scan3A_10 = arith.constant 1 : i32
    %broadcast_in_dim3A_11 = arith.constant 1.000000e+00 : f32
    %broadcast_in_dim3A_12 = vector.broadcast %broadcast_in_dim3A_11 : f32 to vector<16xf32>
    %mul3A_13 = arith.constant 16 : i32
    %mul3A_14 = arith.muli %scan3A_10, %mul3A_13 : i32
    %swap3A_15 = arith.index_cast %mul3A_14 : i32 to index
    %swap3A_16 = tpu.vector_load %arg7[%swap3A_15] {strides = array<i32>} : memref<128xf32, #tpu.memory_space<vmem>>, vector<16xf32>,
    %swap3A_17 = vector.shape_cast %swap3A_16 : vector<16xf32> to vector<16xf32>
    %swap3A_18 = vector.shape_cast %broadcast_in_dim3A_12 : vector<16xf32> to vector<16xf32>
    tpu.vector_store %arg7[%swap3A_15], %swap3A_18 {strides = array<i32>} : memref<128xf32, #tpu.memory_space<vmem>>, vector<16xf32>,
    %scan3A_19 = arith.constant 0 : i32
    %scan3A_20 = arith.constant 2 : i32
    %broadcast_in_dim3A_21 = arith.constant 1.000000e+00 : f32
    %broadcast_in_dim3A_22 = vector.broadcast %broadcast_in_dim3A_21 : f32 to vector<16xf32>
    %mul3A_23 = arith.constant 16 : i32
    %mul3A_24 = arith.muli %scan3A_20, %mul3A_23 : i32
    %swap3A_25 = arith.index_cast %mul3A_24 : i32 to index
    %swap3A_26 = tpu.vector_load %arg7[%swap3A_25] {strides = array<i32>} : memref<128xf32, #tpu.memory_space<vmem>>, vector<16xf32>,
    %swap3A_27 = vector.shape_cast %swap3A_26 : vector<16xf32> to vector<16xf32>
    %swap3A_28 = vector.shape_cast %broadcast_in_dim3A_22 : vector<16xf32> to vector<16xf32>
    tpu.vector_store %arg7[%swap3A_25], %swap3A_28 {strides = array<i32>} : memref<128xf32, #tpu.memory_space<vmem>>, vector<16xf32>,
    %scan3A_29 = arith.constant 0 : i32
    %scan3A_30 = arith.constant 3 : i32
    %broadcast_in_dim3A_31 = arith.constant 1.000000e+00 : f32
    %broadcast_in_dim3A_32 = vector.broadcast %broadcast_in_dim3A_31 : f32 to vector<16xf32>
    %mul3A_33 = arith.constant 16 : i32
    %mul3A_34 = arith.muli %scan3A_30, %mul3A_33 : i32
    %swap3A_35 = arith.index_cast %mul3A_34 : i32 to index
    %swap3A_36 = tpu.vector_load %arg7[%swap3A_35] {strides = array<i32>} : memref<128xf32, #tpu.memory_space<vmem>>, vector<16xf32>,
    %swap3A_37 = vector.shape_cast %swap3A_36 : vector<16xf32> to vector<16xf32>
    %swap3A_38 = vector.shape_cast %broadcast_in_dim3A_32 : vector<16xf32> to vector<16xf32>
    tpu.vector_store %arg7[%swap3A_35], %swap3A_38 {strides = array<i32>} : memref<128xf32, #tpu.memory_space<vmem>>, vector<16xf32>,
    %scan3A_39 = arith.constant 0 : i32
    %scan3A_40 = arith.constant 4 : i32
    %broadcast_in_dim3A_41 = arith.constant 1.000000e+00 : f32
    %broadcast_in_dim3A_42 = vector.broadcast %broadcast_in_dim3A_41 : f32 to vector<16xf32>
    %mul3A_43 = arith.constant 16 : i32
    %mul3A_44 = arith.muli %scan3A_40, %mul3A_43 : i32
    %swap3A_45 = arith.index_cast %mul3A_44 : i32 to index
    %swap3A_46 = tpu.vector_load %arg7[%swap3A_45] {strides = array<i32>} : memref<128xf32, #tpu.memory_space<vmem>>, vector<16xf32>,
    %swap3A_47 = vector.shape_cast %swap3A_46 : vector<16xf32> to vector<16xf32>
    %swap3A_48 = vector.shape_cast %broadcast_in_dim3A_42 : vector<16xf32> to vector<16xf32>
    tpu.vector_store %arg7[%swap3A_45], %swap3A_48 {strides = array<i32>} : memref<128xf32, #tpu.memory_space<vmem>>, vector<16xf32>,
    %scan3A_49 = arith.constant 0 : i32
    %scan3A_50 = arith.constant 5 : i32
    %broadcast_in_dim3A_51 = arith.constant 1.000000e+00 : f32
    %broadcast_in_dim3A_52 = vector.broadcast %broadcast_in_dim3A_51 : f32 to vector<16xf32>
    %mul3A_53 = arith.constant 16 : i32
    %mul3A_54 = arith.muli %scan3A_50, %mul3A_53 : i32
    %swap3A_55 = arith.index_cast %mul3A_54 : i32 to index
    %swap3A_56 = tpu.vector_load %arg7[%swap3A_55] {strides = array<i32>} : memref<128xf32, #tpu.memory_space<vmem>>, vector<16xf32>,
    %swap3A_57 = vector.shape_cast %swap3A_56 : vector<16xf32> to vector<16xf32>
    %swap3A_58 = vector.shape_cast %broadcast_in_dim3A_52 : vector<16xf32> to vector<16xf32>
    tpu.vector_store %arg7[%swap3A_55], %swap3A_58 {strides = array<i32>} : memref<128xf32, #tpu.memory_space<vmem>>, vector<16xf32>,
    %scan3A_59 = arith.constant 0 : i32
    %scan3A_60 = arith.constant 6 : i32
    %broadcast_in_dim3A_61 = arith.constant 1.000000e+00 : f32
    %broadcast_in_dim3A_62 = vector.broadcast %broadcast_in_dim3A_61 : f32 to vector<16xf32>
    %mul3A_63 = arith.constant 16 : i32
    %mul3A_64 = arith.muli %scan3A_60, %mul3A_63 : i32
    %swap3A_65 = arith.index_cast %mul3A_64 : i32 to index
    %swap3A_66 = tpu.vector_load %arg7[%swap3A_65] {strides = array<i32>} : memref<128xf32, #tpu.memory_space<vmem>>, vector<16xf32>,
    %swap3A_67 = vector.shape_cast %swap3A_66 : vector<16xf32> to vector<16xf32>
    %swap3A_68 = vector.shape_cast %broadcast_in_dim3A_62 : vector<16xf32> to vector<16xf32>
    tpu.vector_store %arg7[%swap3A_65], %swap3A_68 {strides = array<i32>} : memref<128xf32, #tpu.memory_space<vmem>>, vector<16xf32>,
    %scan3A_69 = arith.constant 0 : i32
    %scan3A_70 = arith.constant 7 : i32
    %broadcast_in_dim3A_71 = arith.constant 1.000000e+00 : f32
    %broadcast_in_dim3A_72 = vector.broadcast %broadcast_in_dim3A_71 : f32 to vector<16xf32>
    %mul3A_73 = arith.constant 16 : i32
    %mul3A_74 = arith.muli %scan3A_70, %mul3A_73 : i32
    %swap3A_75 = arith.index_cast %mul3A_74 : i32 to index
    %swap3A_76 = tpu.vector_load %arg7[%swap3A_75] {strides = array<i32>} : memref<128xf32, #tpu.memory_space<vmem>>, vector<16xf32>,
    %swap3A_77 = vector.shape_cast %swap3A_76 : vector<16xf32> to vector<16xf32>
    %swap3A_78 = vector.shape_cast %broadcast_in_dim3A_72 : vector<16xf32> to vector<16xf32>
    tpu.vector_store %arg7[%swap3A_75], %swap3A_78 {strides = array<i32>} : memref<128xf32, #tpu.memory_space<vmem>>, vector<16xf32>,
    %scan3A_79 = arith.constant 0 : i32
    %scan3A_80 = arith.constant 8 : i32
    %scan3A_81 = arith.constant 0 : i32
    %scan3A_82 = arith.constant 0 : i32
    %scan3A_83 = arith.constant 40 : i32
    %scan3A_84 = arith.addi %scan3A_82, %scan3A_83 : i32
    %scan3A_85 = arith.constant 1 : i32
    %scan3A_86 = scf.for %scan3A_106 = %scan3A_82 to %scan3A_84 step %scan3A_85 iter_args(%scan3A_107 = %scan3A_81) -> (i32)  : i32 {
      %broadcast_in_dim3A_108 = arith.constant 0.000000e+00 : f32
      %broadcast_in_dim3A_109 = vector.broadcast %broadcast_in_dim3A_108 : f32 to vector<16xf32>
      %mul3A_110 = arith.constant 16 : i32
      %mul3A_111 = arith.muli %scan3A_106, %mul3A_110 : i32
      %swap3A_112 = arith.index_cast %mul3A_111 : i32 to index
      %swap3A_113 = tpu.vector_load %arg8[%swap3A_112] {strides = array<i32>} : memref<640xf32, #tpu.memory_space<vmem>>, vector<16xf32>,
      %swap3A_114 = vector.shape_cast %swap3A_113 : vector<16xf32> to vector<16xf32>
      %swap3A_115 = vector.shape_cast %broadcast_in_dim3A_109 : vector<16xf32> to vector<16xf32>
      tpu.vector_store %arg8[%swap3A_112], %swap3A_115 {strides = array<i32>} : memref<640xf32, #tpu.memory_space<vmem>>, vector<16xf32>,
      %scan3A_116 = arith.constant 0 : i32
      scf.yield %scan3A_116 : i32
    }
    %scan3A_87 = arith.constant 40 : i32
    %mul3A_88 = arith.constant 640 : i32
    %mul3A_89 = arith.muli %arg1, %mul3A_88 : i32
    "tpu.region"() ({
      %run_scoped3A = tpu.sem_alloc : memref<!tpu.dma_semaphore, #tpu.memory_space<semaphore_mem>>
      %dma_start3A = tpu.memref_slice %arg5[%mul3A_89] : memref<10240xf32, #tpu.memory_space<vmem_shared>> -> memref<640xf32, #tpu.memory_space<vmem_shared>>
      %dma_start3A_106 = tpu.memref_slice %arg5[%mul3A_89] : memref<10240xf32, #tpu.memory_space<vmem_shared>> -> memref<640xf32, #tpu.memory_space<vmem_shared>>
      tpu.enqueue_dma source(%arg8 : memref<640xf32, #tpu.memory_space<vmem>>) target(%dma_start3A_106 : memref<640xf32, #tpu.memory_space<vmem_shared>>) target_semaphore(%run_scoped3A : memref<!tpu.dma_semaphore, #tpu.memory_space<semaphore_mem>>)
      %dma_wait3A = tpu.memref_slice %arg5[%mul3A_89] : memref<10240xf32, #tpu.memory_space<vmem_shared>> -> memref<640xf32, #tpu.memory_space<vmem_shared>>
      %dma_wait3A_107 = tpu.memref_slice %arg5[%mul3A_89] : memref<10240xf32, #tpu.memory_space<vmem_shared>> -> memref<640xf32, #tpu.memory_space<vmem_shared>>
      tpu.wait_dma2 semaphore(%run_scoped3A : memref<!tpu.dma_semaphore, #tpu.memory_space<semaphore_mem>>) src(%arg8 : memref<640xf32, #tpu.memory_space<vmem>>) dst(%dma_wait3A_107 : memref<640xf32, #tpu.memory_space<vmem_shared>>)
      tpu.yield
    }) : () -> ()
    %not3A = arith.constant true
    %not3A_90 = arith.xori %eq3A_1, %not3A : i1
    %convert_element_type3A = arith.extui %not3A_90 : i1 to i32
    %cond3A = arith.constant 0 : i32
    %cond3A_91 = arith.cmpi ne, %convert_element_type3A, %cond3A : i32
    scf.if %cond3A_91 {
      %mul3A_106 = arith.constant 80 : i32
      %mul3A_107 = arith.muli %add3A, %mul3A_106 : i32
      "tpu.region"() ({
        %run_scoped3A = tpu.sem_alloc : memref<!tpu.dma_semaphore, #tpu.memory_space<semaphore_mem>>
        %dma_start3A = arith.constant 0 : i32
        %dma_start3A_108 = tpu.memref_slice %arg3[%mul3A_107, %dma_start3A] : memref<2500x128xi32, #tpu.memory_space<hbm>> -> memref<80x128xi32, #tpu.memory_space<hbm>>
        %dma_start3A_109 = arith.constant 0 : i32
        %dma_start3A_110 = tpu.memref_slice %arg3[%mul3A_107, %dma_start3A_109] : memref<2500x128xi32, #tpu.memory_space<hbm>> -> memref<80x128xi32, #tpu.memory_space<hbm>>
        tpu.enqueue_dma source(%dma_start3A_110 : memref<80x128xi32, #tpu.memory_space<hbm>>) target(%arg6 : memref<80x128xi32, #tpu.memory_space<vmem>>) target_semaphore(%run_scoped3A : memref<!tpu.dma_semaphore, #tpu.memory_space<semaphore_mem>>)
        %dma_wait3A = arith.constant 0 : i32
        %dma_wait3A_111 = tpu.memref_slice %arg3[%mul3A_107, %dma_wait3A] : memref<2500x128xi32, #tpu.memory_space<hbm>> -> memref<80x128xi32, #tpu.memory_space<hbm>>
        %dma_wait3A_112 = arith.constant 0 : i32
        %dma_wait3A_113 = tpu.memref_slice %arg3[%mul3A_107, %dma_wait3A_112] : memref<2500x128xi32, #tpu.memory_space<hbm>> -> memref<80x128xi32, #tpu.memory_space<hbm>>
        tpu.wait_dma2 semaphore(%run_scoped3A : memref<!tpu.dma_semaphore, #tpu.memory_space<semaphore_mem>>) src(%dma_wait3A_113 : memref<80x128xi32, #tpu.memory_space<hbm>>) dst(%arg6 : memref<80x128xi32, #tpu.memory_space<vmem>>)
        tpu.yield
      }) : () -> ()
    } else {
    }
    %convert_element_type3A_92 = arith.extui %eq3A_1 : i1 to i32
    %cond3A_93 = arith.constant 0 : i32
    %cond3A_94 = arith.cmpi ne, %convert_element_type3A_92, %cond3A_93 : i32
    scf.if %cond3A_94 {
      %mul3A_106 = arith.constant 80 : i32
      %mul3A_107 = arith.muli %add3A, %mul3A_106 : i32
      "tpu.region"() ({
        %run_scoped3A = tpu.sem_alloc : memref<!tpu.dma_semaphore, #tpu.memory_space<semaphore_mem>>
        %dma_start3A = arith.constant 0 : i32
        %dma_start3A_108 = arith.constant 0 : i32
        %dma_start3A_109 = tpu.memref_slice %arg6[%dma_start3A, %dma_start3A_108] : memref<80x128xi32, #tpu.memory_space<vmem>> -> memref<20x128xi32, #tpu.memory_space<vmem>>
        %dma_start3A_110 = arith.constant 0 : i32
        %dma_start3A_111 = tpu.memref_slice %arg3[%mul3A_107, %dma_start3A_110] : memref<2500x128xi32, #tpu.memory_space<hbm>> -> memref<20x128xi32, #tpu.memory_space<hbm>>
        %dma_start3A_112 = arith.constant 0 : i32
        %dma_start3A_113 = arith.constant 0 : i32
        %dma_start3A_114 = tpu.memref_slice %arg6[%dma_start3A_112, %dma_start3A_113] : memref<80x128xi32, #tpu.memory_space<vmem>> -> memref<20x128xi32, #tpu.memory_space<vmem>>
        %dma_start3A_115 = arith.constant 0 : i32
        %dma_start3A_116 = tpu.memref_slice %arg3[%mul3A_107, %dma_start3A_115] : memref<2500x128xi32, #tpu.memory_space<hbm>> -> memref<20x128xi32, #tpu.memory_space<hbm>>
        tpu.enqueue_dma source(%dma_start3A_116 : memref<20x128xi32, #tpu.memory_space<hbm>>) target(%dma_start3A_114 : memref<20x128xi32, #tpu.memory_space<vmem>>) target_semaphore(%run_scoped3A : memref<!tpu.dma_semaphore, #tpu.memory_space<semaphore_mem>>)
        %dma_wait3A = arith.constant 0 : i32
        %dma_wait3A_117 = arith.constant 0 : i32
        %dma_wait3A_118 = tpu.memref_slice %arg6[%dma_wait3A, %dma_wait3A_117] : memref<80x128xi32, #tpu.memory_space<vmem>> -> memref<20x128xi32, #tpu.memory_space<vmem>>
        %dma_wait3A_119 = arith.constant 0 : i32
        %dma_wait3A_120 = tpu.memref_slice %arg3[%mul3A_107, %dma_wait3A_119] : memref<2500x128xi32, #tpu.memory_space<hbm>> -> memref<20x128xi32, #tpu.memory_space<hbm>>
        %dma_wait3A_121 = arith.constant 0 : i32
        %dma_wait3A_122 = arith.constant 0 : i32
        %dma_wait3A_123 = tpu.memref_slice %arg6[%dma_wait3A_121, %dma_wait3A_122] : memref<80x128xi32, #tpu.memory_space<vmem>> -> memref<20x128xi32, #tpu.memory_space<vmem>>
        %dma_wait3A_124 = arith.constant 0 : i32
        %dma_wait3A_125 = tpu.memref_slice %arg3[%mul3A_107, %dma_wait3A_124] : memref<2500x128xi32, #tpu.memory_space<hbm>> -> memref<20x128xi32, #tpu.memory_space<hbm>>
        tpu.wait_dma2 semaphore(%run_scoped3A : memref<!tpu.dma_semaphore, #tpu.memory_space<semaphore_mem>>) src(%dma_wait3A_125 : memref<20x128xi32, #tpu.memory_space<hbm>>) dst(%dma_wait3A_123 : memref<20x128xi32, #tpu.memory_space<vmem>>)
        tpu.yield
      }) : () -> ()
    } else {
    }
    %barrier3A = arith.constant 0 : index
    tpu.barrier barrier_id(%barrier3A)
    %not3A_95 = arith.constant true
    %not3A_96 = arith.xori %eq3A_1, %not3A_95 : i1
    %convert_element_type3A_97 = arith.extui %not3A_96 : i1 to i32
    %cond3A_98 = arith.constant 0 : i32
    %cond3A_99 = arith.cmpi ne, %convert_element_type3A_97, %cond3A_98 : i32
    scf.if %cond3A_99 {
      %dma_start3A = arith.constant 0 : i32
      %dma_start3A_106 = arith.constant 0 : i32
      %dma_start3A_107 = tpu.memref_slice %arg6[%dma_start3A, %dma_start3A_106] : memref<80x128xi32, #tpu.memory_space<vmem>> -> memref<1x128xi32, #tpu.memory_space<vmem>>
      %dma_start3A_108 = tpu.memref_squeeze %dma_start3A_107 : memref<1x128xi32, #tpu.memory_space<vmem>> -> memref<128xi32, #tpu.memory_space<vmem>>
      %dma_start3A_109 = arith.constant 0 : i32
      %dma_start3A_110 = tpu.memref_slice %arg5[%dma_start3A_109] : memref<10240xf32, #tpu.memory_space<vmem_shared>> -> memref<10240xf32, #tpu.memory_space<vmem_shared>>
      tpu.enqueue_indirect_dma source(%arg7 : memref<128xf32, #tpu.memory_space<vmem>>) target(%dma_start3A_110 : memref<10240xf32, #tpu.memory_space<vmem_shared>>) offsets(%dma_start3A_108 : memref<128xi32, #tpu.memory_space<vmem>>) semaphore(%arg9 : memref<!tpu.dma_semaphore, #tpu.memory_space<semaphore_mem>>) {add = true}
      %dma_start3A_111 = arith.constant 1 : i32
      %dma_start3A_112 = arith.constant 0 : i32
      %dma_start3A_113 = tpu.memref_slice %arg6[%dma_start3A_111, %dma_start3A_112] : memref<80x128xi32, #tpu.memory_space<vmem>> -> memref<1x128xi32, #tpu.memory_space<vmem>>
      %dma_start3A_114 = tpu.memref_squeeze %dma_start3A_113 : memref<1x128xi32, #tpu.memory_space<vmem>> -> memref<128xi32, #tpu.memory_space<vmem>>
      %dma_start3A_115 = arith.constant 0 : i32
      %dma_start3A_116 = tpu.memref_slice %arg5[%dma_start3A_115] : memref<10240xf32, #tpu.memory_space<vmem_shared>> -> memref<10240xf32, #tpu.memory_space<vmem_shared>>
      tpu.enqueue_indirect_dma source(%arg7 : memref<128xf32, #tpu.memory_space<vmem>>) target(%dma_start3A_116 : memref<10240xf32, #tpu.memory_space<vmem_shared>>) offsets(%dma_start3A_114 : memref<128xi32, #tpu.memory_space<vmem>>) semaphore(%arg10 : memref<!tpu.dma_semaphore, #tpu.memory_space<semaphore_mem>>) {add = true}
      %dma_start3A_117 = arith.constant 2 : i32
      %dma_start3A_118 = arith.constant 0 : i32
      %dma_start3A_119 = tpu.memref_slice %arg6[%dma_start3A_117, %dma_start3A_118] : memref<80x128xi32, #tpu.memory_space<vmem>> -> memref<1x128xi32, #tpu.memory_space<vmem>>
      %dma_start3A_120 = tpu.memref_squeeze %dma_start3A_119 : memref<1x128xi32, #tpu.memory_space<vmem>> -> memref<128xi32, #tpu.memory_space<vmem>>
      %dma_start3A_121 = arith.constant 0 : i32
      %dma_start3A_122 = tpu.memref_slice %arg5[%dma_start3A_121] : memref<10240xf32, #tpu.memory_space<vmem_shared>> -> memref<10240xf32, #tpu.memory_space<vmem_shared>>
      tpu.enqueue_indirect_dma source(%arg7 : memref<128xf32, #tpu.memory_space<vmem>>) target(%dma_start3A_122 : memref<10240xf32, #tpu.memory_space<vmem_shared>>) offsets(%dma_start3A_120 : memref<128xi32, #tpu.memory_space<vmem>>) semaphore(%arg11 : memref<!tpu.dma_semaphore, #tpu.memory_space<semaphore_mem>>) {add = true}
      %dma_start3A_123 = arith.constant 3 : i32
      %dma_start3A_124 = arith.constant 0 : i32
      %dma_start3A_125 = tpu.memref_slice %arg6[%dma_start3A_123, %dma_start3A_124] : memref<80x128xi32, #tpu.memory_space<vmem>> -> memref<1x128xi32, #tpu.memory_space<vmem>>
      %dma_start3A_126 = tpu.memref_squeeze %dma_start3A_125 : memref<1x128xi32, #tpu.memory_space<vmem>> -> memref<128xi32, #tpu.memory_space<vmem>>
      %dma_start3A_127 = arith.constant 0 : i32
      %dma_start3A_128 = tpu.memref_slice %arg5[%dma_start3A_127] : memref<10240xf32, #tpu.memory_space<vmem_shared>> -> memref<10240xf32, #tpu.memory_space<vmem_shared>>
      tpu.enqueue_indirect_dma source(%arg7 : memref<128xf32, #tpu.memory_space<vmem>>) target(%dma_start3A_128 : memref<10240xf32, #tpu.memory_space<vmem_shared>>) offsets(%dma_start3A_126 : memref<128xi32, #tpu.memory_space<vmem>>) semaphore(%arg12 : memref<!tpu.dma_semaphore, #tpu.memory_space<semaphore_mem>>) {add = true}
      %dma_start3A_129 = arith.constant 4 : i32
      %dma_start3A_130 = arith.constant 0 : i32
      %dma_start3A_131 = tpu.memref_slice %arg6[%dma_start3A_129, %dma_start3A_130] : memref<80x128xi32, #tpu.memory_space<vmem>> -> memref<1x128xi32, #tpu.memory_space<vmem>>
      %dma_start3A_132 = tpu.memref_squeeze %dma_start3A_131 : memref<1x128xi32, #tpu.memory_space<vmem>> -> memref<128xi32, #tpu.memory_space<vmem>>
      %dma_start3A_133 = arith.constant 0 : i32
      %dma_start3A_134 = tpu.memref_slice %arg5[%dma_start3A_133] : memref<10240xf32, #tpu.memory_space<vmem_shared>> -> memref<10240xf32, #tpu.memory_space<vmem_shared>>
      tpu.enqueue_indirect_dma source(%arg7 : memref<128xf32, #tpu.memory_space<vmem>>) target(%dma_start3A_134 : memref<10240xf32, #tpu.memory_space<vmem_shared>>) offsets(%dma_start3A_132 : memref<128xi32, #tpu.memory_space<vmem>>) semaphore(%arg13 : memref<!tpu.dma_semaphore, #tpu.memory_space<semaphore_mem>>) {add = true}
      %dma_start3A_135 = arith.constant 5 : i32
      %dma_start3A_136 = arith.constant 0 : i32
      %dma_start3A_137 = tpu.memref_slice %arg6[%dma_start3A_135, %dma_start3A_136] : memref<80x128xi32, #tpu.memory_space<vmem>> -> memref<1x128xi32, #tpu.memory_space<vmem>>
      %dma_start3A_138 = tpu.memref_squeeze %dma_start3A_137 : memref<1x128xi32, #tpu.memory_space<vmem>> -> memref<128xi32, #tpu.memory_space<vmem>>
      %dma_start3A_139 = arith.constant 0 : i32
      %dma_start3A_140 = tpu.memref_slice %arg5[%dma_start3A_139] : memref<10240xf32, #tpu.memory_space<vmem_shared>> -> memref<10240xf32, #tpu.memory_space<vmem_shared>>
      tpu.enqueue_indirect_dma source(%arg7 : memref<128xf32, #tpu.memory_space<vmem>>) target(%dma_start3A_140 : memref<10240xf32, #tpu.memory_space<vmem_shared>>) offsets(%dma_start3A_138 : memref<128xi32, #tpu.memory_space<vmem>>) semaphore(%arg14 : memref<!tpu.dma_semaphore, #tpu.memory_space<semaphore_mem>>) {add = true}
      %dma_start3A_141 = arith.constant 6 : i32
      %dma_start3A_142 = arith.constant 0 : i32
      %dma_start3A_143 = tpu.memref_slice %arg6[%dma_start3A_141, %dma_start3A_142] : memref<80x128xi32, #tpu.memory_space<vmem>> -> memref<1x128xi32, #tpu.memory_space<vmem>>
      %dma_start3A_144 = tpu.memref_squeeze %dma_start3A_143 : memref<1x128xi32, #tpu.memory_space<vmem>> -> memref<128xi32, #tpu.memory_space<vmem>>
      %dma_start3A_145 = arith.constant 0 : i32
      %dma_start3A_146 = tpu.memref_slice %arg5[%dma_start3A_145] : memref<10240xf32, #tpu.memory_space<vmem_shared>> -> memref<10240xf32, #tpu.memory_space<vmem_shared>>
      tpu.enqueue_indirect_dma source(%arg7 : memref<128xf32, #tpu.memory_space<vmem>>) target(%dma_start3A_146 : memref<10240xf32, #tpu.memory_space<vmem_shared>>) offsets(%dma_start3A_144 : memref<128xi32, #tpu.memory_space<vmem>>) semaphore(%arg15 : memref<!tpu.dma_semaphore, #tpu.memory_space<semaphore_mem>>) {add = true}
      %dma_start3A_147 = arith.constant 7 : i32
      %dma_start3A_148 = arith.constant 0 : i32
      %dma_start3A_149 = tpu.memref_slice %arg6[%dma_start3A_147, %dma_start3A_148] : memref<80x128xi32, #tpu.memory_space<vmem>> -> memref<1x128xi32, #tpu.memory_space<vmem>>
      %dma_start3A_150 = tpu.memref_squeeze %dma_start3A_149 : memref<1x128xi32, #tpu.memory_space<vmem>> -> memref<128xi32, #tpu.memory_space<vmem>>
      %dma_start3A_151 = arith.constant 0 : i32
      %dma_start3A_152 = tpu.memref_slice %arg5[%dma_start3A_151] : memref<10240xf32, #tpu.memory_space<vmem_shared>> -> memref<10240xf32, #tpu.memory_space<vmem_shared>>
      tpu.enqueue_indirect_dma source(%arg7 : memref<128xf32, #tpu.memory_space<vmem>>) target(%dma_start3A_152 : memref<10240xf32, #tpu.memory_space<vmem_shared>>) offsets(%dma_start3A_150 : memref<128xi32, #tpu.memory_space<vmem>>) semaphore(%arg16 : memref<!tpu.dma_semaphore, #tpu.memory_space<semaphore_mem>>) {add = true}
      %scan3A_153 = arith.constant 0 : i32
      %scan3A_154 = arith.constant 0 : i32
      %scan3A_155 = arith.constant 9 : i32
      %scan3A_156 = arith.addi %scan3A_154, %scan3A_155 : i32
      %scan3A_157 = arith.constant 1 : i32
      %scan3A_158 = scf.for %scan3A_207 = %scan3A_154 to %scan3A_156 step %scan3A_157 iter_args(%scan3A_208 = %scan3A_153) -> (i32)  : i32 {
        %mul3A_209 = arith.constant 8 : i32
        %mul3A_210 = arith.muli %mul3A_209, %scan3A_207 : i32
        %add3A_211 = arith.constant 0 : i32
        %add3A_212 = arith.addi %mul3A_210, %add3A_211 : i32
        %dma_wait3A_213 = arith.constant 0 : i32
        %dma_wait3A_214 = tpu.memref_slice %arg6[%add3A_212, %dma_wait3A_213] : memref<80x128xi32, #tpu.memory_space<vmem>> -> memref<1x128xi32, #tpu.memory_space<vmem>>
        %dma_wait3A_215 = tpu.memref_squeeze %dma_wait3A_214 : memref<1x128xi32, #tpu.memory_space<vmem>> -> memref<128xi32, #tpu.memory_space<vmem>>
        %dma_wait3A_216 = arith.constant 0 : i32
        %dma_wait3A_217 = tpu.memref_slice %arg5[%dma_wait3A_216] : memref<10240xf32, #tpu.memory_space<vmem_shared>> -> memref<10240xf32, #tpu.memory_space<vmem_shared>>
        tpu.wait_indirect_dma semaphore(%arg9 : memref<!tpu.dma_semaphore, #tpu.memory_space<semaphore_mem>>) src(%arg7 : memref<128xf32, #tpu.memory_space<vmem>>) dst(%dma_wait3A_217 : memref<10240xf32, #tpu.memory_space<vmem_shared>>)
        %add3A_218 = arith.constant 8 : i32
        %add3A_219 = arith.addi %mul3A_210, %add3A_218 : i32
        %add3A_220 = arith.constant 0 : i32
        %add3A_221 = arith.addi %add3A_219, %add3A_220 : i32
        %dma_start3A_222 = arith.constant 0 : i32
        %dma_start3A_223 = tpu.memref_slice %arg6[%add3A_221, %dma_start3A_222] : memref<80x128xi32, #tpu.memory_space<vmem>> -> memref<1x128xi32, #tpu.memory_space<vmem>>
        %dma_start3A_224 = tpu.memref_squeeze %dma_start3A_223 : memref<1x128xi32, #tpu.memory_space<vmem>> -> memref<128xi32, #tpu.memory_space<vmem>>
        %dma_start3A_225 = arith.constant 0 : i32
        %dma_start3A_226 = tpu.memref_slice %arg5[%dma_start3A_225] : memref<10240xf32, #tpu.memory_space<vmem_shared>> -> memref<10240xf32, #tpu.memory_space<vmem_shared>>
        tpu.enqueue_indirect_dma source(%arg7 : memref<128xf32, #tpu.memory_space<vmem>>) target(%dma_start3A_226 : memref<10240xf32, #tpu.memory_space<vmem_shared>>) offsets(%dma_start3A_224 : memref<128xi32, #tpu.memory_space<vmem>>) semaphore(%arg9 : memref<!tpu.dma_semaphore, #tpu.memory_space<semaphore_mem>>) {add = true}
        %add3A_227 = arith.constant 1 : i32
        %add3A_228 = arith.addi %mul3A_210, %add3A_227 : i32
        %dma_wait3A_229 = arith.constant 0 : i32
        %dma_wait3A_230 = tpu.memref_slice %arg6[%add3A_228, %dma_wait3A_229] : memref<80x128xi32, #tpu.memory_space<vmem>> -> memref<1x128xi32, #tpu.memory_space<vmem>>
        %dma_wait3A_231 = tpu.memref_squeeze %dma_wait3A_230 : memref<1x128xi32, #tpu.memory_space<vmem>> -> memref<128xi32, #tpu.memory_space<vmem>>
        %dma_wait3A_232 = arith.constant 0 : i32
        %dma_wait3A_233 = tpu.memref_slice %arg5[%dma_wait3A_232] : memref<10240xf32, #tpu.memory_space<vmem_shared>> -> memref<10240xf32, #tpu.memory_space<vmem_shared>>
        tpu.wait_indirect_dma semaphore(%arg10 : memref<!tpu.dma_semaphore, #tpu.memory_space<semaphore_mem>>) src(%arg7 : memref<128xf32, #tpu.memory_space<vmem>>) dst(%dma_wait3A_233 : memref<10240xf32, #tpu.memory_space<vmem_shared>>)
        %add3A_234 = arith.constant 8 : i32
        %add3A_235 = arith.addi %mul3A_210, %add3A_234 : i32
        %add3A_236 = arith.constant 1 : i32
        %add3A_237 = arith.addi %add3A_235, %add3A_236 : i32
        %dma_start3A_238 = arith.constant 0 : i32
        %dma_start3A_239 = tpu.memref_slice %arg6[%add3A_237, %dma_start3A_238] : memref<80x128xi32, #tpu.memory_space<vmem>> -> memref<1x128xi32, #tpu.memory_space<vmem>>
        %dma_start3A_240 = tpu.memref_squeeze %dma_start3A_239 : memref<1x128xi32, #tpu.memory_space<vmem>> -> memref<128xi32, #tpu.memory_space<vmem>>
        %dma_start3A_241 = arith.constant 0 : i32
        %dma_start3A_242 = tpu.memref_slice %arg5[%dma_start3A_241] : memref<10240xf32, #tpu.memory_space<vmem_shared>> -> memref<10240xf32, #tpu.memory_space<vmem_shared>>
        tpu.enqueue_indirect_dma source(%arg7 : memref<128xf32, #tpu.memory_space<vmem>>) target(%dma_start3A_242 : memref<10240xf32, #tpu.memory_space<vmem_shared>>) offsets(%dma_start3A_240 : memref<128xi32, #tpu.memory_space<vmem>>) semaphore(%arg10 : memref<!tpu.dma_semaphore, #tpu.memory_space<semaphore_mem>>) {add = true}
        %add3A_243 = arith.constant 2 : i32
        %add3A_244 = arith.addi %mul3A_210, %add3A_243 : i32
        %dma_wait3A_245 = arith.constant 0 : i32
        %dma_wait3A_246 = tpu.memref_slice %arg6[%add3A_244, %dma_wait3A_245] : memref<80x128xi32, #tpu.memory_space<vmem>> -> memref<1x128xi32, #tpu.memory_space<vmem>>
        %dma_wait3A_247 = tpu.memref_squeeze %dma_wait3A_246 : memref<1x128xi32, #tpu.memory_space<vmem>> -> memref<128xi32, #tpu.memory_space<vmem>>
        %dma_wait3A_248 = arith.constant 0 : i32
        %dma_wait3A_249 = tpu.memref_slice %arg5[%dma_wait3A_248] : memref<10240xf32, #tpu.memory_space<vmem_shared>> -> memref<10240xf32, #tpu.memory_space<vmem_shared>>
        tpu.wait_indirect_dma semaphore(%arg11 : memref<!tpu.dma_semaphore, #tpu.memory_space<semaphore_mem>>) src(%arg7 : memref<128xf32, #tpu.memory_space<vmem>>) dst(%dma_wait3A_249 : memref<10240xf32, #tpu.memory_space<vmem_shared>>)
        %add3A_250 = arith.constant 8 : i32
        %add3A_251 = arith.addi %mul3A_210, %add3A_250 : i32
        %add3A_252 = arith.constant 2 : i32
        %add3A_253 = arith.addi %add3A_251, %add3A_252 : i32
        %dma_start3A_254 = arith.constant 0 : i32
        %dma_start3A_255 = tpu.memref_slice %arg6[%add3A_253, %dma_start3A_254] : memref<80x128xi32, #tpu.memory_space<vmem>> -> memref<1x128xi32, #tpu.memory_space<vmem>>
        %dma_start3A_256 = tpu.memref_squeeze %dma_start3A_255 : memref<1x128xi32, #tpu.memory_space<vmem>> -> memref<128xi32, #tpu.memory_space<vmem>>
        %dma_start3A_257 = arith.constant 0 : i32
        %dma_start3A_258 = tpu.memref_slice %arg5[%dma_start3A_257] : memref<10240xf32, #tpu.memory_space<vmem_shared>> -> memref<10240xf32, #tpu.memory_space<vmem_shared>>
        tpu.enqueue_indirect_dma source(%arg7 : memref<128xf32, #tpu.memory_space<vmem>>) target(%dma_start3A_258 : memref<10240xf32, #tpu.memory_space<vmem_shared>>) offsets(%dma_start3A_256 : memref<128xi32, #tpu.memory_space<vmem>>) semaphore(%arg11 : memref<!tpu.dma_semaphore, #tpu.memory_space<semaphore_mem>>) {add = true}
        %add3A_259 = arith.constant 3 : i32
        %add3A_260 = arith.addi %mul3A_210, %add3A_259 : i32
        %dma_wait3A_261 = arith.constant 0 : i32
        %dma_wait3A_262 = tpu.memref_slice %arg6[%add3A_260, %dma_wait3A_261] : memref<80x128xi32, #tpu.memory_space<vmem>> -> memref<1x128xi32, #tpu.memory_space<vmem>>
        %dma_wait3A_263 = tpu.memref_squeeze %dma_wait3A_262 : memref<1x128xi32, #tpu.memory_space<vmem>> -> memref<128xi32, #tpu.memory_space<vmem>>
        %dma_wait3A_264 = arith.constant 0 : i32
        %dma_wait3A_265 = tpu.memref_slice %arg5[%dma_wait3A_264] : memref<10240xf32, #tpu.memory_space<vmem_shared>> -> memref<10240xf32, #tpu.memory_space<vmem_shared>>
        tpu.wait_indirect_dma semaphore(%arg12 : memref<!tpu.dma_semaphore, #tpu.memory_space<semaphore_mem>>) src(%arg7 : memref<128xf32, #tpu.memory_space<vmem>>) dst(%dma_wait3A_265 : memref<10240xf32, #tpu.memory_space<vmem_shared>>)
        %add3A_266 = arith.constant 8 : i32
        %add3A_267 = arith.addi %mul3A_210, %add3A_266 : i32
        %add3A_268 = arith.constant 3 : i32
        %add3A_269 = arith.addi %add3A_267, %add3A_268 : i32
        %dma_start3A_270 = arith.constant 0 : i32
        %dma_start3A_271 = tpu.memref_slice %arg6[%add3A_269, %dma_start3A_270] : memref<80x128xi32, #tpu.memory_space<vmem>> -> memref<1x128xi32, #tpu.memory_space<vmem>>
        %dma_start3A_272 = tpu.memref_squeeze %dma_start3A_271 : memref<1x128xi32, #tpu.memory_space<vmem>> -> memref<128xi32, #tpu.memory_space<vmem>>
        %dma_start3A_273 = arith.constant 0 : i32
        %dma_start3A_274 = tpu.memref_slice %arg5[%dma_start3A_273] : memref<10240xf32, #tpu.memory_space<vmem_shared>> -> memref<10240xf32, #tpu.memory_space<vmem_shared>>
        tpu.enqueue_indirect_dma source(%arg7 : memref<128xf32, #tpu.memory_space<vmem>>) target(%dma_start3A_274 : memref<10240xf32, #tpu.memory_space<vmem_shared>>) offsets(%dma_start3A_272 : memref<128xi32, #tpu.memory_space<vmem>>) semaphore(%arg12 : memref<!tpu.dma_semaphore, #tpu.memory_space<semaphore_mem>>) {add = true}
        %add3A_275 = arith.constant 4 : i32
        %add3A_276 = arith.addi %mul3A_210, %add3A_275 : i32
        %dma_wait3A_277 = arith.constant 0 : i32
        %dma_wait3A_278 = tpu.memref_slice %arg6[%add3A_276, %dma_wait3A_277] : memref<80x128xi32, #tpu.memory_space<vmem>> -> memref<1x128xi32, #tpu.memory_space<vmem>>
        %dma_wait3A_279 = tpu.memref_squeeze %dma_wait3A_278 : memref<1x128xi32, #tpu.memory_space<vmem>> -> memref<128xi32, #tpu.memory_space<vmem>>
        %dma_wait3A_280 = arith.constant 0 : i32
        %dma_wait3A_281 = tpu.memref_slice %arg5[%dma_wait3A_280] : memref<10240xf32, #tpu.memory_space<vmem_shared>> -> memref<10240xf32, #tpu.memory_space<vmem_shared>>
        tpu.wait_indirect_dma semaphore(%arg13 : memref<!tpu.dma_semaphore, #tpu.memory_space<semaphore_mem>>) src(%arg7 : memref<128xf32, #tpu.memory_space<vmem>>) dst(%dma_wait3A_281 : memref<10240xf32, #tpu.memory_space<vmem_shared>>)
        %add3A_282 = arith.constant 8 : i32
        %add3A_283 = arith.addi %mul3A_210, %add3A_282 : i32
        %add3A_284 = arith.constant 4 : i32
        %add3A_285 = arith.addi %add3A_283, %add3A_284 : i32
        %dma_start3A_286 = arith.constant 0 : i32
        %dma_start3A_287 = tpu.memref_slice %arg6[%add3A_285, %dma_start3A_286] : memref<80x128xi32, #tpu.memory_space<vmem>> -> memref<1x128xi32, #tpu.memory_space<vmem>>
        %dma_start3A_288 = tpu.memref_squeeze %dma_start3A_287 : memref<1x128xi32, #tpu.memory_space<vmem>> -> memref<128xi32, #tpu.memory_space<vmem>>
        %dma_start3A_289 = arith.constant 0 : i32
        %dma_start3A_290 = tpu.memref_slice %arg5[%dma_start3A_289] : memref<10240xf32, #tpu.memory_space<vmem_shared>> -> memref<10240xf32, #tpu.memory_space<vmem_shared>>
        tpu.enqueue_indirect_dma source(%arg7 : memref<128xf32, #tpu.memory_space<vmem>>) target(%dma_start3A_290 : memref<10240xf32, #tpu.memory_space<vmem_shared>>) offsets(%dma_start3A_288 : memref<128xi32, #tpu.memory_space<vmem>>) semaphore(%arg13 : memref<!tpu.dma_semaphore, #tpu.memory_space<semaphore_mem>>) {add = true}
        %add3A_291 = arith.constant 5 : i32
        %add3A_292 = arith.addi %mul3A_210, %add3A_291 : i32
        %dma_wait3A_293 = arith.constant 0 : i32
        %dma_wait3A_294 = tpu.memref_slice %arg6[%add3A_292, %dma_wait3A_293] : memref<80x128xi32, #tpu.memory_space<vmem>> -> memref<1x128xi32, #tpu.memory_space<vmem>>
        %dma_wait3A_295 = tpu.memref_squeeze %dma_wait3A_294 : memref<1x128xi32, #tpu.memory_space<vmem>> -> memref<128xi32, #tpu.memory_space<vmem>>
        %dma_wait3A_296 = arith.constant 0 : i32
        %dma_wait3A_297 = tpu.memref_slice %arg5[%dma_wait3A_296] : memref<10240xf32, #tpu.memory_space<vmem_shared>> -> memref<10240xf32, #tpu.memory_space<vmem_shared>>
        tpu.wait_indirect_dma semaphore(%arg14 : memref<!tpu.dma_semaphore, #tpu.memory_space<semaphore_mem>>) src(%arg7 : memref<128xf32, #tpu.memory_space<vmem>>) dst(%dma_wait3A_297 : memref<10240xf32, #tpu.memory_space<vmem_shared>>)
        %add3A_298 = arith.constant 8 : i32
        %add3A_299 = arith.addi %mul3A_210, %add3A_298 : i32
        %add3A_300 = arith.constant 5 : i32
        %add3A_301 = arith.addi %add3A_299, %add3A_300 : i32
        %dma_start3A_302 = arith.constant 0 : i32
        %dma_start3A_303 = tpu.memref_slice %arg6[%add3A_301, %dma_start3A_302] : memref<80x128xi32, #tpu.memory_space<vmem>> -> memref<1x128xi32, #tpu.memory_space<vmem>>
        %dma_start3A_304 = tpu.memref_squeeze %dma_start3A_303 : memref<1x128xi32, #tpu.memory_space<vmem>> -> memref<128xi32, #tpu.memory_space<vmem>>
        %dma_start3A_305 = arith.constant 0 : i32
        %dma_start3A_306 = tpu.memref_slice %arg5[%dma_start3A_305] : memref<10240xf32, #tpu.memory_space<vmem_shared>> -> memref<10240xf32, #tpu.memory_space<vmem_shared>>
        tpu.enqueue_indirect_dma source(%arg7 : memref<128xf32, #tpu.memory_space<vmem>>) target(%dma_start3A_306 : memref<10240xf32, #tpu.memory_space<vmem_shared>>) offsets(%dma_start3A_304 : memref<128xi32, #tpu.memory_space<vmem>>) semaphore(%arg14 : memref<!tpu.dma_semaphore, #tpu.memory_space<semaphore_mem>>) {add = true}
        %add3A_307 = arith.constant 6 : i32
        %add3A_308 = arith.addi %mul3A_210, %add3A_307 : i32
        %dma_wait3A_309 = arith.constant 0 : i32
        %dma_wait3A_310 = tpu.memref_slice %arg6[%add3A_308, %dma_wait3A_309] : memref<80x128xi32, #tpu.memory_space<vmem>> -> memref<1x128xi32, #tpu.memory_space<vmem>>
        %dma_wait3A_311 = tpu.memref_squeeze %dma_wait3A_310 : memref<1x128xi32, #tpu.memory_space<vmem>> -> memref<128xi32, #tpu.memory_space<vmem>>
        %dma_wait3A_312 = arith.constant 0 : i32
        %dma_wait3A_313 = tpu.memref_slice %arg5[%dma_wait3A_312] : memref<10240xf32, #tpu.memory_space<vmem_shared>> -> memref<10240xf32, #tpu.memory_space<vmem_shared>>
        tpu.wait_indirect_dma semaphore(%arg15 : memref<!tpu.dma_semaphore, #tpu.memory_space<semaphore_mem>>) src(%arg7 : memref<128xf32, #tpu.memory_space<vmem>>) dst(%dma_wait3A_313 : memref<10240xf32, #tpu.memory_space<vmem_shared>>)
        %add3A_314 = arith.constant 8 : i32
        %add3A_315 = arith.addi %mul3A_210, %add3A_314 : i32
        %add3A_316 = arith.constant 6 : i32
        %add3A_317 = arith.addi %add3A_315, %add3A_316 : i32
        %dma_start3A_318 = arith.constant 0 : i32
        %dma_start3A_319 = tpu.memref_slice %arg6[%add3A_317, %dma_start3A_318] : memref<80x128xi32, #tpu.memory_space<vmem>> -> memref<1x128xi32, #tpu.memory_space<vmem>>
        %dma_start3A_320 = tpu.memref_squeeze %dma_start3A_319 : memref<1x128xi32, #tpu.memory_space<vmem>> -> memref<128xi32, #tpu.memory_space<vmem>>
        %dma_start3A_321 = arith.constant 0 : i32
        %dma_start3A_322 = tpu.memref_slice %arg5[%dma_start3A_321] : memref<10240xf32, #tpu.memory_space<vmem_shared>> -> memref<10240xf32, #tpu.memory_space<vmem_shared>>
        tpu.enqueue_indirect_dma source(%arg7 : memref<128xf32, #tpu.memory_space<vmem>>) target(%dma_start3A_322 : memref<10240xf32, #tpu.memory_space<vmem_shared>>) offsets(%dma_start3A_320 : memref<128xi32, #tpu.memory_space<vmem>>) semaphore(%arg15 : memref<!tpu.dma_semaphore, #tpu.memory_space<semaphore_mem>>) {add = true}
        %add3A_323 = arith.constant 7 : i32
        %add3A_324 = arith.addi %mul3A_210, %add3A_323 : i32
        %dma_wait3A_325 = arith.constant 0 : i32
        %dma_wait3A_326 = tpu.memref_slice %arg6[%add3A_324, %dma_wait3A_325] : memref<80x128xi32, #tpu.memory_space<vmem>> -> memref<1x128xi32, #tpu.memory_space<vmem>>
        %dma_wait3A_327 = tpu.memref_squeeze %dma_wait3A_326 : memref<1x128xi32, #tpu.memory_space<vmem>> -> memref<128xi32, #tpu.memory_space<vmem>>
        %dma_wait3A_328 = arith.constant 0 : i32
        %dma_wait3A_329 = tpu.memref_slice %arg5[%dma_wait3A_328] : memref<10240xf32, #tpu.memory_space<vmem_shared>> -> memref<10240xf32, #tpu.memory_space<vmem_shared>>
        tpu.wait_indirect_dma semaphore(%arg16 : memref<!tpu.dma_semaphore, #tpu.memory_space<semaphore_mem>>) src(%arg7 : memref<128xf32, #tpu.memory_space<vmem>>) dst(%dma_wait3A_329 : memref<10240xf32, #tpu.memory_space<vmem_shared>>)
        %add3A_330 = arith.constant 8 : i32
        %add3A_331 = arith.addi %mul3A_210, %add3A_330 : i32
        %add3A_332 = arith.constant 7 : i32
        %add3A_333 = arith.addi %add3A_331, %add3A_332 : i32
        %dma_start3A_334 = arith.constant 0 : i32
        %dma_start3A_335 = tpu.memref_slice %arg6[%add3A_333, %dma_start3A_334] : memref<80x128xi32, #tpu.memory_space<vmem>> -> memref<1x128xi32, #tpu.memory_space<vmem>>
        %dma_start3A_336 = tpu.memref_squeeze %dma_start3A_335 : memref<1x128xi32, #tpu.memory_space<vmem>> -> memref<128xi32, #tpu.memory_space<vmem>>
        %dma_start3A_337 = arith.constant 0 : i32
        %dma_start3A_338 = tpu.memref_slice %arg5[%dma_start3A_337] : memref<10240xf32, #tpu.memory_space<vmem_shared>> -> memref<10240xf32, #tpu.memory_space<vmem_shared>>
        tpu.enqueue_indirect_dma source(%arg7 : memref<128xf32, #tpu.memory_space<vmem>>) target(%dma_start3A_338 : memref<10240xf32, #tpu.memory_space<vmem_shared>>) offsets(%dma_start3A_336 : memref<128xi32, #tpu.memory_space<vmem>>) semaphore(%arg16 : memref<!tpu.dma_semaphore, #tpu.memory_space<semaphore_mem>>) {add = true}
        %scan3A_339 = arith.constant 0 : i32
        scf.yield %scan3A_339 : i32
      }
      %scan3A_159 = arith.constant 9 : i32
      %dma_wait3A = arith.constant 72 : i32
      %dma_wait3A_160 = arith.constant 0 : i32
      %dma_wait3A_161 = tpu.memref_slice %arg6[%dma_wait3A, %dma_wait3A_160] : memref<80x128xi32, #tpu.memory_space<vmem>> -> memref<1x128xi32, #tpu.memory_space<vmem>>
      %dma_wait3A_162 = tpu.memref_squeeze %dma_wait3A_161 : memref<1x128xi32, #tpu.memory_space<vmem>> -> memref<128xi32, #tpu.memory_space<vmem>>
      %dma_wait3A_163 = arith.constant 0 : i32
      %dma_wait3A_164 = tpu.memref_slice %arg5[%dma_wait3A_163] : memref<10240xf32, #tpu.memory_space<vmem_shared>> -> memref<10240xf32, #tpu.memory_space<vmem_shared>>
      tpu.wait_indirect_dma semaphore(%arg9 : memref<!tpu.dma_semaphore, #tpu.memory_space<semaphore_mem>>) src(%arg7 : memref<128xf32, #tpu.memory_space<vmem>>) dst(%dma_wait3A_164 : memref<10240xf32, #tpu.memory_space<vmem_shared>>)
      %dma_wait3A_165 = arith.constant 73 : i32
      %dma_wait3A_166 = arith.constant 0 : i32
      %dma_wait3A_167 = tpu.memref_slice %arg6[%dma_wait3A_165, %dma_wait3A_166] : memref<80x128xi32, #tpu.memory_space<vmem>> -> memref<1x128xi32, #tpu.memory_space<vmem>>
      %dma_wait3A_168 = tpu.memref_squeeze %dma_wait3A_167 : memref<1x128xi32, #tpu.memory_space<vmem>> -> memref<128xi32, #tpu.memory_space<vmem>>
      %dma_wait3A_169 = arith.constant 0 : i32
      %dma_wait3A_170 = tpu.memref_slice %arg5[%dma_wait3A_169] : memref<10240xf32, #tpu.memory_space<vmem_shared>> -> memref<10240xf32, #tpu.memory_space<vmem_shared>>
      tpu.wait_indirect_dma semaphore(%arg10 : memref<!tpu.dma_semaphore, #tpu.memory_space<semaphore_mem>>) src(%arg7 : memref<128xf32, #tpu.memory_space<vmem>>) dst(%dma_wait3A_170 : memref<10240xf32, #tpu.memory_space<vmem_shared>>)
      %dma_wait3A_171 = arith.constant 74 : i32
      %dma_wait3A_172 = arith.constant 0 : i32
      %dma_wait3A_173 = tpu.memref_slice %arg6[%dma_wait3A_171, %dma_wait3A_172] : memref<80x128xi32, #tpu.memory_space<vmem>> -> memref<1x128xi32, #tpu.memory_space<vmem>>
      %dma_wait3A_174 = tpu.memref_squeeze %dma_wait3A_173 : memref<1x128xi32, #tpu.memory_space<vmem>> -> memref<128xi32, #tpu.memory_space<vmem>>
      %dma_wait3A_175 = arith.constant 0 : i32
      %dma_wait3A_176 = tpu.memref_slice %arg5[%dma_wait3A_175] : memref<10240xf32, #tpu.memory_space<vmem_shared>> -> memref<10240xf32, #tpu.memory_space<vmem_shared>>
      tpu.wait_indirect_dma semaphore(%arg11 : memref<!tpu.dma_semaphore, #tpu.memory_space<semaphore_mem>>) src(%arg7 : memref<128xf32, #tpu.memory_space<vmem>>) dst(%dma_wait3A_176 : memref<10240xf32, #tpu.memory_space<vmem_shared>>)
      %dma_wait3A_177 = arith.constant 75 : i32
      %dma_wait3A_178 = arith.constant 0 : i32
      %dma_wait3A_179 = tpu.memref_slice %arg6[%dma_wait3A_177, %dma_wait3A_178] : memref<80x128xi32, #tpu.memory_space<vmem>> -> memref<1x128xi32, #tpu.memory_space<vmem>>
      %dma_wait3A_180 = tpu.memref_squeeze %dma_wait3A_179 : memref<1x128xi32, #tpu.memory_space<vmem>> -> memref<128xi32, #tpu.memory_space<vmem>>
      %dma_wait3A_181 = arith.constant 0 : i32
      %dma_wait3A_182 = tpu.memref_slice %arg5[%dma_wait3A_181] : memref<10240xf32, #tpu.memory_space<vmem_shared>> -> memref<10240xf32, #tpu.memory_space<vmem_shared>>
      tpu.wait_indirect_dma semaphore(%arg12 : memref<!tpu.dma_semaphore, #tpu.memory_space<semaphore_mem>>) src(%arg7 : memref<128xf32, #tpu.memory_space<vmem>>) dst(%dma_wait3A_182 : memref<10240xf32, #tpu.memory_space<vmem_shared>>)
      %dma_wait3A_183 = arith.constant 76 : i32
      %dma_wait3A_184 = arith.constant 0 : i32
      %dma_wait3A_185 = tpu.memref_slice %arg6[%dma_wait3A_183, %dma_wait3A_184] : memref<80x128xi32, #tpu.memory_space<vmem>> -> memref<1x128xi32, #tpu.memory_space<vmem>>
      %dma_wait3A_186 = tpu.memref_squeeze %dma_wait3A_185 : memref<1x128xi32, #tpu.memory_space<vmem>> -> memref<128xi32, #tpu.memory_space<vmem>>
      %dma_wait3A_187 = arith.constant 0 : i32
      %dma_wait3A_188 = tpu.memref_slice %arg5[%dma_wait3A_187] : memref<10240xf32, #tpu.memory_space<vmem_shared>> -> memref<10240xf32, #tpu.memory_space<vmem_shared>>
      tpu.wait_indirect_dma semaphore(%arg13 : memref<!tpu.dma_semaphore, #tpu.memory_space<semaphore_mem>>) src(%arg7 : memref<128xf32, #tpu.memory_space<vmem>>) dst(%dma_wait3A_188 : memref<10240xf32, #tpu.memory_space<vmem_shared>>)
      %dma_wait3A_189 = arith.constant 77 : i32
      %dma_wait3A_190 = arith.constant 0 : i32
      %dma_wait3A_191 = tpu.memref_slice %arg6[%dma_wait3A_189, %dma_wait3A_190] : memref<80x128xi32, #tpu.memory_space<vmem>> -> memref<1x128xi32, #tpu.memory_space<vmem>>
      %dma_wait3A_192 = tpu.memref_squeeze %dma_wait3A_191 : memref<1x128xi32, #tpu.memory_space<vmem>> -> memref<128xi32, #tpu.memory_space<vmem>>
      %dma_wait3A_193 = arith.constant 0 : i32
      %dma_wait3A_194 = tpu.memref_slice %arg5[%dma_wait3A_193] : memref<10240xf32, #tpu.memory_space<vmem_shared>> -> memref<10240xf32, #tpu.memory_space<vmem_shared>>
      tpu.wait_indirect_dma semaphore(%arg14 : memref<!tpu.dma_semaphore, #tpu.memory_space<semaphore_mem>>) src(%arg7 : memref<128xf32, #tpu.memory_space<vmem>>) dst(%dma_wait3A_194 : memref<10240xf32, #tpu.memory_space<vmem_shared>>)
      %dma_wait3A_195 = arith.constant 78 : i32
      %dma_wait3A_196 = arith.constant 0 : i32
      %dma_wait3A_197 = tpu.memref_slice %arg6[%dma_wait3A_195, %dma_wait3A_196] : memref<80x128xi32, #tpu.memory_space<vmem>> -> memref<1x128xi32, #tpu.memory_space<vmem>>
      %dma_wait3A_198 = tpu.memref_squeeze %dma_wait3A_197 : memref<1x128xi32, #tpu.memory_space<vmem>> -> memref<128xi32, #tpu.memory_space<vmem>>
      %dma_wait3A_199 = arith.constant 0 : i32
      %dma_wait3A_200 = tpu.memref_slice %arg5[%dma_wait3A_199] : memref<10240xf32, #tpu.memory_space<vmem_shared>> -> memref<10240xf32, #tpu.memory_space<vmem_shared>>
      tpu.wait_indirect_dma semaphore(%arg15 : memref<!tpu.dma_semaphore, #tpu.memory_space<semaphore_mem>>) src(%arg7 : memref<128xf32, #tpu.memory_space<vmem>>) dst(%dma_wait3A_200 : memref<10240xf32, #tpu.memory_space<vmem_shared>>)
      %dma_wait3A_201 = arith.constant 79 : i32
      %dma_wait3A_202 = arith.constant 0 : i32
      %dma_wait3A_203 = tpu.memref_slice %arg6[%dma_wait3A_201, %dma_wait3A_202] : memref<80x128xi32, #tpu.memory_space<vmem>> -> memref<1x128xi32, #tpu.memory_space<vmem>>
      %dma_wait3A_204 = tpu.memref_squeeze %dma_wait3A_203 : memref<1x128xi32, #tpu.memory_space<vmem>> -> memref<128xi32, #tpu.memory_space<vmem>>
      %dma_wait3A_205 = arith.constant 0 : i32
      %dma_wait3A_206 = tpu.memref_slice %arg5[%dma_wait3A_205] : memref<10240xf32, #tpu.memory_space<vmem_shared>> -> memref<10240xf32, #tpu.memory_space<vmem_shared>>
      tpu.wait_indirect_dma semaphore(%arg16 : memref<!tpu.dma_semaphore, #tpu.memory_space<semaphore_mem>>) src(%arg7 : memref<128xf32, #tpu.memory_space<vmem>>) dst(%dma_wait3A_206 : memref<10240xf32, #tpu.memory_space<vmem_shared>>)
    } else {
    }
    %convert_element_type3A_100 = arith.extui %eq3A_1 : i1 to i32
    %cond3A_101 = arith.constant 0 : i32
    %cond3A_102 = arith.cmpi ne, %convert_element_type3A_100, %cond3A_101 : i32
    scf.if %cond3A_102 {
      %dma_start3A = arith.constant 0 : i32
      %dma_start3A_106 = arith.constant 0 : i32
      %dma_start3A_107 = tpu.memref_slice %arg6[%dma_start3A, %dma_start3A_106] : memref<80x128xi32, #tpu.memory_space<vmem>> -> memref<1x128xi32, #tpu.memory_space<vmem>>
      %dma_start3A_108 = tpu.memref_squeeze %dma_start3A_107 : memref<1x128xi32, #tpu.memory_space<vmem>> -> memref<128xi32, #tpu.memory_space<vmem>>
      %dma_start3A_109 = arith.constant 0 : i32
      %dma_start3A_110 = tpu.memref_slice %arg5[%dma_start3A_109] : memref<10240xf32, #tpu.memory_space<vmem_shared>> -> memref<10240xf32, #tpu.memory_space<vmem_shared>>
      tpu.enqueue_indirect_dma source(%arg7 : memref<128xf32, #tpu.memory_space<vmem>>) target(%dma_start3A_110 : memref<10240xf32, #tpu.memory_space<vmem_shared>>) offsets(%dma_start3A_108 : memref<128xi32, #tpu.memory_space<vmem>>) semaphore(%arg9 : memref<!tpu.dma_semaphore, #tpu.memory_space<semaphore_mem>>) {add = true}
      %dma_start3A_111 = arith.constant 1 : i32
      %dma_start3A_112 = arith.constant 0 : i32
      %dma_start3A_113 = tpu.memref_slice %arg6[%dma_start3A_111, %dma_start3A_112] : memref<80x128xi32, #tpu.memory_space<vmem>> -> memref<1x128xi32, #tpu.memory_space<vmem>>
      %dma_start3A_114 = tpu.memref_squeeze %dma_start3A_113 : memref<1x128xi32, #tpu.memory_space<vmem>> -> memref<128xi32, #tpu.memory_space<vmem>>
      %dma_start3A_115 = arith.constant 0 : i32
      %dma_start3A_116 = tpu.memref_slice %arg5[%dma_start3A_115] : memref<10240xf32, #tpu.memory_space<vmem_shared>> -> memref<10240xf32, #tpu.memory_space<vmem_shared>>
      tpu.enqueue_indirect_dma source(%arg7 : memref<128xf32, #tpu.memory_space<vmem>>) target(%dma_start3A_116 : memref<10240xf32, #tpu.memory_space<vmem_shared>>) offsets(%dma_start3A_114 : memref<128xi32, #tpu.memory_space<vmem>>) semaphore(%arg10 : memref<!tpu.dma_semaphore, #tpu.memory_space<semaphore_mem>>) {add = true}
      %dma_start3A_117 = arith.constant 2 : i32
      %dma_start3A_118 = arith.constant 0 : i32
      %dma_start3A_119 = tpu.memref_slice %arg6[%dma_start3A_117, %dma_start3A_118] : memref<80x128xi32, #tpu.memory_space<vmem>> -> memref<1x128xi32, #tpu.memory_space<vmem>>
      %dma_start3A_120 = tpu.memref_squeeze %dma_start3A_119 : memref<1x128xi32, #tpu.memory_space<vmem>> -> memref<128xi32, #tpu.memory_space<vmem>>
      %dma_start3A_121 = arith.constant 0 : i32
      %dma_start3A_122 = tpu.memref_slice %arg5[%dma_start3A_121] : memref<10240xf32, #tpu.memory_space<vmem_shared>> -> memref<10240xf32, #tpu.memory_space<vmem_shared>>
      tpu.enqueue_indirect_dma source(%arg7 : memref<128xf32, #tpu.memory_space<vmem>>) target(%dma_start3A_122 : memref<10240xf32, #tpu.memory_space<vmem_shared>>) offsets(%dma_start3A_120 : memref<128xi32, #tpu.memory_space<vmem>>) semaphore(%arg11 : memref<!tpu.dma_semaphore, #tpu.memory_space<semaphore_mem>>) {add = true}
      %dma_start3A_123 = arith.constant 3 : i32
      %dma_start3A_124 = arith.constant 0 : i32
      %dma_start3A_125 = tpu.memref_slice %arg6[%dma_start3A_123, %dma_start3A_124] : memref<80x128xi32, #tpu.memory_space<vmem>> -> memref<1x128xi32, #tpu.memory_space<vmem>>
      %dma_start3A_126 = tpu.memref_squeeze %dma_start3A_125 : memref<1x128xi32, #tpu.memory_space<vmem>> -> memref<128xi32, #tpu.memory_space<vmem>>
      %dma_start3A_127 = arith.constant 0 : i32
      %dma_start3A_128 = tpu.memref_slice %arg5[%dma_start3A_127] : memref<10240xf32, #tpu.memory_space<vmem_shared>> -> memref<10240xf32, #tpu.memory_space<vmem_shared>>
      tpu.enqueue_indirect_dma source(%arg7 : memref<128xf32, #tpu.memory_space<vmem>>) target(%dma_start3A_128 : memref<10240xf32, #tpu.memory_space<vmem_shared>>) offsets(%dma_start3A_126 : memref<128xi32, #tpu.memory_space<vmem>>) semaphore(%arg12 : memref<!tpu.dma_semaphore, #tpu.memory_space<semaphore_mem>>) {add = true}
      %scan3A_129 = arith.constant 0 : i32
      %scan3A_130 = arith.constant 0 : i32
      %scan3A_131 = arith.constant 4 : i32
      %scan3A_132 = arith.addi %scan3A_130, %scan3A_131 : i32
      %scan3A_133 = arith.constant 1 : i32
      %scan3A_134 = scf.for %scan3A_159 = %scan3A_130 to %scan3A_132 step %scan3A_133 iter_args(%scan3A_160 = %scan3A_129) -> (i32)  : i32 {
        %mul3A_161 = arith.constant 4 : i32
        %mul3A_162 = arith.muli %mul3A_161, %scan3A_159 : i32
        %add3A_163 = arith.constant 0 : i32
        %add3A_164 = arith.addi %mul3A_162, %add3A_163 : i32
        %dma_wait3A_165 = arith.constant 0 : i32
        %dma_wait3A_166 = tpu.memref_slice %arg6[%add3A_164, %dma_wait3A_165] : memref<80x128xi32, #tpu.memory_space<vmem>> -> memref<1x128xi32, #tpu.memory_space<vmem>>
        %dma_wait3A_167 = tpu.memref_squeeze %dma_wait3A_166 : memref<1x128xi32, #tpu.memory_space<vmem>> -> memref<128xi32, #tpu.memory_space<vmem>>
        %dma_wait3A_168 = arith.constant 0 : i32
        %dma_wait3A_169 = tpu.memref_slice %arg5[%dma_wait3A_168] : memref<10240xf32, #tpu.memory_space<vmem_shared>> -> memref<10240xf32, #tpu.memory_space<vmem_shared>>
        tpu.wait_indirect_dma semaphore(%arg9 : memref<!tpu.dma_semaphore, #tpu.memory_space<semaphore_mem>>) src(%arg7 : memref<128xf32, #tpu.memory_space<vmem>>) dst(%dma_wait3A_169 : memref<10240xf32, #tpu.memory_space<vmem_shared>>)
        %add3A_170 = arith.constant 4 : i32
        %add3A_171 = arith.addi %mul3A_162, %add3A_170 : i32
        %add3A_172 = arith.constant 0 : i32
        %add3A_173 = arith.addi %add3A_171, %add3A_172 : i32
        %dma_start3A_174 = arith.constant 0 : i32
        %dma_start3A_175 = tpu.memref_slice %arg6[%add3A_173, %dma_start3A_174] : memref<80x128xi32, #tpu.memory_space<vmem>> -> memref<1x128xi32, #tpu.memory_space<vmem>>
        %dma_start3A_176 = tpu.memref_squeeze %dma_start3A_175 : memref<1x128xi32, #tpu.memory_space<vmem>> -> memref<128xi32, #tpu.memory_space<vmem>>
        %dma_start3A_177 = arith.constant 0 : i32
        %dma_start3A_178 = tpu.memref_slice %arg5[%dma_start3A_177] : memref<10240xf32, #tpu.memory_space<vmem_shared>> -> memref<10240xf32, #tpu.memory_space<vmem_shared>>
        tpu.enqueue_indirect_dma source(%arg7 : memref<128xf32, #tpu.memory_space<vmem>>) target(%dma_start3A_178 : memref<10240xf32, #tpu.memory_space<vmem_shared>>) offsets(%dma_start3A_176 : memref<128xi32, #tpu.memory_space<vmem>>) semaphore(%arg9 : memref<!tpu.dma_semaphore, #tpu.memory_space<semaphore_mem>>) {add = true}
        %add3A_179 = arith.constant 1 : i32
        %add3A_180 = arith.addi %mul3A_162, %add3A_179 : i32
        %dma_wait3A_181 = arith.constant 0 : i32
        %dma_wait3A_182 = tpu.memref_slice %arg6[%add3A_180, %dma_wait3A_181] : memref<80x128xi32, #tpu.memory_space<vmem>> -> memref<1x128xi32, #tpu.memory_space<vmem>>
        %dma_wait3A_183 = tpu.memref_squeeze %dma_wait3A_182 : memref<1x128xi32, #tpu.memory_space<vmem>> -> memref<128xi32, #tpu.memory_space<vmem>>
        %dma_wait3A_184 = arith.constant 0 : i32
        %dma_wait3A_185 = tpu.memref_slice %arg5[%dma_wait3A_184] : memref<10240xf32, #tpu.memory_space<vmem_shared>> -> memref<10240xf32, #tpu.memory_space<vmem_shared>>
        tpu.wait_indirect_dma semaphore(%arg10 : memref<!tpu.dma_semaphore, #tpu.memory_space<semaphore_mem>>) src(%arg7 : memref<128xf32, #tpu.memory_space<vmem>>) dst(%dma_wait3A_185 : memref<10240xf32, #tpu.memory_space<vmem_shared>>)
        %add3A_186 = arith.constant 4 : i32
        %add3A_187 = arith.addi %mul3A_162, %add3A_186 : i32
        %add3A_188 = arith.constant 1 : i32
        %add3A_189 = arith.addi %add3A_187, %add3A_188 : i32
        %dma_start3A_190 = arith.constant 0 : i32
        %dma_start3A_191 = tpu.memref_slice %arg6[%add3A_189, %dma_start3A_190] : memref<80x128xi32, #tpu.memory_space<vmem>> -> memref<1x128xi32, #tpu.memory_space<vmem>>
        %dma_start3A_192 = tpu.memref_squeeze %dma_start3A_191 : memref<1x128xi32, #tpu.memory_space<vmem>> -> memref<128xi32, #tpu.memory_space<vmem>>
        %dma_start3A_193 = arith.constant 0 : i32
        %dma_start3A_194 = tpu.memref_slice %arg5[%dma_start3A_193] : memref<10240xf32, #tpu.memory_space<vmem_shared>> -> memref<10240xf32, #tpu.memory_space<vmem_shared>>
        tpu.enqueue_indirect_dma source(%arg7 : memref<128xf32, #tpu.memory_space<vmem>>) target(%dma_start3A_194 : memref<10240xf32, #tpu.memory_space<vmem_shared>>) offsets(%dma_start3A_192 : memref<128xi32, #tpu.memory_space<vmem>>) semaphore(%arg10 : memref<!tpu.dma_semaphore, #tpu.memory_space<semaphore_mem>>) {add = true}
        %add3A_195 = arith.constant 2 : i32
        %add3A_196 = arith.addi %mul3A_162, %add3A_195 : i32
        %dma_wait3A_197 = arith.constant 0 : i32
        %dma_wait3A_198 = tpu.memref_slice %arg6[%add3A_196, %dma_wait3A_197] : memref<80x128xi32, #tpu.memory_space<vmem>> -> memref<1x128xi32, #tpu.memory_space<vmem>>
        %dma_wait3A_199 = tpu.memref_squeeze %dma_wait3A_198 : memref<1x128xi32, #tpu.memory_space<vmem>> -> memref<128xi32, #tpu.memory_space<vmem>>
        %dma_wait3A_200 = arith.constant 0 : i32
        %dma_wait3A_201 = tpu.memref_slice %arg5[%dma_wait3A_200] : memref<10240xf32, #tpu.memory_space<vmem_shared>> -> memref<10240xf32, #tpu.memory_space<vmem_shared>>
        tpu.wait_indirect_dma semaphore(%arg11 : memref<!tpu.dma_semaphore, #tpu.memory_space<semaphore_mem>>) src(%arg7 : memref<128xf32, #tpu.memory_space<vmem>>) dst(%dma_wait3A_201 : memref<10240xf32, #tpu.memory_space<vmem_shared>>)
        %add3A_202 = arith.constant 4 : i32
        %add3A_203 = arith.addi %mul3A_162, %add3A_202 : i32
        %add3A_204 = arith.constant 2 : i32
        %add3A_205 = arith.addi %add3A_203, %add3A_204 : i32
        %dma_start3A_206 = arith.constant 0 : i32
        %dma_start3A_207 = tpu.memref_slice %arg6[%add3A_205, %dma_start3A_206] : memref<80x128xi32, #tpu.memory_space<vmem>> -> memref<1x128xi32, #tpu.memory_space<vmem>>
        %dma_start3A_208 = tpu.memref_squeeze %dma_start3A_207 : memref<1x128xi32, #tpu.memory_space<vmem>> -> memref<128xi32, #tpu.memory_space<vmem>>
        %dma_start3A_209 = arith.constant 0 : i32
        %dma_start3A_210 = tpu.memref_slice %arg5[%dma_start3A_209] : memref<10240xf32, #tpu.memory_space<vmem_shared>> -> memref<10240xf32, #tpu.memory_space<vmem_shared>>
        tpu.enqueue_indirect_dma source(%arg7 : memref<128xf32, #tpu.memory_space<vmem>>) target(%dma_start3A_210 : memref<10240xf32, #tpu.memory_space<vmem_shared>>) offsets(%dma_start3A_208 : memref<128xi32, #tpu.memory_space<vmem>>) semaphore(%arg11 : memref<!tpu.dma_semaphore, #tpu.memory_space<semaphore_mem>>) {add = true}
        %add3A_211 = arith.constant 3 : i32
        %add3A_212 = arith.addi %mul3A_162, %add3A_211 : i32
        %dma_wait3A_213 = arith.constant 0 : i32
        %dma_wait3A_214 = tpu.memref_slice %arg6[%add3A_212, %dma_wait3A_213] : memref<80x128xi32, #tpu.memory_space<vmem>> -> memref<1x128xi32, #tpu.memory_space<vmem>>
        %dma_wait3A_215 = tpu.memref_squeeze %dma_wait3A_214 : memref<1x128xi32, #tpu.memory_space<vmem>> -> memref<128xi32, #tpu.memory_space<vmem>>
        %dma_wait3A_216 = arith.constant 0 : i32
        %dma_wait3A_217 = tpu.memref_slice %arg5[%dma_wait3A_216] : memref<10240xf32, #tpu.memory_space<vmem_shared>> -> memref<10240xf32, #tpu.memory_space<vmem_shared>>
        tpu.wait_indirect_dma semaphore(%arg12 : memref<!tpu.dma_semaphore, #tpu.memory_space<semaphore_mem>>) src(%arg7 : memref<128xf32, #tpu.memory_space<vmem>>) dst(%dma_wait3A_217 : memref<10240xf32, #tpu.memory_space<vmem_shared>>)
        %add3A_218 = arith.constant 4 : i32
        %add3A_219 = arith.addi %mul3A_162, %add3A_218 : i32
        %add3A_220 = arith.constant 3 : i32
        %add3A_221 = arith.addi %add3A_219, %add3A_220 : i32
        %dma_start3A_222 = arith.constant 0 : i32
        %dma_start3A_223 = tpu.memref_slice %arg6[%add3A_221, %dma_start3A_222] : memref<80x128xi32, #tpu.memory_space<vmem>> -> memref<1x128xi32, #tpu.memory_space<vmem>>
        %dma_start3A_224 = tpu.memref_squeeze %dma_start3A_223 : memref<1x128xi32, #tpu.memory_space<vmem>> -> memref<128xi32, #tpu.memory_space<vmem>>
        %dma_start3A_225 = arith.constant 0 : i32
        %dma_start3A_226 = tpu.memref_slice %arg5[%dma_start3A_225] : memref<10240xf32, #tpu.memory_space<vmem_shared>> -> memref<10240xf32, #tpu.memory_space<vmem_shared>>
        tpu.enqueue_indirect_dma source(%arg7 : memref<128xf32, #tpu.memory_space<vmem>>) target(%dma_start3A_226 : memref<10240xf32, #tpu.memory_space<vmem_shared>>) offsets(%dma_start3A_224 : memref<128xi32, #tpu.memory_space<vmem>>) semaphore(%arg12 : memref<!tpu.dma_semaphore, #tpu.memory_space<semaphore_mem>>) {add = true}
        %scan3A_227 = arith.constant 0 : i32
        scf.yield %scan3A_227 : i32
      }
      %scan3A_135 = arith.constant 4 : i32
      %dma_wait3A = arith.constant 16 : i32
      %dma_wait3A_136 = arith.constant 0 : i32
      %dma_wait3A_137 = tpu.memref_slice %arg6[%dma_wait3A, %dma_wait3A_136] : memref<80x128xi32, #tpu.memory_space<vmem>> -> memref<1x128xi32, #tpu.memory_space<vmem>>
      %dma_wait3A_138 = tpu.memref_squeeze %dma_wait3A_137 : memref<1x128xi32, #tpu.memory_space<vmem>> -> memref<128xi32, #tpu.memory_space<vmem>>
      %dma_wait3A_139 = arith.constant 0 : i32
      %dma_wait3A_140 = tpu.memref_slice %arg5[%dma_wait3A_139] : memref<10240xf32, #tpu.memory_space<vmem_shared>> -> memref<10240xf32, #tpu.memory_space<vmem_shared>>
      tpu.wait_indirect_dma semaphore(%arg9 : memref<!tpu.dma_semaphore, #tpu.memory_space<semaphore_mem>>) src(%arg7 : memref<128xf32, #tpu.memory_space<vmem>>) dst(%dma_wait3A_140 : memref<10240xf32, #tpu.memory_space<vmem_shared>>)
      %dma_wait3A_141 = arith.constant 17 : i32
      %dma_wait3A_142 = arith.constant 0 : i32
      %dma_wait3A_143 = tpu.memref_slice %arg6[%dma_wait3A_141, %dma_wait3A_142] : memref<80x128xi32, #tpu.memory_space<vmem>> -> memref<1x128xi32, #tpu.memory_space<vmem>>
      %dma_wait3A_144 = tpu.memref_squeeze %dma_wait3A_143 : memref<1x128xi32, #tpu.memory_space<vmem>> -> memref<128xi32, #tpu.memory_space<vmem>>
      %dma_wait3A_145 = arith.constant 0 : i32
      %dma_wait3A_146 = tpu.memref_slice %arg5[%dma_wait3A_145] : memref<10240xf32, #tpu.memory_space<vmem_shared>> -> memref<10240xf32, #tpu.memory_space<vmem_shared>>
      tpu.wait_indirect_dma semaphore(%arg10 : memref<!tpu.dma_semaphore, #tpu.memory_space<semaphore_mem>>) src(%arg7 : memref<128xf32, #tpu.memory_space<vmem>>) dst(%dma_wait3A_146 : memref<10240xf32, #tpu.memory_space<vmem_shared>>)
      %dma_wait3A_147 = arith.constant 18 : i32
      %dma_wait3A_148 = arith.constant 0 : i32
      %dma_wait3A_149 = tpu.memref_slice %arg6[%dma_wait3A_147, %dma_wait3A_148] : memref<80x128xi32, #tpu.memory_space<vmem>> -> memref<1x128xi32, #tpu.memory_space<vmem>>
      %dma_wait3A_150 = tpu.memref_squeeze %dma_wait3A_149 : memref<1x128xi32, #tpu.memory_space<vmem>> -> memref<128xi32, #tpu.memory_space<vmem>>
      %dma_wait3A_151 = arith.constant 0 : i32
      %dma_wait3A_152 = tpu.memref_slice %arg5[%dma_wait3A_151] : memref<10240xf32, #tpu.memory_space<vmem_shared>> -> memref<10240xf32, #tpu.memory_space<vmem_shared>>
      tpu.wait_indirect_dma semaphore(%arg11 : memref<!tpu.dma_semaphore, #tpu.memory_space<semaphore_mem>>) src(%arg7 : memref<128xf32, #tpu.memory_space<vmem>>) dst(%dma_wait3A_152 : memref<10240xf32, #tpu.memory_space<vmem_shared>>)
      %dma_wait3A_153 = arith.constant 19 : i32
      %dma_wait3A_154 = arith.constant 0 : i32
      %dma_wait3A_155 = tpu.memref_slice %arg6[%dma_wait3A_153, %dma_wait3A_154] : memref<80x128xi32, #tpu.memory_space<vmem>> -> memref<1x128xi32, #tpu.memory_space<vmem>>
      %dma_wait3A_156 = tpu.memref_squeeze %dma_wait3A_155 : memref<1x128xi32, #tpu.memory_space<vmem>> -> memref<128xi32, #tpu.memory_space<vmem>>
      %dma_wait3A_157 = arith.constant 0 : i32
      %dma_wait3A_158 = tpu.memref_slice %arg5[%dma_wait3A_157] : memref<10240xf32, #tpu.memory_space<vmem_shared>> -> memref<10240xf32, #tpu.memory_space<vmem_shared>>
      tpu.wait_indirect_dma semaphore(%arg12 : memref<!tpu.dma_semaphore, #tpu.memory_space<semaphore_mem>>) src(%arg7 : memref<128xf32, #tpu.memory_space<vmem>>) dst(%dma_wait3A_158 : memref<10240xf32, #tpu.memory_space<vmem_shared>>)
    } else {
    }
    %barrier3A_103 = arith.constant 0 : index
    tpu.barrier barrier_id(%barrier3A_103)
    %mul3A_104 = arith.constant 640 : i32
    %mul3A_105 = arith.muli %arg1, %mul3A_104 : i32
    "tpu.region"() ({
      %run_scoped3A = tpu.sem_alloc : memref<!tpu.dma_semaphore, #tpu.memory_space<semaphore_mem>>
      %dma_start3A = tpu.memref_slice %arg4[%arg0, %mul3A_105] : memref<2x10240xf32, #tpu.memory_space<hbm>> -> memref<1x640xf32, #tpu.memory_space<hbm>>
      %dma_start3A_106 = tpu.memref_squeeze %dma_start3A : memref<1x640xf32, #tpu.memory_space<hbm>> -> memref<640xf32, #tpu.memory_space<hbm>>
      %dma_start3A_107 = tpu.memref_slice %arg5[%mul3A_105] : memref<10240xf32, #tpu.memory_space<vmem_shared>> -> memref<640xf32, #tpu.memory_space<vmem_shared>>
      tpu.enqueue_dma source(%dma_start3A_107 : memref<640xf32, #tpu.memory_space<vmem_shared>>) target(%dma_start3A_106 : memref<640xf32, #tpu.memory_space<hbm>>) target_semaphore(%run_scoped3A : memref<!tpu.dma_semaphore, #tpu.memory_space<semaphore_mem>>)
      %dma_wait3A = tpu.memref_slice %arg4[%arg0, %mul3A_105] : memref<2x10240xf32, #tpu.memory_space<hbm>> -> memref<1x640xf32, #tpu.memory_space<hbm>>
      %dma_wait3A_108 = tpu.memref_squeeze %dma_wait3A : memref<1x640xf32, #tpu.memory_space<hbm>> -> memref<640xf32, #tpu.memory_space<hbm>>
      %dma_wait3A_109 = tpu.memref_slice %arg5[%mul3A_105] : memref<10240xf32, #tpu.memory_space<vmem_shared>> -> memref<640xf32, #tpu.memory_space<vmem_shared>>
      tpu.wait_dma2 semaphore(%run_scoped3A : memref<!tpu.dma_semaphore, #tpu.memory_space<semaphore_mem>>) src(%dma_wait3A_109 : memref<640xf32, #tpu.memory_space<vmem_shared>>) dst(%dma_wait3A_108 : memref<640xf32, #tpu.memory_space<hbm>>)
      tpu.yield
    }) : () -> ()
    return
  }
}

#map = affine_map<(d0, d1) -> (0, 0)>
#map1 = affine_map<(d0, d1) -> (0, 0, 0)>
module attributes {stable_mosaic.version = 14 : i64} {
  func.func @_agg_kernel(%arg0: i32, %arg1: i32, %arg2: memref<10000x16xf32, #tpu.memory_space<hbm>>, %arg3: memref<2500x128xi32, #tpu.memory_space<hbm>>, %arg4: memref<2500x128xi32, #tpu.memory_space<hbm>>, %arg5: memref<2x10240x16xf32, #tpu.memory_space<hbm>>, %arg6: memref<10240x16xf32, #tpu.memory_space<vmem_shared>>, %arg7: memref<80x128xi32, #tpu.memory_space<vmem>>, %arg8: memref<80x128xi32, #tpu.memory_space<vmem>>, %arg9: memref<128x16xf32, #tpu.memory_space<vmem>>, %arg10: memref<128x16xf32, #tpu.memory_space<vmem>>, %arg11: memref<128x16xf32, #tpu.memory_space<vmem>>, %arg12: memref<128x16xf32, #tpu.memory_space<vmem>>, %arg13: memref<128x16xf32, #tpu.memory_space<vmem>>, %arg14: memref<128x16xf32, #tpu.memory_space<vmem>>, %arg15: memref<128x16xf32, #tpu.memory_space<vmem>>, %arg16: memref<128x16xf32, #tpu.memory_space<vmem>>, %arg17: memref<128x16xf32, #tpu.memory_space<vmem>>, %arg18: memref<128x16xf32, #tpu.memory_space<vmem>>, %arg19: memref<640x16xf32, #tpu.memory_space<vmem>>, %arg20: memref<!tpu.dma_semaphore, #tpu.memory_space<semaphore_mem>>, %arg21: memref<!tpu.dma_semaphore, #tpu.memory_space<semaphore_mem>>, %arg22: memref<!tpu.dma_semaphore, #tpu.memory_space<semaphore_mem>>, %arg23: memref<!tpu.dma_semaphore, #tpu.memory_space<semaphore_mem>>, %arg24: memref<!tpu.dma_semaphore, #tpu.memory_space<semaphore_mem>>, %arg25: memref<!tpu.dma_semaphore, #tpu.memory_space<semaphore_mem>>, %arg26: memref<!tpu.dma_semaphore, #tpu.memory_space<semaphore_mem>>, %arg27: memref<!tpu.dma_semaphore, #tpu.memory_space<semaphore_mem>>, %arg28: memref<!tpu.dma_semaphore, #tpu.memory_space<semaphore_mem>>, %arg29: memref<!tpu.dma_semaphore, #tpu.memory_space<semaphore_mem>>, %arg30: memref<!tpu.dma_semaphore, #tpu.memory_space<semaphore_mem>>, %arg31: memref<!tpu.dma_semaphore, #tpu.memory_space<semaphore_mem>>, %arg32: memref<!tpu.dma_semaphore, #tpu.memory_space<semaphore_mem>>, %arg33: memref<!tpu.dma_semaphore, #tpu.memory_space<semaphore_mem>>, %arg34: memref<!tpu.dma_semaphore, #tpu.memory_space<semaphore_mem>>, %arg35: memref<!tpu.dma_semaphore, #tpu.memory_space<semaphore_mem>>, %arg36: memref<!tpu.dma_semaphore, #tpu.memory_space<semaphore_mem>>, %arg37: memref<!tpu.dma_semaphore, #tpu.memory_space<semaphore_mem>>, %arg38: memref<!tpu.dma_semaphore, #tpu.memory_space<semaphore_mem>>, %arg39: memref<!tpu.dma_semaphore, #tpu.memory_space<semaphore_mem>>) attributes {dimension_semantics = [#tpu.dimension_semantics<core_parallel>, #tpu.dimension_semantics<subcore_parallel>], iteration_bounds = array<i64: 2, 16>, scalar_prefetch = 0 : i64, scratch_operands = 34 : i64, tpu.core_type = #tpu.core_type<sc_vector_subcore>, window_params = [{transform_indices = #map}, {transform_indices = #map}, {transform_indices = #map}, {transform_indices = #map1}]} {
    %mul3A = arith.constant 16 : i32
    %mul3A_0 = arith.muli %arg0, %mul3A : i32
    %add3A = arith.addi %mul3A_0, %arg1 : i32
    %eq3A = arith.constant 31 : i32
    %eq3A_1 = arith.cmpi eq, %add3A, %eq3A : i32
    %scan3A = arith.constant 0 : i32
    %scan3A_2 = arith.constant 0 : i32
    %scan3A_3 = arith.constant 640 : i32
    %scan3A_4 = arith.addi %scan3A_2, %scan3A_3 : i32
    %scan3A_5 = arith.constant 8 : i32
    %scan3A_6 = scf.for %scan3A_26 = %scan3A_2 to %scan3A_4 step %scan3A_5 iter_args(%scan3A_27 = %scan3A) -> (i32)  : i32 {
      %broadcast_in_dim3A = arith.constant 0.000000e+00 : f32
      %broadcast_in_dim3A_28 = vector.broadcast %broadcast_in_dim3A : f32 to vector<16xf32>
      %swap3A = arith.index_cast %scan3A_26 : i32 to index
      %swap3A_29 = arith.constant 0 : index
      %swap3A_30 = tpu.vector_load %arg19[%swap3A, %swap3A_29] {strides = array<i32>} : memref<640x16xf32, #tpu.memory_space<vmem>>, vector<1x16xf32>,
      %swap3A_31 = vector.shape_cast %swap3A_30 : vector<1x16xf32> to vector<16xf32>
      %swap3A_32 = vector.shape_cast %broadcast_in_dim3A_28 : vector<16xf32> to vector<1x16xf32>
      tpu.vector_store %arg19[%swap3A, %swap3A_29], %swap3A_32 {strides = array<i32>} : memref<640x16xf32, #tpu.memory_space<vmem>>, vector<1x16xf32>,
      %scan3A_33 = arith.constant 0 : i32
      %scan3A_34 = arith.constant 1 : i32
      %scan3A_35 = arith.addi %scan3A_26, %scan3A_34 : i32
      %broadcast_in_dim3A_36 = arith.constant 0.000000e+00 : f32
      %broadcast_in_dim3A_37 = vector.broadcast %broadcast_in_dim3A_36 : f32 to vector<16xf32>
      %swap3A_38 = arith.index_cast %scan3A_35 : i32 to index
      %swap3A_39 = arith.constant 0 : index
      %swap3A_40 = tpu.vector_load %arg19[%swap3A_38, %swap3A_39] {strides = array<i32>} : memref<640x16xf32, #tpu.memory_space<vmem>>, vector<1x16xf32>,
      %swap3A_41 = vector.shape_cast %swap3A_40 : vector<1x16xf32> to vector<16xf32>
      %swap3A_42 = vector.shape_cast %broadcast_in_dim3A_37 : vector<16xf32> to vector<1x16xf32>
      tpu.vector_store %arg19[%swap3A_38, %swap3A_39], %swap3A_42 {strides = array<i32>} : memref<640x16xf32, #tpu.memory_space<vmem>>, vector<1x16xf32>,
      %scan3A_43 = arith.constant 0 : i32
      %scan3A_44 = arith.constant 2 : i32
      %scan3A_45 = arith.addi %scan3A_26, %scan3A_44 : i32
      %broadcast_in_dim3A_46 = arith.constant 0.000000e+00 : f32
      %broadcast_in_dim3A_47 = vector.broadcast %broadcast_in_dim3A_46 : f32 to vector<16xf32>
      %swap3A_48 = arith.index_cast %scan3A_45 : i32 to index
      %swap3A_49 = arith.constant 0 : index
      %swap3A_50 = tpu.vector_load %arg19[%swap3A_48, %swap3A_49] {strides = array<i32>} : memref<640x16xf32, #tpu.memory_space<vmem>>, vector<1x16xf32>,
      %swap3A_51 = vector.shape_cast %swap3A_50 : vector<1x16xf32> to vector<16xf32>
      %swap3A_52 = vector.shape_cast %broadcast_in_dim3A_47 : vector<16xf32> to vector<1x16xf32>
      tpu.vector_store %arg19[%swap3A_48, %swap3A_49], %swap3A_52 {strides = array<i32>} : memref<640x16xf32, #tpu.memory_space<vmem>>, vector<1x16xf32>,
      %scan3A_53 = arith.constant 0 : i32
      %scan3A_54 = arith.constant 3 : i32
      %scan3A_55 = arith.addi %scan3A_26, %scan3A_54 : i32
      %broadcast_in_dim3A_56 = arith.constant 0.000000e+00 : f32
      %broadcast_in_dim3A_57 = vector.broadcast %broadcast_in_dim3A_56 : f32 to vector<16xf32>
      %swap3A_58 = arith.index_cast %scan3A_55 : i32 to index
      %swap3A_59 = arith.constant 0 : index
      %swap3A_60 = tpu.vector_load %arg19[%swap3A_58, %swap3A_59] {strides = array<i32>} : memref<640x16xf32, #tpu.memory_space<vmem>>, vector<1x16xf32>,
      %swap3A_61 = vector.shape_cast %swap3A_60 : vector<1x16xf32> to vector<16xf32>
      %swap3A_62 = vector.shape_cast %broadcast_in_dim3A_57 : vector<16xf32> to vector<1x16xf32>
      tpu.vector_store %arg19[%swap3A_58, %swap3A_59], %swap3A_62 {strides = array<i32>} : memref<640x16xf32, #tpu.memory_space<vmem>>, vector<1x16xf32>,
      %scan3A_63 = arith.constant 0 : i32
      %scan3A_64 = arith.constant 4 : i32
      %scan3A_65 = arith.addi %scan3A_26, %scan3A_64 : i32
      %broadcast_in_dim3A_66 = arith.constant 0.000000e+00 : f32
      %broadcast_in_dim3A_67 = vector.broadcast %broadcast_in_dim3A_66 : f32 to vector<16xf32>
      %swap3A_68 = arith.index_cast %scan3A_65 : i32 to index
      %swap3A_69 = arith.constant 0 : index
      %swap3A_70 = tpu.vector_load %arg19[%swap3A_68, %swap3A_69] {strides = array<i32>} : memref<640x16xf32, #tpu.memory_space<vmem>>, vector<1x16xf32>,
      %swap3A_71 = vector.shape_cast %swap3A_70 : vector<1x16xf32> to vector<16xf32>
      %swap3A_72 = vector.shape_cast %broadcast_in_dim3A_67 : vector<16xf32> to vector<1x16xf32>
      tpu.vector_store %arg19[%swap3A_68, %swap3A_69], %swap3A_72 {strides = array<i32>} : memref<640x16xf32, #tpu.memory_space<vmem>>, vector<1x16xf32>,
      %scan3A_73 = arith.constant 0 : i32
      %scan3A_74 = arith.constant 5 : i32
      %scan3A_75 = arith.addi %scan3A_26, %scan3A_74 : i32
      %broadcast_in_dim3A_76 = arith.constant 0.000000e+00 : f32
      %broadcast_in_dim3A_77 = vector.broadcast %broadcast_in_dim3A_76 : f32 to vector<16xf32>
      %swap3A_78 = arith.index_cast %scan3A_75 : i32 to index
      %swap3A_79 = arith.constant 0 : index
      %swap3A_80 = tpu.vector_load %arg19[%swap3A_78, %swap3A_79] {strides = array<i32>} : memref<640x16xf32, #tpu.memory_space<vmem>>, vector<1x16xf32>,
      %swap3A_81 = vector.shape_cast %swap3A_80 : vector<1x16xf32> to vector<16xf32>
      %swap3A_82 = vector.shape_cast %broadcast_in_dim3A_77 : vector<16xf32> to vector<1x16xf32>
      tpu.vector_store %arg19[%swap3A_78, %swap3A_79], %swap3A_82 {strides = array<i32>} : memref<640x16xf32, #tpu.memory_space<vmem>>, vector<1x16xf32>,
      %scan3A_83 = arith.constant 0 : i32
      %scan3A_84 = arith.constant 6 : i32
      %scan3A_85 = arith.addi %scan3A_26, %scan3A_84 : i32
      %broadcast_in_dim3A_86 = arith.constant 0.000000e+00 : f32
      %broadcast_in_dim3A_87 = vector.broadcast %broadcast_in_dim3A_86 : f32 to vector<16xf32>
      %swap3A_88 = arith.index_cast %scan3A_85 : i32 to index
      %swap3A_89 = arith.constant 0 : index
      %swap3A_90 = tpu.vector_load %arg19[%swap3A_88, %swap3A_89] {strides = array<i32>} : memref<640x16xf32, #tpu.memory_space<vmem>>, vector<1x16xf32>,
      %swap3A_91 = vector.shape_cast %swap3A_90 : vector<1x16xf32> to vector<16xf32>
      %swap3A_92 = vector.shape_cast %broadcast_in_dim3A_87 : vector<16xf32> to vector<1x16xf32>
      tpu.vector_store %arg19[%swap3A_88, %swap3A_89], %swap3A_92 {strides = array<i32>} : memref<640x16xf32, #tpu.memory_space<vmem>>, vector<1x16xf32>,
      %scan3A_93 = arith.constant 0 : i32
      %scan3A_94 = arith.constant 7 : i32
      %scan3A_95 = arith.addi %scan3A_26, %scan3A_94 : i32
      %broadcast_in_dim3A_96 = arith.constant 0.000000e+00 : f32
      %broadcast_in_dim3A_97 = vector.broadcast %broadcast_in_dim3A_96 : f32 to vector<16xf32>
      %swap3A_98 = arith.index_cast %scan3A_95 : i32 to index
      %swap3A_99 = arith.constant 0 : index
      %swap3A_100 = tpu.vector_load %arg19[%swap3A_98, %swap3A_99] {strides = array<i32>} : memref<640x16xf32, #tpu.memory_space<vmem>>, vector<1x16xf32>,
      %swap3A_101 = vector.shape_cast %swap3A_100 : vector<1x16xf32> to vector<16xf32>
      %swap3A_102 = vector.shape_cast %broadcast_in_dim3A_97 : vector<16xf32> to vector<1x16xf32>
      tpu.vector_store %arg19[%swap3A_98, %swap3A_99], %swap3A_102 {strides = array<i32>} : memref<640x16xf32, #tpu.memory_space<vmem>>, vector<1x16xf32>,
      %scan3A_103 = arith.constant 0 : i32
      scf.yield %scan3A_103 : i32
    }
    %scan3A_7 = arith.constant 640 : i32
    %mul3A_8 = arith.constant 640 : i32
    %mul3A_9 = arith.muli %arg1, %mul3A_8 : i32
    "tpu.region"() ({
      %run_scoped3A = tpu.sem_alloc : memref<!tpu.dma_semaphore, #tpu.memory_space<semaphore_mem>>
      %dma_start3A = arith.constant 0 : i32
      %dma_start3A_26 = tpu.memref_slice %arg6[%mul3A_9, %dma_start3A] : memref<10240x16xf32, #tpu.memory_space<vmem_shared>> -> memref<640x16xf32, #tpu.memory_space<vmem_shared>>
      %dma_start3A_27 = arith.constant 0 : i32
      %dma_start3A_28 = tpu.memref_slice %arg6[%mul3A_9, %dma_start3A_27] : memref<10240x16xf32, #tpu.memory_space<vmem_shared>> -> memref<640x16xf32, #tpu.memory_space<vmem_shared>>
      tpu.enqueue_dma source(%arg19 : memref<640x16xf32, #tpu.memory_space<vmem>>) target(%dma_start3A_28 : memref<640x16xf32, #tpu.memory_space<vmem_shared>>) target_semaphore(%run_scoped3A : memref<!tpu.dma_semaphore, #tpu.memory_space<semaphore_mem>>)
      %dma_wait3A = arith.constant 0 : i32
      %dma_wait3A_29 = tpu.memref_slice %arg6[%mul3A_9, %dma_wait3A] : memref<10240x16xf32, #tpu.memory_space<vmem_shared>> -> memref<640x16xf32, #tpu.memory_space<vmem_shared>>
      %dma_wait3A_30 = arith.constant 0 : i32
      %dma_wait3A_31 = tpu.memref_slice %arg6[%mul3A_9, %dma_wait3A_30] : memref<10240x16xf32, #tpu.memory_space<vmem_shared>> -> memref<640x16xf32, #tpu.memory_space<vmem_shared>>
      tpu.wait_dma2 semaphore(%run_scoped3A : memref<!tpu.dma_semaphore, #tpu.memory_space<semaphore_mem>>) src(%arg19 : memref<640x16xf32, #tpu.memory_space<vmem>>) dst(%dma_wait3A_31 : memref<640x16xf32, #tpu.memory_space<vmem_shared>>)
      tpu.yield
    }) : () -> ()
    %not3A = arith.constant true
    %not3A_10 = arith.xori %eq3A_1, %not3A : i1
    %convert_element_type3A = arith.extui %not3A_10 : i1 to i32
    %cond3A = arith.constant 0 : i32
    %cond3A_11 = arith.cmpi ne, %convert_element_type3A, %cond3A : i32
    scf.if %cond3A_11 {
      %mul3A_26 = arith.constant 80 : i32
      %mul3A_27 = arith.muli %add3A, %mul3A_26 : i32
      "tpu.region"() ({
        %run_scoped3A = tpu.sem_alloc : memref<!tpu.dma_semaphore, #tpu.memory_space<semaphore_mem>>
        %dma_start3A = arith.constant 0 : i32
        %dma_start3A_30 = tpu.memref_slice %arg3[%mul3A_27, %dma_start3A] : memref<2500x128xi32, #tpu.memory_space<hbm>> -> memref<80x128xi32, #tpu.memory_space<hbm>>
        %dma_start3A_31 = arith.constant 0 : i32
        %dma_start3A_32 = tpu.memref_slice %arg3[%mul3A_27, %dma_start3A_31] : memref<2500x128xi32, #tpu.memory_space<hbm>> -> memref<80x128xi32, #tpu.memory_space<hbm>>
        tpu.enqueue_dma source(%dma_start3A_32 : memref<80x128xi32, #tpu.memory_space<hbm>>) target(%arg7 : memref<80x128xi32, #tpu.memory_space<vmem>>) target_semaphore(%run_scoped3A : memref<!tpu.dma_semaphore, #tpu.memory_space<semaphore_mem>>)
        %dma_wait3A = arith.constant 0 : i32
        %dma_wait3A_33 = tpu.memref_slice %arg3[%mul3A_27, %dma_wait3A] : memref<2500x128xi32, #tpu.memory_space<hbm>> -> memref<80x128xi32, #tpu.memory_space<hbm>>
        %dma_wait3A_34 = arith.constant 0 : i32
        %dma_wait3A_35 = tpu.memref_slice %arg3[%mul3A_27, %dma_wait3A_34] : memref<2500x128xi32, #tpu.memory_space<hbm>> -> memref<80x128xi32, #tpu.memory_space<hbm>>
        tpu.wait_dma2 semaphore(%run_scoped3A : memref<!tpu.dma_semaphore, #tpu.memory_space<semaphore_mem>>) src(%dma_wait3A_35 : memref<80x128xi32, #tpu.memory_space<hbm>>) dst(%arg7 : memref<80x128xi32, #tpu.memory_space<vmem>>)
        tpu.yield
      }) : () -> ()
      %mul3A_28 = arith.constant 80 : i32
      %mul3A_29 = arith.muli %add3A, %mul3A_28 : i32
      "tpu.region"() ({
        %run_scoped3A = tpu.sem_alloc : memref<!tpu.dma_semaphore, #tpu.memory_space<semaphore_mem>>
        %dma_start3A = arith.constant 0 : i32
        %dma_start3A_30 = tpu.memref_slice %arg4[%mul3A_29, %dma_start3A] : memref<2500x128xi32, #tpu.memory_space<hbm>> -> memref<80x128xi32, #tpu.memory_space<hbm>>
        %dma_start3A_31 = arith.constant 0 : i32
        %dma_start3A_32 = tpu.memref_slice %arg4[%mul3A_29, %dma_start3A_31] : memref<2500x128xi32, #tpu.memory_space<hbm>> -> memref<80x128xi32, #tpu.memory_space<hbm>>
        tpu.enqueue_dma source(%dma_start3A_32 : memref<80x128xi32, #tpu.memory_space<hbm>>) target(%arg8 : memref<80x128xi32, #tpu.memory_space<vmem>>) target_semaphore(%run_scoped3A : memref<!tpu.dma_semaphore, #tpu.memory_space<semaphore_mem>>)
        %dma_wait3A = arith.constant 0 : i32
        %dma_wait3A_33 = tpu.memref_slice %arg4[%mul3A_29, %dma_wait3A] : memref<2500x128xi32, #tpu.memory_space<hbm>> -> memref<80x128xi32, #tpu.memory_space<hbm>>
        %dma_wait3A_34 = arith.constant 0 : i32
        %dma_wait3A_35 = tpu.memref_slice %arg4[%mul3A_29, %dma_wait3A_34] : memref<2500x128xi32, #tpu.memory_space<hbm>> -> memref<80x128xi32, #tpu.memory_space<hbm>>
        tpu.wait_dma2 semaphore(%run_scoped3A : memref<!tpu.dma_semaphore, #tpu.memory_space<semaphore_mem>>) src(%dma_wait3A_35 : memref<80x128xi32, #tpu.memory_space<hbm>>) dst(%arg8 : memref<80x128xi32, #tpu.memory_space<vmem>>)
        tpu.yield
      }) : () -> ()
    } else {
    }
    %convert_element_type3A_12 = arith.extui %eq3A_1 : i1 to i32
    %cond3A_13 = arith.constant 0 : i32
    %cond3A_14 = arith.cmpi ne, %convert_element_type3A_12, %cond3A_13 : i32
    scf.if %cond3A_14 {
      %mul3A_26 = arith.constant 80 : i32
      %mul3A_27 = arith.muli %add3A, %mul3A_26 : i32
      "tpu.region"() ({
        %run_scoped3A = tpu.sem_alloc : memref<!tpu.dma_semaphore, #tpu.memory_space<semaphore_mem>>
        %dma_start3A = arith.constant 0 : i32
        %dma_start3A_30 = arith.constant 0 : i32
        %dma_start3A_31 = tpu.memref_slice %arg7[%dma_start3A, %dma_start3A_30] : memref<80x128xi32, #tpu.memory_space<vmem>> -> memref<20x128xi32, #tpu.memory_space<vmem>>
        %dma_start3A_32 = arith.constant 0 : i32
        %dma_start3A_33 = tpu.memref_slice %arg3[%mul3A_27, %dma_start3A_32] : memref<2500x128xi32, #tpu.memory_space<hbm>> -> memref<20x128xi32, #tpu.memory_space<hbm>>
        %dma_start3A_34 = arith.constant 0 : i32
        %dma_start3A_35 = arith.constant 0 : i32
        %dma_start3A_36 = tpu.memref_slice %arg7[%dma_start3A_34, %dma_start3A_35] : memref<80x128xi32, #tpu.memory_space<vmem>> -> memref<20x128xi32, #tpu.memory_space<vmem>>
        %dma_start3A_37 = arith.constant 0 : i32
        %dma_start3A_38 = tpu.memref_slice %arg3[%mul3A_27, %dma_start3A_37] : memref<2500x128xi32, #tpu.memory_space<hbm>> -> memref<20x128xi32, #tpu.memory_space<hbm>>
        tpu.enqueue_dma source(%dma_start3A_38 : memref<20x128xi32, #tpu.memory_space<hbm>>) target(%dma_start3A_36 : memref<20x128xi32, #tpu.memory_space<vmem>>) target_semaphore(%run_scoped3A : memref<!tpu.dma_semaphore, #tpu.memory_space<semaphore_mem>>)
        %dma_wait3A = arith.constant 0 : i32
        %dma_wait3A_39 = arith.constant 0 : i32
        %dma_wait3A_40 = tpu.memref_slice %arg7[%dma_wait3A, %dma_wait3A_39] : memref<80x128xi32, #tpu.memory_space<vmem>> -> memref<20x128xi32, #tpu.memory_space<vmem>>
        %dma_wait3A_41 = arith.constant 0 : i32
        %dma_wait3A_42 = tpu.memref_slice %arg3[%mul3A_27, %dma_wait3A_41] : memref<2500x128xi32, #tpu.memory_space<hbm>> -> memref<20x128xi32, #tpu.memory_space<hbm>>
        %dma_wait3A_43 = arith.constant 0 : i32
        %dma_wait3A_44 = arith.constant 0 : i32
        %dma_wait3A_45 = tpu.memref_slice %arg7[%dma_wait3A_43, %dma_wait3A_44] : memref<80x128xi32, #tpu.memory_space<vmem>> -> memref<20x128xi32, #tpu.memory_space<vmem>>
        %dma_wait3A_46 = arith.constant 0 : i32
        %dma_wait3A_47 = tpu.memref_slice %arg3[%mul3A_27, %dma_wait3A_46] : memref<2500x128xi32, #tpu.memory_space<hbm>> -> memref<20x128xi32, #tpu.memory_space<hbm>>
        tpu.wait_dma2 semaphore(%run_scoped3A : memref<!tpu.dma_semaphore, #tpu.memory_space<semaphore_mem>>) src(%dma_wait3A_47 : memref<20x128xi32, #tpu.memory_space<hbm>>) dst(%dma_wait3A_45 : memref<20x128xi32, #tpu.memory_space<vmem>>)
        tpu.yield
      }) : () -> ()
      %mul3A_28 = arith.constant 80 : i32
      %mul3A_29 = arith.muli %add3A, %mul3A_28 : i32
      "tpu.region"() ({
        %run_scoped3A = tpu.sem_alloc : memref<!tpu.dma_semaphore, #tpu.memory_space<semaphore_mem>>
        %dma_start3A = arith.constant 0 : i32
        %dma_start3A_30 = arith.constant 0 : i32
        %dma_start3A_31 = tpu.memref_slice %arg8[%dma_start3A, %dma_start3A_30] : memref<80x128xi32, #tpu.memory_space<vmem>> -> memref<20x128xi32, #tpu.memory_space<vmem>>
        %dma_start3A_32 = arith.constant 0 : i32
        %dma_start3A_33 = tpu.memref_slice %arg4[%mul3A_29, %dma_start3A_32] : memref<2500x128xi32, #tpu.memory_space<hbm>> -> memref<20x128xi32, #tpu.memory_space<hbm>>
        %dma_start3A_34 = arith.constant 0 : i32
        %dma_start3A_35 = arith.constant 0 : i32
        %dma_start3A_36 = tpu.memref_slice %arg8[%dma_start3A_34, %dma_start3A_35] : memref<80x128xi32, #tpu.memory_space<vmem>> -> memref<20x128xi32, #tpu.memory_space<vmem>>
        %dma_start3A_37 = arith.constant 0 : i32
        %dma_start3A_38 = tpu.memref_slice %arg4[%mul3A_29, %dma_start3A_37] : memref<2500x128xi32, #tpu.memory_space<hbm>> -> memref<20x128xi32, #tpu.memory_space<hbm>>
        tpu.enqueue_dma source(%dma_start3A_38 : memref<20x128xi32, #tpu.memory_space<hbm>>) target(%dma_start3A_36 : memref<20x128xi32, #tpu.memory_space<vmem>>) target_semaphore(%run_scoped3A : memref<!tpu.dma_semaphore, #tpu.memory_space<semaphore_mem>>)
        %dma_wait3A = arith.constant 0 : i32
        %dma_wait3A_39 = arith.constant 0 : i32
        %dma_wait3A_40 = tpu.memref_slice %arg8[%dma_wait3A, %dma_wait3A_39] : memref<80x128xi32, #tpu.memory_space<vmem>> -> memref<20x128xi32, #tpu.memory_space<vmem>>
        %dma_wait3A_41 = arith.constant 0 : i32
        %dma_wait3A_42 = tpu.memref_slice %arg4[%mul3A_29, %dma_wait3A_41] : memref<2500x128xi32, #tpu.memory_space<hbm>> -> memref<20x128xi32, #tpu.memory_space<hbm>>
        %dma_wait3A_43 = arith.constant 0 : i32
        %dma_wait3A_44 = arith.constant 0 : i32
        %dma_wait3A_45 = tpu.memref_slice %arg8[%dma_wait3A_43, %dma_wait3A_44] : memref<80x128xi32, #tpu.memory_space<vmem>> -> memref<20x128xi32, #tpu.memory_space<vmem>>
        %dma_wait3A_46 = arith.constant 0 : i32
        %dma_wait3A_47 = tpu.memref_slice %arg4[%mul3A_29, %dma_wait3A_46] : memref<2500x128xi32, #tpu.memory_space<hbm>> -> memref<20x128xi32, #tpu.memory_space<hbm>>
        tpu.wait_dma2 semaphore(%run_scoped3A : memref<!tpu.dma_semaphore, #tpu.memory_space<semaphore_mem>>) src(%dma_wait3A_47 : memref<20x128xi32, #tpu.memory_space<hbm>>) dst(%dma_wait3A_45 : memref<20x128xi32, #tpu.memory_space<vmem>>)
        tpu.yield
      }) : () -> ()
    } else {
    }
    %barrier3A = arith.constant 0 : index
    tpu.barrier barrier_id(%barrier3A)
    %not3A_15 = arith.constant true
    %not3A_16 = arith.xori %eq3A_1, %not3A_15 : i1
    %convert_element_type3A_17 = arith.extui %not3A_16 : i1 to i32
    %cond3A_18 = arith.constant 0 : i32
    %cond3A_19 = arith.cmpi ne, %convert_element_type3A_17, %cond3A_18 : i32
    scf.if %cond3A_19 {
      %dma_start3A = arith.constant 0 : i32
      %dma_start3A_26 = arith.constant 0 : i32
      %dma_start3A_27 = tpu.memref_slice %arg7[%dma_start3A, %dma_start3A_26] : memref<80x128xi32, #tpu.memory_space<vmem>> -> memref<1x128xi32, #tpu.memory_space<vmem>>
      %dma_start3A_28 = tpu.memref_squeeze %dma_start3A_27 : memref<1x128xi32, #tpu.memory_space<vmem>> -> memref<128xi32, #tpu.memory_space<vmem>>
      %dma_start3A_29 = arith.constant 0 : i32
      %dma_start3A_30 = arith.constant 0 : i32
      %dma_start3A_31 = tpu.memref_slice %arg2[%dma_start3A_29, %dma_start3A_30] : memref<10000x16xf32, #tpu.memory_space<hbm>> -> memref<10000x16xf32, #tpu.memory_space<hbm>>
      tpu.enqueue_indirect_dma source(%dma_start3A_31 : memref<10000x16xf32, #tpu.memory_space<hbm>>) target(%arg9 : memref<128x16xf32, #tpu.memory_space<vmem>>) offsets(%dma_start3A_28 : memref<128xi32, #tpu.memory_space<vmem>>) semaphore(%arg20 : memref<!tpu.dma_semaphore, #tpu.memory_space<semaphore_mem>>)
      %dma_start3A_32 = arith.constant 1 : i32
      %dma_start3A_33 = arith.constant 0 : i32
      %dma_start3A_34 = tpu.memref_slice %arg7[%dma_start3A_32, %dma_start3A_33] : memref<80x128xi32, #tpu.memory_space<vmem>> -> memref<1x128xi32, #tpu.memory_space<vmem>>
      %dma_start3A_35 = tpu.memref_squeeze %dma_start3A_34 : memref<1x128xi32, #tpu.memory_space<vmem>> -> memref<128xi32, #tpu.memory_space<vmem>>
      %dma_start3A_36 = arith.constant 0 : i32
      %dma_start3A_37 = arith.constant 0 : i32
      %dma_start3A_38 = tpu.memref_slice %arg2[%dma_start3A_36, %dma_start3A_37] : memref<10000x16xf32, #tpu.memory_space<hbm>> -> memref<10000x16xf32, #tpu.memory_space<hbm>>
      tpu.enqueue_indirect_dma source(%dma_start3A_38 : memref<10000x16xf32, #tpu.memory_space<hbm>>) target(%arg10 : memref<128x16xf32, #tpu.memory_space<vmem>>) offsets(%dma_start3A_35 : memref<128xi32, #tpu.memory_space<vmem>>) semaphore(%arg21 : memref<!tpu.dma_semaphore, #tpu.memory_space<semaphore_mem>>)
      %dma_start3A_39 = arith.constant 2 : i32
      %dma_start3A_40 = arith.constant 0 : i32
      %dma_start3A_41 = tpu.memref_slice %arg7[%dma_start3A_39, %dma_start3A_40] : memref<80x128xi32, #tpu.memory_space<vmem>> -> memref<1x128xi32, #tpu.memory_space<vmem>>
      %dma_start3A_42 = tpu.memref_squeeze %dma_start3A_41 : memref<1x128xi32, #tpu.memory_space<vmem>> -> memref<128xi32, #tpu.memory_space<vmem>>
      %dma_start3A_43 = arith.constant 0 : i32
      %dma_start3A_44 = arith.constant 0 : i32
      %dma_start3A_45 = tpu.memref_slice %arg2[%dma_start3A_43, %dma_start3A_44] : memref<10000x16xf32, #tpu.memory_space<hbm>> -> memref<10000x16xf32, #tpu.memory_space<hbm>>
      tpu.enqueue_indirect_dma source(%dma_start3A_45 : memref<10000x16xf32, #tpu.memory_space<hbm>>) target(%arg11 : memref<128x16xf32, #tpu.memory_space<vmem>>) offsets(%dma_start3A_42 : memref<128xi32, #tpu.memory_space<vmem>>) semaphore(%arg22 : memref<!tpu.dma_semaphore, #tpu.memory_space<semaphore_mem>>)
      %dma_start3A_46 = arith.constant 3 : i32
      %dma_start3A_47 = arith.constant 0 : i32
      %dma_start3A_48 = tpu.memref_slice %arg7[%dma_start3A_46, %dma_start3A_47] : memref<80x128xi32, #tpu.memory_space<vmem>> -> memref<1x128xi32, #tpu.memory_space<vmem>>
      %dma_start3A_49 = tpu.memref_squeeze %dma_start3A_48 : memref<1x128xi32, #tpu.memory_space<vmem>> -> memref<128xi32, #tpu.memory_space<vmem>>
      %dma_start3A_50 = arith.constant 0 : i32
      %dma_start3A_51 = arith.constant 0 : i32
      %dma_start3A_52 = tpu.memref_slice %arg2[%dma_start3A_50, %dma_start3A_51] : memref<10000x16xf32, #tpu.memory_space<hbm>> -> memref<10000x16xf32, #tpu.memory_space<hbm>>
      tpu.enqueue_indirect_dma source(%dma_start3A_52 : memref<10000x16xf32, #tpu.memory_space<hbm>>) target(%arg12 : memref<128x16xf32, #tpu.memory_space<vmem>>) offsets(%dma_start3A_49 : memref<128xi32, #tpu.memory_space<vmem>>) semaphore(%arg23 : memref<!tpu.dma_semaphore, #tpu.memory_space<semaphore_mem>>)
      %dma_start3A_53 = arith.constant 4 : i32
      %dma_start3A_54 = arith.constant 0 : i32
      %dma_start3A_55 = tpu.memref_slice %arg7[%dma_start3A_53, %dma_start3A_54] : memref<80x128xi32, #tpu.memory_space<vmem>> -> memref<1x128xi32, #tpu.memory_space<vmem>>
      %dma_start3A_56 = tpu.memref_squeeze %dma_start3A_55 : memref<1x128xi32, #tpu.memory_space<vmem>> -> memref<128xi32, #tpu.memory_space<vmem>>
      %dma_start3A_57 = arith.constant 0 : i32
      %dma_start3A_58 = arith.constant 0 : i32
      %dma_start3A_59 = tpu.memref_slice %arg2[%dma_start3A_57, %dma_start3A_58] : memref<10000x16xf32, #tpu.memory_space<hbm>> -> memref<10000x16xf32, #tpu.memory_space<hbm>>
      tpu.enqueue_indirect_dma source(%dma_start3A_59 : memref<10000x16xf32, #tpu.memory_space<hbm>>) target(%arg13 : memref<128x16xf32, #tpu.memory_space<vmem>>) offsets(%dma_start3A_56 : memref<128xi32, #tpu.memory_space<vmem>>) semaphore(%arg24 : memref<!tpu.dma_semaphore, #tpu.memory_space<semaphore_mem>>)
      %dma_start3A_60 = arith.constant 5 : i32
      %dma_start3A_61 = arith.constant 0 : i32
      %dma_start3A_62 = tpu.memref_slice %arg7[%dma_start3A_60, %dma_start3A_61] : memref<80x128xi32, #tpu.memory_space<vmem>> -> memref<1x128xi32, #tpu.memory_space<vmem>>
      %dma_start3A_63 = tpu.memref_squeeze %dma_start3A_62 : memref<1x128xi32, #tpu.memory_space<vmem>> -> memref<128xi32, #tpu.memory_space<vmem>>
      %dma_start3A_64 = arith.constant 0 : i32
      %dma_start3A_65 = arith.constant 0 : i32
      %dma_start3A_66 = tpu.memref_slice %arg2[%dma_start3A_64, %dma_start3A_65] : memref<10000x16xf32, #tpu.memory_space<hbm>> -> memref<10000x16xf32, #tpu.memory_space<hbm>>
      tpu.enqueue_indirect_dma source(%dma_start3A_66 : memref<10000x16xf32, #tpu.memory_space<hbm>>) target(%arg14 : memref<128x16xf32, #tpu.memory_space<vmem>>) offsets(%dma_start3A_63 : memref<128xi32, #tpu.memory_space<vmem>>) semaphore(%arg25 : memref<!tpu.dma_semaphore, #tpu.memory_space<semaphore_mem>>)
      %dma_start3A_67 = arith.constant 6 : i32
      %dma_start3A_68 = arith.constant 0 : i32
      %dma_start3A_69 = tpu.memref_slice %arg7[%dma_start3A_67, %dma_start3A_68] : memref<80x128xi32, #tpu.memory_space<vmem>> -> memref<1x128xi32, #tpu.memory_space<vmem>>
      %dma_start3A_70 = tpu.memref_squeeze %dma_start3A_69 : memref<1x128xi32, #tpu.memory_space<vmem>> -> memref<128xi32, #tpu.memory_space<vmem>>
      %dma_start3A_71 = arith.constant 0 : i32
      %dma_start3A_72 = arith.constant 0 : i32
      %dma_start3A_73 = tpu.memref_slice %arg2[%dma_start3A_71, %dma_start3A_72] : memref<10000x16xf32, #tpu.memory_space<hbm>> -> memref<10000x16xf32, #tpu.memory_space<hbm>>
      tpu.enqueue_indirect_dma source(%dma_start3A_73 : memref<10000x16xf32, #tpu.memory_space<hbm>>) target(%arg15 : memref<128x16xf32, #tpu.memory_space<vmem>>) offsets(%dma_start3A_70 : memref<128xi32, #tpu.memory_space<vmem>>) semaphore(%arg26 : memref<!tpu.dma_semaphore, #tpu.memory_space<semaphore_mem>>)
      %dma_start3A_74 = arith.constant 7 : i32
      %dma_start3A_75 = arith.constant 0 : i32
      %dma_start3A_76 = tpu.memref_slice %arg7[%dma_start3A_74, %dma_start3A_75] : memref<80x128xi32, #tpu.memory_space<vmem>> -> memref<1x128xi32, #tpu.memory_space<vmem>>
      %dma_start3A_77 = tpu.memref_squeeze %dma_start3A_76 : memref<1x128xi32, #tpu.memory_space<vmem>> -> memref<128xi32, #tpu.memory_space<vmem>>
      %dma_start3A_78 = arith.constant 0 : i32
      %dma_start3A_79 = arith.constant 0 : i32
      %dma_start3A_80 = tpu.memref_slice %arg2[%dma_start3A_78, %dma_start3A_79] : memref<10000x16xf32, #tpu.memory_space<hbm>> -> memref<10000x16xf32, #tpu.memory_space<hbm>>
      tpu.enqueue_indirect_dma source(%dma_start3A_80 : memref<10000x16xf32, #tpu.memory_space<hbm>>) target(%arg16 : memref<128x16xf32, #tpu.memory_space<vmem>>) offsets(%dma_start3A_77 : memref<128xi32, #tpu.memory_space<vmem>>) semaphore(%arg27 : memref<!tpu.dma_semaphore, #tpu.memory_space<semaphore_mem>>)
      %dma_start3A_81 = arith.constant 8 : i32
      %dma_start3A_82 = arith.constant 0 : i32
      %dma_start3A_83 = tpu.memref_slice %arg7[%dma_start3A_81, %dma_start3A_82] : memref<80x128xi32, #tpu.memory_space<vmem>> -> memref<1x128xi32, #tpu.memory_space<vmem>>
      %dma_start3A_84 = tpu.memref_squeeze %dma_start3A_83 : memref<1x128xi32, #tpu.memory_space<vmem>> -> memref<128xi32, #tpu.memory_space<vmem>>
      %dma_start3A_85 = arith.constant 0 : i32
      %dma_start3A_86 = arith.constant 0 : i32
      %dma_start3A_87 = tpu.memref_slice %arg2[%dma_start3A_85, %dma_start3A_86] : memref<10000x16xf32, #tpu.memory_space<hbm>> -> memref<10000x16xf32, #tpu.memory_space<hbm>>
      tpu.enqueue_indirect_dma source(%dma_start3A_87 : memref<10000x16xf32, #tpu.memory_space<hbm>>) target(%arg17 : memref<128x16xf32, #tpu.memory_space<vmem>>) offsets(%dma_start3A_84 : memref<128xi32, #tpu.memory_space<vmem>>) semaphore(%arg28 : memref<!tpu.dma_semaphore, #tpu.memory_space<semaphore_mem>>)
      %dma_start3A_88 = arith.constant 9 : i32
      %dma_start3A_89 = arith.constant 0 : i32
      %dma_start3A_90 = tpu.memref_slice %arg7[%dma_start3A_88, %dma_start3A_89] : memref<80x128xi32, #tpu.memory_space<vmem>> -> memref<1x128xi32, #tpu.memory_space<vmem>>
      %dma_start3A_91 = tpu.memref_squeeze %dma_start3A_90 : memref<1x128xi32, #tpu.memory_space<vmem>> -> memref<128xi32, #tpu.memory_space<vmem>>
      %dma_start3A_92 = arith.constant 0 : i32
      %dma_start3A_93 = arith.constant 0 : i32
      %dma_start3A_94 = tpu.memref_slice %arg2[%dma_start3A_92, %dma_start3A_93] : memref<10000x16xf32, #tpu.memory_space<hbm>> -> memref<10000x16xf32, #tpu.memory_space<hbm>>
      tpu.enqueue_indirect_dma source(%dma_start3A_94 : memref<10000x16xf32, #tpu.memory_space<hbm>>) target(%arg18 : memref<128x16xf32, #tpu.memory_space<vmem>>) offsets(%dma_start3A_91 : memref<128xi32, #tpu.memory_space<vmem>>) semaphore(%arg29 : memref<!tpu.dma_semaphore, #tpu.memory_space<semaphore_mem>>)
      %scan3A_95 = arith.constant 0 : i32
      %scan3A_96 = arith.constant 0 : i32
      %scan3A_97 = arith.constant 7 : i32
      %scan3A_98 = arith.addi %scan3A_96, %scan3A_97 : i32
      %scan3A_99 = arith.constant 1 : i32
      %scan3A_100 = scf.for %scan3A_180 = %scan3A_96 to %scan3A_98 step %scan3A_99 iter_args(%scan3A_181 = %scan3A_95) -> (i32)  : i32 {
        %mul3A_182 = arith.constant 10 : i32
        %mul3A_183 = arith.muli %mul3A_182, %scan3A_180 : i32
        %add3A_184 = arith.constant 0 : i32
        %add3A_185 = arith.addi %mul3A_183, %add3A_184 : i32
        %dma_wait3A_186 = arith.constant 0 : i32
        %dma_wait3A_187 = tpu.memref_slice %arg7[%add3A_185, %dma_wait3A_186] : memref<80x128xi32, #tpu.memory_space<vmem>> -> memref<1x128xi32, #tpu.memory_space<vmem>>
        %dma_wait3A_188 = tpu.memref_squeeze %dma_wait3A_187 : memref<1x128xi32, #tpu.memory_space<vmem>> -> memref<128xi32, #tpu.memory_space<vmem>>
        %dma_wait3A_189 = arith.constant 0 : i32
        %dma_wait3A_190 = arith.constant 0 : i32
        %dma_wait3A_191 = tpu.memref_slice %arg2[%dma_wait3A_189, %dma_wait3A_190] : memref<10000x16xf32, #tpu.memory_space<hbm>> -> memref<10000x16xf32, #tpu.memory_space<hbm>>
        tpu.wait_indirect_dma semaphore(%arg20 : memref<!tpu.dma_semaphore, #tpu.memory_space<semaphore_mem>>) src(%dma_wait3A_191 : memref<10000x16xf32, #tpu.memory_space<hbm>>) dst(%arg9 : memref<128x16xf32, #tpu.memory_space<vmem>>)
        %add3A_192 = arith.constant 0 : i32
        %add3A_193 = arith.addi %mul3A_183, %add3A_192 : i32
        %dma_start3A_194 = arith.constant 0 : i32
        %dma_start3A_195 = tpu.memref_slice %arg8[%add3A_193, %dma_start3A_194] : memref<80x128xi32, #tpu.memory_space<vmem>> -> memref<1x128xi32, #tpu.memory_space<vmem>>
        %dma_start3A_196 = tpu.memref_squeeze %dma_start3A_195 : memref<1x128xi32, #tpu.memory_space<vmem>> -> memref<128xi32, #tpu.memory_space<vmem>>
        %dma_start3A_197 = arith.constant 0 : i32
        %dma_start3A_198 = arith.constant 0 : i32
        %dma_start3A_199 = tpu.memref_slice %arg6[%dma_start3A_197, %dma_start3A_198] : memref<10240x16xf32, #tpu.memory_space<vmem_shared>> -> memref<10240x16xf32, #tpu.memory_space<vmem_shared>>
        tpu.enqueue_indirect_dma source(%arg9 : memref<128x16xf32, #tpu.memory_space<vmem>>) target(%dma_start3A_199 : memref<10240x16xf32, #tpu.memory_space<vmem_shared>>) offsets(%dma_start3A_196 : memref<128xi32, #tpu.memory_space<vmem>>) semaphore(%arg30 : memref<!tpu.dma_semaphore, #tpu.memory_space<semaphore_mem>>) {add = true}
        %add3A_200 = arith.constant 1 : i32
        %add3A_201 = arith.addi %mul3A_183, %add3A_200 : i32
        %dma_wait3A_202 = arith.constant 0 : i32
        %dma_wait3A_203 = tpu.memref_slice %arg7[%add3A_201, %dma_wait3A_202] : memref<80x128xi32, #tpu.memory_space<vmem>> -> memref<1x128xi32, #tpu.memory_space<vmem>>
        %dma_wait3A_204 = tpu.memref_squeeze %dma_wait3A_203 : memref<1x128xi32, #tpu.memory_space<vmem>> -> memref<128xi32, #tpu.memory_space<vmem>>
        %dma_wait3A_205 = arith.constant 0 : i32
        %dma_wait3A_206 = arith.constant 0 : i32
        %dma_wait3A_207 = tpu.memref_slice %arg2[%dma_wait3A_205, %dma_wait3A_206] : memref<10000x16xf32, #tpu.memory_space<hbm>> -> memref<10000x16xf32, #tpu.memory_space<hbm>>
        tpu.wait_indirect_dma semaphore(%arg21 : memref<!tpu.dma_semaphore, #tpu.memory_space<semaphore_mem>>) src(%dma_wait3A_207 : memref<10000x16xf32, #tpu.memory_space<hbm>>) dst(%arg10 : memref<128x16xf32, #tpu.memory_space<vmem>>)
        %add3A_208 = arith.constant 1 : i32
        %add3A_209 = arith.addi %mul3A_183, %add3A_208 : i32
        %dma_start3A_210 = arith.constant 0 : i32
        %dma_start3A_211 = tpu.memref_slice %arg8[%add3A_209, %dma_start3A_210] : memref<80x128xi32, #tpu.memory_space<vmem>> -> memref<1x128xi32, #tpu.memory_space<vmem>>
        %dma_start3A_212 = tpu.memref_squeeze %dma_start3A_211 : memref<1x128xi32, #tpu.memory_space<vmem>> -> memref<128xi32, #tpu.memory_space<vmem>>
        %dma_start3A_213 = arith.constant 0 : i32
        %dma_start3A_214 = arith.constant 0 : i32
        %dma_start3A_215 = tpu.memref_slice %arg6[%dma_start3A_213, %dma_start3A_214] : memref<10240x16xf32, #tpu.memory_space<vmem_shared>> -> memref<10240x16xf32, #tpu.memory_space<vmem_shared>>
        tpu.enqueue_indirect_dma source(%arg10 : memref<128x16xf32, #tpu.memory_space<vmem>>) target(%dma_start3A_215 : memref<10240x16xf32, #tpu.memory_space<vmem_shared>>) offsets(%dma_start3A_212 : memref<128xi32, #tpu.memory_space<vmem>>) semaphore(%arg31 : memref<!tpu.dma_semaphore, #tpu.memory_space<semaphore_mem>>) {add = true}
        %add3A_216 = arith.constant 2 : i32
        %add3A_217 = arith.addi %mul3A_183, %add3A_216 : i32
        %dma_wait3A_218 = arith.constant 0 : i32
        %dma_wait3A_219 = tpu.memref_slice %arg7[%add3A_217, %dma_wait3A_218] : memref<80x128xi32, #tpu.memory_space<vmem>> -> memref<1x128xi32, #tpu.memory_space<vmem>>
        %dma_wait3A_220 = tpu.memref_squeeze %dma_wait3A_219 : memref<1x128xi32, #tpu.memory_space<vmem>> -> memref<128xi32, #tpu.memory_space<vmem>>
        %dma_wait3A_221 = arith.constant 0 : i32
        %dma_wait3A_222 = arith.constant 0 : i32
        %dma_wait3A_223 = tpu.memref_slice %arg2[%dma_wait3A_221, %dma_wait3A_222] : memref<10000x16xf32, #tpu.memory_space<hbm>> -> memref<10000x16xf32, #tpu.memory_space<hbm>>
        tpu.wait_indirect_dma semaphore(%arg22 : memref<!tpu.dma_semaphore, #tpu.memory_space<semaphore_mem>>) src(%dma_wait3A_223 : memref<10000x16xf32, #tpu.memory_space<hbm>>) dst(%arg11 : memref<128x16xf32, #tpu.memory_space<vmem>>)
        %add3A_224 = arith.constant 2 : i32
        %add3A_225 = arith.addi %mul3A_183, %add3A_224 : i32
        %dma_start3A_226 = arith.constant 0 : i32
        %dma_start3A_227 = tpu.memref_slice %arg8[%add3A_225, %dma_start3A_226] : memref<80x128xi32, #tpu.memory_space<vmem>> -> memref<1x128xi32, #tpu.memory_space<vmem>>
        %dma_start3A_228 = tpu.memref_squeeze %dma_start3A_227 : memref<1x128xi32, #tpu.memory_space<vmem>> -> memref<128xi32, #tpu.memory_space<vmem>>
        %dma_start3A_229 = arith.constant 0 : i32
        %dma_start3A_230 = arith.constant 0 : i32
        %dma_start3A_231 = tpu.memref_slice %arg6[%dma_start3A_229, %dma_start3A_230] : memref<10240x16xf32, #tpu.memory_space<vmem_shared>> -> memref<10240x16xf32, #tpu.memory_space<vmem_shared>>
        tpu.enqueue_indirect_dma source(%arg11 : memref<128x16xf32, #tpu.memory_space<vmem>>) target(%dma_start3A_231 : memref<10240x16xf32, #tpu.memory_space<vmem_shared>>) offsets(%dma_start3A_228 : memref<128xi32, #tpu.memory_space<vmem>>) semaphore(%arg32 : memref<!tpu.dma_semaphore, #tpu.memory_space<semaphore_mem>>) {add = true}
        %add3A_232 = arith.constant 3 : i32
        %add3A_233 = arith.addi %mul3A_183, %add3A_232 : i32
        %dma_wait3A_234 = arith.constant 0 : i32
        %dma_wait3A_235 = tpu.memref_slice %arg7[%add3A_233, %dma_wait3A_234] : memref<80x128xi32, #tpu.memory_space<vmem>> -> memref<1x128xi32, #tpu.memory_space<vmem>>
        %dma_wait3A_236 = tpu.memref_squeeze %dma_wait3A_235 : memref<1x128xi32, #tpu.memory_space<vmem>> -> memref<128xi32, #tpu.memory_space<vmem>>
        %dma_wait3A_237 = arith.constant 0 : i32
        %dma_wait3A_238 = arith.constant 0 : i32
        %dma_wait3A_239 = tpu.memref_slice %arg2[%dma_wait3A_237, %dma_wait3A_238] : memref<10000x16xf32, #tpu.memory_space<hbm>> -> memref<10000x16xf32, #tpu.memory_space<hbm>>
        tpu.wait_indirect_dma semaphore(%arg23 : memref<!tpu.dma_semaphore, #tpu.memory_space<semaphore_mem>>) src(%dma_wait3A_239 : memref<10000x16xf32, #tpu.memory_space<hbm>>) dst(%arg12 : memref<128x16xf32, #tpu.memory_space<vmem>>)
        %add3A_240 = arith.constant 3 : i32
        %add3A_241 = arith.addi %mul3A_183, %add3A_240 : i32
        %dma_start3A_242 = arith.constant 0 : i32
        %dma_start3A_243 = tpu.memref_slice %arg8[%add3A_241, %dma_start3A_242] : memref<80x128xi32, #tpu.memory_space<vmem>> -> memref<1x128xi32, #tpu.memory_space<vmem>>
        %dma_start3A_244 = tpu.memref_squeeze %dma_start3A_243 : memref<1x128xi32, #tpu.memory_space<vmem>> -> memref<128xi32, #tpu.memory_space<vmem>>
        %dma_start3A_245 = arith.constant 0 : i32
        %dma_start3A_246 = arith.constant 0 : i32
        %dma_start3A_247 = tpu.memref_slice %arg6[%dma_start3A_245, %dma_start3A_246] : memref<10240x16xf32, #tpu.memory_space<vmem_shared>> -> memref<10240x16xf32, #tpu.memory_space<vmem_shared>>
        tpu.enqueue_indirect_dma source(%arg12 : memref<128x16xf32, #tpu.memory_space<vmem>>) target(%dma_start3A_247 : memref<10240x16xf32, #tpu.memory_space<vmem_shared>>) offsets(%dma_start3A_244 : memref<128xi32, #tpu.memory_space<vmem>>) semaphore(%arg33 : memref<!tpu.dma_semaphore, #tpu.memory_space<semaphore_mem>>) {add = true}
        %add3A_248 = arith.constant 4 : i32
        %add3A_249 = arith.addi %mul3A_183, %add3A_248 : i32
        %dma_wait3A_250 = arith.constant 0 : i32
        %dma_wait3A_251 = tpu.memref_slice %arg7[%add3A_249, %dma_wait3A_250] : memref<80x128xi32, #tpu.memory_space<vmem>> -> memref<1x128xi32, #tpu.memory_space<vmem>>
        %dma_wait3A_252 = tpu.memref_squeeze %dma_wait3A_251 : memref<1x128xi32, #tpu.memory_space<vmem>> -> memref<128xi32, #tpu.memory_space<vmem>>
        %dma_wait3A_253 = arith.constant 0 : i32
        %dma_wait3A_254 = arith.constant 0 : i32
        %dma_wait3A_255 = tpu.memref_slice %arg2[%dma_wait3A_253, %dma_wait3A_254] : memref<10000x16xf32, #tpu.memory_space<hbm>> -> memref<10000x16xf32, #tpu.memory_space<hbm>>
        tpu.wait_indirect_dma semaphore(%arg24 : memref<!tpu.dma_semaphore, #tpu.memory_space<semaphore_mem>>) src(%dma_wait3A_255 : memref<10000x16xf32, #tpu.memory_space<hbm>>) dst(%arg13 : memref<128x16xf32, #tpu.memory_space<vmem>>)
        %add3A_256 = arith.constant 4 : i32
        %add3A_257 = arith.addi %mul3A_183, %add3A_256 : i32
        %dma_start3A_258 = arith.constant 0 : i32
        %dma_start3A_259 = tpu.memref_slice %arg8[%add3A_257, %dma_start3A_258] : memref<80x128xi32, #tpu.memory_space<vmem>> -> memref<1x128xi32, #tpu.memory_space<vmem>>
        %dma_start3A_260 = tpu.memref_squeeze %dma_start3A_259 : memref<1x128xi32, #tpu.memory_space<vmem>> -> memref<128xi32, #tpu.memory_space<vmem>>
        %dma_start3A_261 = arith.constant 0 : i32
        %dma_start3A_262 = arith.constant 0 : i32
        %dma_start3A_263 = tpu.memref_slice %arg6[%dma_start3A_261, %dma_start3A_262] : memref<10240x16xf32, #tpu.memory_space<vmem_shared>> -> memref<10240x16xf32, #tpu.memory_space<vmem_shared>>
        tpu.enqueue_indirect_dma source(%arg13 : memref<128x16xf32, #tpu.memory_space<vmem>>) target(%dma_start3A_263 : memref<10240x16xf32, #tpu.memory_space<vmem_shared>>) offsets(%dma_start3A_260 : memref<128xi32, #tpu.memory_space<vmem>>) semaphore(%arg34 : memref<!tpu.dma_semaphore, #tpu.memory_space<semaphore_mem>>) {add = true}
        %add3A_264 = arith.constant 5 : i32
        %add3A_265 = arith.addi %mul3A_183, %add3A_264 : i32
        %dma_wait3A_266 = arith.constant 0 : i32
        %dma_wait3A_267 = tpu.memref_slice %arg7[%add3A_265, %dma_wait3A_266] : memref<80x128xi32, #tpu.memory_space<vmem>> -> memref<1x128xi32, #tpu.memory_space<vmem>>
        %dma_wait3A_268 = tpu.memref_squeeze %dma_wait3A_267 : memref<1x128xi32, #tpu.memory_space<vmem>> -> memref<128xi32, #tpu.memory_space<vmem>>
        %dma_wait3A_269 = arith.constant 0 : i32
        %dma_wait3A_270 = arith.constant 0 : i32
        %dma_wait3A_271 = tpu.memref_slice %arg2[%dma_wait3A_269, %dma_wait3A_270] : memref<10000x16xf32, #tpu.memory_space<hbm>> -> memref<10000x16xf32, #tpu.memory_space<hbm>>
        tpu.wait_indirect_dma semaphore(%arg25 : memref<!tpu.dma_semaphore, #tpu.memory_space<semaphore_mem>>) src(%dma_wait3A_271 : memref<10000x16xf32, #tpu.memory_space<hbm>>) dst(%arg14 : memref<128x16xf32, #tpu.memory_space<vmem>>)
        %add3A_272 = arith.constant 5 : i32
        %add3A_273 = arith.addi %mul3A_183, %add3A_272 : i32
        %dma_start3A_274 = arith.constant 0 : i32
        %dma_start3A_275 = tpu.memref_slice %arg8[%add3A_273, %dma_start3A_274] : memref<80x128xi32, #tpu.memory_space<vmem>> -> memref<1x128xi32, #tpu.memory_space<vmem>>
        %dma_start3A_276 = tpu.memref_squeeze %dma_start3A_275 : memref<1x128xi32, #tpu.memory_space<vmem>> -> memref<128xi32, #tpu.memory_space<vmem>>
        %dma_start3A_277 = arith.constant 0 : i32
        %dma_start3A_278 = arith.constant 0 : i32
        %dma_start3A_279 = tpu.memref_slice %arg6[%dma_start3A_277, %dma_start3A_278] : memref<10240x16xf32, #tpu.memory_space<vmem_shared>> -> memref<10240x16xf32, #tpu.memory_space<vmem_shared>>
        tpu.enqueue_indirect_dma source(%arg14 : memref<128x16xf32, #tpu.memory_space<vmem>>) target(%dma_start3A_279 : memref<10240x16xf32, #tpu.memory_space<vmem_shared>>) offsets(%dma_start3A_276 : memref<128xi32, #tpu.memory_space<vmem>>) semaphore(%arg35 : memref<!tpu.dma_semaphore, #tpu.memory_space<semaphore_mem>>) {add = true}
        %add3A_280 = arith.constant 6 : i32
        %add3A_281 = arith.addi %mul3A_183, %add3A_280 : i32
        %dma_wait3A_282 = arith.constant 0 : i32
        %dma_wait3A_283 = tpu.memref_slice %arg7[%add3A_281, %dma_wait3A_282] : memref<80x128xi32, #tpu.memory_space<vmem>> -> memref<1x128xi32, #tpu.memory_space<vmem>>
        %dma_wait3A_284 = tpu.memref_squeeze %dma_wait3A_283 : memref<1x128xi32, #tpu.memory_space<vmem>> -> memref<128xi32, #tpu.memory_space<vmem>>
        %dma_wait3A_285 = arith.constant 0 : i32
        %dma_wait3A_286 = arith.constant 0 : i32
        %dma_wait3A_287 = tpu.memref_slice %arg2[%dma_wait3A_285, %dma_wait3A_286] : memref<10000x16xf32, #tpu.memory_space<hbm>> -> memref<10000x16xf32, #tpu.memory_space<hbm>>
        tpu.wait_indirect_dma semaphore(%arg26 : memref<!tpu.dma_semaphore, #tpu.memory_space<semaphore_mem>>) src(%dma_wait3A_287 : memref<10000x16xf32, #tpu.memory_space<hbm>>) dst(%arg15 : memref<128x16xf32, #tpu.memory_space<vmem>>)
        %add3A_288 = arith.constant 6 : i32
        %add3A_289 = arith.addi %mul3A_183, %add3A_288 : i32
        %dma_start3A_290 = arith.constant 0 : i32
        %dma_start3A_291 = tpu.memref_slice %arg8[%add3A_289, %dma_start3A_290] : memref<80x128xi32, #tpu.memory_space<vmem>> -> memref<1x128xi32, #tpu.memory_space<vmem>>
        %dma_start3A_292 = tpu.memref_squeeze %dma_start3A_291 : memref<1x128xi32, #tpu.memory_space<vmem>> -> memref<128xi32, #tpu.memory_space<vmem>>
        %dma_start3A_293 = arith.constant 0 : i32
        %dma_start3A_294 = arith.constant 0 : i32
        %dma_start3A_295 = tpu.memref_slice %arg6[%dma_start3A_293, %dma_start3A_294] : memref<10240x16xf32, #tpu.memory_space<vmem_shared>> -> memref<10240x16xf32, #tpu.memory_space<vmem_shared>>
        tpu.enqueue_indirect_dma source(%arg15 : memref<128x16xf32, #tpu.memory_space<vmem>>) target(%dma_start3A_295 : memref<10240x16xf32, #tpu.memory_space<vmem_shared>>) offsets(%dma_start3A_292 : memref<128xi32, #tpu.memory_space<vmem>>) semaphore(%arg36 : memref<!tpu.dma_semaphore, #tpu.memory_space<semaphore_mem>>) {add = true}
        %add3A_296 = arith.constant 7 : i32
        %add3A_297 = arith.addi %mul3A_183, %add3A_296 : i32
        %dma_wait3A_298 = arith.constant 0 : i32
        %dma_wait3A_299 = tpu.memref_slice %arg7[%add3A_297, %dma_wait3A_298] : memref<80x128xi32, #tpu.memory_space<vmem>> -> memref<1x128xi32, #tpu.memory_space<vmem>>
        %dma_wait3A_300 = tpu.memref_squeeze %dma_wait3A_299 : memref<1x128xi32, #tpu.memory_space<vmem>> -> memref<128xi32, #tpu.memory_space<vmem>>
        %dma_wait3A_301 = arith.constant 0 : i32
        %dma_wait3A_302 = arith.constant 0 : i32
        %dma_wait3A_303 = tpu.memref_slice %arg2[%dma_wait3A_301, %dma_wait3A_302] : memref<10000x16xf32, #tpu.memory_space<hbm>> -> memref<10000x16xf32, #tpu.memory_space<hbm>>
        tpu.wait_indirect_dma semaphore(%arg27 : memref<!tpu.dma_semaphore, #tpu.memory_space<semaphore_mem>>) src(%dma_wait3A_303 : memref<10000x16xf32, #tpu.memory_space<hbm>>) dst(%arg16 : memref<128x16xf32, #tpu.memory_space<vmem>>)
        %add3A_304 = arith.constant 7 : i32
        %add3A_305 = arith.addi %mul3A_183, %add3A_304 : i32
        %dma_start3A_306 = arith.constant 0 : i32
        %dma_start3A_307 = tpu.memref_slice %arg8[%add3A_305, %dma_start3A_306] : memref<80x128xi32, #tpu.memory_space<vmem>> -> memref<1x128xi32, #tpu.memory_space<vmem>>
        %dma_start3A_308 = tpu.memref_squeeze %dma_start3A_307 : memref<1x128xi32, #tpu.memory_space<vmem>> -> memref<128xi32, #tpu.memory_space<vmem>>
        %dma_start3A_309 = arith.constant 0 : i32
        %dma_start3A_310 = arith.constant 0 : i32
        %dma_start3A_311 = tpu.memref_slice %arg6[%dma_start3A_309, %dma_start3A_310] : memref<10240x16xf32, #tpu.memory_space<vmem_shared>> -> memref<10240x16xf32, #tpu.memory_space<vmem_shared>>
        tpu.enqueue_indirect_dma source(%arg16 : memref<128x16xf32, #tpu.memory_space<vmem>>) target(%dma_start3A_311 : memref<10240x16xf32, #tpu.memory_space<vmem_shared>>) offsets(%dma_start3A_308 : memref<128xi32, #tpu.memory_space<vmem>>) semaphore(%arg37 : memref<!tpu.dma_semaphore, #tpu.memory_space<semaphore_mem>>) {add = true}
        %add3A_312 = arith.constant 8 : i32
        %add3A_313 = arith.addi %mul3A_183, %add3A_312 : i32
        %dma_wait3A_314 = arith.constant 0 : i32
        %dma_wait3A_315 = tpu.memref_slice %arg7[%add3A_313, %dma_wait3A_314] : memref<80x128xi32, #tpu.memory_space<vmem>> -> memref<1x128xi32, #tpu.memory_space<vmem>>
        %dma_wait3A_316 = tpu.memref_squeeze %dma_wait3A_315 : memref<1x128xi32, #tpu.memory_space<vmem>> -> memref<128xi32, #tpu.memory_space<vmem>>
        %dma_wait3A_317 = arith.constant 0 : i32
        %dma_wait3A_318 = arith.constant 0 : i32
        %dma_wait3A_319 = tpu.memref_slice %arg2[%dma_wait3A_317, %dma_wait3A_318] : memref<10000x16xf32, #tpu.memory_space<hbm>> -> memref<10000x16xf32, #tpu.memory_space<hbm>>
        tpu.wait_indirect_dma semaphore(%arg28 : memref<!tpu.dma_semaphore, #tpu.memory_space<semaphore_mem>>) src(%dma_wait3A_319 : memref<10000x16xf32, #tpu.memory_space<hbm>>) dst(%arg17 : memref<128x16xf32, #tpu.memory_space<vmem>>)
        %add3A_320 = arith.constant 8 : i32
        %add3A_321 = arith.addi %mul3A_183, %add3A_320 : i32
        %dma_start3A_322 = arith.constant 0 : i32
        %dma_start3A_323 = tpu.memref_slice %arg8[%add3A_321, %dma_start3A_322] : memref<80x128xi32, #tpu.memory_space<vmem>> -> memref<1x128xi32, #tpu.memory_space<vmem>>
        %dma_start3A_324 = tpu.memref_squeeze %dma_start3A_323 : memref<1x128xi32, #tpu.memory_space<vmem>> -> memref<128xi32, #tpu.memory_space<vmem>>
        %dma_start3A_325 = arith.constant 0 : i32
        %dma_start3A_326 = arith.constant 0 : i32
        %dma_start3A_327 = tpu.memref_slice %arg6[%dma_start3A_325, %dma_start3A_326] : memref<10240x16xf32, #tpu.memory_space<vmem_shared>> -> memref<10240x16xf32, #tpu.memory_space<vmem_shared>>
        tpu.enqueue_indirect_dma source(%arg17 : memref<128x16xf32, #tpu.memory_space<vmem>>) target(%dma_start3A_327 : memref<10240x16xf32, #tpu.memory_space<vmem_shared>>) offsets(%dma_start3A_324 : memref<128xi32, #tpu.memory_space<vmem>>) semaphore(%arg38 : memref<!tpu.dma_semaphore, #tpu.memory_space<semaphore_mem>>) {add = true}
        %add3A_328 = arith.constant 9 : i32
        %add3A_329 = arith.addi %mul3A_183, %add3A_328 : i32
        %dma_wait3A_330 = arith.constant 0 : i32
        %dma_wait3A_331 = tpu.memref_slice %arg7[%add3A_329, %dma_wait3A_330] : memref<80x128xi32, #tpu.memory_space<vmem>> -> memref<1x128xi32, #tpu.memory_space<vmem>>
        %dma_wait3A_332 = tpu.memref_squeeze %dma_wait3A_331 : memref<1x128xi32, #tpu.memory_space<vmem>> -> memref<128xi32, #tpu.memory_space<vmem>>
        %dma_wait3A_333 = arith.constant 0 : i32
        %dma_wait3A_334 = arith.constant 0 : i32
        %dma_wait3A_335 = tpu.memref_slice %arg2[%dma_wait3A_333, %dma_wait3A_334] : memref<10000x16xf32, #tpu.memory_space<hbm>> -> memref<10000x16xf32, #tpu.memory_space<hbm>>
        tpu.wait_indirect_dma semaphore(%arg29 : memref<!tpu.dma_semaphore, #tpu.memory_space<semaphore_mem>>) src(%dma_wait3A_335 : memref<10000x16xf32, #tpu.memory_space<hbm>>) dst(%arg18 : memref<128x16xf32, #tpu.memory_space<vmem>>)
        %add3A_336 = arith.constant 9 : i32
        %add3A_337 = arith.addi %mul3A_183, %add3A_336 : i32
        %dma_start3A_338 = arith.constant 0 : i32
        %dma_start3A_339 = tpu.memref_slice %arg8[%add3A_337, %dma_start3A_338] : memref<80x128xi32, #tpu.memory_space<vmem>> -> memref<1x128xi32, #tpu.memory_space<vmem>>
        %dma_start3A_340 = tpu.memref_squeeze %dma_start3A_339 : memref<1x128xi32, #tpu.memory_space<vmem>> -> memref<128xi32, #tpu.memory_space<vmem>>
        %dma_start3A_341 = arith.constant 0 : i32
        %dma_start3A_342 = arith.constant 0 : i32
        %dma_start3A_343 = tpu.memref_slice %arg6[%dma_start3A_341, %dma_start3A_342] : memref<10240x16xf32, #tpu.memory_space<vmem_shared>> -> memref<10240x16xf32, #tpu.memory_space<vmem_shared>>
        tpu.enqueue_indirect_dma source(%arg18 : memref<128x16xf32, #tpu.memory_space<vmem>>) target(%dma_start3A_343 : memref<10240x16xf32, #tpu.memory_space<vmem_shared>>) offsets(%dma_start3A_340 : memref<128xi32, #tpu.memory_space<vmem>>) semaphore(%arg39 : memref<!tpu.dma_semaphore, #tpu.memory_space<semaphore_mem>>) {add = true}
        %add3A_344 = arith.constant 0 : i32
        %add3A_345 = arith.addi %mul3A_183, %add3A_344 : i32
        %dma_wait3A_346 = arith.constant 0 : i32
        %dma_wait3A_347 = tpu.memref_slice %arg8[%add3A_345, %dma_wait3A_346] : memref<80x128xi32, #tpu.memory_space<vmem>> -> memref<1x128xi32, #tpu.memory_space<vmem>>
        %dma_wait3A_348 = tpu.memref_squeeze %dma_wait3A_347 : memref<1x128xi32, #tpu.memory_space<vmem>> -> memref<128xi32, #tpu.memory_space<vmem>>
        %dma_wait3A_349 = arith.constant 0 : i32
        %dma_wait3A_350 = arith.constant 0 : i32
        %dma_wait3A_351 = tpu.memref_slice %arg6[%dma_wait3A_349, %dma_wait3A_350] : memref<10240x16xf32, #tpu.memory_space<vmem_shared>> -> memref<10240x16xf32, #tpu.memory_space<vmem_shared>>
        tpu.wait_indirect_dma semaphore(%arg30 : memref<!tpu.dma_semaphore, #tpu.memory_space<semaphore_mem>>) src(%arg9 : memref<128x16xf32, #tpu.memory_space<vmem>>) dst(%dma_wait3A_351 : memref<10240x16xf32, #tpu.memory_space<vmem_shared>>)
        %add3A_352 = arith.constant 10 : i32
        %add3A_353 = arith.addi %mul3A_183, %add3A_352 : i32
        %add3A_354 = arith.constant 0 : i32
        %add3A_355 = arith.addi %add3A_353, %add3A_354 : i32
        %dma_start3A_356 = arith.constant 0 : i32
        %dma_start3A_357 = tpu.memref_slice %arg7[%add3A_355, %dma_start3A_356] : memref<80x128xi32, #tpu.memory_space<vmem>> -> memref<1x128xi32, #tpu.memory_space<vmem>>
        %dma_start3A_358 = tpu.memref_squeeze %dma_start3A_357 : memref<1x128xi32, #tpu.memory_space<vmem>> -> memref<128xi32, #tpu.memory_space<vmem>>
        %dma_start3A_359 = arith.constant 0 : i32
        %dma_start3A_360 = arith.constant 0 : i32
        %dma_start3A_361 = tpu.memref_slice %arg2[%dma_start3A_359, %dma_start3A_360] : memref<10000x16xf32, #tpu.memory_space<hbm>> -> memref<10000x16xf32, #tpu.memory_space<hbm>>
        tpu.enqueue_indirect_dma source(%dma_start3A_361 : memref<10000x16xf32, #tpu.memory_space<hbm>>) target(%arg9 : memref<128x16xf32, #tpu.memory_space<vmem>>) offsets(%dma_start3A_358 : memref<128xi32, #tpu.memory_space<vmem>>) semaphore(%arg20 : memref<!tpu.dma_semaphore, #tpu.memory_space<semaphore_mem>>)
        %add3A_362 = arith.constant 1 : i32
        %add3A_363 = arith.addi %mul3A_183, %add3A_362 : i32
        %dma_wait3A_364 = arith.constant 0 : i32
        %dma_wait3A_365 = tpu.memref_slice %arg8[%add3A_363, %dma_wait3A_364] : memref<80x128xi32, #tpu.memory_space<vmem>> -> memref<1x128xi32, #tpu.memory_space<vmem>>
        %dma_wait3A_366 = tpu.memref_squeeze %dma_wait3A_365 : memref<1x128xi32, #tpu.memory_space<vmem>> -> memref<128xi32, #tpu.memory_space<vmem>>
        %dma_wait3A_367 = arith.constant 0 : i32
        %dma_wait3A_368 = arith.constant 0 : i32
        %dma_wait3A_369 = tpu.memref_slice %arg6[%dma_wait3A_367, %dma_wait3A_368] : memref<10240x16xf32, #tpu.memory_space<vmem_shared>> -> memref<10240x16xf32, #tpu.memory_space<vmem_shared>>
        tpu.wait_indirect_dma semaphore(%arg31 : memref<!tpu.dma_semaphore, #tpu.memory_space<semaphore_mem>>) src(%arg10 : memref<128x16xf32, #tpu.memory_space<vmem>>) dst(%dma_wait3A_369 : memref<10240x16xf32, #tpu.memory_space<vmem_shared>>)
        %add3A_370 = arith.constant 10 : i32
        %add3A_371 = arith.addi %mul3A_183, %add3A_370 : i32
        %add3A_372 = arith.constant 1 : i32
        %add3A_373 = arith.addi %add3A_371, %add3A_372 : i32
        %dma_start3A_374 = arith.constant 0 : i32
        %dma_start3A_375 = tpu.memref_slice %arg7[%add3A_373, %dma_start3A_374] : memref<80x128xi32, #tpu.memory_space<vmem>> -> memref<1x128xi32, #tpu.memory_space<vmem>>
        %dma_start3A_376 = tpu.memref_squeeze %dma_start3A_375 : memref<1x128xi32, #tpu.memory_space<vmem>> -> memref<128xi32, #tpu.memory_space<vmem>>
        %dma_start3A_377 = arith.constant 0 : i32
        %dma_start3A_378 = arith.constant 0 : i32
        %dma_start3A_379 = tpu.memref_slice %arg2[%dma_start3A_377, %dma_start3A_378] : memref<10000x16xf32, #tpu.memory_space<hbm>> -> memref<10000x16xf32, #tpu.memory_space<hbm>>
        tpu.enqueue_indirect_dma source(%dma_start3A_379 : memref<10000x16xf32, #tpu.memory_space<hbm>>) target(%arg10 : memref<128x16xf32, #tpu.memory_space<vmem>>) offsets(%dma_start3A_376 : memref<128xi32, #tpu.memory_space<vmem>>) semaphore(%arg21 : memref<!tpu.dma_semaphore, #tpu.memory_space<semaphore_mem>>)
        %add3A_380 = arith.constant 2 : i32
        %add3A_381 = arith.addi %mul3A_183, %add3A_380 : i32
        %dma_wait3A_382 = arith.constant 0 : i32
        %dma_wait3A_383 = tpu.memref_slice %arg8[%add3A_381, %dma_wait3A_382] : memref<80x128xi32, #tpu.memory_space<vmem>> -> memref<1x128xi32, #tpu.memory_space<vmem>>
        %dma_wait3A_384 = tpu.memref_squeeze %dma_wait3A_383 : memref<1x128xi32, #tpu.memory_space<vmem>> -> memref<128xi32, #tpu.memory_space<vmem>>
        %dma_wait3A_385 = arith.constant 0 : i32
        %dma_wait3A_386 = arith.constant 0 : i32
        %dma_wait3A_387 = tpu.memref_slice %arg6[%dma_wait3A_385, %dma_wait3A_386] : memref<10240x16xf32, #tpu.memory_space<vmem_shared>> -> memref<10240x16xf32, #tpu.memory_space<vmem_shared>>
        tpu.wait_indirect_dma semaphore(%arg32 : memref<!tpu.dma_semaphore, #tpu.memory_space<semaphore_mem>>) src(%arg11 : memref<128x16xf32, #tpu.memory_space<vmem>>) dst(%dma_wait3A_387 : memref<10240x16xf32, #tpu.memory_space<vmem_shared>>)
        %add3A_388 = arith.constant 10 : i32
        %add3A_389 = arith.addi %mul3A_183, %add3A_388 : i32
        %add3A_390 = arith.constant 2 : i32
        %add3A_391 = arith.addi %add3A_389, %add3A_390 : i32
        %dma_start3A_392 = arith.constant 0 : i32
        %dma_start3A_393 = tpu.memref_slice %arg7[%add3A_391, %dma_start3A_392] : memref<80x128xi32, #tpu.memory_space<vmem>> -> memref<1x128xi32, #tpu.memory_space<vmem>>
        %dma_start3A_394 = tpu.memref_squeeze %dma_start3A_393 : memref<1x128xi32, #tpu.memory_space<vmem>> -> memref<128xi32, #tpu.memory_space<vmem>>
        %dma_start3A_395 = arith.constant 0 : i32
        %dma_start3A_396 = arith.constant 0 : i32
        %dma_start3A_397 = tpu.memref_slice %arg2[%dma_start3A_395, %dma_start3A_396] : memref<10000x16xf32, #tpu.memory_space<hbm>> -> memref<10000x16xf32, #tpu.memory_space<hbm>>
        tpu.enqueue_indirect_dma source(%dma_start3A_397 : memref<10000x16xf32, #tpu.memory_space<hbm>>) target(%arg11 : memref<128x16xf32, #tpu.memory_space<vmem>>) offsets(%dma_start3A_394 : memref<128xi32, #tpu.memory_space<vmem>>) semaphore(%arg22 : memref<!tpu.dma_semaphore, #tpu.memory_space<semaphore_mem>>)
        %add3A_398 = arith.constant 3 : i32
        %add3A_399 = arith.addi %mul3A_183, %add3A_398 : i32
        %dma_wait3A_400 = arith.constant 0 : i32
        %dma_wait3A_401 = tpu.memref_slice %arg8[%add3A_399, %dma_wait3A_400] : memref<80x128xi32, #tpu.memory_space<vmem>> -> memref<1x128xi32, #tpu.memory_space<vmem>>
        %dma_wait3A_402 = tpu.memref_squeeze %dma_wait3A_401 : memref<1x128xi32, #tpu.memory_space<vmem>> -> memref<128xi32, #tpu.memory_space<vmem>>
        %dma_wait3A_403 = arith.constant 0 : i32
        %dma_wait3A_404 = arith.constant 0 : i32
        %dma_wait3A_405 = tpu.memref_slice %arg6[%dma_wait3A_403, %dma_wait3A_404] : memref<10240x16xf32, #tpu.memory_space<vmem_shared>> -> memref<10240x16xf32, #tpu.memory_space<vmem_shared>>
        tpu.wait_indirect_dma semaphore(%arg33 : memref<!tpu.dma_semaphore, #tpu.memory_space<semaphore_mem>>) src(%arg12 : memref<128x16xf32, #tpu.memory_space<vmem>>) dst(%dma_wait3A_405 : memref<10240x16xf32, #tpu.memory_space<vmem_shared>>)
        %add3A_406 = arith.constant 10 : i32
        %add3A_407 = arith.addi %mul3A_183, %add3A_406 : i32
        %add3A_408 = arith.constant 3 : i32
        %add3A_409 = arith.addi %add3A_407, %add3A_408 : i32
        %dma_start3A_410 = arith.constant 0 : i32
        %dma_start3A_411 = tpu.memref_slice %arg7[%add3A_409, %dma_start3A_410] : memref<80x128xi32, #tpu.memory_space<vmem>> -> memref<1x128xi32, #tpu.memory_space<vmem>>
        %dma_start3A_412 = tpu.memref_squeeze %dma_start3A_411 : memref<1x128xi32, #tpu.memory_space<vmem>> -> memref<128xi32, #tpu.memory_space<vmem>>
        %dma_start3A_413 = arith.constant 0 : i32
        %dma_start3A_414 = arith.constant 0 : i32
        %dma_start3A_415 = tpu.memref_slice %arg2[%dma_start3A_413, %dma_start3A_414] : memref<10000x16xf32, #tpu.memory_space<hbm>> -> memref<10000x16xf32, #tpu.memory_space<hbm>>
        tpu.enqueue_indirect_dma source(%dma_start3A_415 : memref<10000x16xf32, #tpu.memory_space<hbm>>) target(%arg12 : memref<128x16xf32, #tpu.memory_space<vmem>>) offsets(%dma_start3A_412 : memref<128xi32, #tpu.memory_space<vmem>>) semaphore(%arg23 : memref<!tpu.dma_semaphore, #tpu.memory_space<semaphore_mem>>)
        %add3A_416 = arith.constant 4 : i32
        %add3A_417 = arith.addi %mul3A_183, %add3A_416 : i32
        %dma_wait3A_418 = arith.constant 0 : i32
        %dma_wait3A_419 = tpu.memref_slice %arg8[%add3A_417, %dma_wait3A_418] : memref<80x128xi32, #tpu.memory_space<vmem>> -> memref<1x128xi32, #tpu.memory_space<vmem>>
        %dma_wait3A_420 = tpu.memref_squeeze %dma_wait3A_419 : memref<1x128xi32, #tpu.memory_space<vmem>> -> memref<128xi32, #tpu.memory_space<vmem>>
        %dma_wait3A_421 = arith.constant 0 : i32
        %dma_wait3A_422 = arith.constant 0 : i32
        %dma_wait3A_423 = tpu.memref_slice %arg6[%dma_wait3A_421, %dma_wait3A_422] : memref<10240x16xf32, #tpu.memory_space<vmem_shared>> -> memref<10240x16xf32, #tpu.memory_space<vmem_shared>>
        tpu.wait_indirect_dma semaphore(%arg34 : memref<!tpu.dma_semaphore, #tpu.memory_space<semaphore_mem>>) src(%arg13 : memref<128x16xf32, #tpu.memory_space<vmem>>) dst(%dma_wait3A_423 : memref<10240x16xf32, #tpu.memory_space<vmem_shared>>)
        %add3A_424 = arith.constant 10 : i32
        %add3A_425 = arith.addi %mul3A_183, %add3A_424 : i32
        %add3A_426 = arith.constant 4 : i32
        %add3A_427 = arith.addi %add3A_425, %add3A_426 : i32
        %dma_start3A_428 = arith.constant 0 : i32
        %dma_start3A_429 = tpu.memref_slice %arg7[%add3A_427, %dma_start3A_428] : memref<80x128xi32, #tpu.memory_space<vmem>> -> memref<1x128xi32, #tpu.memory_space<vmem>>
        %dma_start3A_430 = tpu.memref_squeeze %dma_start3A_429 : memref<1x128xi32, #tpu.memory_space<vmem>> -> memref<128xi32, #tpu.memory_space<vmem>>
        %dma_start3A_431 = arith.constant 0 : i32
        %dma_start3A_432 = arith.constant 0 : i32
        %dma_start3A_433 = tpu.memref_slice %arg2[%dma_start3A_431, %dma_start3A_432] : memref<10000x16xf32, #tpu.memory_space<hbm>> -> memref<10000x16xf32, #tpu.memory_space<hbm>>
        tpu.enqueue_indirect_dma source(%dma_start3A_433 : memref<10000x16xf32, #tpu.memory_space<hbm>>) target(%arg13 : memref<128x16xf32, #tpu.memory_space<vmem>>) offsets(%dma_start3A_430 : memref<128xi32, #tpu.memory_space<vmem>>) semaphore(%arg24 : memref<!tpu.dma_semaphore, #tpu.memory_space<semaphore_mem>>)
        %add3A_434 = arith.constant 5 : i32
        %add3A_435 = arith.addi %mul3A_183, %add3A_434 : i32
        %dma_wait3A_436 = arith.constant 0 : i32
        %dma_wait3A_437 = tpu.memref_slice %arg8[%add3A_435, %dma_wait3A_436] : memref<80x128xi32, #tpu.memory_space<vmem>> -> memref<1x128xi32, #tpu.memory_space<vmem>>
        %dma_wait3A_438 = tpu.memref_squeeze %dma_wait3A_437 : memref<1x128xi32, #tpu.memory_space<vmem>> -> memref<128xi32, #tpu.memory_space<vmem>>
        %dma_wait3A_439 = arith.constant 0 : i32
        %dma_wait3A_440 = arith.constant 0 : i32
        %dma_wait3A_441 = tpu.memref_slice %arg6[%dma_wait3A_439, %dma_wait3A_440] : memref<10240x16xf32, #tpu.memory_space<vmem_shared>> -> memref<10240x16xf32, #tpu.memory_space<vmem_shared>>
        tpu.wait_indirect_dma semaphore(%arg35 : memref<!tpu.dma_semaphore, #tpu.memory_space<semaphore_mem>>) src(%arg14 : memref<128x16xf32, #tpu.memory_space<vmem>>) dst(%dma_wait3A_441 : memref<10240x16xf32, #tpu.memory_space<vmem_shared>>)
        %add3A_442 = arith.constant 10 : i32
        %add3A_443 = arith.addi %mul3A_183, %add3A_442 : i32
        %add3A_444 = arith.constant 5 : i32
        %add3A_445 = arith.addi %add3A_443, %add3A_444 : i32
        %dma_start3A_446 = arith.constant 0 : i32
        %dma_start3A_447 = tpu.memref_slice %arg7[%add3A_445, %dma_start3A_446] : memref<80x128xi32, #tpu.memory_space<vmem>> -> memref<1x128xi32, #tpu.memory_space<vmem>>
        %dma_start3A_448 = tpu.memref_squeeze %dma_start3A_447 : memref<1x128xi32, #tpu.memory_space<vmem>> -> memref<128xi32, #tpu.memory_space<vmem>>
        %dma_start3A_449 = arith.constant 0 : i32
        %dma_start3A_450 = arith.constant 0 : i32
        %dma_start3A_451 = tpu.memref_slice %arg2[%dma_start3A_449, %dma_start3A_450] : memref<10000x16xf32, #tpu.memory_space<hbm>> -> memref<10000x16xf32, #tpu.memory_space<hbm>>
        tpu.enqueue_indirect_dma source(%dma_start3A_451 : memref<10000x16xf32, #tpu.memory_space<hbm>>) target(%arg14 : memref<128x16xf32, #tpu.memory_space<vmem>>) offsets(%dma_start3A_448 : memref<128xi32, #tpu.memory_space<vmem>>) semaphore(%arg25 : memref<!tpu.dma_semaphore, #tpu.memory_space<semaphore_mem>>)
        %add3A_452 = arith.constant 6 : i32
        %add3A_453 = arith.addi %mul3A_183, %add3A_452 : i32
        %dma_wait3A_454 = arith.constant 0 : i32
        %dma_wait3A_455 = tpu.memref_slice %arg8[%add3A_453, %dma_wait3A_454] : memref<80x128xi32, #tpu.memory_space<vmem>> -> memref<1x128xi32, #tpu.memory_space<vmem>>
        %dma_wait3A_456 = tpu.memref_squeeze %dma_wait3A_455 : memref<1x128xi32, #tpu.memory_space<vmem>> -> memref<128xi32, #tpu.memory_space<vmem>>
        %dma_wait3A_457 = arith.constant 0 : i32
        %dma_wait3A_458 = arith.constant 0 : i32
        %dma_wait3A_459 = tpu.memref_slice %arg6[%dma_wait3A_457, %dma_wait3A_458] : memref<10240x16xf32, #tpu.memory_space<vmem_shared>> -> memref<10240x16xf32, #tpu.memory_space<vmem_shared>>
        tpu.wait_indirect_dma semaphore(%arg36 : memref<!tpu.dma_semaphore, #tpu.memory_space<semaphore_mem>>) src(%arg15 : memref<128x16xf32, #tpu.memory_space<vmem>>) dst(%dma_wait3A_459 : memref<10240x16xf32, #tpu.memory_space<vmem_shared>>)
        %add3A_460 = arith.constant 10 : i32
        %add3A_461 = arith.addi %mul3A_183, %add3A_460 : i32
        %add3A_462 = arith.constant 6 : i32
        %add3A_463 = arith.addi %add3A_461, %add3A_462 : i32
        %dma_start3A_464 = arith.constant 0 : i32
        %dma_start3A_465 = tpu.memref_slice %arg7[%add3A_463, %dma_start3A_464] : memref<80x128xi32, #tpu.memory_space<vmem>> -> memref<1x128xi32, #tpu.memory_space<vmem>>
        %dma_start3A_466 = tpu.memref_squeeze %dma_start3A_465 : memref<1x128xi32, #tpu.memory_space<vmem>> -> memref<128xi32, #tpu.memory_space<vmem>>
        %dma_start3A_467 = arith.constant 0 : i32
        %dma_start3A_468 = arith.constant 0 : i32
        %dma_start3A_469 = tpu.memref_slice %arg2[%dma_start3A_467, %dma_start3A_468] : memref<10000x16xf32, #tpu.memory_space<hbm>> -> memref<10000x16xf32, #tpu.memory_space<hbm>>
        tpu.enqueue_indirect_dma source(%dma_start3A_469 : memref<10000x16xf32, #tpu.memory_space<hbm>>) target(%arg15 : memref<128x16xf32, #tpu.memory_space<vmem>>) offsets(%dma_start3A_466 : memref<128xi32, #tpu.memory_space<vmem>>) semaphore(%arg26 : memref<!tpu.dma_semaphore, #tpu.memory_space<semaphore_mem>>)
        %add3A_470 = arith.constant 7 : i32
        %add3A_471 = arith.addi %mul3A_183, %add3A_470 : i32
        %dma_wait3A_472 = arith.constant 0 : i32
        %dma_wait3A_473 = tpu.memref_slice %arg8[%add3A_471, %dma_wait3A_472] : memref<80x128xi32, #tpu.memory_space<vmem>> -> memref<1x128xi32, #tpu.memory_space<vmem>>
        %dma_wait3A_474 = tpu.memref_squeeze %dma_wait3A_473 : memref<1x128xi32, #tpu.memory_space<vmem>> -> memref<128xi32, #tpu.memory_space<vmem>>
        %dma_wait3A_475 = arith.constant 0 : i32
        %dma_wait3A_476 = arith.constant 0 : i32
        %dma_wait3A_477 = tpu.memref_slice %arg6[%dma_wait3A_475, %dma_wait3A_476] : memref<10240x16xf32, #tpu.memory_space<vmem_shared>> -> memref<10240x16xf32, #tpu.memory_space<vmem_shared>>
        tpu.wait_indirect_dma semaphore(%arg37 : memref<!tpu.dma_semaphore, #tpu.memory_space<semaphore_mem>>) src(%arg16 : memref<128x16xf32, #tpu.memory_space<vmem>>) dst(%dma_wait3A_477 : memref<10240x16xf32, #tpu.memory_space<vmem_shared>>)
        %add3A_478 = arith.constant 10 : i32
        %add3A_479 = arith.addi %mul3A_183, %add3A_478 : i32
        %add3A_480 = arith.constant 7 : i32
        %add3A_481 = arith.addi %add3A_479, %add3A_480 : i32
        %dma_start3A_482 = arith.constant 0 : i32
        %dma_start3A_483 = tpu.memref_slice %arg7[%add3A_481, %dma_start3A_482] : memref<80x128xi32, #tpu.memory_space<vmem>> -> memref<1x128xi32, #tpu.memory_space<vmem>>
        %dma_start3A_484 = tpu.memref_squeeze %dma_start3A_483 : memref<1x128xi32, #tpu.memory_space<vmem>> -> memref<128xi32, #tpu.memory_space<vmem>>
        %dma_start3A_485 = arith.constant 0 : i32
        %dma_start3A_486 = arith.constant 0 : i32
        %dma_start3A_487 = tpu.memref_slice %arg2[%dma_start3A_485, %dma_start3A_486] : memref<10000x16xf32, #tpu.memory_space<hbm>> -> memref<10000x16xf32, #tpu.memory_space<hbm>>
        tpu.enqueue_indirect_dma source(%dma_start3A_487 : memref<10000x16xf32, #tpu.memory_space<hbm>>) target(%arg16 : memref<128x16xf32, #tpu.memory_space<vmem>>) offsets(%dma_start3A_484 : memref<128xi32, #tpu.memory_space<vmem>>) semaphore(%arg27 : memref<!tpu.dma_semaphore, #tpu.memory_space<semaphore_mem>>)
        %add3A_488 = arith.constant 8 : i32
        %add3A_489 = arith.addi %mul3A_183, %add3A_488 : i32
        %dma_wait3A_490 = arith.constant 0 : i32
        %dma_wait3A_491 = tpu.memref_slice %arg8[%add3A_489, %dma_wait3A_490] : memref<80x128xi32, #tpu.memory_space<vmem>> -> memref<1x128xi32, #tpu.memory_space<vmem>>
        %dma_wait3A_492 = tpu.memref_squeeze %dma_wait3A_491 : memref<1x128xi32, #tpu.memory_space<vmem>> -> memref<128xi32, #tpu.memory_space<vmem>>
        %dma_wait3A_493 = arith.constant 0 : i32
        %dma_wait3A_494 = arith.constant 0 : i32
        %dma_wait3A_495 = tpu.memref_slice %arg6[%dma_wait3A_493, %dma_wait3A_494] : memref<10240x16xf32, #tpu.memory_space<vmem_shared>> -> memref<10240x16xf32, #tpu.memory_space<vmem_shared>>
        tpu.wait_indirect_dma semaphore(%arg38 : memref<!tpu.dma_semaphore, #tpu.memory_space<semaphore_mem>>) src(%arg17 : memref<128x16xf32, #tpu.memory_space<vmem>>) dst(%dma_wait3A_495 : memref<10240x16xf32, #tpu.memory_space<vmem_shared>>)
        %add3A_496 = arith.constant 10 : i32
        %add3A_497 = arith.addi %mul3A_183, %add3A_496 : i32
        %add3A_498 = arith.constant 8 : i32
        %add3A_499 = arith.addi %add3A_497, %add3A_498 : i32
        %dma_start3A_500 = arith.constant 0 : i32
        %dma_start3A_501 = tpu.memref_slice %arg7[%add3A_499, %dma_start3A_500] : memref<80x128xi32, #tpu.memory_space<vmem>> -> memref<1x128xi32, #tpu.memory_space<vmem>>
        %dma_start3A_502 = tpu.memref_squeeze %dma_start3A_501 : memref<1x128xi32, #tpu.memory_space<vmem>> -> memref<128xi32, #tpu.memory_space<vmem>>
        %dma_start3A_503 = arith.constant 0 : i32
        %dma_start3A_504 = arith.constant 0 : i32
        %dma_start3A_505 = tpu.memref_slice %arg2[%dma_start3A_503, %dma_start3A_504] : memref<10000x16xf32, #tpu.memory_space<hbm>> -> memref<10000x16xf32, #tpu.memory_space<hbm>>
        tpu.enqueue_indirect_dma source(%dma_start3A_505 : memref<10000x16xf32, #tpu.memory_space<hbm>>) target(%arg17 : memref<128x16xf32, #tpu.memory_space<vmem>>) offsets(%dma_start3A_502 : memref<128xi32, #tpu.memory_space<vmem>>) semaphore(%arg28 : memref<!tpu.dma_semaphore, #tpu.memory_space<semaphore_mem>>)
        %add3A_506 = arith.constant 9 : i32
        %add3A_507 = arith.addi %mul3A_183, %add3A_506 : i32
        %dma_wait3A_508 = arith.constant 0 : i32
        %dma_wait3A_509 = tpu.memref_slice %arg8[%add3A_507, %dma_wait3A_508] : memref<80x128xi32, #tpu.memory_space<vmem>> -> memref<1x128xi32, #tpu.memory_space<vmem>>
        %dma_wait3A_510 = tpu.memref_squeeze %dma_wait3A_509 : memref<1x128xi32, #tpu.memory_space<vmem>> -> memref<128xi32, #tpu.memory_space<vmem>>
        %dma_wait3A_511 = arith.constant 0 : i32
        %dma_wait3A_512 = arith.constant 0 : i32
        %dma_wait3A_513 = tpu.memref_slice %arg6[%dma_wait3A_511, %dma_wait3A_512] : memref<10240x16xf32, #tpu.memory_space<vmem_shared>> -> memref<10240x16xf32, #tpu.memory_space<vmem_shared>>
        tpu.wait_indirect_dma semaphore(%arg39 : memref<!tpu.dma_semaphore, #tpu.memory_space<semaphore_mem>>) src(%arg18 : memref<128x16xf32, #tpu.memory_space<vmem>>) dst(%dma_wait3A_513 : memref<10240x16xf32, #tpu.memory_space<vmem_shared>>)
        %add3A_514 = arith.constant 10 : i32
        %add3A_515 = arith.addi %mul3A_183, %add3A_514 : i32
        %add3A_516 = arith.constant 9 : i32
        %add3A_517 = arith.addi %add3A_515, %add3A_516 : i32
        %dma_start3A_518 = arith.constant 0 : i32
        %dma_start3A_519 = tpu.memref_slice %arg7[%add3A_517, %dma_start3A_518] : memref<80x128xi32, #tpu.memory_space<vmem>> -> memref<1x128xi32, #tpu.memory_space<vmem>>
        %dma_start3A_520 = tpu.memref_squeeze %dma_start3A_519 : memref<1x128xi32, #tpu.memory_space<vmem>> -> memref<128xi32, #tpu.memory_space<vmem>>
        %dma_start3A_521 = arith.constant 0 : i32
        %dma_start3A_522 = arith.constant 0 : i32
        %dma_start3A_523 = tpu.memref_slice %arg2[%dma_start3A_521, %dma_start3A_522] : memref<10000x16xf32, #tpu.memory_space<hbm>> -> memref<10000x16xf32, #tpu.memory_space<hbm>>
        tpu.enqueue_indirect_dma source(%dma_start3A_523 : memref<10000x16xf32, #tpu.memory_space<hbm>>) target(%arg18 : memref<128x16xf32, #tpu.memory_space<vmem>>) offsets(%dma_start3A_520 : memref<128xi32, #tpu.memory_space<vmem>>) semaphore(%arg29 : memref<!tpu.dma_semaphore, #tpu.memory_space<semaphore_mem>>)
        %scan3A_524 = arith.constant 0 : i32
        scf.yield %scan3A_524 : i32
      }
      %scan3A_101 = arith.constant 7 : i32
      %dma_wait3A = arith.constant 70 : i32
      %dma_wait3A_102 = arith.constant 0 : i32
      %dma_wait3A_103 = tpu.memref_slice %arg7[%dma_wait3A, %dma_wait3A_102] : memref<80x128xi32, #tpu.memory_space<vmem>> -> memref<1x128xi32, #tpu.memory_space<vmem>>
      %dma_wait3A_104 = tpu.memref_squeeze %dma_wait3A_103 : memref<1x128xi32, #tpu.memory_space<vmem>> -> memref<128xi32, #tpu.memory_space<vmem>>
      %dma_wait3A_105 = arith.constant 0 : i32
      %dma_wait3A_106 = arith.constant 0 : i32
      %dma_wait3A_107 = tpu.memref_slice %arg2[%dma_wait3A_105, %dma_wait3A_106] : memref<10000x16xf32, #tpu.memory_space<hbm>> -> memref<10000x16xf32, #tpu.memory_space<hbm>>
      tpu.wait_indirect_dma semaphore(%arg20 : memref<!tpu.dma_semaphore, #tpu.memory_space<semaphore_mem>>) src(%dma_wait3A_107 : memref<10000x16xf32, #tpu.memory_space<hbm>>) dst(%arg9 : memref<128x16xf32, #tpu.memory_space<vmem>>)
      %run_scoped3A = arith.constant 70 : i32
      "tpu.region"() ({
        %run_scoped3A_180 = tpu.sem_alloc : memref<!tpu.dma_semaphore, #tpu.memory_space<semaphore_mem>>
        %dma_start3A_181 = arith.constant 0 : i32
        %dma_start3A_182 = tpu.memref_slice %arg8[%run_scoped3A, %dma_start3A_181] : memref<80x128xi32, #tpu.memory_space<vmem>> -> memref<1x128xi32, #tpu.memory_space<vmem>>
        %dma_start3A_183 = tpu.memref_squeeze %dma_start3A_182 : memref<1x128xi32, #tpu.memory_space<vmem>> -> memref<128xi32, #tpu.memory_space<vmem>>
        %dma_start3A_184 = arith.constant 0 : i32
        %dma_start3A_185 = arith.constant 0 : i32
        %dma_start3A_186 = tpu.memref_slice %arg6[%dma_start3A_184, %dma_start3A_185] : memref<10240x16xf32, #tpu.memory_space<vmem_shared>> -> memref<10240x16xf32, #tpu.memory_space<vmem_shared>>
        tpu.enqueue_indirect_dma source(%arg9 : memref<128x16xf32, #tpu.memory_space<vmem>>) target(%dma_start3A_186 : memref<10240x16xf32, #tpu.memory_space<vmem_shared>>) offsets(%dma_start3A_183 : memref<128xi32, #tpu.memory_space<vmem>>) semaphore(%run_scoped3A_180 : memref<!tpu.dma_semaphore, #tpu.memory_space<semaphore_mem>>) {add = true}
        %dma_wait3A_187 = arith.constant 0 : i32
        %dma_wait3A_188 = tpu.memref_slice %arg8[%run_scoped3A, %dma_wait3A_187] : memref<80x128xi32, #tpu.memory_space<vmem>> -> memref<1x128xi32, #tpu.memory_space<vmem>>
        %dma_wait3A_189 = tpu.memref_squeeze %dma_wait3A_188 : memref<1x128xi32, #tpu.memory_space<vmem>> -> memref<128xi32, #tpu.memory_space<vmem>>
        %dma_wait3A_190 = arith.constant 0 : i32
        %dma_wait3A_191 = arith.constant 0 : i32
        %dma_wait3A_192 = tpu.memref_slice %arg6[%dma_wait3A_190, %dma_wait3A_191] : memref<10240x16xf32, #tpu.memory_space<vmem_shared>> -> memref<10240x16xf32, #tpu.memory_space<vmem_shared>>
        tpu.wait_indirect_dma semaphore(%run_scoped3A_180 : memref<!tpu.dma_semaphore, #tpu.memory_space<semaphore_mem>>) src(%arg9 : memref<128x16xf32, #tpu.memory_space<vmem>>) dst(%dma_wait3A_192 : memref<10240x16xf32, #tpu.memory_space<vmem_shared>>)
        tpu.yield
      }) : () -> ()
      %dma_wait3A_108 = arith.constant 71 : i32
      %dma_wait3A_109 = arith.constant 0 : i32
      %dma_wait3A_110 = tpu.memref_slice %arg7[%dma_wait3A_108, %dma_wait3A_109] : memref<80x128xi32, #tpu.memory_space<vmem>> -> memref<1x128xi32, #tpu.memory_space<vmem>>
      %dma_wait3A_111 = tpu.memref_squeeze %dma_wait3A_110 : memref<1x128xi32, #tpu.memory_space<vmem>> -> memref<128xi32, #tpu.memory_space<vmem>>
      %dma_wait3A_112 = arith.constant 0 : i32
      %dma_wait3A_113 = arith.constant 0 : i32
      %dma_wait3A_114 = tpu.memref_slice %arg2[%dma_wait3A_112, %dma_wait3A_113] : memref<10000x16xf32, #tpu.memory_space<hbm>> -> memref<10000x16xf32, #tpu.memory_space<hbm>>
      tpu.wait_indirect_dma semaphore(%arg21 : memref<!tpu.dma_semaphore, #tpu.memory_space<semaphore_mem>>) src(%dma_wait3A_114 : memref<10000x16xf32, #tpu.memory_space<hbm>>) dst(%arg10 : memref<128x16xf32, #tpu.memory_space<vmem>>)
      %run_scoped3A_115 = arith.constant 71 : i32
      "tpu.region"() ({
        %run_scoped3A_180 = tpu.sem_alloc : memref<!tpu.dma_semaphore, #tpu.memory_space<semaphore_mem>>
        %dma_start3A_181 = arith.constant 0 : i32
        %dma_start3A_182 = tpu.memref_slice %arg8[%run_scoped3A_115, %dma_start3A_181] : memref<80x128xi32, #tpu.memory_space<vmem>> -> memref<1x128xi32, #tpu.memory_space<vmem>>
        %dma_start3A_183 = tpu.memref_squeeze %dma_start3A_182 : memref<1x128xi32, #tpu.memory_space<vmem>> -> memref<128xi32, #tpu.memory_space<vmem>>
        %dma_start3A_184 = arith.constant 0 : i32
        %dma_start3A_185 = arith.constant 0 : i32
        %dma_start3A_186 = tpu.memref_slice %arg6[%dma_start3A_184, %dma_start3A_185] : memref<10240x16xf32, #tpu.memory_space<vmem_shared>> -> memref<10240x16xf32, #tpu.memory_space<vmem_shared>>
        tpu.enqueue_indirect_dma source(%arg10 : memref<128x16xf32, #tpu.memory_space<vmem>>) target(%dma_start3A_186 : memref<10240x16xf32, #tpu.memory_space<vmem_shared>>) offsets(%dma_start3A_183 : memref<128xi32, #tpu.memory_space<vmem>>) semaphore(%run_scoped3A_180 : memref<!tpu.dma_semaphore, #tpu.memory_space<semaphore_mem>>) {add = true}
        %dma_wait3A_187 = arith.constant 0 : i32
        %dma_wait3A_188 = tpu.memref_slice %arg8[%run_scoped3A_115, %dma_wait3A_187] : memref<80x128xi32, #tpu.memory_space<vmem>> -> memref<1x128xi32, #tpu.memory_space<vmem>>
        %dma_wait3A_189 = tpu.memref_squeeze %dma_wait3A_188 : memref<1x128xi32, #tpu.memory_space<vmem>> -> memref<128xi32, #tpu.memory_space<vmem>>
        %dma_wait3A_190 = arith.constant 0 : i32
        %dma_wait3A_191 = arith.constant 0 : i32
        %dma_wait3A_192 = tpu.memref_slice %arg6[%dma_wait3A_190, %dma_wait3A_191] : memref<10240x16xf32, #tpu.memory_space<vmem_shared>> -> memref<10240x16xf32, #tpu.memory_space<vmem_shared>>
        tpu.wait_indirect_dma semaphore(%run_scoped3A_180 : memref<!tpu.dma_semaphore, #tpu.memory_space<semaphore_mem>>) src(%arg10 : memref<128x16xf32, #tpu.memory_space<vmem>>) dst(%dma_wait3A_192 : memref<10240x16xf32, #tpu.memory_space<vmem_shared>>)
        tpu.yield
      }) : () -> ()
      %dma_wait3A_116 = arith.constant 72 : i32
      %dma_wait3A_117 = arith.constant 0 : i32
      %dma_wait3A_118 = tpu.memref_slice %arg7[%dma_wait3A_116, %dma_wait3A_117] : memref<80x128xi32, #tpu.memory_space<vmem>> -> memref<1x128xi32, #tpu.memory_space<vmem>>
      %dma_wait3A_119 = tpu.memref_squeeze %dma_wait3A_118 : memref<1x128xi32, #tpu.memory_space<vmem>> -> memref<128xi32, #tpu.memory_space<vmem>>
      %dma_wait3A_120 = arith.constant 0 : i32
      %dma_wait3A_121 = arith.constant 0 : i32
      %dma_wait3A_122 = tpu.memref_slice %arg2[%dma_wait3A_120, %dma_wait3A_121] : memref<10000x16xf32, #tpu.memory_space<hbm>> -> memref<10000x16xf32, #tpu.memory_space<hbm>>
      tpu.wait_indirect_dma semaphore(%arg22 : memref<!tpu.dma_semaphore, #tpu.memory_space<semaphore_mem>>) src(%dma_wait3A_122 : memref<10000x16xf32, #tpu.memory_space<hbm>>) dst(%arg11 : memref<128x16xf32, #tpu.memory_space<vmem>>)
      %run_scoped3A_123 = arith.constant 72 : i32
      "tpu.region"() ({
        %run_scoped3A_180 = tpu.sem_alloc : memref<!tpu.dma_semaphore, #tpu.memory_space<semaphore_mem>>
        %dma_start3A_181 = arith.constant 0 : i32
        %dma_start3A_182 = tpu.memref_slice %arg8[%run_scoped3A_123, %dma_start3A_181] : memref<80x128xi32, #tpu.memory_space<vmem>> -> memref<1x128xi32, #tpu.memory_space<vmem>>
        %dma_start3A_183 = tpu.memref_squeeze %dma_start3A_182 : memref<1x128xi32, #tpu.memory_space<vmem>> -> memref<128xi32, #tpu.memory_space<vmem>>
        %dma_start3A_184 = arith.constant 0 : i32
        %dma_start3A_185 = arith.constant 0 : i32
        %dma_start3A_186 = tpu.memref_slice %arg6[%dma_start3A_184, %dma_start3A_185] : memref<10240x16xf32, #tpu.memory_space<vmem_shared>> -> memref<10240x16xf32, #tpu.memory_space<vmem_shared>>
        tpu.enqueue_indirect_dma source(%arg11 : memref<128x16xf32, #tpu.memory_space<vmem>>) target(%dma_start3A_186 : memref<10240x16xf32, #tpu.memory_space<vmem_shared>>) offsets(%dma_start3A_183 : memref<128xi32, #tpu.memory_space<vmem>>) semaphore(%run_scoped3A_180 : memref<!tpu.dma_semaphore, #tpu.memory_space<semaphore_mem>>) {add = true}
        %dma_wait3A_187 = arith.constant 0 : i32
        %dma_wait3A_188 = tpu.memref_slice %arg8[%run_scoped3A_123, %dma_wait3A_187] : memref<80x128xi32, #tpu.memory_space<vmem>> -> memref<1x128xi32, #tpu.memory_space<vmem>>
        %dma_wait3A_189 = tpu.memref_squeeze %dma_wait3A_188 : memref<1x128xi32, #tpu.memory_space<vmem>> -> memref<128xi32, #tpu.memory_space<vmem>>
        %dma_wait3A_190 = arith.constant 0 : i32
        %dma_wait3A_191 = arith.constant 0 : i32
        %dma_wait3A_192 = tpu.memref_slice %arg6[%dma_wait3A_190, %dma_wait3A_191] : memref<10240x16xf32, #tpu.memory_space<vmem_shared>> -> memref<10240x16xf32, #tpu.memory_space<vmem_shared>>
        tpu.wait_indirect_dma semaphore(%run_scoped3A_180 : memref<!tpu.dma_semaphore, #tpu.memory_space<semaphore_mem>>) src(%arg11 : memref<128x16xf32, #tpu.memory_space<vmem>>) dst(%dma_wait3A_192 : memref<10240x16xf32, #tpu.memory_space<vmem_shared>>)
        tpu.yield
      }) : () -> ()
      %dma_wait3A_124 = arith.constant 73 : i32
      %dma_wait3A_125 = arith.constant 0 : i32
      %dma_wait3A_126 = tpu.memref_slice %arg7[%dma_wait3A_124, %dma_wait3A_125] : memref<80x128xi32, #tpu.memory_space<vmem>> -> memref<1x128xi32, #tpu.memory_space<vmem>>
      %dma_wait3A_127 = tpu.memref_squeeze %dma_wait3A_126 : memref<1x128xi32, #tpu.memory_space<vmem>> -> memref<128xi32, #tpu.memory_space<vmem>>
      %dma_wait3A_128 = arith.constant 0 : i32
      %dma_wait3A_129 = arith.constant 0 : i32
      %dma_wait3A_130 = tpu.memref_slice %arg2[%dma_wait3A_128, %dma_wait3A_129] : memref<10000x16xf32, #tpu.memory_space<hbm>> -> memref<10000x16xf32, #tpu.memory_space<hbm>>
      tpu.wait_indirect_dma semaphore(%arg23 : memref<!tpu.dma_semaphore, #tpu.memory_space<semaphore_mem>>) src(%dma_wait3A_130 : memref<10000x16xf32, #tpu.memory_space<hbm>>) dst(%arg12 : memref<128x16xf32, #tpu.memory_space<vmem>>)
      %run_scoped3A_131 = arith.constant 73 : i32
      "tpu.region"() ({
        %run_scoped3A_180 = tpu.sem_alloc : memref<!tpu.dma_semaphore, #tpu.memory_space<semaphore_mem>>
        %dma_start3A_181 = arith.constant 0 : i32
        %dma_start3A_182 = tpu.memref_slice %arg8[%run_scoped3A_131, %dma_start3A_181] : memref<80x128xi32, #tpu.memory_space<vmem>> -> memref<1x128xi32, #tpu.memory_space<vmem>>
        %dma_start3A_183 = tpu.memref_squeeze %dma_start3A_182 : memref<1x128xi32, #tpu.memory_space<vmem>> -> memref<128xi32, #tpu.memory_space<vmem>>
        %dma_start3A_184 = arith.constant 0 : i32
        %dma_start3A_185 = arith.constant 0 : i32
        %dma_start3A_186 = tpu.memref_slice %arg6[%dma_start3A_184, %dma_start3A_185] : memref<10240x16xf32, #tpu.memory_space<vmem_shared>> -> memref<10240x16xf32, #tpu.memory_space<vmem_shared>>
        tpu.enqueue_indirect_dma source(%arg12 : memref<128x16xf32, #tpu.memory_space<vmem>>) target(%dma_start3A_186 : memref<10240x16xf32, #tpu.memory_space<vmem_shared>>) offsets(%dma_start3A_183 : memref<128xi32, #tpu.memory_space<vmem>>) semaphore(%run_scoped3A_180 : memref<!tpu.dma_semaphore, #tpu.memory_space<semaphore_mem>>) {add = true}
        %dma_wait3A_187 = arith.constant 0 : i32
        %dma_wait3A_188 = tpu.memref_slice %arg8[%run_scoped3A_131, %dma_wait3A_187] : memref<80x128xi32, #tpu.memory_space<vmem>> -> memref<1x128xi32, #tpu.memory_space<vmem>>
        %dma_wait3A_189 = tpu.memref_squeeze %dma_wait3A_188 : memref<1x128xi32, #tpu.memory_space<vmem>> -> memref<128xi32, #tpu.memory_space<vmem>>
        %dma_wait3A_190 = arith.constant 0 : i32
        %dma_wait3A_191 = arith.constant 0 : i32
        %dma_wait3A_192 = tpu.memref_slice %arg6[%dma_wait3A_190, %dma_wait3A_191] : memref<10240x16xf32, #tpu.memory_space<vmem_shared>> -> memref<10240x16xf32, #tpu.memory_space<vmem_shared>>
        tpu.wait_indirect_dma semaphore(%run_scoped3A_180 : memref<!tpu.dma_semaphore, #tpu.memory_space<semaphore_mem>>) src(%arg12 : memref<128x16xf32, #tpu.memory_space<vmem>>) dst(%dma_wait3A_192 : memref<10240x16xf32, #tpu.memory_space<vmem_shared>>)
        tpu.yield
      }) : () -> ()
      %dma_wait3A_132 = arith.constant 74 : i32
      %dma_wait3A_133 = arith.constant 0 : i32
      %dma_wait3A_134 = tpu.memref_slice %arg7[%dma_wait3A_132, %dma_wait3A_133] : memref<80x128xi32, #tpu.memory_space<vmem>> -> memref<1x128xi32, #tpu.memory_space<vmem>>
      %dma_wait3A_135 = tpu.memref_squeeze %dma_wait3A_134 : memref<1x128xi32, #tpu.memory_space<vmem>> -> memref<128xi32, #tpu.memory_space<vmem>>
      %dma_wait3A_136 = arith.constant 0 : i32
      %dma_wait3A_137 = arith.constant 0 : i32
      %dma_wait3A_138 = tpu.memref_slice %arg2[%dma_wait3A_136, %dma_wait3A_137] : memref<10000x16xf32, #tpu.memory_space<hbm>> -> memref<10000x16xf32, #tpu.memory_space<hbm>>
      tpu.wait_indirect_dma semaphore(%arg24 : memref<!tpu.dma_semaphore, #tpu.memory_space<semaphore_mem>>) src(%dma_wait3A_138 : memref<10000x16xf32, #tpu.memory_space<hbm>>) dst(%arg13 : memref<128x16xf32, #tpu.memory_space<vmem>>)
      %run_scoped3A_139 = arith.constant 74 : i32
      "tpu.region"() ({
        %run_scoped3A_180 = tpu.sem_alloc : memref<!tpu.dma_semaphore, #tpu.memory_space<semaphore_mem>>
        %dma_start3A_181 = arith.constant 0 : i32
        %dma_start3A_182 = tpu.memref_slice %arg8[%run_scoped3A_139, %dma_start3A_181] : memref<80x128xi32, #tpu.memory_space<vmem>> -> memref<1x128xi32, #tpu.memory_space<vmem>>
        %dma_start3A_183 = tpu.memref_squeeze %dma_start3A_182 : memref<1x128xi32, #tpu.memory_space<vmem>> -> memref<128xi32, #tpu.memory_space<vmem>>
        %dma_start3A_184 = arith.constant 0 : i32
        %dma_start3A_185 = arith.constant 0 : i32
        %dma_start3A_186 = tpu.memref_slice %arg6[%dma_start3A_184, %dma_start3A_185] : memref<10240x16xf32, #tpu.memory_space<vmem_shared>> -> memref<10240x16xf32, #tpu.memory_space<vmem_shared>>
        tpu.enqueue_indirect_dma source(%arg13 : memref<128x16xf32, #tpu.memory_space<vmem>>) target(%dma_start3A_186 : memref<10240x16xf32, #tpu.memory_space<vmem_shared>>) offsets(%dma_start3A_183 : memref<128xi32, #tpu.memory_space<vmem>>) semaphore(%run_scoped3A_180 : memref<!tpu.dma_semaphore, #tpu.memory_space<semaphore_mem>>) {add = true}
        %dma_wait3A_187 = arith.constant 0 : i32
        %dma_wait3A_188 = tpu.memref_slice %arg8[%run_scoped3A_139, %dma_wait3A_187] : memref<80x128xi32, #tpu.memory_space<vmem>> -> memref<1x128xi32, #tpu.memory_space<vmem>>
        %dma_wait3A_189 = tpu.memref_squeeze %dma_wait3A_188 : memref<1x128xi32, #tpu.memory_space<vmem>> -> memref<128xi32, #tpu.memory_space<vmem>>
        %dma_wait3A_190 = arith.constant 0 : i32
        %dma_wait3A_191 = arith.constant 0 : i32
        %dma_wait3A_192 = tpu.memref_slice %arg6[%dma_wait3A_190, %dma_wait3A_191] : memref<10240x16xf32, #tpu.memory_space<vmem_shared>> -> memref<10240x16xf32, #tpu.memory_space<vmem_shared>>
        tpu.wait_indirect_dma semaphore(%run_scoped3A_180 : memref<!tpu.dma_semaphore, #tpu.memory_space<semaphore_mem>>) src(%arg13 : memref<128x16xf32, #tpu.memory_space<vmem>>) dst(%dma_wait3A_192 : memref<10240x16xf32, #tpu.memory_space<vmem_shared>>)
        tpu.yield
      }) : () -> ()
      %dma_wait3A_140 = arith.constant 75 : i32
      %dma_wait3A_141 = arith.constant 0 : i32
      %dma_wait3A_142 = tpu.memref_slice %arg7[%dma_wait3A_140, %dma_wait3A_141] : memref<80x128xi32, #tpu.memory_space<vmem>> -> memref<1x128xi32, #tpu.memory_space<vmem>>
      %dma_wait3A_143 = tpu.memref_squeeze %dma_wait3A_142 : memref<1x128xi32, #tpu.memory_space<vmem>> -> memref<128xi32, #tpu.memory_space<vmem>>
      %dma_wait3A_144 = arith.constant 0 : i32
      %dma_wait3A_145 = arith.constant 0 : i32
      %dma_wait3A_146 = tpu.memref_slice %arg2[%dma_wait3A_144, %dma_wait3A_145] : memref<10000x16xf32, #tpu.memory_space<hbm>> -> memref<10000x16xf32, #tpu.memory_space<hbm>>
      tpu.wait_indirect_dma semaphore(%arg25 : memref<!tpu.dma_semaphore, #tpu.memory_space<semaphore_mem>>) src(%dma_wait3A_146 : memref<10000x16xf32, #tpu.memory_space<hbm>>) dst(%arg14 : memref<128x16xf32, #tpu.memory_space<vmem>>)
      %run_scoped3A_147 = arith.constant 75 : i32
      "tpu.region"() ({
        %run_scoped3A_180 = tpu.sem_alloc : memref<!tpu.dma_semaphore, #tpu.memory_space<semaphore_mem>>
        %dma_start3A_181 = arith.constant 0 : i32
        %dma_start3A_182 = tpu.memref_slice %arg8[%run_scoped3A_147, %dma_start3A_181] : memref<80x128xi32, #tpu.memory_space<vmem>> -> memref<1x128xi32, #tpu.memory_space<vmem>>
        %dma_start3A_183 = tpu.memref_squeeze %dma_start3A_182 : memref<1x128xi32, #tpu.memory_space<vmem>> -> memref<128xi32, #tpu.memory_space<vmem>>
        %dma_start3A_184 = arith.constant 0 : i32
        %dma_start3A_185 = arith.constant 0 : i32
        %dma_start3A_186 = tpu.memref_slice %arg6[%dma_start3A_184, %dma_start3A_185] : memref<10240x16xf32, #tpu.memory_space<vmem_shared>> -> memref<10240x16xf32, #tpu.memory_space<vmem_shared>>
        tpu.enqueue_indirect_dma source(%arg14 : memref<128x16xf32, #tpu.memory_space<vmem>>) target(%dma_start3A_186 : memref<10240x16xf32, #tpu.memory_space<vmem_shared>>) offsets(%dma_start3A_183 : memref<128xi32, #tpu.memory_space<vmem>>) semaphore(%run_scoped3A_180 : memref<!tpu.dma_semaphore, #tpu.memory_space<semaphore_mem>>) {add = true}
        %dma_wait3A_187 = arith.constant 0 : i32
        %dma_wait3A_188 = tpu.memref_slice %arg8[%run_scoped3A_147, %dma_wait3A_187] : memref<80x128xi32, #tpu.memory_space<vmem>> -> memref<1x128xi32, #tpu.memory_space<vmem>>
        %dma_wait3A_189 = tpu.memref_squeeze %dma_wait3A_188 : memref<1x128xi32, #tpu.memory_space<vmem>> -> memref<128xi32, #tpu.memory_space<vmem>>
        %dma_wait3A_190 = arith.constant 0 : i32
        %dma_wait3A_191 = arith.constant 0 : i32
        %dma_wait3A_192 = tpu.memref_slice %arg6[%dma_wait3A_190, %dma_wait3A_191] : memref<10240x16xf32, #tpu.memory_space<vmem_shared>> -> memref<10240x16xf32, #tpu.memory_space<vmem_shared>>
        tpu.wait_indirect_dma semaphore(%run_scoped3A_180 : memref<!tpu.dma_semaphore, #tpu.memory_space<semaphore_mem>>) src(%arg14 : memref<128x16xf32, #tpu.memory_space<vmem>>) dst(%dma_wait3A_192 : memref<10240x16xf32, #tpu.memory_space<vmem_shared>>)
        tpu.yield
      }) : () -> ()
      %dma_wait3A_148 = arith.constant 76 : i32
      %dma_wait3A_149 = arith.constant 0 : i32
      %dma_wait3A_150 = tpu.memref_slice %arg7[%dma_wait3A_148, %dma_wait3A_149] : memref<80x128xi32, #tpu.memory_space<vmem>> -> memref<1x128xi32, #tpu.memory_space<vmem>>
      %dma_wait3A_151 = tpu.memref_squeeze %dma_wait3A_150 : memref<1x128xi32, #tpu.memory_space<vmem>> -> memref<128xi32, #tpu.memory_space<vmem>>
      %dma_wait3A_152 = arith.constant 0 : i32
      %dma_wait3A_153 = arith.constant 0 : i32
      %dma_wait3A_154 = tpu.memref_slice %arg2[%dma_wait3A_152, %dma_wait3A_153] : memref<10000x16xf32, #tpu.memory_space<hbm>> -> memref<10000x16xf32, #tpu.memory_space<hbm>>
      tpu.wait_indirect_dma semaphore(%arg26 : memref<!tpu.dma_semaphore, #tpu.memory_space<semaphore_mem>>) src(%dma_wait3A_154 : memref<10000x16xf32, #tpu.memory_space<hbm>>) dst(%arg15 : memref<128x16xf32, #tpu.memory_space<vmem>>)
      %run_scoped3A_155 = arith.constant 76 : i32
      "tpu.region"() ({
        %run_scoped3A_180 = tpu.sem_alloc : memref<!tpu.dma_semaphore, #tpu.memory_space<semaphore_mem>>
        %dma_start3A_181 = arith.constant 0 : i32
        %dma_start3A_182 = tpu.memref_slice %arg8[%run_scoped3A_155, %dma_start3A_181] : memref<80x128xi32, #tpu.memory_space<vmem>> -> memref<1x128xi32, #tpu.memory_space<vmem>>
        %dma_start3A_183 = tpu.memref_squeeze %dma_start3A_182 : memref<1x128xi32, #tpu.memory_space<vmem>> -> memref<128xi32, #tpu.memory_space<vmem>>
        %dma_start3A_184 = arith.constant 0 : i32
        %dma_start3A_185 = arith.constant 0 : i32
        %dma_start3A_186 = tpu.memref_slice %arg6[%dma_start3A_184, %dma_start3A_185] : memref<10240x16xf32, #tpu.memory_space<vmem_shared>> -> memref<10240x16xf32, #tpu.memory_space<vmem_shared>>
        tpu.enqueue_indirect_dma source(%arg15 : memref<128x16xf32, #tpu.memory_space<vmem>>) target(%dma_start3A_186 : memref<10240x16xf32, #tpu.memory_space<vmem_shared>>) offsets(%dma_start3A_183 : memref<128xi32, #tpu.memory_space<vmem>>) semaphore(%run_scoped3A_180 : memref<!tpu.dma_semaphore, #tpu.memory_space<semaphore_mem>>) {add = true}
        %dma_wait3A_187 = arith.constant 0 : i32
        %dma_wait3A_188 = tpu.memref_slice %arg8[%run_scoped3A_155, %dma_wait3A_187] : memref<80x128xi32, #tpu.memory_space<vmem>> -> memref<1x128xi32, #tpu.memory_space<vmem>>
        %dma_wait3A_189 = tpu.memref_squeeze %dma_wait3A_188 : memref<1x128xi32, #tpu.memory_space<vmem>> -> memref<128xi32, #tpu.memory_space<vmem>>
        %dma_wait3A_190 = arith.constant 0 : i32
        %dma_wait3A_191 = arith.constant 0 : i32
        %dma_wait3A_192 = tpu.memref_slice %arg6[%dma_wait3A_190, %dma_wait3A_191] : memref<10240x16xf32, #tpu.memory_space<vmem_shared>> -> memref<10240x16xf32, #tpu.memory_space<vmem_shared>>
        tpu.wait_indirect_dma semaphore(%run_scoped3A_180 : memref<!tpu.dma_semaphore, #tpu.memory_space<semaphore_mem>>) src(%arg15 : memref<128x16xf32, #tpu.memory_space<vmem>>) dst(%dma_wait3A_192 : memref<10240x16xf32, #tpu.memory_space<vmem_shared>>)
        tpu.yield
      }) : () -> ()
      %dma_wait3A_156 = arith.constant 77 : i32
      %dma_wait3A_157 = arith.constant 0 : i32
      %dma_wait3A_158 = tpu.memref_slice %arg7[%dma_wait3A_156, %dma_wait3A_157] : memref<80x128xi32, #tpu.memory_space<vmem>> -> memref<1x128xi32, #tpu.memory_space<vmem>>
      %dma_wait3A_159 = tpu.memref_squeeze %dma_wait3A_158 : memref<1x128xi32, #tpu.memory_space<vmem>> -> memref<128xi32, #tpu.memory_space<vmem>>
      %dma_wait3A_160 = arith.constant 0 : i32
      %dma_wait3A_161 = arith.constant 0 : i32
      %dma_wait3A_162 = tpu.memref_slice %arg2[%dma_wait3A_160, %dma_wait3A_161] : memref<10000x16xf32, #tpu.memory_space<hbm>> -> memref<10000x16xf32, #tpu.memory_space<hbm>>
      tpu.wait_indirect_dma semaphore(%arg27 : memref<!tpu.dma_semaphore, #tpu.memory_space<semaphore_mem>>) src(%dma_wait3A_162 : memref<10000x16xf32, #tpu.memory_space<hbm>>) dst(%arg16 : memref<128x16xf32, #tpu.memory_space<vmem>>)
      %run_scoped3A_163 = arith.constant 77 : i32
      "tpu.region"() ({
        %run_scoped3A_180 = tpu.sem_alloc : memref<!tpu.dma_semaphore, #tpu.memory_space<semaphore_mem>>
        %dma_start3A_181 = arith.constant 0 : i32
        %dma_start3A_182 = tpu.memref_slice %arg8[%run_scoped3A_163, %dma_start3A_181] : memref<80x128xi32, #tpu.memory_space<vmem>> -> memref<1x128xi32, #tpu.memory_space<vmem>>
        %dma_start3A_183 = tpu.memref_squeeze %dma_start3A_182 : memref<1x128xi32, #tpu.memory_space<vmem>> -> memref<128xi32, #tpu.memory_space<vmem>>
        %dma_start3A_184 = arith.constant 0 : i32
        %dma_start3A_185 = arith.constant 0 : i32
        %dma_start3A_186 = tpu.memref_slice %arg6[%dma_start3A_184, %dma_start3A_185] : memref<10240x16xf32, #tpu.memory_space<vmem_shared>> -> memref<10240x16xf32, #tpu.memory_space<vmem_shared>>
        tpu.enqueue_indirect_dma source(%arg16 : memref<128x16xf32, #tpu.memory_space<vmem>>) target(%dma_start3A_186 : memref<10240x16xf32, #tpu.memory_space<vmem_shared>>) offsets(%dma_start3A_183 : memref<128xi32, #tpu.memory_space<vmem>>) semaphore(%run_scoped3A_180 : memref<!tpu.dma_semaphore, #tpu.memory_space<semaphore_mem>>) {add = true}
        %dma_wait3A_187 = arith.constant 0 : i32
        %dma_wait3A_188 = tpu.memref_slice %arg8[%run_scoped3A_163, %dma_wait3A_187] : memref<80x128xi32, #tpu.memory_space<vmem>> -> memref<1x128xi32, #tpu.memory_space<vmem>>
        %dma_wait3A_189 = tpu.memref_squeeze %dma_wait3A_188 : memref<1x128xi32, #tpu.memory_space<vmem>> -> memref<128xi32, #tpu.memory_space<vmem>>
        %dma_wait3A_190 = arith.constant 0 : i32
        %dma_wait3A_191 = arith.constant 0 : i32
        %dma_wait3A_192 = tpu.memref_slice %arg6[%dma_wait3A_190, %dma_wait3A_191] : memref<10240x16xf32, #tpu.memory_space<vmem_shared>> -> memref<10240x16xf32, #tpu.memory_space<vmem_shared>>
        tpu.wait_indirect_dma semaphore(%run_scoped3A_180 : memref<!tpu.dma_semaphore, #tpu.memory_space<semaphore_mem>>) src(%arg16 : memref<128x16xf32, #tpu.memory_space<vmem>>) dst(%dma_wait3A_192 : memref<10240x16xf32, #tpu.memory_space<vmem_shared>>)
        tpu.yield
      }) : () -> ()
      %dma_wait3A_164 = arith.constant 78 : i32
      %dma_wait3A_165 = arith.constant 0 : i32
      %dma_wait3A_166 = tpu.memref_slice %arg7[%dma_wait3A_164, %dma_wait3A_165] : memref<80x128xi32, #tpu.memory_space<vmem>> -> memref<1x128xi32, #tpu.memory_space<vmem>>
      %dma_wait3A_167 = tpu.memref_squeeze %dma_wait3A_166 : memref<1x128xi32, #tpu.memory_space<vmem>> -> memref<128xi32, #tpu.memory_space<vmem>>
      %dma_wait3A_168 = arith.constant 0 : i32
      %dma_wait3A_169 = arith.constant 0 : i32
      %dma_wait3A_170 = tpu.memref_slice %arg2[%dma_wait3A_168, %dma_wait3A_169] : memref<10000x16xf32, #tpu.memory_space<hbm>> -> memref<10000x16xf32, #tpu.memory_space<hbm>>
      tpu.wait_indirect_dma semaphore(%arg28 : memref<!tpu.dma_semaphore, #tpu.memory_space<semaphore_mem>>) src(%dma_wait3A_170 : memref<10000x16xf32, #tpu.memory_space<hbm>>) dst(%arg17 : memref<128x16xf32, #tpu.memory_space<vmem>>)
      %run_scoped3A_171 = arith.constant 78 : i32
      "tpu.region"() ({
        %run_scoped3A_180 = tpu.sem_alloc : memref<!tpu.dma_semaphore, #tpu.memory_space<semaphore_mem>>
        %dma_start3A_181 = arith.constant 0 : i32
        %dma_start3A_182 = tpu.memref_slice %arg8[%run_scoped3A_171, %dma_start3A_181] : memref<80x128xi32, #tpu.memory_space<vmem>> -> memref<1x128xi32, #tpu.memory_space<vmem>>
        %dma_start3A_183 = tpu.memref_squeeze %dma_start3A_182 : memref<1x128xi32, #tpu.memory_space<vmem>> -> memref<128xi32, #tpu.memory_space<vmem>>
        %dma_start3A_184 = arith.constant 0 : i32
        %dma_start3A_185 = arith.constant 0 : i32
        %dma_start3A_186 = tpu.memref_slice %arg6[%dma_start3A_184, %dma_start3A_185] : memref<10240x16xf32, #tpu.memory_space<vmem_shared>> -> memref<10240x16xf32, #tpu.memory_space<vmem_shared>>
        tpu.enqueue_indirect_dma source(%arg17 : memref<128x16xf32, #tpu.memory_space<vmem>>) target(%dma_start3A_186 : memref<10240x16xf32, #tpu.memory_space<vmem_shared>>) offsets(%dma_start3A_183 : memref<128xi32, #tpu.memory_space<vmem>>) semaphore(%run_scoped3A_180 : memref<!tpu.dma_semaphore, #tpu.memory_space<semaphore_mem>>) {add = true}
        %dma_wait3A_187 = arith.constant 0 : i32
        %dma_wait3A_188 = tpu.memref_slice %arg8[%run_scoped3A_171, %dma_wait3A_187] : memref<80x128xi32, #tpu.memory_space<vmem>> -> memref<1x128xi32, #tpu.memory_space<vmem>>
        %dma_wait3A_189 = tpu.memref_squeeze %dma_wait3A_188 : memref<1x128xi32, #tpu.memory_space<vmem>> -> memref<128xi32, #tpu.memory_space<vmem>>
        %dma_wait3A_190 = arith.constant 0 : i32
        %dma_wait3A_191 = arith.constant 0 : i32
        %dma_wait3A_192 = tpu.memref_slice %arg6[%dma_wait3A_190, %dma_wait3A_191] : memref<10240x16xf32, #tpu.memory_space<vmem_shared>> -> memref<10240x16xf32, #tpu.memory_space<vmem_shared>>
        tpu.wait_indirect_dma semaphore(%run_scoped3A_180 : memref<!tpu.dma_semaphore, #tpu.memory_space<semaphore_mem>>) src(%arg17 : memref<128x16xf32, #tpu.memory_space<vmem>>) dst(%dma_wait3A_192 : memref<10240x16xf32, #tpu.memory_space<vmem_shared>>)
        tpu.yield
      }) : () -> ()
      %dma_wait3A_172 = arith.constant 79 : i32
      %dma_wait3A_173 = arith.constant 0 : i32
      %dma_wait3A_174 = tpu.memref_slice %arg7[%dma_wait3A_172, %dma_wait3A_173] : memref<80x128xi32, #tpu.memory_space<vmem>> -> memref<1x128xi32, #tpu.memory_space<vmem>>
      %dma_wait3A_175 = tpu.memref_squeeze %dma_wait3A_174 : memref<1x128xi32, #tpu.memory_space<vmem>> -> memref<128xi32, #tpu.memory_space<vmem>>
      %dma_wait3A_176 = arith.constant 0 : i32
      %dma_wait3A_177 = arith.constant 0 : i32
      %dma_wait3A_178 = tpu.memref_slice %arg2[%dma_wait3A_176, %dma_wait3A_177] : memref<10000x16xf32, #tpu.memory_space<hbm>> -> memref<10000x16xf32, #tpu.memory_space<hbm>>
      tpu.wait_indirect_dma semaphore(%arg29 : memref<!tpu.dma_semaphore, #tpu.memory_space<semaphore_mem>>) src(%dma_wait3A_178 : memref<10000x16xf32, #tpu.memory_space<hbm>>) dst(%arg18 : memref<128x16xf32, #tpu.memory_space<vmem>>)
      %run_scoped3A_179 = arith.constant 79 : i32
      "tpu.region"() ({
        %run_scoped3A_180 = tpu.sem_alloc : memref<!tpu.dma_semaphore, #tpu.memory_space<semaphore_mem>>
        %dma_start3A_181 = arith.constant 0 : i32
        %dma_start3A_182 = tpu.memref_slice %arg8[%run_scoped3A_179, %dma_start3A_181] : memref<80x128xi32, #tpu.memory_space<vmem>> -> memref<1x128xi32, #tpu.memory_space<vmem>>
        %dma_start3A_183 = tpu.memref_squeeze %dma_start3A_182 : memref<1x128xi32, #tpu.memory_space<vmem>> -> memref<128xi32, #tpu.memory_space<vmem>>
        %dma_start3A_184 = arith.constant 0 : i32
        %dma_start3A_185 = arith.constant 0 : i32
        %dma_start3A_186 = tpu.memref_slice %arg6[%dma_start3A_184, %dma_start3A_185] : memref<10240x16xf32, #tpu.memory_space<vmem_shared>> -> memref<10240x16xf32, #tpu.memory_space<vmem_shared>>
        tpu.enqueue_indirect_dma source(%arg18 : memref<128x16xf32, #tpu.memory_space<vmem>>) target(%dma_start3A_186 : memref<10240x16xf32, #tpu.memory_space<vmem_shared>>) offsets(%dma_start3A_183 : memref<128xi32, #tpu.memory_space<vmem>>) semaphore(%run_scoped3A_180 : memref<!tpu.dma_semaphore, #tpu.memory_space<semaphore_mem>>) {add = true}
        %dma_wait3A_187 = arith.constant 0 : i32
        %dma_wait3A_188 = tpu.memref_slice %arg8[%run_scoped3A_179, %dma_wait3A_187] : memref<80x128xi32, #tpu.memory_space<vmem>> -> memref<1x128xi32, #tpu.memory_space<vmem>>
        %dma_wait3A_189 = tpu.memref_squeeze %dma_wait3A_188 : memref<1x128xi32, #tpu.memory_space<vmem>> -> memref<128xi32, #tpu.memory_space<vmem>>
        %dma_wait3A_190 = arith.constant 0 : i32
        %dma_wait3A_191 = arith.constant 0 : i32
        %dma_wait3A_192 = tpu.memref_slice %arg6[%dma_wait3A_190, %dma_wait3A_191] : memref<10240x16xf32, #tpu.memory_space<vmem_shared>> -> memref<10240x16xf32, #tpu.memory_space<vmem_shared>>
        tpu.wait_indirect_dma semaphore(%run_scoped3A_180 : memref<!tpu.dma_semaphore, #tpu.memory_space<semaphore_mem>>) src(%arg18 : memref<128x16xf32, #tpu.memory_space<vmem>>) dst(%dma_wait3A_192 : memref<10240x16xf32, #tpu.memory_space<vmem_shared>>)
        tpu.yield
      }) : () -> ()
    } else {
    }
    %convert_element_type3A_20 = arith.extui %eq3A_1 : i1 to i32
    %cond3A_21 = arith.constant 0 : i32
    %cond3A_22 = arith.cmpi ne, %convert_element_type3A_20, %cond3A_21 : i32
    scf.if %cond3A_22 {
      %dma_start3A = arith.constant 0 : i32
      %dma_start3A_26 = arith.constant 0 : i32
      %dma_start3A_27 = tpu.memref_slice %arg7[%dma_start3A, %dma_start3A_26] : memref<80x128xi32, #tpu.memory_space<vmem>> -> memref<1x128xi32, #tpu.memory_space<vmem>>
      %dma_start3A_28 = tpu.memref_squeeze %dma_start3A_27 : memref<1x128xi32, #tpu.memory_space<vmem>> -> memref<128xi32, #tpu.memory_space<vmem>>
      %dma_start3A_29 = arith.constant 0 : i32
      %dma_start3A_30 = arith.constant 0 : i32
      %dma_start3A_31 = tpu.memref_slice %arg2[%dma_start3A_29, %dma_start3A_30] : memref<10000x16xf32, #tpu.memory_space<hbm>> -> memref<10000x16xf32, #tpu.memory_space<hbm>>
      tpu.enqueue_indirect_dma source(%dma_start3A_31 : memref<10000x16xf32, #tpu.memory_space<hbm>>) target(%arg9 : memref<128x16xf32, #tpu.memory_space<vmem>>) offsets(%dma_start3A_28 : memref<128xi32, #tpu.memory_space<vmem>>) semaphore(%arg20 : memref<!tpu.dma_semaphore, #tpu.memory_space<semaphore_mem>>)
      %dma_start3A_32 = arith.constant 1 : i32
      %dma_start3A_33 = arith.constant 0 : i32
      %dma_start3A_34 = tpu.memref_slice %arg7[%dma_start3A_32, %dma_start3A_33] : memref<80x128xi32, #tpu.memory_space<vmem>> -> memref<1x128xi32, #tpu.memory_space<vmem>>
      %dma_start3A_35 = tpu.memref_squeeze %dma_start3A_34 : memref<1x128xi32, #tpu.memory_space<vmem>> -> memref<128xi32, #tpu.memory_space<vmem>>
      %dma_start3A_36 = arith.constant 0 : i32
      %dma_start3A_37 = arith.constant 0 : i32
      %dma_start3A_38 = tpu.memref_slice %arg2[%dma_start3A_36, %dma_start3A_37] : memref<10000x16xf32, #tpu.memory_space<hbm>> -> memref<10000x16xf32, #tpu.memory_space<hbm>>
      tpu.enqueue_indirect_dma source(%dma_start3A_38 : memref<10000x16xf32, #tpu.memory_space<hbm>>) target(%arg10 : memref<128x16xf32, #tpu.memory_space<vmem>>) offsets(%dma_start3A_35 : memref<128xi32, #tpu.memory_space<vmem>>) semaphore(%arg21 : memref<!tpu.dma_semaphore, #tpu.memory_space<semaphore_mem>>)
      %dma_start3A_39 = arith.constant 2 : i32
      %dma_start3A_40 = arith.constant 0 : i32
      %dma_start3A_41 = tpu.memref_slice %arg7[%dma_start3A_39, %dma_start3A_40] : memref<80x128xi32, #tpu.memory_space<vmem>> -> memref<1x128xi32, #tpu.memory_space<vmem>>
      %dma_start3A_42 = tpu.memref_squeeze %dma_start3A_41 : memref<1x128xi32, #tpu.memory_space<vmem>> -> memref<128xi32, #tpu.memory_space<vmem>>
      %dma_start3A_43 = arith.constant 0 : i32
      %dma_start3A_44 = arith.constant 0 : i32
      %dma_start3A_45 = tpu.memref_slice %arg2[%dma_start3A_43, %dma_start3A_44] : memref<10000x16xf32, #tpu.memory_space<hbm>> -> memref<10000x16xf32, #tpu.memory_space<hbm>>
      tpu.enqueue_indirect_dma source(%dma_start3A_45 : memref<10000x16xf32, #tpu.memory_space<hbm>>) target(%arg11 : memref<128x16xf32, #tpu.memory_space<vmem>>) offsets(%dma_start3A_42 : memref<128xi32, #tpu.memory_space<vmem>>) semaphore(%arg22 : memref<!tpu.dma_semaphore, #tpu.memory_space<semaphore_mem>>)
      %dma_start3A_46 = arith.constant 3 : i32
      %dma_start3A_47 = arith.constant 0 : i32
      %dma_start3A_48 = tpu.memref_slice %arg7[%dma_start3A_46, %dma_start3A_47] : memref<80x128xi32, #tpu.memory_space<vmem>> -> memref<1x128xi32, #tpu.memory_space<vmem>>
      %dma_start3A_49 = tpu.memref_squeeze %dma_start3A_48 : memref<1x128xi32, #tpu.memory_space<vmem>> -> memref<128xi32, #tpu.memory_space<vmem>>
      %dma_start3A_50 = arith.constant 0 : i32
      %dma_start3A_51 = arith.constant 0 : i32
      %dma_start3A_52 = tpu.memref_slice %arg2[%dma_start3A_50, %dma_start3A_51] : memref<10000x16xf32, #tpu.memory_space<hbm>> -> memref<10000x16xf32, #tpu.memory_space<hbm>>
      tpu.enqueue_indirect_dma source(%dma_start3A_52 : memref<10000x16xf32, #tpu.memory_space<hbm>>) target(%arg12 : memref<128x16xf32, #tpu.memory_space<vmem>>) offsets(%dma_start3A_49 : memref<128xi32, #tpu.memory_space<vmem>>) semaphore(%arg23 : memref<!tpu.dma_semaphore, #tpu.memory_space<semaphore_mem>>)
      %scan3A_53 = arith.constant 0 : i32
      %scan3A_54 = arith.constant 0 : i32
      %scan3A_55 = arith.constant 4 : i32
      %scan3A_56 = arith.addi %scan3A_54, %scan3A_55 : i32
      %scan3A_57 = arith.constant 1 : i32
      %scan3A_58 = scf.for %scan3A_90 = %scan3A_54 to %scan3A_56 step %scan3A_57 iter_args(%scan3A_91 = %scan3A_53) -> (i32)  : i32 {
        %mul3A_92 = arith.constant 4 : i32
        %mul3A_93 = arith.muli %mul3A_92, %scan3A_90 : i32
        %add3A_94 = arith.constant 0 : i32
        %add3A_95 = arith.addi %mul3A_93, %add3A_94 : i32
        %dma_wait3A_96 = arith.constant 0 : i32
        %dma_wait3A_97 = tpu.memref_slice %arg7[%add3A_95, %dma_wait3A_96] : memref<80x128xi32, #tpu.memory_space<vmem>> -> memref<1x128xi32, #tpu.memory_space<vmem>>
        %dma_wait3A_98 = tpu.memref_squeeze %dma_wait3A_97 : memref<1x128xi32, #tpu.memory_space<vmem>> -> memref<128xi32, #tpu.memory_space<vmem>>
        %dma_wait3A_99 = arith.constant 0 : i32
        %dma_wait3A_100 = arith.constant 0 : i32
        %dma_wait3A_101 = tpu.memref_slice %arg2[%dma_wait3A_99, %dma_wait3A_100] : memref<10000x16xf32, #tpu.memory_space<hbm>> -> memref<10000x16xf32, #tpu.memory_space<hbm>>
        tpu.wait_indirect_dma semaphore(%arg20 : memref<!tpu.dma_semaphore, #tpu.memory_space<semaphore_mem>>) src(%dma_wait3A_101 : memref<10000x16xf32, #tpu.memory_space<hbm>>) dst(%arg9 : memref<128x16xf32, #tpu.memory_space<vmem>>)
        %add3A_102 = arith.constant 0 : i32
        %add3A_103 = arith.addi %mul3A_93, %add3A_102 : i32
        %dma_start3A_104 = arith.constant 0 : i32
        %dma_start3A_105 = tpu.memref_slice %arg8[%add3A_103, %dma_start3A_104] : memref<80x128xi32, #tpu.memory_space<vmem>> -> memref<1x128xi32, #tpu.memory_space<vmem>>
        %dma_start3A_106 = tpu.memref_squeeze %dma_start3A_105 : memref<1x128xi32, #tpu.memory_space<vmem>> -> memref<128xi32, #tpu.memory_space<vmem>>
        %dma_start3A_107 = arith.constant 0 : i32
        %dma_start3A_108 = arith.constant 0 : i32
        %dma_start3A_109 = tpu.memref_slice %arg6[%dma_start3A_107, %dma_start3A_108] : memref<10240x16xf32, #tpu.memory_space<vmem_shared>> -> memref<10240x16xf32, #tpu.memory_space<vmem_shared>>
        tpu.enqueue_indirect_dma source(%arg9 : memref<128x16xf32, #tpu.memory_space<vmem>>) target(%dma_start3A_109 : memref<10240x16xf32, #tpu.memory_space<vmem_shared>>) offsets(%dma_start3A_106 : memref<128xi32, #tpu.memory_space<vmem>>) semaphore(%arg30 : memref<!tpu.dma_semaphore, #tpu.memory_space<semaphore_mem>>) {add = true}
        %add3A_110 = arith.constant 1 : i32
        %add3A_111 = arith.addi %mul3A_93, %add3A_110 : i32
        %dma_wait3A_112 = arith.constant 0 : i32
        %dma_wait3A_113 = tpu.memref_slice %arg7[%add3A_111, %dma_wait3A_112] : memref<80x128xi32, #tpu.memory_space<vmem>> -> memref<1x128xi32, #tpu.memory_space<vmem>>
        %dma_wait3A_114 = tpu.memref_squeeze %dma_wait3A_113 : memref<1x128xi32, #tpu.memory_space<vmem>> -> memref<128xi32, #tpu.memory_space<vmem>>
        %dma_wait3A_115 = arith.constant 0 : i32
        %dma_wait3A_116 = arith.constant 0 : i32
        %dma_wait3A_117 = tpu.memref_slice %arg2[%dma_wait3A_115, %dma_wait3A_116] : memref<10000x16xf32, #tpu.memory_space<hbm>> -> memref<10000x16xf32, #tpu.memory_space<hbm>>
        tpu.wait_indirect_dma semaphore(%arg21 : memref<!tpu.dma_semaphore, #tpu.memory_space<semaphore_mem>>) src(%dma_wait3A_117 : memref<10000x16xf32, #tpu.memory_space<hbm>>) dst(%arg10 : memref<128x16xf32, #tpu.memory_space<vmem>>)
        %add3A_118 = arith.constant 1 : i32
        %add3A_119 = arith.addi %mul3A_93, %add3A_118 : i32
        %dma_start3A_120 = arith.constant 0 : i32
        %dma_start3A_121 = tpu.memref_slice %arg8[%add3A_119, %dma_start3A_120] : memref<80x128xi32, #tpu.memory_space<vmem>> -> memref<1x128xi32, #tpu.memory_space<vmem>>
        %dma_start3A_122 = tpu.memref_squeeze %dma_start3A_121 : memref<1x128xi32, #tpu.memory_space<vmem>> -> memref<128xi32, #tpu.memory_space<vmem>>
        %dma_start3A_123 = arith.constant 0 : i32
        %dma_start3A_124 = arith.constant 0 : i32
        %dma_start3A_125 = tpu.memref_slice %arg6[%dma_start3A_123, %dma_start3A_124] : memref<10240x16xf32, #tpu.memory_space<vmem_shared>> -> memref<10240x16xf32, #tpu.memory_space<vmem_shared>>
        tpu.enqueue_indirect_dma source(%arg10 : memref<128x16xf32, #tpu.memory_space<vmem>>) target(%dma_start3A_125 : memref<10240x16xf32, #tpu.memory_space<vmem_shared>>) offsets(%dma_start3A_122 : memref<128xi32, #tpu.memory_space<vmem>>) semaphore(%arg31 : memref<!tpu.dma_semaphore, #tpu.memory_space<semaphore_mem>>) {add = true}
        %add3A_126 = arith.constant 2 : i32
        %add3A_127 = arith.addi %mul3A_93, %add3A_126 : i32
        %dma_wait3A_128 = arith.constant 0 : i32
        %dma_wait3A_129 = tpu.memref_slice %arg7[%add3A_127, %dma_wait3A_128] : memref<80x128xi32, #tpu.memory_space<vmem>> -> memref<1x128xi32, #tpu.memory_space<vmem>>
        %dma_wait3A_130 = tpu.memref_squeeze %dma_wait3A_129 : memref<1x128xi32, #tpu.memory_space<vmem>> -> memref<128xi32, #tpu.memory_space<vmem>>
        %dma_wait3A_131 = arith.constant 0 : i32
        %dma_wait3A_132 = arith.constant 0 : i32
        %dma_wait3A_133 = tpu.memref_slice %arg2[%dma_wait3A_131, %dma_wait3A_132] : memref<10000x16xf32, #tpu.memory_space<hbm>> -> memref<10000x16xf32, #tpu.memory_space<hbm>>
        tpu.wait_indirect_dma semaphore(%arg22 : memref<!tpu.dma_semaphore, #tpu.memory_space<semaphore_mem>>) src(%dma_wait3A_133 : memref<10000x16xf32, #tpu.memory_space<hbm>>) dst(%arg11 : memref<128x16xf32, #tpu.memory_space<vmem>>)
        %add3A_134 = arith.constant 2 : i32
        %add3A_135 = arith.addi %mul3A_93, %add3A_134 : i32
        %dma_start3A_136 = arith.constant 0 : i32
        %dma_start3A_137 = tpu.memref_slice %arg8[%add3A_135, %dma_start3A_136] : memref<80x128xi32, #tpu.memory_space<vmem>> -> memref<1x128xi32, #tpu.memory_space<vmem>>
        %dma_start3A_138 = tpu.memref_squeeze %dma_start3A_137 : memref<1x128xi32, #tpu.memory_space<vmem>> -> memref<128xi32, #tpu.memory_space<vmem>>
        %dma_start3A_139 = arith.constant 0 : i32
        %dma_start3A_140 = arith.constant 0 : i32
        %dma_start3A_141 = tpu.memref_slice %arg6[%dma_start3A_139, %dma_start3A_140] : memref<10240x16xf32, #tpu.memory_space<vmem_shared>> -> memref<10240x16xf32, #tpu.memory_space<vmem_shared>>
        tpu.enqueue_indirect_dma source(%arg11 : memref<128x16xf32, #tpu.memory_space<vmem>>) target(%dma_start3A_141 : memref<10240x16xf32, #tpu.memory_space<vmem_shared>>) offsets(%dma_start3A_138 : memref<128xi32, #tpu.memory_space<vmem>>) semaphore(%arg32 : memref<!tpu.dma_semaphore, #tpu.memory_space<semaphore_mem>>) {add = true}
        %add3A_142 = arith.constant 3 : i32
        %add3A_143 = arith.addi %mul3A_93, %add3A_142 : i32
        %dma_wait3A_144 = arith.constant 0 : i32
        %dma_wait3A_145 = tpu.memref_slice %arg7[%add3A_143, %dma_wait3A_144] : memref<80x128xi32, #tpu.memory_space<vmem>> -> memref<1x128xi32, #tpu.memory_space<vmem>>
        %dma_wait3A_146 = tpu.memref_squeeze %dma_wait3A_145 : memref<1x128xi32, #tpu.memory_space<vmem>> -> memref<128xi32, #tpu.memory_space<vmem>>
        %dma_wait3A_147 = arith.constant 0 : i32
        %dma_wait3A_148 = arith.constant 0 : i32
        %dma_wait3A_149 = tpu.memref_slice %arg2[%dma_wait3A_147, %dma_wait3A_148] : memref<10000x16xf32, #tpu.memory_space<hbm>> -> memref<10000x16xf32, #tpu.memory_space<hbm>>
        tpu.wait_indirect_dma semaphore(%arg23 : memref<!tpu.dma_semaphore, #tpu.memory_space<semaphore_mem>>) src(%dma_wait3A_149 : memref<10000x16xf32, #tpu.memory_space<hbm>>) dst(%arg12 : memref<128x16xf32, #tpu.memory_space<vmem>>)
        %add3A_150 = arith.constant 3 : i32
        %add3A_151 = arith.addi %mul3A_93, %add3A_150 : i32
        %dma_start3A_152 = arith.constant 0 : i32
        %dma_start3A_153 = tpu.memref_slice %arg8[%add3A_151, %dma_start3A_152] : memref<80x128xi32, #tpu.memory_space<vmem>> -> memref<1x128xi32, #tpu.memory_space<vmem>>
        %dma_start3A_154 = tpu.memref_squeeze %dma_start3A_153 : memref<1x128xi32, #tpu.memory_space<vmem>> -> memref<128xi32, #tpu.memory_space<vmem>>
        %dma_start3A_155 = arith.constant 0 : i32
        %dma_start3A_156 = arith.constant 0 : i32
        %dma_start3A_157 = tpu.memref_slice %arg6[%dma_start3A_155, %dma_start3A_156] : memref<10240x16xf32, #tpu.memory_space<vmem_shared>> -> memref<10240x16xf32, #tpu.memory_space<vmem_shared>>
        tpu.enqueue_indirect_dma source(%arg12 : memref<128x16xf32, #tpu.memory_space<vmem>>) target(%dma_start3A_157 : memref<10240x16xf32, #tpu.memory_space<vmem_shared>>) offsets(%dma_start3A_154 : memref<128xi32, #tpu.memory_space<vmem>>) semaphore(%arg33 : memref<!tpu.dma_semaphore, #tpu.memory_space<semaphore_mem>>) {add = true}
        %add3A_158 = arith.constant 0 : i32
        %add3A_159 = arith.addi %mul3A_93, %add3A_158 : i32
        %dma_wait3A_160 = arith.constant 0 : i32
        %dma_wait3A_161 = tpu.memref_slice %arg8[%add3A_159, %dma_wait3A_160] : memref<80x128xi32, #tpu.memory_space<vmem>> -> memref<1x128xi32, #tpu.memory_space<vmem>>
        %dma_wait3A_162 = tpu.memref_squeeze %dma_wait3A_161 : memref<1x128xi32, #tpu.memory_space<vmem>> -> memref<128xi32, #tpu.memory_space<vmem>>
        %dma_wait3A_163 = arith.constant 0 : i32
        %dma_wait3A_164 = arith.constant 0 : i32
        %dma_wait3A_165 = tpu.memref_slice %arg6[%dma_wait3A_163, %dma_wait3A_164] : memref<10240x16xf32, #tpu.memory_space<vmem_shared>> -> memref<10240x16xf32, #tpu.memory_space<vmem_shared>>
        tpu.wait_indirect_dma semaphore(%arg30 : memref<!tpu.dma_semaphore, #tpu.memory_space<semaphore_mem>>) src(%arg9 : memref<128x16xf32, #tpu.memory_space<vmem>>) dst(%dma_wait3A_165 : memref<10240x16xf32, #tpu.memory_space<vmem_shared>>)
        %add3A_166 = arith.constant 4 : i32
        %add3A_167 = arith.addi %mul3A_93, %add3A_166 : i32
        %add3A_168 = arith.constant 0 : i32
        %add3A_169 = arith.addi %add3A_167, %add3A_168 : i32
        %dma_start3A_170 = arith.constant 0 : i32
        %dma_start3A_171 = tpu.memref_slice %arg7[%add3A_169, %dma_start3A_170] : memref<80x128xi32, #tpu.memory_space<vmem>> -> memref<1x128xi32, #tpu.memory_space<vmem>>
        %dma_start3A_172 = tpu.memref_squeeze %dma_start3A_171 : memref<1x128xi32, #tpu.memory_space<vmem>> -> memref<128xi32, #tpu.memory_space<vmem>>
        %dma_start3A_173 = arith.constant 0 : i32
        %dma_start3A_174 = arith.constant 0 : i32
        %dma_start3A_175 = tpu.memref_slice %arg2[%dma_start3A_173, %dma_start3A_174] : memref<10000x16xf32, #tpu.memory_space<hbm>> -> memref<10000x16xf32, #tpu.memory_space<hbm>>
        tpu.enqueue_indirect_dma source(%dma_start3A_175 : memref<10000x16xf32, #tpu.memory_space<hbm>>) target(%arg9 : memref<128x16xf32, #tpu.memory_space<vmem>>) offsets(%dma_start3A_172 : memref<128xi32, #tpu.memory_space<vmem>>) semaphore(%arg20 : memref<!tpu.dma_semaphore, #tpu.memory_space<semaphore_mem>>)
        %add3A_176 = arith.constant 1 : i32
        %add3A_177 = arith.addi %mul3A_93, %add3A_176 : i32
        %dma_wait3A_178 = arith.constant 0 : i32
        %dma_wait3A_179 = tpu.memref_slice %arg8[%add3A_177, %dma_wait3A_178] : memref<80x128xi32, #tpu.memory_space<vmem>> -> memref<1x128xi32, #tpu.memory_space<vmem>>
        %dma_wait3A_180 = tpu.memref_squeeze %dma_wait3A_179 : memref<1x128xi32, #tpu.memory_space<vmem>> -> memref<128xi32, #tpu.memory_space<vmem>>
        %dma_wait3A_181 = arith.constant 0 : i32
        %dma_wait3A_182 = arith.constant 0 : i32
        %dma_wait3A_183 = tpu.memref_slice %arg6[%dma_wait3A_181, %dma_wait3A_182] : memref<10240x16xf32, #tpu.memory_space<vmem_shared>> -> memref<10240x16xf32, #tpu.memory_space<vmem_shared>>
        tpu.wait_indirect_dma semaphore(%arg31 : memref<!tpu.dma_semaphore, #tpu.memory_space<semaphore_mem>>) src(%arg10 : memref<128x16xf32, #tpu.memory_space<vmem>>) dst(%dma_wait3A_183 : memref<10240x16xf32, #tpu.memory_space<vmem_shared>>)
        %add3A_184 = arith.constant 4 : i32
        %add3A_185 = arith.addi %mul3A_93, %add3A_184 : i32
        %add3A_186 = arith.constant 1 : i32
        %add3A_187 = arith.addi %add3A_185, %add3A_186 : i32
        %dma_start3A_188 = arith.constant 0 : i32
        %dma_start3A_189 = tpu.memref_slice %arg7[%add3A_187, %dma_start3A_188] : memref<80x128xi32, #tpu.memory_space<vmem>> -> memref<1x128xi32, #tpu.memory_space<vmem>>
        %dma_start3A_190 = tpu.memref_squeeze %dma_start3A_189 : memref<1x128xi32, #tpu.memory_space<vmem>> -> memref<128xi32, #tpu.memory_space<vmem>>
        %dma_start3A_191 = arith.constant 0 : i32
        %dma_start3A_192 = arith.constant 0 : i32
        %dma_start3A_193 = tpu.memref_slice %arg2[%dma_start3A_191, %dma_start3A_192] : memref<10000x16xf32, #tpu.memory_space<hbm>> -> memref<10000x16xf32, #tpu.memory_space<hbm>>
        tpu.enqueue_indirect_dma source(%dma_start3A_193 : memref<10000x16xf32, #tpu.memory_space<hbm>>) target(%arg10 : memref<128x16xf32, #tpu.memory_space<vmem>>) offsets(%dma_start3A_190 : memref<128xi32, #tpu.memory_space<vmem>>) semaphore(%arg21 : memref<!tpu.dma_semaphore, #tpu.memory_space<semaphore_mem>>)
        %add3A_194 = arith.constant 2 : i32
        %add3A_195 = arith.addi %mul3A_93, %add3A_194 : i32
        %dma_wait3A_196 = arith.constant 0 : i32
        %dma_wait3A_197 = tpu.memref_slice %arg8[%add3A_195, %dma_wait3A_196] : memref<80x128xi32, #tpu.memory_space<vmem>> -> memref<1x128xi32, #tpu.memory_space<vmem>>
        %dma_wait3A_198 = tpu.memref_squeeze %dma_wait3A_197 : memref<1x128xi32, #tpu.memory_space<vmem>> -> memref<128xi32, #tpu.memory_space<vmem>>
        %dma_wait3A_199 = arith.constant 0 : i32
        %dma_wait3A_200 = arith.constant 0 : i32
        %dma_wait3A_201 = tpu.memref_slice %arg6[%dma_wait3A_199, %dma_wait3A_200] : memref<10240x16xf32, #tpu.memory_space<vmem_shared>> -> memref<10240x16xf32, #tpu.memory_space<vmem_shared>>
        tpu.wait_indirect_dma semaphore(%arg32 : memref<!tpu.dma_semaphore, #tpu.memory_space<semaphore_mem>>) src(%arg11 : memref<128x16xf32, #tpu.memory_space<vmem>>) dst(%dma_wait3A_201 : memref<10240x16xf32, #tpu.memory_space<vmem_shared>>)
        %add3A_202 = arith.constant 4 : i32
        %add3A_203 = arith.addi %mul3A_93, %add3A_202 : i32
        %add3A_204 = arith.constant 2 : i32
        %add3A_205 = arith.addi %add3A_203, %add3A_204 : i32
        %dma_start3A_206 = arith.constant 0 : i32
        %dma_start3A_207 = tpu.memref_slice %arg7[%add3A_205, %dma_start3A_206] : memref<80x128xi32, #tpu.memory_space<vmem>> -> memref<1x128xi32, #tpu.memory_space<vmem>>
        %dma_start3A_208 = tpu.memref_squeeze %dma_start3A_207 : memref<1x128xi32, #tpu.memory_space<vmem>> -> memref<128xi32, #tpu.memory_space<vmem>>
        %dma_start3A_209 = arith.constant 0 : i32
        %dma_start3A_210 = arith.constant 0 : i32
        %dma_start3A_211 = tpu.memref_slice %arg2[%dma_start3A_209, %dma_start3A_210] : memref<10000x16xf32, #tpu.memory_space<hbm>> -> memref<10000x16xf32, #tpu.memory_space<hbm>>
        tpu.enqueue_indirect_dma source(%dma_start3A_211 : memref<10000x16xf32, #tpu.memory_space<hbm>>) target(%arg11 : memref<128x16xf32, #tpu.memory_space<vmem>>) offsets(%dma_start3A_208 : memref<128xi32, #tpu.memory_space<vmem>>) semaphore(%arg22 : memref<!tpu.dma_semaphore, #tpu.memory_space<semaphore_mem>>)
        %add3A_212 = arith.constant 3 : i32
        %add3A_213 = arith.addi %mul3A_93, %add3A_212 : i32
        %dma_wait3A_214 = arith.constant 0 : i32
        %dma_wait3A_215 = tpu.memref_slice %arg8[%add3A_213, %dma_wait3A_214] : memref<80x128xi32, #tpu.memory_space<vmem>> -> memref<1x128xi32, #tpu.memory_space<vmem>>
        %dma_wait3A_216 = tpu.memref_squeeze %dma_wait3A_215 : memref<1x128xi32, #tpu.memory_space<vmem>> -> memref<128xi32, #tpu.memory_space<vmem>>
        %dma_wait3A_217 = arith.constant 0 : i32
        %dma_wait3A_218 = arith.constant 0 : i32
        %dma_wait3A_219 = tpu.memref_slice %arg6[%dma_wait3A_217, %dma_wait3A_218] : memref<10240x16xf32, #tpu.memory_space<vmem_shared>> -> memref<10240x16xf32, #tpu.memory_space<vmem_shared>>
        tpu.wait_indirect_dma semaphore(%arg33 : memref<!tpu.dma_semaphore, #tpu.memory_space<semaphore_mem>>) src(%arg12 : memref<128x16xf32, #tpu.memory_space<vmem>>) dst(%dma_wait3A_219 : memref<10240x16xf32, #tpu.memory_space<vmem_shared>>)
        %add3A_220 = arith.constant 4 : i32
        %add3A_221 = arith.addi %mul3A_93, %add3A_220 : i32
        %add3A_222 = arith.constant 3 : i32
        %add3A_223 = arith.addi %add3A_221, %add3A_222 : i32
        %dma_start3A_224 = arith.constant 0 : i32
        %dma_start3A_225 = tpu.memref_slice %arg7[%add3A_223, %dma_start3A_224] : memref<80x128xi32, #tpu.memory_space<vmem>> -> memref<1x128xi32, #tpu.memory_space<vmem>>
        %dma_start3A_226 = tpu.memref_squeeze %dma_start3A_225 : memref<1x128xi32, #tpu.memory_space<vmem>> -> memref<128xi32, #tpu.memory_space<vmem>>
        %dma_start3A_227 = arith.constant 0 : i32
        %dma_start3A_228 = arith.constant 0 : i32
        %dma_start3A_229 = tpu.memref_slice %arg2[%dma_start3A_227, %dma_start3A_228] : memref<10000x16xf32, #tpu.memory_space<hbm>> -> memref<10000x16xf32, #tpu.memory_space<hbm>>
        tpu.enqueue_indirect_dma source(%dma_start3A_229 : memref<10000x16xf32, #tpu.memory_space<hbm>>) target(%arg12 : memref<128x16xf32, #tpu.memory_space<vmem>>) offsets(%dma_start3A_226 : memref<128xi32, #tpu.memory_space<vmem>>) semaphore(%arg23 : memref<!tpu.dma_semaphore, #tpu.memory_space<semaphore_mem>>)
        %scan3A_230 = arith.constant 0 : i32
        scf.yield %scan3A_230 : i32
      }
      %scan3A_59 = arith.constant 4 : i32
      %dma_wait3A = arith.constant 16 : i32
      %dma_wait3A_60 = arith.constant 0 : i32
      %dma_wait3A_61 = tpu.memref_slice %arg7[%dma_wait3A, %dma_wait3A_60] : memref<80x128xi32, #tpu.memory_space<vmem>> -> memref<1x128xi32, #tpu.memory_space<vmem>>
      %dma_wait3A_62 = tpu.memref_squeeze %dma_wait3A_61 : memref<1x128xi32, #tpu.memory_space<vmem>> -> memref<128xi32, #tpu.memory_space<vmem>>
      %dma_wait3A_63 = arith.constant 0 : i32
      %dma_wait3A_64 = arith.constant 0 : i32
      %dma_wait3A_65 = tpu.memref_slice %arg2[%dma_wait3A_63, %dma_wait3A_64] : memref<10000x16xf32, #tpu.memory_space<hbm>> -> memref<10000x16xf32, #tpu.memory_space<hbm>>
      tpu.wait_indirect_dma semaphore(%arg20 : memref<!tpu.dma_semaphore, #tpu.memory_space<semaphore_mem>>) src(%dma_wait3A_65 : memref<10000x16xf32, #tpu.memory_space<hbm>>) dst(%arg9 : memref<128x16xf32, #tpu.memory_space<vmem>>)
      %run_scoped3A = arith.constant 16 : i32
      "tpu.region"() ({
        %run_scoped3A_90 = tpu.sem_alloc : memref<!tpu.dma_semaphore, #tpu.memory_space<semaphore_mem>>
        %dma_start3A_91 = arith.constant 0 : i32
        %dma_start3A_92 = tpu.memref_slice %arg8[%run_scoped3A, %dma_start3A_91] : memref<80x128xi32, #tpu.memory_space<vmem>> -> memref<1x128xi32, #tpu.memory_space<vmem>>
        %dma_start3A_93 = tpu.memref_squeeze %dma_start3A_92 : memref<1x128xi32, #tpu.memory_space<vmem>> -> memref<128xi32, #tpu.memory_space<vmem>>
        %dma_start3A_94 = arith.constant 0 : i32
        %dma_start3A_95 = arith.constant 0 : i32
        %dma_start3A_96 = tpu.memref_slice %arg6[%dma_start3A_94, %dma_start3A_95] : memref<10240x16xf32, #tpu.memory_space<vmem_shared>> -> memref<10240x16xf32, #tpu.memory_space<vmem_shared>>
        tpu.enqueue_indirect_dma source(%arg9 : memref<128x16xf32, #tpu.memory_space<vmem>>) target(%dma_start3A_96 : memref<10240x16xf32, #tpu.memory_space<vmem_shared>>) offsets(%dma_start3A_93 : memref<128xi32, #tpu.memory_space<vmem>>) semaphore(%run_scoped3A_90 : memref<!tpu.dma_semaphore, #tpu.memory_space<semaphore_mem>>) {add = true}
        %dma_wait3A_97 = arith.constant 0 : i32
        %dma_wait3A_98 = tpu.memref_slice %arg8[%run_scoped3A, %dma_wait3A_97] : memref<80x128xi32, #tpu.memory_space<vmem>> -> memref<1x128xi32, #tpu.memory_space<vmem>>
        %dma_wait3A_99 = tpu.memref_squeeze %dma_wait3A_98 : memref<1x128xi32, #tpu.memory_space<vmem>> -> memref<128xi32, #tpu.memory_space<vmem>>
        %dma_wait3A_100 = arith.constant 0 : i32
        %dma_wait3A_101 = arith.constant 0 : i32
        %dma_wait3A_102 = tpu.memref_slice %arg6[%dma_wait3A_100, %dma_wait3A_101] : memref<10240x16xf32, #tpu.memory_space<vmem_shared>> -> memref<10240x16xf32, #tpu.memory_space<vmem_shared>>
        tpu.wait_indirect_dma semaphore(%run_scoped3A_90 : memref<!tpu.dma_semaphore, #tpu.memory_space<semaphore_mem>>) src(%arg9 : memref<128x16xf32, #tpu.memory_space<vmem>>) dst(%dma_wait3A_102 : memref<10240x16xf32, #tpu.memory_space<vmem_shared>>)
        tpu.yield
      }) : () -> ()
      %dma_wait3A_66 = arith.constant 17 : i32
      %dma_wait3A_67 = arith.constant 0 : i32
      %dma_wait3A_68 = tpu.memref_slice %arg7[%dma_wait3A_66, %dma_wait3A_67] : memref<80x128xi32, #tpu.memory_space<vmem>> -> memref<1x128xi32, #tpu.memory_space<vmem>>
      %dma_wait3A_69 = tpu.memref_squeeze %dma_wait3A_68 : memref<1x128xi32, #tpu.memory_space<vmem>> -> memref<128xi32, #tpu.memory_space<vmem>>
      %dma_wait3A_70 = arith.constant 0 : i32
      %dma_wait3A_71 = arith.constant 0 : i32
      %dma_wait3A_72 = tpu.memref_slice %arg2[%dma_wait3A_70, %dma_wait3A_71] : memref<10000x16xf32, #tpu.memory_space<hbm>> -> memref<10000x16xf32, #tpu.memory_space<hbm>>
      tpu.wait_indirect_dma semaphore(%arg21 : memref<!tpu.dma_semaphore, #tpu.memory_space<semaphore_mem>>) src(%dma_wait3A_72 : memref<10000x16xf32, #tpu.memory_space<hbm>>) dst(%arg10 : memref<128x16xf32, #tpu.memory_space<vmem>>)
      %run_scoped3A_73 = arith.constant 17 : i32
      "tpu.region"() ({
        %run_scoped3A_90 = tpu.sem_alloc : memref<!tpu.dma_semaphore, #tpu.memory_space<semaphore_mem>>
        %dma_start3A_91 = arith.constant 0 : i32
        %dma_start3A_92 = tpu.memref_slice %arg8[%run_scoped3A_73, %dma_start3A_91] : memref<80x128xi32, #tpu.memory_space<vmem>> -> memref<1x128xi32, #tpu.memory_space<vmem>>
        %dma_start3A_93 = tpu.memref_squeeze %dma_start3A_92 : memref<1x128xi32, #tpu.memory_space<vmem>> -> memref<128xi32, #tpu.memory_space<vmem>>
        %dma_start3A_94 = arith.constant 0 : i32
        %dma_start3A_95 = arith.constant 0 : i32
        %dma_start3A_96 = tpu.memref_slice %arg6[%dma_start3A_94, %dma_start3A_95] : memref<10240x16xf32, #tpu.memory_space<vmem_shared>> -> memref<10240x16xf32, #tpu.memory_space<vmem_shared>>
        tpu.enqueue_indirect_dma source(%arg10 : memref<128x16xf32, #tpu.memory_space<vmem>>) target(%dma_start3A_96 : memref<10240x16xf32, #tpu.memory_space<vmem_shared>>) offsets(%dma_start3A_93 : memref<128xi32, #tpu.memory_space<vmem>>) semaphore(%run_scoped3A_90 : memref<!tpu.dma_semaphore, #tpu.memory_space<semaphore_mem>>) {add = true}
        %dma_wait3A_97 = arith.constant 0 : i32
        %dma_wait3A_98 = tpu.memref_slice %arg8[%run_scoped3A_73, %dma_wait3A_97] : memref<80x128xi32, #tpu.memory_space<vmem>> -> memref<1x128xi32, #tpu.memory_space<vmem>>
        %dma_wait3A_99 = tpu.memref_squeeze %dma_wait3A_98 : memref<1x128xi32, #tpu.memory_space<vmem>> -> memref<128xi32, #tpu.memory_space<vmem>>
        %dma_wait3A_100 = arith.constant 0 : i32
        %dma_wait3A_101 = arith.constant 0 : i32
        %dma_wait3A_102 = tpu.memref_slice %arg6[%dma_wait3A_100, %dma_wait3A_101] : memref<10240x16xf32, #tpu.memory_space<vmem_shared>> -> memref<10240x16xf32, #tpu.memory_space<vmem_shared>>
        tpu.wait_indirect_dma semaphore(%run_scoped3A_90 : memref<!tpu.dma_semaphore, #tpu.memory_space<semaphore_mem>>) src(%arg10 : memref<128x16xf32, #tpu.memory_space<vmem>>) dst(%dma_wait3A_102 : memref<10240x16xf32, #tpu.memory_space<vmem_shared>>)
        tpu.yield
      }) : () -> ()
      %dma_wait3A_74 = arith.constant 18 : i32
      %dma_wait3A_75 = arith.constant 0 : i32
      %dma_wait3A_76 = tpu.memref_slice %arg7[%dma_wait3A_74, %dma_wait3A_75] : memref<80x128xi32, #tpu.memory_space<vmem>> -> memref<1x128xi32, #tpu.memory_space<vmem>>
      %dma_wait3A_77 = tpu.memref_squeeze %dma_wait3A_76 : memref<1x128xi32, #tpu.memory_space<vmem>> -> memref<128xi32, #tpu.memory_space<vmem>>
      %dma_wait3A_78 = arith.constant 0 : i32
      %dma_wait3A_79 = arith.constant 0 : i32
      %dma_wait3A_80 = tpu.memref_slice %arg2[%dma_wait3A_78, %dma_wait3A_79] : memref<10000x16xf32, #tpu.memory_space<hbm>> -> memref<10000x16xf32, #tpu.memory_space<hbm>>
      tpu.wait_indirect_dma semaphore(%arg22 : memref<!tpu.dma_semaphore, #tpu.memory_space<semaphore_mem>>) src(%dma_wait3A_80 : memref<10000x16xf32, #tpu.memory_space<hbm>>) dst(%arg11 : memref<128x16xf32, #tpu.memory_space<vmem>>)
      %run_scoped3A_81 = arith.constant 18 : i32
      "tpu.region"() ({
        %run_scoped3A_90 = tpu.sem_alloc : memref<!tpu.dma_semaphore, #tpu.memory_space<semaphore_mem>>
        %dma_start3A_91 = arith.constant 0 : i32
        %dma_start3A_92 = tpu.memref_slice %arg8[%run_scoped3A_81, %dma_start3A_91] : memref<80x128xi32, #tpu.memory_space<vmem>> -> memref<1x128xi32, #tpu.memory_space<vmem>>
        %dma_start3A_93 = tpu.memref_squeeze %dma_start3A_92 : memref<1x128xi32, #tpu.memory_space<vmem>> -> memref<128xi32, #tpu.memory_space<vmem>>
        %dma_start3A_94 = arith.constant 0 : i32
        %dma_start3A_95 = arith.constant 0 : i32
        %dma_start3A_96 = tpu.memref_slice %arg6[%dma_start3A_94, %dma_start3A_95] : memref<10240x16xf32, #tpu.memory_space<vmem_shared>> -> memref<10240x16xf32, #tpu.memory_space<vmem_shared>>
        tpu.enqueue_indirect_dma source(%arg11 : memref<128x16xf32, #tpu.memory_space<vmem>>) target(%dma_start3A_96 : memref<10240x16xf32, #tpu.memory_space<vmem_shared>>) offsets(%dma_start3A_93 : memref<128xi32, #tpu.memory_space<vmem>>) semaphore(%run_scoped3A_90 : memref<!tpu.dma_semaphore, #tpu.memory_space<semaphore_mem>>) {add = true}
        %dma_wait3A_97 = arith.constant 0 : i32
        %dma_wait3A_98 = tpu.memref_slice %arg8[%run_scoped3A_81, %dma_wait3A_97] : memref<80x128xi32, #tpu.memory_space<vmem>> -> memref<1x128xi32, #tpu.memory_space<vmem>>
        %dma_wait3A_99 = tpu.memref_squeeze %dma_wait3A_98 : memref<1x128xi32, #tpu.memory_space<vmem>> -> memref<128xi32, #tpu.memory_space<vmem>>
        %dma_wait3A_100 = arith.constant 0 : i32
        %dma_wait3A_101 = arith.constant 0 : i32
        %dma_wait3A_102 = tpu.memref_slice %arg6[%dma_wait3A_100, %dma_wait3A_101] : memref<10240x16xf32, #tpu.memory_space<vmem_shared>> -> memref<10240x16xf32, #tpu.memory_space<vmem_shared>>
        tpu.wait_indirect_dma semaphore(%run_scoped3A_90 : memref<!tpu.dma_semaphore, #tpu.memory_space<semaphore_mem>>) src(%arg11 : memref<128x16xf32, #tpu.memory_space<vmem>>) dst(%dma_wait3A_102 : memref<10240x16xf32, #tpu.memory_space<vmem_shared>>)
        tpu.yield
      }) : () -> ()
      %dma_wait3A_82 = arith.constant 19 : i32
      %dma_wait3A_83 = arith.constant 0 : i32
      %dma_wait3A_84 = tpu.memref_slice %arg7[%dma_wait3A_82, %dma_wait3A_83] : memref<80x128xi32, #tpu.memory_space<vmem>> -> memref<1x128xi32, #tpu.memory_space<vmem>>
      %dma_wait3A_85 = tpu.memref_squeeze %dma_wait3A_84 : memref<1x128xi32, #tpu.memory_space<vmem>> -> memref<128xi32, #tpu.memory_space<vmem>>
      %dma_wait3A_86 = arith.constant 0 : i32
      %dma_wait3A_87 = arith.constant 0 : i32
      %dma_wait3A_88 = tpu.memref_slice %arg2[%dma_wait3A_86, %dma_wait3A_87] : memref<10000x16xf32, #tpu.memory_space<hbm>> -> memref<10000x16xf32, #tpu.memory_space<hbm>>
      tpu.wait_indirect_dma semaphore(%arg23 : memref<!tpu.dma_semaphore, #tpu.memory_space<semaphore_mem>>) src(%dma_wait3A_88 : memref<10000x16xf32, #tpu.memory_space<hbm>>) dst(%arg12 : memref<128x16xf32, #tpu.memory_space<vmem>>)
      %run_scoped3A_89 = arith.constant 19 : i32
      "tpu.region"() ({
        %run_scoped3A_90 = tpu.sem_alloc : memref<!tpu.dma_semaphore, #tpu.memory_space<semaphore_mem>>
        %dma_start3A_91 = arith.constant 0 : i32
        %dma_start3A_92 = tpu.memref_slice %arg8[%run_scoped3A_89, %dma_start3A_91] : memref<80x128xi32, #tpu.memory_space<vmem>> -> memref<1x128xi32, #tpu.memory_space<vmem>>
        %dma_start3A_93 = tpu.memref_squeeze %dma_start3A_92 : memref<1x128xi32, #tpu.memory_space<vmem>> -> memref<128xi32, #tpu.memory_space<vmem>>
        %dma_start3A_94 = arith.constant 0 : i32
        %dma_start3A_95 = arith.constant 0 : i32
        %dma_start3A_96 = tpu.memref_slice %arg6[%dma_start3A_94, %dma_start3A_95] : memref<10240x16xf32, #tpu.memory_space<vmem_shared>> -> memref<10240x16xf32, #tpu.memory_space<vmem_shared>>
        tpu.enqueue_indirect_dma source(%arg12 : memref<128x16xf32, #tpu.memory_space<vmem>>) target(%dma_start3A_96 : memref<10240x16xf32, #tpu.memory_space<vmem_shared>>) offsets(%dma_start3A_93 : memref<128xi32, #tpu.memory_space<vmem>>) semaphore(%run_scoped3A_90 : memref<!tpu.dma_semaphore, #tpu.memory_space<semaphore_mem>>) {add = true}
        %dma_wait3A_97 = arith.constant 0 : i32
        %dma_wait3A_98 = tpu.memref_slice %arg8[%run_scoped3A_89, %dma_wait3A_97] : memref<80x128xi32, #tpu.memory_space<vmem>> -> memref<1x128xi32, #tpu.memory_space<vmem>>
        %dma_wait3A_99 = tpu.memref_squeeze %dma_wait3A_98 : memref<1x128xi32, #tpu.memory_space<vmem>> -> memref<128xi32, #tpu.memory_space<vmem>>
        %dma_wait3A_100 = arith.constant 0 : i32
        %dma_wait3A_101 = arith.constant 0 : i32
        %dma_wait3A_102 = tpu.memref_slice %arg6[%dma_wait3A_100, %dma_wait3A_101] : memref<10240x16xf32, #tpu.memory_space<vmem_shared>> -> memref<10240x16xf32, #tpu.memory_space<vmem_shared>>
        tpu.wait_indirect_dma semaphore(%run_scoped3A_90 : memref<!tpu.dma_semaphore, #tpu.memory_space<semaphore_mem>>) src(%arg12 : memref<128x16xf32, #tpu.memory_space<vmem>>) dst(%dma_wait3A_102 : memref<10240x16xf32, #tpu.memory_space<vmem_shared>>)
        tpu.yield
      }) : () -> ()
    } else {
    }
    %barrier3A_23 = arith.constant 0 : index
    tpu.barrier barrier_id(%barrier3A_23)
    %mul3A_24 = arith.constant 640 : i32
    %mul3A_25 = arith.muli %arg1, %mul3A_24 : i32
    "tpu.region"() ({
      %run_scoped3A = tpu.sem_alloc : memref<!tpu.dma_semaphore, #tpu.memory_space<semaphore_mem>>
      %dma_start3A = arith.constant 0 : i32
      %dma_start3A_26 = tpu.memref_slice %arg5[%arg0, %mul3A_25, %dma_start3A] : memref<2x10240x16xf32, #tpu.memory_space<hbm>> -> memref<1x640x16xf32, #tpu.memory_space<hbm>>
      %dma_start3A_27 = tpu.memref_squeeze %dma_start3A_26 : memref<1x640x16xf32, #tpu.memory_space<hbm>> -> memref<640x16xf32, #tpu.memory_space<hbm>>
      %dma_start3A_28 = arith.constant 0 : i32
      %dma_start3A_29 = tpu.memref_slice %arg6[%mul3A_25, %dma_start3A_28] : memref<10240x16xf32, #tpu.memory_space<vmem_shared>> -> memref<640x16xf32, #tpu.memory_space<vmem_shared>>
      tpu.enqueue_dma source(%dma_start3A_29 : memref<640x16xf32, #tpu.memory_space<vmem_shared>>) target(%dma_start3A_27 : memref<640x16xf32, #tpu.memory_space<hbm>>) target_semaphore(%run_scoped3A : memref<!tpu.dma_semaphore, #tpu.memory_space<semaphore_mem>>)
      %dma_wait3A = arith.constant 0 : i32
      %dma_wait3A_30 = tpu.memref_slice %arg5[%arg0, %mul3A_25, %dma_wait3A] : memref<2x10240x16xf32, #tpu.memory_space<hbm>> -> memref<1x640x16xf32, #tpu.memory_space<hbm>>
      %dma_wait3A_31 = tpu.memref_squeeze %dma_wait3A_30 : memref<1x640x16xf32, #tpu.memory_space<hbm>> -> memref<640x16xf32, #tpu.memory_space<hbm>>
      %dma_wait3A_32 = arith.constant 0 : i32
      %dma_wait3A_33 = tpu.memref_slice %arg6[%mul3A_25, %dma_wait3A_32] : memref<10240x16xf32, #tpu.memory_space<vmem_shared>> -> memref<640x16xf32, #tpu.memory_space<vmem_shared>>
      tpu.wait_dma2 semaphore(%run_scoped3A : memref<!tpu.dma_semaphore, #tpu.memory_space<semaphore_mem>>) src(%dma_wait3A_33 : memref<640x16xf32, #tpu.memory_space<vmem_shared>>) dst(%dma_wait3A_31 : memref<640x16xf32, #tpu.memory_space<hbm>>)
      tpu.yield
    }) : () -> ()
    return
  }
}

#map = affine_map<(d0, d1) -> (0, 0)>
#map1 = affine_map<(d0, d1) -> (0, 0, 0)>
module attributes {stable_mosaic.version = 14 : i64} {
  func.func @_agg_kernel(%arg0: i32, %arg1: i32, %arg2: memref<10000x16xf32, #tpu.memory_space<hbm>>, %arg3: memref<2500x128xi32, #tpu.memory_space<hbm>>, %arg4: memref<2500x128xi32, #tpu.memory_space<hbm>>, %arg5: memref<2x10240x16xf32, #tpu.memory_space<hbm>>, %arg6: memref<10240x16xf32, #tpu.memory_space<vmem_shared>>, %arg7: memref<80x128xi32, #tpu.memory_space<vmem>>, %arg8: memref<80x128xi32, #tpu.memory_space<vmem>>, %arg9: memref<128x16xf32, #tpu.memory_space<vmem>>, %arg10: memref<128x16xf32, #tpu.memory_space<vmem>>, %arg11: memref<128x16xf32, #tpu.memory_space<vmem>>, %arg12: memref<128x16xf32, #tpu.memory_space<vmem>>, %arg13: memref<128x16xf32, #tpu.memory_space<vmem>>, %arg14: memref<128x16xf32, #tpu.memory_space<vmem>>, %arg15: memref<128x16xf32, #tpu.memory_space<vmem>>, %arg16: memref<128x16xf32, #tpu.memory_space<vmem>>, %arg17: memref<128x16xf32, #tpu.memory_space<vmem>>, %arg18: memref<128x16xf32, #tpu.memory_space<vmem>>, %arg19: memref<640x16xf32, #tpu.memory_space<vmem>>, %arg20: memref<!tpu.dma_semaphore, #tpu.memory_space<semaphore_mem>>, %arg21: memref<!tpu.dma_semaphore, #tpu.memory_space<semaphore_mem>>, %arg22: memref<!tpu.dma_semaphore, #tpu.memory_space<semaphore_mem>>, %arg23: memref<!tpu.dma_semaphore, #tpu.memory_space<semaphore_mem>>, %arg24: memref<!tpu.dma_semaphore, #tpu.memory_space<semaphore_mem>>, %arg25: memref<!tpu.dma_semaphore, #tpu.memory_space<semaphore_mem>>, %arg26: memref<!tpu.dma_semaphore, #tpu.memory_space<semaphore_mem>>, %arg27: memref<!tpu.dma_semaphore, #tpu.memory_space<semaphore_mem>>, %arg28: memref<!tpu.dma_semaphore, #tpu.memory_space<semaphore_mem>>, %arg29: memref<!tpu.dma_semaphore, #tpu.memory_space<semaphore_mem>>, %arg30: memref<!tpu.dma_semaphore, #tpu.memory_space<semaphore_mem>>, %arg31: memref<!tpu.dma_semaphore, #tpu.memory_space<semaphore_mem>>, %arg32: memref<!tpu.dma_semaphore, #tpu.memory_space<semaphore_mem>>, %arg33: memref<!tpu.dma_semaphore, #tpu.memory_space<semaphore_mem>>, %arg34: memref<!tpu.dma_semaphore, #tpu.memory_space<semaphore_mem>>, %arg35: memref<!tpu.dma_semaphore, #tpu.memory_space<semaphore_mem>>, %arg36: memref<!tpu.dma_semaphore, #tpu.memory_space<semaphore_mem>>, %arg37: memref<!tpu.dma_semaphore, #tpu.memory_space<semaphore_mem>>, %arg38: memref<!tpu.dma_semaphore, #tpu.memory_space<semaphore_mem>>, %arg39: memref<!tpu.dma_semaphore, #tpu.memory_space<semaphore_mem>>) attributes {dimension_semantics = [#tpu.dimension_semantics<core_parallel>, #tpu.dimension_semantics<subcore_parallel>], iteration_bounds = array<i64: 2, 16>, scalar_prefetch = 0 : i64, scratch_operands = 34 : i64, tpu.core_type = #tpu.core_type<sc_vector_subcore>, window_params = [{transform_indices = #map}, {transform_indices = #map}, {transform_indices = #map}, {transform_indices = #map1}]} {
    %mul3A = arith.constant 16 : i32
    %mul3A_0 = arith.muli %arg0, %mul3A : i32
    %add3A = arith.addi %mul3A_0, %arg1 : i32
    %eq3A = arith.constant 31 : i32
    %eq3A_1 = arith.cmpi eq, %add3A, %eq3A : i32
    %scan3A = arith.constant 0 : i32
    %scan3A_2 = arith.constant 0 : i32
    %scan3A_3 = arith.constant 640 : i32
    %scan3A_4 = arith.addi %scan3A_2, %scan3A_3 : i32
    %scan3A_5 = arith.constant 8 : i32
    %scan3A_6 = scf.for %scan3A_26 = %scan3A_2 to %scan3A_4 step %scan3A_5 iter_args(%scan3A_27 = %scan3A) -> (i32)  : i32 {
      %broadcast_in_dim3A = arith.constant 0.000000e+00 : f32
      %broadcast_in_dim3A_28 = vector.broadcast %broadcast_in_dim3A : f32 to vector<16xf32>
      %swap3A = arith.index_cast %scan3A_26 : i32 to index
      %swap3A_29 = arith.constant 0 : index
      %swap3A_30 = tpu.vector_load %arg19[%swap3A, %swap3A_29] {strides = array<i32>} : memref<640x16xf32, #tpu.memory_space<vmem>>, vector<1x16xf32>,
      %swap3A_31 = vector.shape_cast %swap3A_30 : vector<1x16xf32> to vector<16xf32>
      %swap3A_32 = vector.shape_cast %broadcast_in_dim3A_28 : vector<16xf32> to vector<1x16xf32>
      tpu.vector_store %arg19[%swap3A, %swap3A_29], %swap3A_32 {strides = array<i32>} : memref<640x16xf32, #tpu.memory_space<vmem>>, vector<1x16xf32>,
      %scan3A_33 = arith.constant 0 : i32
      %scan3A_34 = arith.constant 1 : i32
      %scan3A_35 = arith.addi %scan3A_26, %scan3A_34 : i32
      %broadcast_in_dim3A_36 = arith.constant 0.000000e+00 : f32
      %broadcast_in_dim3A_37 = vector.broadcast %broadcast_in_dim3A_36 : f32 to vector<16xf32>
      %swap3A_38 = arith.index_cast %scan3A_35 : i32 to index
      %swap3A_39 = arith.constant 0 : index
      %swap3A_40 = tpu.vector_load %arg19[%swap3A_38, %swap3A_39] {strides = array<i32>} : memref<640x16xf32, #tpu.memory_space<vmem>>, vector<1x16xf32>,
      %swap3A_41 = vector.shape_cast %swap3A_40 : vector<1x16xf32> to vector<16xf32>
      %swap3A_42 = vector.shape_cast %broadcast_in_dim3A_37 : vector<16xf32> to vector<1x16xf32>
      tpu.vector_store %arg19[%swap3A_38, %swap3A_39], %swap3A_42 {strides = array<i32>} : memref<640x16xf32, #tpu.memory_space<vmem>>, vector<1x16xf32>,
      %scan3A_43 = arith.constant 0 : i32
      %scan3A_44 = arith.constant 2 : i32
      %scan3A_45 = arith.addi %scan3A_26, %scan3A_44 : i32
      %broadcast_in_dim3A_46 = arith.constant 0.000000e+00 : f32
      %broadcast_in_dim3A_47 = vector.broadcast %broadcast_in_dim3A_46 : f32 to vector<16xf32>
      %swap3A_48 = arith.index_cast %scan3A_45 : i32 to index
      %swap3A_49 = arith.constant 0 : index
      %swap3A_50 = tpu.vector_load %arg19[%swap3A_48, %swap3A_49] {strides = array<i32>} : memref<640x16xf32, #tpu.memory_space<vmem>>, vector<1x16xf32>,
      %swap3A_51 = vector.shape_cast %swap3A_50 : vector<1x16xf32> to vector<16xf32>
      %swap3A_52 = vector.shape_cast %broadcast_in_dim3A_47 : vector<16xf32> to vector<1x16xf32>
      tpu.vector_store %arg19[%swap3A_48, %swap3A_49], %swap3A_52 {strides = array<i32>} : memref<640x16xf32, #tpu.memory_space<vmem>>, vector<1x16xf32>,
      %scan3A_53 = arith.constant 0 : i32
      %scan3A_54 = arith.constant 3 : i32
      %scan3A_55 = arith.addi %scan3A_26, %scan3A_54 : i32
      %broadcast_in_dim3A_56 = arith.constant 0.000000e+00 : f32
      %broadcast_in_dim3A_57 = vector.broadcast %broadcast_in_dim3A_56 : f32 to vector<16xf32>
      %swap3A_58 = arith.index_cast %scan3A_55 : i32 to index
      %swap3A_59 = arith.constant 0 : index
      %swap3A_60 = tpu.vector_load %arg19[%swap3A_58, %swap3A_59] {strides = array<i32>} : memref<640x16xf32, #tpu.memory_space<vmem>>, vector<1x16xf32>,
      %swap3A_61 = vector.shape_cast %swap3A_60 : vector<1x16xf32> to vector<16xf32>
      %swap3A_62 = vector.shape_cast %broadcast_in_dim3A_57 : vector<16xf32> to vector<1x16xf32>
      tpu.vector_store %arg19[%swap3A_58, %swap3A_59], %swap3A_62 {strides = array<i32>} : memref<640x16xf32, #tpu.memory_space<vmem>>, vector<1x16xf32>,
      %scan3A_63 = arith.constant 0 : i32
      %scan3A_64 = arith.constant 4 : i32
      %scan3A_65 = arith.addi %scan3A_26, %scan3A_64 : i32
      %broadcast_in_dim3A_66 = arith.constant 0.000000e+00 : f32
      %broadcast_in_dim3A_67 = vector.broadcast %broadcast_in_dim3A_66 : f32 to vector<16xf32>
      %swap3A_68 = arith.index_cast %scan3A_65 : i32 to index
      %swap3A_69 = arith.constant 0 : index
      %swap3A_70 = tpu.vector_load %arg19[%swap3A_68, %swap3A_69] {strides = array<i32>} : memref<640x16xf32, #tpu.memory_space<vmem>>, vector<1x16xf32>,
      %swap3A_71 = vector.shape_cast %swap3A_70 : vector<1x16xf32> to vector<16xf32>
      %swap3A_72 = vector.shape_cast %broadcast_in_dim3A_67 : vector<16xf32> to vector<1x16xf32>
      tpu.vector_store %arg19[%swap3A_68, %swap3A_69], %swap3A_72 {strides = array<i32>} : memref<640x16xf32, #tpu.memory_space<vmem>>, vector<1x16xf32>,
      %scan3A_73 = arith.constant 0 : i32
      %scan3A_74 = arith.constant 5 : i32
      %scan3A_75 = arith.addi %scan3A_26, %scan3A_74 : i32
      %broadcast_in_dim3A_76 = arith.constant 0.000000e+00 : f32
      %broadcast_in_dim3A_77 = vector.broadcast %broadcast_in_dim3A_76 : f32 to vector<16xf32>
      %swap3A_78 = arith.index_cast %scan3A_75 : i32 to index
      %swap3A_79 = arith.constant 0 : index
      %swap3A_80 = tpu.vector_load %arg19[%swap3A_78, %swap3A_79] {strides = array<i32>} : memref<640x16xf32, #tpu.memory_space<vmem>>, vector<1x16xf32>,
      %swap3A_81 = vector.shape_cast %swap3A_80 : vector<1x16xf32> to vector<16xf32>
      %swap3A_82 = vector.shape_cast %broadcast_in_dim3A_77 : vector<16xf32> to vector<1x16xf32>
      tpu.vector_store %arg19[%swap3A_78, %swap3A_79], %swap3A_82 {strides = array<i32>} : memref<640x16xf32, #tpu.memory_space<vmem>>, vector<1x16xf32>,
      %scan3A_83 = arith.constant 0 : i32
      %scan3A_84 = arith.constant 6 : i32
      %scan3A_85 = arith.addi %scan3A_26, %scan3A_84 : i32
      %broadcast_in_dim3A_86 = arith.constant 0.000000e+00 : f32
      %broadcast_in_dim3A_87 = vector.broadcast %broadcast_in_dim3A_86 : f32 to vector<16xf32>
      %swap3A_88 = arith.index_cast %scan3A_85 : i32 to index
      %swap3A_89 = arith.constant 0 : index
      %swap3A_90 = tpu.vector_load %arg19[%swap3A_88, %swap3A_89] {strides = array<i32>} : memref<640x16xf32, #tpu.memory_space<vmem>>, vector<1x16xf32>,
      %swap3A_91 = vector.shape_cast %swap3A_90 : vector<1x16xf32> to vector<16xf32>
      %swap3A_92 = vector.shape_cast %broadcast_in_dim3A_87 : vector<16xf32> to vector<1x16xf32>
      tpu.vector_store %arg19[%swap3A_88, %swap3A_89], %swap3A_92 {strides = array<i32>} : memref<640x16xf32, #tpu.memory_space<vmem>>, vector<1x16xf32>,
      %scan3A_93 = arith.constant 0 : i32
      %scan3A_94 = arith.constant 7 : i32
      %scan3A_95 = arith.addi %scan3A_26, %scan3A_94 : i32
      %broadcast_in_dim3A_96 = arith.constant 0.000000e+00 : f32
      %broadcast_in_dim3A_97 = vector.broadcast %broadcast_in_dim3A_96 : f32 to vector<16xf32>
      %swap3A_98 = arith.index_cast %scan3A_95 : i32 to index
      %swap3A_99 = arith.constant 0 : index
      %swap3A_100 = tpu.vector_load %arg19[%swap3A_98, %swap3A_99] {strides = array<i32>} : memref<640x16xf32, #tpu.memory_space<vmem>>, vector<1x16xf32>,
      %swap3A_101 = vector.shape_cast %swap3A_100 : vector<1x16xf32> to vector<16xf32>
      %swap3A_102 = vector.shape_cast %broadcast_in_dim3A_97 : vector<16xf32> to vector<1x16xf32>
      tpu.vector_store %arg19[%swap3A_98, %swap3A_99], %swap3A_102 {strides = array<i32>} : memref<640x16xf32, #tpu.memory_space<vmem>>, vector<1x16xf32>,
      %scan3A_103 = arith.constant 0 : i32
      scf.yield %scan3A_103 : i32
    }
    %scan3A_7 = arith.constant 640 : i32
    %mul3A_8 = arith.constant 640 : i32
    %mul3A_9 = arith.muli %arg1, %mul3A_8 : i32
    "tpu.region"() ({
      %run_scoped3A = tpu.sem_alloc : memref<!tpu.dma_semaphore, #tpu.memory_space<semaphore_mem>>
      %dma_start3A = arith.constant 0 : i32
      %dma_start3A_26 = tpu.memref_slice %arg6[%mul3A_9, %dma_start3A] : memref<10240x16xf32, #tpu.memory_space<vmem_shared>> -> memref<640x16xf32, #tpu.memory_space<vmem_shared>>
      %dma_start3A_27 = arith.constant 0 : i32
      %dma_start3A_28 = tpu.memref_slice %arg6[%mul3A_9, %dma_start3A_27] : memref<10240x16xf32, #tpu.memory_space<vmem_shared>> -> memref<640x16xf32, #tpu.memory_space<vmem_shared>>
      tpu.enqueue_dma source(%arg19 : memref<640x16xf32, #tpu.memory_space<vmem>>) target(%dma_start3A_28 : memref<640x16xf32, #tpu.memory_space<vmem_shared>>) target_semaphore(%run_scoped3A : memref<!tpu.dma_semaphore, #tpu.memory_space<semaphore_mem>>)
      %dma_wait3A = arith.constant 0 : i32
      %dma_wait3A_29 = tpu.memref_slice %arg6[%mul3A_9, %dma_wait3A] : memref<10240x16xf32, #tpu.memory_space<vmem_shared>> -> memref<640x16xf32, #tpu.memory_space<vmem_shared>>
      %dma_wait3A_30 = arith.constant 0 : i32
      %dma_wait3A_31 = tpu.memref_slice %arg6[%mul3A_9, %dma_wait3A_30] : memref<10240x16xf32, #tpu.memory_space<vmem_shared>> -> memref<640x16xf32, #tpu.memory_space<vmem_shared>>
      tpu.wait_dma2 semaphore(%run_scoped3A : memref<!tpu.dma_semaphore, #tpu.memory_space<semaphore_mem>>) src(%arg19 : memref<640x16xf32, #tpu.memory_space<vmem>>) dst(%dma_wait3A_31 : memref<640x16xf32, #tpu.memory_space<vmem_shared>>)
      tpu.yield
    }) : () -> ()
    %not3A = arith.constant true
    %not3A_10 = arith.xori %eq3A_1, %not3A : i1
    %convert_element_type3A = arith.extui %not3A_10 : i1 to i32
    %cond3A = arith.constant 0 : i32
    %cond3A_11 = arith.cmpi ne, %convert_element_type3A, %cond3A : i32
    scf.if %cond3A_11 {
      %mul3A_26 = arith.constant 80 : i32
      %mul3A_27 = arith.muli %add3A, %mul3A_26 : i32
      "tpu.region"() ({
        %run_scoped3A = tpu.sem_alloc : memref<!tpu.dma_semaphore, #tpu.memory_space<semaphore_mem>>
        %dma_start3A = arith.constant 0 : i32
        %dma_start3A_30 = tpu.memref_slice %arg3[%mul3A_27, %dma_start3A] : memref<2500x128xi32, #tpu.memory_space<hbm>> -> memref<80x128xi32, #tpu.memory_space<hbm>>
        %dma_start3A_31 = arith.constant 0 : i32
        %dma_start3A_32 = tpu.memref_slice %arg3[%mul3A_27, %dma_start3A_31] : memref<2500x128xi32, #tpu.memory_space<hbm>> -> memref<80x128xi32, #tpu.memory_space<hbm>>
        tpu.enqueue_dma source(%dma_start3A_32 : memref<80x128xi32, #tpu.memory_space<hbm>>) target(%arg7 : memref<80x128xi32, #tpu.memory_space<vmem>>) target_semaphore(%run_scoped3A : memref<!tpu.dma_semaphore, #tpu.memory_space<semaphore_mem>>)
        %dma_wait3A = arith.constant 0 : i32
        %dma_wait3A_33 = tpu.memref_slice %arg3[%mul3A_27, %dma_wait3A] : memref<2500x128xi32, #tpu.memory_space<hbm>> -> memref<80x128xi32, #tpu.memory_space<hbm>>
        %dma_wait3A_34 = arith.constant 0 : i32
        %dma_wait3A_35 = tpu.memref_slice %arg3[%mul3A_27, %dma_wait3A_34] : memref<2500x128xi32, #tpu.memory_space<hbm>> -> memref<80x128xi32, #tpu.memory_space<hbm>>
        tpu.wait_dma2 semaphore(%run_scoped3A : memref<!tpu.dma_semaphore, #tpu.memory_space<semaphore_mem>>) src(%dma_wait3A_35 : memref<80x128xi32, #tpu.memory_space<hbm>>) dst(%arg7 : memref<80x128xi32, #tpu.memory_space<vmem>>)
        tpu.yield
      }) : () -> ()
      %mul3A_28 = arith.constant 80 : i32
      %mul3A_29 = arith.muli %add3A, %mul3A_28 : i32
      "tpu.region"() ({
        %run_scoped3A = tpu.sem_alloc : memref<!tpu.dma_semaphore, #tpu.memory_space<semaphore_mem>>
        %dma_start3A = arith.constant 0 : i32
        %dma_start3A_30 = tpu.memref_slice %arg4[%mul3A_29, %dma_start3A] : memref<2500x128xi32, #tpu.memory_space<hbm>> -> memref<80x128xi32, #tpu.memory_space<hbm>>
        %dma_start3A_31 = arith.constant 0 : i32
        %dma_start3A_32 = tpu.memref_slice %arg4[%mul3A_29, %dma_start3A_31] : memref<2500x128xi32, #tpu.memory_space<hbm>> -> memref<80x128xi32, #tpu.memory_space<hbm>>
        tpu.enqueue_dma source(%dma_start3A_32 : memref<80x128xi32, #tpu.memory_space<hbm>>) target(%arg8 : memref<80x128xi32, #tpu.memory_space<vmem>>) target_semaphore(%run_scoped3A : memref<!tpu.dma_semaphore, #tpu.memory_space<semaphore_mem>>)
        %dma_wait3A = arith.constant 0 : i32
        %dma_wait3A_33 = tpu.memref_slice %arg4[%mul3A_29, %dma_wait3A] : memref<2500x128xi32, #tpu.memory_space<hbm>> -> memref<80x128xi32, #tpu.memory_space<hbm>>
        %dma_wait3A_34 = arith.constant 0 : i32
        %dma_wait3A_35 = tpu.memref_slice %arg4[%mul3A_29, %dma_wait3A_34] : memref<2500x128xi32, #tpu.memory_space<hbm>> -> memref<80x128xi32, #tpu.memory_space<hbm>>
        tpu.wait_dma2 semaphore(%run_scoped3A : memref<!tpu.dma_semaphore, #tpu.memory_space<semaphore_mem>>) src(%dma_wait3A_35 : memref<80x128xi32, #tpu.memory_space<hbm>>) dst(%arg8 : memref<80x128xi32, #tpu.memory_space<vmem>>)
        tpu.yield
      }) : () -> ()
    } else {
    }
    %convert_element_type3A_12 = arith.extui %eq3A_1 : i1 to i32
    %cond3A_13 = arith.constant 0 : i32
    %cond3A_14 = arith.cmpi ne, %convert_element_type3A_12, %cond3A_13 : i32
    scf.if %cond3A_14 {
      %mul3A_26 = arith.constant 80 : i32
      %mul3A_27 = arith.muli %add3A, %mul3A_26 : i32
      "tpu.region"() ({
        %run_scoped3A = tpu.sem_alloc : memref<!tpu.dma_semaphore, #tpu.memory_space<semaphore_mem>>
        %dma_start3A = arith.constant 0 : i32
        %dma_start3A_30 = arith.constant 0 : i32
        %dma_start3A_31 = tpu.memref_slice %arg7[%dma_start3A, %dma_start3A_30] : memref<80x128xi32, #tpu.memory_space<vmem>> -> memref<20x128xi32, #tpu.memory_space<vmem>>
        %dma_start3A_32 = arith.constant 0 : i32
        %dma_start3A_33 = tpu.memref_slice %arg3[%mul3A_27, %dma_start3A_32] : memref<2500x128xi32, #tpu.memory_space<hbm>> -> memref<20x128xi32, #tpu.memory_space<hbm>>
        %dma_start3A_34 = arith.constant 0 : i32
        %dma_start3A_35 = arith.constant 0 : i32
        %dma_start3A_36 = tpu.memref_slice %arg7[%dma_start3A_34, %dma_start3A_35] : memref<80x128xi32, #tpu.memory_space<vmem>> -> memref<20x128xi32, #tpu.memory_space<vmem>>
        %dma_start3A_37 = arith.constant 0 : i32
        %dma_start3A_38 = tpu.memref_slice %arg3[%mul3A_27, %dma_start3A_37] : memref<2500x128xi32, #tpu.memory_space<hbm>> -> memref<20x128xi32, #tpu.memory_space<hbm>>
        tpu.enqueue_dma source(%dma_start3A_38 : memref<20x128xi32, #tpu.memory_space<hbm>>) target(%dma_start3A_36 : memref<20x128xi32, #tpu.memory_space<vmem>>) target_semaphore(%run_scoped3A : memref<!tpu.dma_semaphore, #tpu.memory_space<semaphore_mem>>)
        %dma_wait3A = arith.constant 0 : i32
        %dma_wait3A_39 = arith.constant 0 : i32
        %dma_wait3A_40 = tpu.memref_slice %arg7[%dma_wait3A, %dma_wait3A_39] : memref<80x128xi32, #tpu.memory_space<vmem>> -> memref<20x128xi32, #tpu.memory_space<vmem>>
        %dma_wait3A_41 = arith.constant 0 : i32
        %dma_wait3A_42 = tpu.memref_slice %arg3[%mul3A_27, %dma_wait3A_41] : memref<2500x128xi32, #tpu.memory_space<hbm>> -> memref<20x128xi32, #tpu.memory_space<hbm>>
        %dma_wait3A_43 = arith.constant 0 : i32
        %dma_wait3A_44 = arith.constant 0 : i32
        %dma_wait3A_45 = tpu.memref_slice %arg7[%dma_wait3A_43, %dma_wait3A_44] : memref<80x128xi32, #tpu.memory_space<vmem>> -> memref<20x128xi32, #tpu.memory_space<vmem>>
        %dma_wait3A_46 = arith.constant 0 : i32
        %dma_wait3A_47 = tpu.memref_slice %arg3[%mul3A_27, %dma_wait3A_46] : memref<2500x128xi32, #tpu.memory_space<hbm>> -> memref<20x128xi32, #tpu.memory_space<hbm>>
        tpu.wait_dma2 semaphore(%run_scoped3A : memref<!tpu.dma_semaphore, #tpu.memory_space<semaphore_mem>>) src(%dma_wait3A_47 : memref<20x128xi32, #tpu.memory_space<hbm>>) dst(%dma_wait3A_45 : memref<20x128xi32, #tpu.memory_space<vmem>>)
        tpu.yield
      }) : () -> ()
      %mul3A_28 = arith.constant 80 : i32
      %mul3A_29 = arith.muli %add3A, %mul3A_28 : i32
      "tpu.region"() ({
        %run_scoped3A = tpu.sem_alloc : memref<!tpu.dma_semaphore, #tpu.memory_space<semaphore_mem>>
        %dma_start3A = arith.constant 0 : i32
        %dma_start3A_30 = arith.constant 0 : i32
        %dma_start3A_31 = tpu.memref_slice %arg8[%dma_start3A, %dma_start3A_30] : memref<80x128xi32, #tpu.memory_space<vmem>> -> memref<20x128xi32, #tpu.memory_space<vmem>>
        %dma_start3A_32 = arith.constant 0 : i32
        %dma_start3A_33 = tpu.memref_slice %arg4[%mul3A_29, %dma_start3A_32] : memref<2500x128xi32, #tpu.memory_space<hbm>> -> memref<20x128xi32, #tpu.memory_space<hbm>>
        %dma_start3A_34 = arith.constant 0 : i32
        %dma_start3A_35 = arith.constant 0 : i32
        %dma_start3A_36 = tpu.memref_slice %arg8[%dma_start3A_34, %dma_start3A_35] : memref<80x128xi32, #tpu.memory_space<vmem>> -> memref<20x128xi32, #tpu.memory_space<vmem>>
        %dma_start3A_37 = arith.constant 0 : i32
        %dma_start3A_38 = tpu.memref_slice %arg4[%mul3A_29, %dma_start3A_37] : memref<2500x128xi32, #tpu.memory_space<hbm>> -> memref<20x128xi32, #tpu.memory_space<hbm>>
        tpu.enqueue_dma source(%dma_start3A_38 : memref<20x128xi32, #tpu.memory_space<hbm>>) target(%dma_start3A_36 : memref<20x128xi32, #tpu.memory_space<vmem>>) target_semaphore(%run_scoped3A : memref<!tpu.dma_semaphore, #tpu.memory_space<semaphore_mem>>)
        %dma_wait3A = arith.constant 0 : i32
        %dma_wait3A_39 = arith.constant 0 : i32
        %dma_wait3A_40 = tpu.memref_slice %arg8[%dma_wait3A, %dma_wait3A_39] : memref<80x128xi32, #tpu.memory_space<vmem>> -> memref<20x128xi32, #tpu.memory_space<vmem>>
        %dma_wait3A_41 = arith.constant 0 : i32
        %dma_wait3A_42 = tpu.memref_slice %arg4[%mul3A_29, %dma_wait3A_41] : memref<2500x128xi32, #tpu.memory_space<hbm>> -> memref<20x128xi32, #tpu.memory_space<hbm>>
        %dma_wait3A_43 = arith.constant 0 : i32
        %dma_wait3A_44 = arith.constant 0 : i32
        %dma_wait3A_45 = tpu.memref_slice %arg8[%dma_wait3A_43, %dma_wait3A_44] : memref<80x128xi32, #tpu.memory_space<vmem>> -> memref<20x128xi32, #tpu.memory_space<vmem>>
        %dma_wait3A_46 = arith.constant 0 : i32
        %dma_wait3A_47 = tpu.memref_slice %arg4[%mul3A_29, %dma_wait3A_46] : memref<2500x128xi32, #tpu.memory_space<hbm>> -> memref<20x128xi32, #tpu.memory_space<hbm>>
        tpu.wait_dma2 semaphore(%run_scoped3A : memref<!tpu.dma_semaphore, #tpu.memory_space<semaphore_mem>>) src(%dma_wait3A_47 : memref<20x128xi32, #tpu.memory_space<hbm>>) dst(%dma_wait3A_45 : memref<20x128xi32, #tpu.memory_space<vmem>>)
        tpu.yield
      }) : () -> ()
    } else {
    }
    %barrier3A = arith.constant 0 : index
    tpu.barrier barrier_id(%barrier3A)
    %not3A_15 = arith.constant true
    %not3A_16 = arith.xori %eq3A_1, %not3A_15 : i1
    %convert_element_type3A_17 = arith.extui %not3A_16 : i1 to i32
    %cond3A_18 = arith.constant 0 : i32
    %cond3A_19 = arith.cmpi ne, %convert_element_type3A_17, %cond3A_18 : i32
    scf.if %cond3A_19 {
      %dma_start3A = arith.constant 0 : i32
      %dma_start3A_26 = arith.constant 0 : i32
      %dma_start3A_27 = tpu.memref_slice %arg7[%dma_start3A, %dma_start3A_26] : memref<80x128xi32, #tpu.memory_space<vmem>> -> memref<1x128xi32, #tpu.memory_space<vmem>>
      %dma_start3A_28 = tpu.memref_squeeze %dma_start3A_27 : memref<1x128xi32, #tpu.memory_space<vmem>> -> memref<128xi32, #tpu.memory_space<vmem>>
      %dma_start3A_29 = arith.constant 0 : i32
      %dma_start3A_30 = arith.constant 0 : i32
      %dma_start3A_31 = tpu.memref_slice %arg2[%dma_start3A_29, %dma_start3A_30] : memref<10000x16xf32, #tpu.memory_space<hbm>> -> memref<10000x16xf32, #tpu.memory_space<hbm>>
      tpu.enqueue_indirect_dma source(%dma_start3A_31 : memref<10000x16xf32, #tpu.memory_space<hbm>>) target(%arg9 : memref<128x16xf32, #tpu.memory_space<vmem>>) offsets(%dma_start3A_28 : memref<128xi32, #tpu.memory_space<vmem>>) semaphore(%arg20 : memref<!tpu.dma_semaphore, #tpu.memory_space<semaphore_mem>>)
      %dma_start3A_32 = arith.constant 1 : i32
      %dma_start3A_33 = arith.constant 0 : i32
      %dma_start3A_34 = tpu.memref_slice %arg7[%dma_start3A_32, %dma_start3A_33] : memref<80x128xi32, #tpu.memory_space<vmem>> -> memref<1x128xi32, #tpu.memory_space<vmem>>
      %dma_start3A_35 = tpu.memref_squeeze %dma_start3A_34 : memref<1x128xi32, #tpu.memory_space<vmem>> -> memref<128xi32, #tpu.memory_space<vmem>>
      %dma_start3A_36 = arith.constant 0 : i32
      %dma_start3A_37 = arith.constant 0 : i32
      %dma_start3A_38 = tpu.memref_slice %arg2[%dma_start3A_36, %dma_start3A_37] : memref<10000x16xf32, #tpu.memory_space<hbm>> -> memref<10000x16xf32, #tpu.memory_space<hbm>>
      tpu.enqueue_indirect_dma source(%dma_start3A_38 : memref<10000x16xf32, #tpu.memory_space<hbm>>) target(%arg10 : memref<128x16xf32, #tpu.memory_space<vmem>>) offsets(%dma_start3A_35 : memref<128xi32, #tpu.memory_space<vmem>>) semaphore(%arg21 : memref<!tpu.dma_semaphore, #tpu.memory_space<semaphore_mem>>)
      %dma_start3A_39 = arith.constant 2 : i32
      %dma_start3A_40 = arith.constant 0 : i32
      %dma_start3A_41 = tpu.memref_slice %arg7[%dma_start3A_39, %dma_start3A_40] : memref<80x128xi32, #tpu.memory_space<vmem>> -> memref<1x128xi32, #tpu.memory_space<vmem>>
      %dma_start3A_42 = tpu.memref_squeeze %dma_start3A_41 : memref<1x128xi32, #tpu.memory_space<vmem>> -> memref<128xi32, #tpu.memory_space<vmem>>
      %dma_start3A_43 = arith.constant 0 : i32
      %dma_start3A_44 = arith.constant 0 : i32
      %dma_start3A_45 = tpu.memref_slice %arg2[%dma_start3A_43, %dma_start3A_44] : memref<10000x16xf32, #tpu.memory_space<hbm>> -> memref<10000x16xf32, #tpu.memory_space<hbm>>
      tpu.enqueue_indirect_dma source(%dma_start3A_45 : memref<10000x16xf32, #tpu.memory_space<hbm>>) target(%arg11 : memref<128x16xf32, #tpu.memory_space<vmem>>) offsets(%dma_start3A_42 : memref<128xi32, #tpu.memory_space<vmem>>) semaphore(%arg22 : memref<!tpu.dma_semaphore, #tpu.memory_space<semaphore_mem>>)
      %dma_start3A_46 = arith.constant 3 : i32
      %dma_start3A_47 = arith.constant 0 : i32
      %dma_start3A_48 = tpu.memref_slice %arg7[%dma_start3A_46, %dma_start3A_47] : memref<80x128xi32, #tpu.memory_space<vmem>> -> memref<1x128xi32, #tpu.memory_space<vmem>>
      %dma_start3A_49 = tpu.memref_squeeze %dma_start3A_48 : memref<1x128xi32, #tpu.memory_space<vmem>> -> memref<128xi32, #tpu.memory_space<vmem>>
      %dma_start3A_50 = arith.constant 0 : i32
      %dma_start3A_51 = arith.constant 0 : i32
      %dma_start3A_52 = tpu.memref_slice %arg2[%dma_start3A_50, %dma_start3A_51] : memref<10000x16xf32, #tpu.memory_space<hbm>> -> memref<10000x16xf32, #tpu.memory_space<hbm>>
      tpu.enqueue_indirect_dma source(%dma_start3A_52 : memref<10000x16xf32, #tpu.memory_space<hbm>>) target(%arg12 : memref<128x16xf32, #tpu.memory_space<vmem>>) offsets(%dma_start3A_49 : memref<128xi32, #tpu.memory_space<vmem>>) semaphore(%arg23 : memref<!tpu.dma_semaphore, #tpu.memory_space<semaphore_mem>>)
      %dma_start3A_53 = arith.constant 4 : i32
      %dma_start3A_54 = arith.constant 0 : i32
      %dma_start3A_55 = tpu.memref_slice %arg7[%dma_start3A_53, %dma_start3A_54] : memref<80x128xi32, #tpu.memory_space<vmem>> -> memref<1x128xi32, #tpu.memory_space<vmem>>
      %dma_start3A_56 = tpu.memref_squeeze %dma_start3A_55 : memref<1x128xi32, #tpu.memory_space<vmem>> -> memref<128xi32, #tpu.memory_space<vmem>>
      %dma_start3A_57 = arith.constant 0 : i32
      %dma_start3A_58 = arith.constant 0 : i32
      %dma_start3A_59 = tpu.memref_slice %arg2[%dma_start3A_57, %dma_start3A_58] : memref<10000x16xf32, #tpu.memory_space<hbm>> -> memref<10000x16xf32, #tpu.memory_space<hbm>>
      tpu.enqueue_indirect_dma source(%dma_start3A_59 : memref<10000x16xf32, #tpu.memory_space<hbm>>) target(%arg13 : memref<128x16xf32, #tpu.memory_space<vmem>>) offsets(%dma_start3A_56 : memref<128xi32, #tpu.memory_space<vmem>>) semaphore(%arg24 : memref<!tpu.dma_semaphore, #tpu.memory_space<semaphore_mem>>)
      %dma_start3A_60 = arith.constant 5 : i32
      %dma_start3A_61 = arith.constant 0 : i32
      %dma_start3A_62 = tpu.memref_slice %arg7[%dma_start3A_60, %dma_start3A_61] : memref<80x128xi32, #tpu.memory_space<vmem>> -> memref<1x128xi32, #tpu.memory_space<vmem>>
      %dma_start3A_63 = tpu.memref_squeeze %dma_start3A_62 : memref<1x128xi32, #tpu.memory_space<vmem>> -> memref<128xi32, #tpu.memory_space<vmem>>
      %dma_start3A_64 = arith.constant 0 : i32
      %dma_start3A_65 = arith.constant 0 : i32
      %dma_start3A_66 = tpu.memref_slice %arg2[%dma_start3A_64, %dma_start3A_65] : memref<10000x16xf32, #tpu.memory_space<hbm>> -> memref<10000x16xf32, #tpu.memory_space<hbm>>
      tpu.enqueue_indirect_dma source(%dma_start3A_66 : memref<10000x16xf32, #tpu.memory_space<hbm>>) target(%arg14 : memref<128x16xf32, #tpu.memory_space<vmem>>) offsets(%dma_start3A_63 : memref<128xi32, #tpu.memory_space<vmem>>) semaphore(%arg25 : memref<!tpu.dma_semaphore, #tpu.memory_space<semaphore_mem>>)
      %dma_start3A_67 = arith.constant 6 : i32
      %dma_start3A_68 = arith.constant 0 : i32
      %dma_start3A_69 = tpu.memref_slice %arg7[%dma_start3A_67, %dma_start3A_68] : memref<80x128xi32, #tpu.memory_space<vmem>> -> memref<1x128xi32, #tpu.memory_space<vmem>>
      %dma_start3A_70 = tpu.memref_squeeze %dma_start3A_69 : memref<1x128xi32, #tpu.memory_space<vmem>> -> memref<128xi32, #tpu.memory_space<vmem>>
      %dma_start3A_71 = arith.constant 0 : i32
      %dma_start3A_72 = arith.constant 0 : i32
      %dma_start3A_73 = tpu.memref_slice %arg2[%dma_start3A_71, %dma_start3A_72] : memref<10000x16xf32, #tpu.memory_space<hbm>> -> memref<10000x16xf32, #tpu.memory_space<hbm>>
      tpu.enqueue_indirect_dma source(%dma_start3A_73 : memref<10000x16xf32, #tpu.memory_space<hbm>>) target(%arg15 : memref<128x16xf32, #tpu.memory_space<vmem>>) offsets(%dma_start3A_70 : memref<128xi32, #tpu.memory_space<vmem>>) semaphore(%arg26 : memref<!tpu.dma_semaphore, #tpu.memory_space<semaphore_mem>>)
      %dma_start3A_74 = arith.constant 7 : i32
      %dma_start3A_75 = arith.constant 0 : i32
      %dma_start3A_76 = tpu.memref_slice %arg7[%dma_start3A_74, %dma_start3A_75] : memref<80x128xi32, #tpu.memory_space<vmem>> -> memref<1x128xi32, #tpu.memory_space<vmem>>
      %dma_start3A_77 = tpu.memref_squeeze %dma_start3A_76 : memref<1x128xi32, #tpu.memory_space<vmem>> -> memref<128xi32, #tpu.memory_space<vmem>>
      %dma_start3A_78 = arith.constant 0 : i32
      %dma_start3A_79 = arith.constant 0 : i32
      %dma_start3A_80 = tpu.memref_slice %arg2[%dma_start3A_78, %dma_start3A_79] : memref<10000x16xf32, #tpu.memory_space<hbm>> -> memref<10000x16xf32, #tpu.memory_space<hbm>>
      tpu.enqueue_indirect_dma source(%dma_start3A_80 : memref<10000x16xf32, #tpu.memory_space<hbm>>) target(%arg16 : memref<128x16xf32, #tpu.memory_space<vmem>>) offsets(%dma_start3A_77 : memref<128xi32, #tpu.memory_space<vmem>>) semaphore(%arg27 : memref<!tpu.dma_semaphore, #tpu.memory_space<semaphore_mem>>)
      %dma_start3A_81 = arith.constant 8 : i32
      %dma_start3A_82 = arith.constant 0 : i32
      %dma_start3A_83 = tpu.memref_slice %arg7[%dma_start3A_81, %dma_start3A_82] : memref<80x128xi32, #tpu.memory_space<vmem>> -> memref<1x128xi32, #tpu.memory_space<vmem>>
      %dma_start3A_84 = tpu.memref_squeeze %dma_start3A_83 : memref<1x128xi32, #tpu.memory_space<vmem>> -> memref<128xi32, #tpu.memory_space<vmem>>
      %dma_start3A_85 = arith.constant 0 : i32
      %dma_start3A_86 = arith.constant 0 : i32
      %dma_start3A_87 = tpu.memref_slice %arg2[%dma_start3A_85, %dma_start3A_86] : memref<10000x16xf32, #tpu.memory_space<hbm>> -> memref<10000x16xf32, #tpu.memory_space<hbm>>
      tpu.enqueue_indirect_dma source(%dma_start3A_87 : memref<10000x16xf32, #tpu.memory_space<hbm>>) target(%arg17 : memref<128x16xf32, #tpu.memory_space<vmem>>) offsets(%dma_start3A_84 : memref<128xi32, #tpu.memory_space<vmem>>) semaphore(%arg28 : memref<!tpu.dma_semaphore, #tpu.memory_space<semaphore_mem>>)
      %dma_start3A_88 = arith.constant 9 : i32
      %dma_start3A_89 = arith.constant 0 : i32
      %dma_start3A_90 = tpu.memref_slice %arg7[%dma_start3A_88, %dma_start3A_89] : memref<80x128xi32, #tpu.memory_space<vmem>> -> memref<1x128xi32, #tpu.memory_space<vmem>>
      %dma_start3A_91 = tpu.memref_squeeze %dma_start3A_90 : memref<1x128xi32, #tpu.memory_space<vmem>> -> memref<128xi32, #tpu.memory_space<vmem>>
      %dma_start3A_92 = arith.constant 0 : i32
      %dma_start3A_93 = arith.constant 0 : i32
      %dma_start3A_94 = tpu.memref_slice %arg2[%dma_start3A_92, %dma_start3A_93] : memref<10000x16xf32, #tpu.memory_space<hbm>> -> memref<10000x16xf32, #tpu.memory_space<hbm>>
      tpu.enqueue_indirect_dma source(%dma_start3A_94 : memref<10000x16xf32, #tpu.memory_space<hbm>>) target(%arg18 : memref<128x16xf32, #tpu.memory_space<vmem>>) offsets(%dma_start3A_91 : memref<128xi32, #tpu.memory_space<vmem>>) semaphore(%arg29 : memref<!tpu.dma_semaphore, #tpu.memory_space<semaphore_mem>>)
      %scan3A_95 = arith.constant 0 : i32
      %scan3A_96 = arith.constant 0 : i32
      %scan3A_97 = arith.constant 7 : i32
      %scan3A_98 = arith.addi %scan3A_96, %scan3A_97 : i32
      %scan3A_99 = arith.constant 1 : i32
      %scan3A_100 = scf.for %scan3A_180 = %scan3A_96 to %scan3A_98 step %scan3A_99 iter_args(%scan3A_181 = %scan3A_95) -> (i32)  : i32 {
        %mul3A_182 = arith.constant 10 : i32
        %mul3A_183 = arith.muli %mul3A_182, %scan3A_180 : i32
        %add3A_184 = arith.constant 0 : i32
        %add3A_185 = arith.addi %mul3A_183, %add3A_184 : i32
        %dma_wait3A_186 = arith.constant 0 : i32
        %dma_wait3A_187 = tpu.memref_slice %arg7[%add3A_185, %dma_wait3A_186] : memref<80x128xi32, #tpu.memory_space<vmem>> -> memref<1x128xi32, #tpu.memory_space<vmem>>
        %dma_wait3A_188 = tpu.memref_squeeze %dma_wait3A_187 : memref<1x128xi32, #tpu.memory_space<vmem>> -> memref<128xi32, #tpu.memory_space<vmem>>
        %dma_wait3A_189 = arith.constant 0 : i32
        %dma_wait3A_190 = arith.constant 0 : i32
        %dma_wait3A_191 = tpu.memref_slice %arg2[%dma_wait3A_189, %dma_wait3A_190] : memref<10000x16xf32, #tpu.memory_space<hbm>> -> memref<10000x16xf32, #tpu.memory_space<hbm>>
        tpu.wait_indirect_dma semaphore(%arg20 : memref<!tpu.dma_semaphore, #tpu.memory_space<semaphore_mem>>) src(%dma_wait3A_191 : memref<10000x16xf32, #tpu.memory_space<hbm>>) dst(%arg9 : memref<128x16xf32, #tpu.memory_space<vmem>>)
        %add3A_192 = arith.constant 0 : i32
        %add3A_193 = arith.addi %mul3A_183, %add3A_192 : i32
        %dma_start3A_194 = arith.constant 0 : i32
        %dma_start3A_195 = tpu.memref_slice %arg8[%add3A_193, %dma_start3A_194] : memref<80x128xi32, #tpu.memory_space<vmem>> -> memref<1x128xi32, #tpu.memory_space<vmem>>
        %dma_start3A_196 = tpu.memref_squeeze %dma_start3A_195 : memref<1x128xi32, #tpu.memory_space<vmem>> -> memref<128xi32, #tpu.memory_space<vmem>>
        %dma_start3A_197 = arith.constant 0 : i32
        %dma_start3A_198 = arith.constant 0 : i32
        %dma_start3A_199 = tpu.memref_slice %arg6[%dma_start3A_197, %dma_start3A_198] : memref<10240x16xf32, #tpu.memory_space<vmem_shared>> -> memref<10240x16xf32, #tpu.memory_space<vmem_shared>>
        tpu.enqueue_indirect_dma source(%arg9 : memref<128x16xf32, #tpu.memory_space<vmem>>) target(%dma_start3A_199 : memref<10240x16xf32, #tpu.memory_space<vmem_shared>>) offsets(%dma_start3A_196 : memref<128xi32, #tpu.memory_space<vmem>>) semaphore(%arg30 : memref<!tpu.dma_semaphore, #tpu.memory_space<semaphore_mem>>) {add = true}
        %add3A_200 = arith.constant 1 : i32
        %add3A_201 = arith.addi %mul3A_183, %add3A_200 : i32
        %dma_wait3A_202 = arith.constant 0 : i32
        %dma_wait3A_203 = tpu.memref_slice %arg7[%add3A_201, %dma_wait3A_202] : memref<80x128xi32, #tpu.memory_space<vmem>> -> memref<1x128xi32, #tpu.memory_space<vmem>>
        %dma_wait3A_204 = tpu.memref_squeeze %dma_wait3A_203 : memref<1x128xi32, #tpu.memory_space<vmem>> -> memref<128xi32, #tpu.memory_space<vmem>>
        %dma_wait3A_205 = arith.constant 0 : i32
        %dma_wait3A_206 = arith.constant 0 : i32
        %dma_wait3A_207 = tpu.memref_slice %arg2[%dma_wait3A_205, %dma_wait3A_206] : memref<10000x16xf32, #tpu.memory_space<hbm>> -> memref<10000x16xf32, #tpu.memory_space<hbm>>
        tpu.wait_indirect_dma semaphore(%arg21 : memref<!tpu.dma_semaphore, #tpu.memory_space<semaphore_mem>>) src(%dma_wait3A_207 : memref<10000x16xf32, #tpu.memory_space<hbm>>) dst(%arg10 : memref<128x16xf32, #tpu.memory_space<vmem>>)
        %add3A_208 = arith.constant 1 : i32
        %add3A_209 = arith.addi %mul3A_183, %add3A_208 : i32
        %dma_start3A_210 = arith.constant 0 : i32
        %dma_start3A_211 = tpu.memref_slice %arg8[%add3A_209, %dma_start3A_210] : memref<80x128xi32, #tpu.memory_space<vmem>> -> memref<1x128xi32, #tpu.memory_space<vmem>>
        %dma_start3A_212 = tpu.memref_squeeze %dma_start3A_211 : memref<1x128xi32, #tpu.memory_space<vmem>> -> memref<128xi32, #tpu.memory_space<vmem>>
        %dma_start3A_213 = arith.constant 0 : i32
        %dma_start3A_214 = arith.constant 0 : i32
        %dma_start3A_215 = tpu.memref_slice %arg6[%dma_start3A_213, %dma_start3A_214] : memref<10240x16xf32, #tpu.memory_space<vmem_shared>> -> memref<10240x16xf32, #tpu.memory_space<vmem_shared>>
        tpu.enqueue_indirect_dma source(%arg10 : memref<128x16xf32, #tpu.memory_space<vmem>>) target(%dma_start3A_215 : memref<10240x16xf32, #tpu.memory_space<vmem_shared>>) offsets(%dma_start3A_212 : memref<128xi32, #tpu.memory_space<vmem>>) semaphore(%arg31 : memref<!tpu.dma_semaphore, #tpu.memory_space<semaphore_mem>>) {add = true}
        %add3A_216 = arith.constant 2 : i32
        %add3A_217 = arith.addi %mul3A_183, %add3A_216 : i32
        %dma_wait3A_218 = arith.constant 0 : i32
        %dma_wait3A_219 = tpu.memref_slice %arg7[%add3A_217, %dma_wait3A_218] : memref<80x128xi32, #tpu.memory_space<vmem>> -> memref<1x128xi32, #tpu.memory_space<vmem>>
        %dma_wait3A_220 = tpu.memref_squeeze %dma_wait3A_219 : memref<1x128xi32, #tpu.memory_space<vmem>> -> memref<128xi32, #tpu.memory_space<vmem>>
        %dma_wait3A_221 = arith.constant 0 : i32
        %dma_wait3A_222 = arith.constant 0 : i32
        %dma_wait3A_223 = tpu.memref_slice %arg2[%dma_wait3A_221, %dma_wait3A_222] : memref<10000x16xf32, #tpu.memory_space<hbm>> -> memref<10000x16xf32, #tpu.memory_space<hbm>>
        tpu.wait_indirect_dma semaphore(%arg22 : memref<!tpu.dma_semaphore, #tpu.memory_space<semaphore_mem>>) src(%dma_wait3A_223 : memref<10000x16xf32, #tpu.memory_space<hbm>>) dst(%arg11 : memref<128x16xf32, #tpu.memory_space<vmem>>)
        %add3A_224 = arith.constant 2 : i32
        %add3A_225 = arith.addi %mul3A_183, %add3A_224 : i32
        %dma_start3A_226 = arith.constant 0 : i32
        %dma_start3A_227 = tpu.memref_slice %arg8[%add3A_225, %dma_start3A_226] : memref<80x128xi32, #tpu.memory_space<vmem>> -> memref<1x128xi32, #tpu.memory_space<vmem>>
        %dma_start3A_228 = tpu.memref_squeeze %dma_start3A_227 : memref<1x128xi32, #tpu.memory_space<vmem>> -> memref<128xi32, #tpu.memory_space<vmem>>
        %dma_start3A_229 = arith.constant 0 : i32
        %dma_start3A_230 = arith.constant 0 : i32
        %dma_start3A_231 = tpu.memref_slice %arg6[%dma_start3A_229, %dma_start3A_230] : memref<10240x16xf32, #tpu.memory_space<vmem_shared>> -> memref<10240x16xf32, #tpu.memory_space<vmem_shared>>
        tpu.enqueue_indirect_dma source(%arg11 : memref<128x16xf32, #tpu.memory_space<vmem>>) target(%dma_start3A_231 : memref<10240x16xf32, #tpu.memory_space<vmem_shared>>) offsets(%dma_start3A_228 : memref<128xi32, #tpu.memory_space<vmem>>) semaphore(%arg32 : memref<!tpu.dma_semaphore, #tpu.memory_space<semaphore_mem>>) {add = true}
        %add3A_232 = arith.constant 3 : i32
        %add3A_233 = arith.addi %mul3A_183, %add3A_232 : i32
        %dma_wait3A_234 = arith.constant 0 : i32
        %dma_wait3A_235 = tpu.memref_slice %arg7[%add3A_233, %dma_wait3A_234] : memref<80x128xi32, #tpu.memory_space<vmem>> -> memref<1x128xi32, #tpu.memory_space<vmem>>
        %dma_wait3A_236 = tpu.memref_squeeze %dma_wait3A_235 : memref<1x128xi32, #tpu.memory_space<vmem>> -> memref<128xi32, #tpu.memory_space<vmem>>
        %dma_wait3A_237 = arith.constant 0 : i32
        %dma_wait3A_238 = arith.constant 0 : i32
        %dma_wait3A_239 = tpu.memref_slice %arg2[%dma_wait3A_237, %dma_wait3A_238] : memref<10000x16xf32, #tpu.memory_space<hbm>> -> memref<10000x16xf32, #tpu.memory_space<hbm>>
        tpu.wait_indirect_dma semaphore(%arg23 : memref<!tpu.dma_semaphore, #tpu.memory_space<semaphore_mem>>) src(%dma_wait3A_239 : memref<10000x16xf32, #tpu.memory_space<hbm>>) dst(%arg12 : memref<128x16xf32, #tpu.memory_space<vmem>>)
        %add3A_240 = arith.constant 3 : i32
        %add3A_241 = arith.addi %mul3A_183, %add3A_240 : i32
        %dma_start3A_242 = arith.constant 0 : i32
        %dma_start3A_243 = tpu.memref_slice %arg8[%add3A_241, %dma_start3A_242] : memref<80x128xi32, #tpu.memory_space<vmem>> -> memref<1x128xi32, #tpu.memory_space<vmem>>
        %dma_start3A_244 = tpu.memref_squeeze %dma_start3A_243 : memref<1x128xi32, #tpu.memory_space<vmem>> -> memref<128xi32, #tpu.memory_space<vmem>>
        %dma_start3A_245 = arith.constant 0 : i32
        %dma_start3A_246 = arith.constant 0 : i32
        %dma_start3A_247 = tpu.memref_slice %arg6[%dma_start3A_245, %dma_start3A_246] : memref<10240x16xf32, #tpu.memory_space<vmem_shared>> -> memref<10240x16xf32, #tpu.memory_space<vmem_shared>>
        tpu.enqueue_indirect_dma source(%arg12 : memref<128x16xf32, #tpu.memory_space<vmem>>) target(%dma_start3A_247 : memref<10240x16xf32, #tpu.memory_space<vmem_shared>>) offsets(%dma_start3A_244 : memref<128xi32, #tpu.memory_space<vmem>>) semaphore(%arg33 : memref<!tpu.dma_semaphore, #tpu.memory_space<semaphore_mem>>) {add = true}
        %add3A_248 = arith.constant 4 : i32
        %add3A_249 = arith.addi %mul3A_183, %add3A_248 : i32
        %dma_wait3A_250 = arith.constant 0 : i32
        %dma_wait3A_251 = tpu.memref_slice %arg7[%add3A_249, %dma_wait3A_250] : memref<80x128xi32, #tpu.memory_space<vmem>> -> memref<1x128xi32, #tpu.memory_space<vmem>>
        %dma_wait3A_252 = tpu.memref_squeeze %dma_wait3A_251 : memref<1x128xi32, #tpu.memory_space<vmem>> -> memref<128xi32, #tpu.memory_space<vmem>>
        %dma_wait3A_253 = arith.constant 0 : i32
        %dma_wait3A_254 = arith.constant 0 : i32
        %dma_wait3A_255 = tpu.memref_slice %arg2[%dma_wait3A_253, %dma_wait3A_254] : memref<10000x16xf32, #tpu.memory_space<hbm>> -> memref<10000x16xf32, #tpu.memory_space<hbm>>
        tpu.wait_indirect_dma semaphore(%arg24 : memref<!tpu.dma_semaphore, #tpu.memory_space<semaphore_mem>>) src(%dma_wait3A_255 : memref<10000x16xf32, #tpu.memory_space<hbm>>) dst(%arg13 : memref<128x16xf32, #tpu.memory_space<vmem>>)
        %add3A_256 = arith.constant 4 : i32
        %add3A_257 = arith.addi %mul3A_183, %add3A_256 : i32
        %dma_start3A_258 = arith.constant 0 : i32
        %dma_start3A_259 = tpu.memref_slice %arg8[%add3A_257, %dma_start3A_258] : memref<80x128xi32, #tpu.memory_space<vmem>> -> memref<1x128xi32, #tpu.memory_space<vmem>>
        %dma_start3A_260 = tpu.memref_squeeze %dma_start3A_259 : memref<1x128xi32, #tpu.memory_space<vmem>> -> memref<128xi32, #tpu.memory_space<vmem>>
        %dma_start3A_261 = arith.constant 0 : i32
        %dma_start3A_262 = arith.constant 0 : i32
        %dma_start3A_263 = tpu.memref_slice %arg6[%dma_start3A_261, %dma_start3A_262] : memref<10240x16xf32, #tpu.memory_space<vmem_shared>> -> memref<10240x16xf32, #tpu.memory_space<vmem_shared>>
        tpu.enqueue_indirect_dma source(%arg13 : memref<128x16xf32, #tpu.memory_space<vmem>>) target(%dma_start3A_263 : memref<10240x16xf32, #tpu.memory_space<vmem_shared>>) offsets(%dma_start3A_260 : memref<128xi32, #tpu.memory_space<vmem>>) semaphore(%arg34 : memref<!tpu.dma_semaphore, #tpu.memory_space<semaphore_mem>>) {add = true}
        %add3A_264 = arith.constant 5 : i32
        %add3A_265 = arith.addi %mul3A_183, %add3A_264 : i32
        %dma_wait3A_266 = arith.constant 0 : i32
        %dma_wait3A_267 = tpu.memref_slice %arg7[%add3A_265, %dma_wait3A_266] : memref<80x128xi32, #tpu.memory_space<vmem>> -> memref<1x128xi32, #tpu.memory_space<vmem>>
        %dma_wait3A_268 = tpu.memref_squeeze %dma_wait3A_267 : memref<1x128xi32, #tpu.memory_space<vmem>> -> memref<128xi32, #tpu.memory_space<vmem>>
        %dma_wait3A_269 = arith.constant 0 : i32
        %dma_wait3A_270 = arith.constant 0 : i32
        %dma_wait3A_271 = tpu.memref_slice %arg2[%dma_wait3A_269, %dma_wait3A_270] : memref<10000x16xf32, #tpu.memory_space<hbm>> -> memref<10000x16xf32, #tpu.memory_space<hbm>>
        tpu.wait_indirect_dma semaphore(%arg25 : memref<!tpu.dma_semaphore, #tpu.memory_space<semaphore_mem>>) src(%dma_wait3A_271 : memref<10000x16xf32, #tpu.memory_space<hbm>>) dst(%arg14 : memref<128x16xf32, #tpu.memory_space<vmem>>)
        %add3A_272 = arith.constant 5 : i32
        %add3A_273 = arith.addi %mul3A_183, %add3A_272 : i32
        %dma_start3A_274 = arith.constant 0 : i32
        %dma_start3A_275 = tpu.memref_slice %arg8[%add3A_273, %dma_start3A_274] : memref<80x128xi32, #tpu.memory_space<vmem>> -> memref<1x128xi32, #tpu.memory_space<vmem>>
        %dma_start3A_276 = tpu.memref_squeeze %dma_start3A_275 : memref<1x128xi32, #tpu.memory_space<vmem>> -> memref<128xi32, #tpu.memory_space<vmem>>
        %dma_start3A_277 = arith.constant 0 : i32
        %dma_start3A_278 = arith.constant 0 : i32
        %dma_start3A_279 = tpu.memref_slice %arg6[%dma_start3A_277, %dma_start3A_278] : memref<10240x16xf32, #tpu.memory_space<vmem_shared>> -> memref<10240x16xf32, #tpu.memory_space<vmem_shared>>
        tpu.enqueue_indirect_dma source(%arg14 : memref<128x16xf32, #tpu.memory_space<vmem>>) target(%dma_start3A_279 : memref<10240x16xf32, #tpu.memory_space<vmem_shared>>) offsets(%dma_start3A_276 : memref<128xi32, #tpu.memory_space<vmem>>) semaphore(%arg35 : memref<!tpu.dma_semaphore, #tpu.memory_space<semaphore_mem>>) {add = true}
        %add3A_280 = arith.constant 6 : i32
        %add3A_281 = arith.addi %mul3A_183, %add3A_280 : i32
        %dma_wait3A_282 = arith.constant 0 : i32
        %dma_wait3A_283 = tpu.memref_slice %arg7[%add3A_281, %dma_wait3A_282] : memref<80x128xi32, #tpu.memory_space<vmem>> -> memref<1x128xi32, #tpu.memory_space<vmem>>
        %dma_wait3A_284 = tpu.memref_squeeze %dma_wait3A_283 : memref<1x128xi32, #tpu.memory_space<vmem>> -> memref<128xi32, #tpu.memory_space<vmem>>
        %dma_wait3A_285 = arith.constant 0 : i32
        %dma_wait3A_286 = arith.constant 0 : i32
        %dma_wait3A_287 = tpu.memref_slice %arg2[%dma_wait3A_285, %dma_wait3A_286] : memref<10000x16xf32, #tpu.memory_space<hbm>> -> memref<10000x16xf32, #tpu.memory_space<hbm>>
        tpu.wait_indirect_dma semaphore(%arg26 : memref<!tpu.dma_semaphore, #tpu.memory_space<semaphore_mem>>) src(%dma_wait3A_287 : memref<10000x16xf32, #tpu.memory_space<hbm>>) dst(%arg15 : memref<128x16xf32, #tpu.memory_space<vmem>>)
        %add3A_288 = arith.constant 6 : i32
        %add3A_289 = arith.addi %mul3A_183, %add3A_288 : i32
        %dma_start3A_290 = arith.constant 0 : i32
        %dma_start3A_291 = tpu.memref_slice %arg8[%add3A_289, %dma_start3A_290] : memref<80x128xi32, #tpu.memory_space<vmem>> -> memref<1x128xi32, #tpu.memory_space<vmem>>
        %dma_start3A_292 = tpu.memref_squeeze %dma_start3A_291 : memref<1x128xi32, #tpu.memory_space<vmem>> -> memref<128xi32, #tpu.memory_space<vmem>>
        %dma_start3A_293 = arith.constant 0 : i32
        %dma_start3A_294 = arith.constant 0 : i32
        %dma_start3A_295 = tpu.memref_slice %arg6[%dma_start3A_293, %dma_start3A_294] : memref<10240x16xf32, #tpu.memory_space<vmem_shared>> -> memref<10240x16xf32, #tpu.memory_space<vmem_shared>>
        tpu.enqueue_indirect_dma source(%arg15 : memref<128x16xf32, #tpu.memory_space<vmem>>) target(%dma_start3A_295 : memref<10240x16xf32, #tpu.memory_space<vmem_shared>>) offsets(%dma_start3A_292 : memref<128xi32, #tpu.memory_space<vmem>>) semaphore(%arg36 : memref<!tpu.dma_semaphore, #tpu.memory_space<semaphore_mem>>) {add = true}
        %add3A_296 = arith.constant 7 : i32
        %add3A_297 = arith.addi %mul3A_183, %add3A_296 : i32
        %dma_wait3A_298 = arith.constant 0 : i32
        %dma_wait3A_299 = tpu.memref_slice %arg7[%add3A_297, %dma_wait3A_298] : memref<80x128xi32, #tpu.memory_space<vmem>> -> memref<1x128xi32, #tpu.memory_space<vmem>>
        %dma_wait3A_300 = tpu.memref_squeeze %dma_wait3A_299 : memref<1x128xi32, #tpu.memory_space<vmem>> -> memref<128xi32, #tpu.memory_space<vmem>>
        %dma_wait3A_301 = arith.constant 0 : i32
        %dma_wait3A_302 = arith.constant 0 : i32
        %dma_wait3A_303 = tpu.memref_slice %arg2[%dma_wait3A_301, %dma_wait3A_302] : memref<10000x16xf32, #tpu.memory_space<hbm>> -> memref<10000x16xf32, #tpu.memory_space<hbm>>
        tpu.wait_indirect_dma semaphore(%arg27 : memref<!tpu.dma_semaphore, #tpu.memory_space<semaphore_mem>>) src(%dma_wait3A_303 : memref<10000x16xf32, #tpu.memory_space<hbm>>) dst(%arg16 : memref<128x16xf32, #tpu.memory_space<vmem>>)
        %add3A_304 = arith.constant 7 : i32
        %add3A_305 = arith.addi %mul3A_183, %add3A_304 : i32
        %dma_start3A_306 = arith.constant 0 : i32
        %dma_start3A_307 = tpu.memref_slice %arg8[%add3A_305, %dma_start3A_306] : memref<80x128xi32, #tpu.memory_space<vmem>> -> memref<1x128xi32, #tpu.memory_space<vmem>>
        %dma_start3A_308 = tpu.memref_squeeze %dma_start3A_307 : memref<1x128xi32, #tpu.memory_space<vmem>> -> memref<128xi32, #tpu.memory_space<vmem>>
        %dma_start3A_309 = arith.constant 0 : i32
        %dma_start3A_310 = arith.constant 0 : i32
        %dma_start3A_311 = tpu.memref_slice %arg6[%dma_start3A_309, %dma_start3A_310] : memref<10240x16xf32, #tpu.memory_space<vmem_shared>> -> memref<10240x16xf32, #tpu.memory_space<vmem_shared>>
        tpu.enqueue_indirect_dma source(%arg16 : memref<128x16xf32, #tpu.memory_space<vmem>>) target(%dma_start3A_311 : memref<10240x16xf32, #tpu.memory_space<vmem_shared>>) offsets(%dma_start3A_308 : memref<128xi32, #tpu.memory_space<vmem>>) semaphore(%arg37 : memref<!tpu.dma_semaphore, #tpu.memory_space<semaphore_mem>>) {add = true}
        %add3A_312 = arith.constant 8 : i32
        %add3A_313 = arith.addi %mul3A_183, %add3A_312 : i32
        %dma_wait3A_314 = arith.constant 0 : i32
        %dma_wait3A_315 = tpu.memref_slice %arg7[%add3A_313, %dma_wait3A_314] : memref<80x128xi32, #tpu.memory_space<vmem>> -> memref<1x128xi32, #tpu.memory_space<vmem>>
        %dma_wait3A_316 = tpu.memref_squeeze %dma_wait3A_315 : memref<1x128xi32, #tpu.memory_space<vmem>> -> memref<128xi32, #tpu.memory_space<vmem>>
        %dma_wait3A_317 = arith.constant 0 : i32
        %dma_wait3A_318 = arith.constant 0 : i32
        %dma_wait3A_319 = tpu.memref_slice %arg2[%dma_wait3A_317, %dma_wait3A_318] : memref<10000x16xf32, #tpu.memory_space<hbm>> -> memref<10000x16xf32, #tpu.memory_space<hbm>>
        tpu.wait_indirect_dma semaphore(%arg28 : memref<!tpu.dma_semaphore, #tpu.memory_space<semaphore_mem>>) src(%dma_wait3A_319 : memref<10000x16xf32, #tpu.memory_space<hbm>>) dst(%arg17 : memref<128x16xf32, #tpu.memory_space<vmem>>)
        %add3A_320 = arith.constant 8 : i32
        %add3A_321 = arith.addi %mul3A_183, %add3A_320 : i32
        %dma_start3A_322 = arith.constant 0 : i32
        %dma_start3A_323 = tpu.memref_slice %arg8[%add3A_321, %dma_start3A_322] : memref<80x128xi32, #tpu.memory_space<vmem>> -> memref<1x128xi32, #tpu.memory_space<vmem>>
        %dma_start3A_324 = tpu.memref_squeeze %dma_start3A_323 : memref<1x128xi32, #tpu.memory_space<vmem>> -> memref<128xi32, #tpu.memory_space<vmem>>
        %dma_start3A_325 = arith.constant 0 : i32
        %dma_start3A_326 = arith.constant 0 : i32
        %dma_start3A_327 = tpu.memref_slice %arg6[%dma_start3A_325, %dma_start3A_326] : memref<10240x16xf32, #tpu.memory_space<vmem_shared>> -> memref<10240x16xf32, #tpu.memory_space<vmem_shared>>
        tpu.enqueue_indirect_dma source(%arg17 : memref<128x16xf32, #tpu.memory_space<vmem>>) target(%dma_start3A_327 : memref<10240x16xf32, #tpu.memory_space<vmem_shared>>) offsets(%dma_start3A_324 : memref<128xi32, #tpu.memory_space<vmem>>) semaphore(%arg38 : memref<!tpu.dma_semaphore, #tpu.memory_space<semaphore_mem>>) {add = true}
        %add3A_328 = arith.constant 9 : i32
        %add3A_329 = arith.addi %mul3A_183, %add3A_328 : i32
        %dma_wait3A_330 = arith.constant 0 : i32
        %dma_wait3A_331 = tpu.memref_slice %arg7[%add3A_329, %dma_wait3A_330] : memref<80x128xi32, #tpu.memory_space<vmem>> -> memref<1x128xi32, #tpu.memory_space<vmem>>
        %dma_wait3A_332 = tpu.memref_squeeze %dma_wait3A_331 : memref<1x128xi32, #tpu.memory_space<vmem>> -> memref<128xi32, #tpu.memory_space<vmem>>
        %dma_wait3A_333 = arith.constant 0 : i32
        %dma_wait3A_334 = arith.constant 0 : i32
        %dma_wait3A_335 = tpu.memref_slice %arg2[%dma_wait3A_333, %dma_wait3A_334] : memref<10000x16xf32, #tpu.memory_space<hbm>> -> memref<10000x16xf32, #tpu.memory_space<hbm>>
        tpu.wait_indirect_dma semaphore(%arg29 : memref<!tpu.dma_semaphore, #tpu.memory_space<semaphore_mem>>) src(%dma_wait3A_335 : memref<10000x16xf32, #tpu.memory_space<hbm>>) dst(%arg18 : memref<128x16xf32, #tpu.memory_space<vmem>>)
        %add3A_336 = arith.constant 9 : i32
        %add3A_337 = arith.addi %mul3A_183, %add3A_336 : i32
        %dma_start3A_338 = arith.constant 0 : i32
        %dma_start3A_339 = tpu.memref_slice %arg8[%add3A_337, %dma_start3A_338] : memref<80x128xi32, #tpu.memory_space<vmem>> -> memref<1x128xi32, #tpu.memory_space<vmem>>
        %dma_start3A_340 = tpu.memref_squeeze %dma_start3A_339 : memref<1x128xi32, #tpu.memory_space<vmem>> -> memref<128xi32, #tpu.memory_space<vmem>>
        %dma_start3A_341 = arith.constant 0 : i32
        %dma_start3A_342 = arith.constant 0 : i32
        %dma_start3A_343 = tpu.memref_slice %arg6[%dma_start3A_341, %dma_start3A_342] : memref<10240x16xf32, #tpu.memory_space<vmem_shared>> -> memref<10240x16xf32, #tpu.memory_space<vmem_shared>>
        tpu.enqueue_indirect_dma source(%arg18 : memref<128x16xf32, #tpu.memory_space<vmem>>) target(%dma_start3A_343 : memref<10240x16xf32, #tpu.memory_space<vmem_shared>>) offsets(%dma_start3A_340 : memref<128xi32, #tpu.memory_space<vmem>>) semaphore(%arg39 : memref<!tpu.dma_semaphore, #tpu.memory_space<semaphore_mem>>) {add = true}
        %add3A_344 = arith.constant 0 : i32
        %add3A_345 = arith.addi %mul3A_183, %add3A_344 : i32
        %dma_wait3A_346 = arith.constant 0 : i32
        %dma_wait3A_347 = tpu.memref_slice %arg8[%add3A_345, %dma_wait3A_346] : memref<80x128xi32, #tpu.memory_space<vmem>> -> memref<1x128xi32, #tpu.memory_space<vmem>>
        %dma_wait3A_348 = tpu.memref_squeeze %dma_wait3A_347 : memref<1x128xi32, #tpu.memory_space<vmem>> -> memref<128xi32, #tpu.memory_space<vmem>>
        %dma_wait3A_349 = arith.constant 0 : i32
        %dma_wait3A_350 = arith.constant 0 : i32
        %dma_wait3A_351 = tpu.memref_slice %arg6[%dma_wait3A_349, %dma_wait3A_350] : memref<10240x16xf32, #tpu.memory_space<vmem_shared>> -> memref<10240x16xf32, #tpu.memory_space<vmem_shared>>
        tpu.wait_indirect_dma semaphore(%arg30 : memref<!tpu.dma_semaphore, #tpu.memory_space<semaphore_mem>>) src(%arg9 : memref<128x16xf32, #tpu.memory_space<vmem>>) dst(%dma_wait3A_351 : memref<10240x16xf32, #tpu.memory_space<vmem_shared>>)
        %add3A_352 = arith.constant 10 : i32
        %add3A_353 = arith.addi %mul3A_183, %add3A_352 : i32
        %add3A_354 = arith.constant 0 : i32
        %add3A_355 = arith.addi %add3A_353, %add3A_354 : i32
        %dma_start3A_356 = arith.constant 0 : i32
        %dma_start3A_357 = tpu.memref_slice %arg7[%add3A_355, %dma_start3A_356] : memref<80x128xi32, #tpu.memory_space<vmem>> -> memref<1x128xi32, #tpu.memory_space<vmem>>
        %dma_start3A_358 = tpu.memref_squeeze %dma_start3A_357 : memref<1x128xi32, #tpu.memory_space<vmem>> -> memref<128xi32, #tpu.memory_space<vmem>>
        %dma_start3A_359 = arith.constant 0 : i32
        %dma_start3A_360 = arith.constant 0 : i32
        %dma_start3A_361 = tpu.memref_slice %arg2[%dma_start3A_359, %dma_start3A_360] : memref<10000x16xf32, #tpu.memory_space<hbm>> -> memref<10000x16xf32, #tpu.memory_space<hbm>>
        tpu.enqueue_indirect_dma source(%dma_start3A_361 : memref<10000x16xf32, #tpu.memory_space<hbm>>) target(%arg9 : memref<128x16xf32, #tpu.memory_space<vmem>>) offsets(%dma_start3A_358 : memref<128xi32, #tpu.memory_space<vmem>>) semaphore(%arg20 : memref<!tpu.dma_semaphore, #tpu.memory_space<semaphore_mem>>)
        %add3A_362 = arith.constant 1 : i32
        %add3A_363 = arith.addi %mul3A_183, %add3A_362 : i32
        %dma_wait3A_364 = arith.constant 0 : i32
        %dma_wait3A_365 = tpu.memref_slice %arg8[%add3A_363, %dma_wait3A_364] : memref<80x128xi32, #tpu.memory_space<vmem>> -> memref<1x128xi32, #tpu.memory_space<vmem>>
        %dma_wait3A_366 = tpu.memref_squeeze %dma_wait3A_365 : memref<1x128xi32, #tpu.memory_space<vmem>> -> memref<128xi32, #tpu.memory_space<vmem>>
        %dma_wait3A_367 = arith.constant 0 : i32
        %dma_wait3A_368 = arith.constant 0 : i32
        %dma_wait3A_369 = tpu.memref_slice %arg6[%dma_wait3A_367, %dma_wait3A_368] : memref<10240x16xf32, #tpu.memory_space<vmem_shared>> -> memref<10240x16xf32, #tpu.memory_space<vmem_shared>>
        tpu.wait_indirect_dma semaphore(%arg31 : memref<!tpu.dma_semaphore, #tpu.memory_space<semaphore_mem>>) src(%arg10 : memref<128x16xf32, #tpu.memory_space<vmem>>) dst(%dma_wait3A_369 : memref<10240x16xf32, #tpu.memory_space<vmem_shared>>)
        %add3A_370 = arith.constant 10 : i32
        %add3A_371 = arith.addi %mul3A_183, %add3A_370 : i32
        %add3A_372 = arith.constant 1 : i32
        %add3A_373 = arith.addi %add3A_371, %add3A_372 : i32
        %dma_start3A_374 = arith.constant 0 : i32
        %dma_start3A_375 = tpu.memref_slice %arg7[%add3A_373, %dma_start3A_374] : memref<80x128xi32, #tpu.memory_space<vmem>> -> memref<1x128xi32, #tpu.memory_space<vmem>>
        %dma_start3A_376 = tpu.memref_squeeze %dma_start3A_375 : memref<1x128xi32, #tpu.memory_space<vmem>> -> memref<128xi32, #tpu.memory_space<vmem>>
        %dma_start3A_377 = arith.constant 0 : i32
        %dma_start3A_378 = arith.constant 0 : i32
        %dma_start3A_379 = tpu.memref_slice %arg2[%dma_start3A_377, %dma_start3A_378] : memref<10000x16xf32, #tpu.memory_space<hbm>> -> memref<10000x16xf32, #tpu.memory_space<hbm>>
        tpu.enqueue_indirect_dma source(%dma_start3A_379 : memref<10000x16xf32, #tpu.memory_space<hbm>>) target(%arg10 : memref<128x16xf32, #tpu.memory_space<vmem>>) offsets(%dma_start3A_376 : memref<128xi32, #tpu.memory_space<vmem>>) semaphore(%arg21 : memref<!tpu.dma_semaphore, #tpu.memory_space<semaphore_mem>>)
        %add3A_380 = arith.constant 2 : i32
        %add3A_381 = arith.addi %mul3A_183, %add3A_380 : i32
        %dma_wait3A_382 = arith.constant 0 : i32
        %dma_wait3A_383 = tpu.memref_slice %arg8[%add3A_381, %dma_wait3A_382] : memref<80x128xi32, #tpu.memory_space<vmem>> -> memref<1x128xi32, #tpu.memory_space<vmem>>
        %dma_wait3A_384 = tpu.memref_squeeze %dma_wait3A_383 : memref<1x128xi32, #tpu.memory_space<vmem>> -> memref<128xi32, #tpu.memory_space<vmem>>
        %dma_wait3A_385 = arith.constant 0 : i32
        %dma_wait3A_386 = arith.constant 0 : i32
        %dma_wait3A_387 = tpu.memref_slice %arg6[%dma_wait3A_385, %dma_wait3A_386] : memref<10240x16xf32, #tpu.memory_space<vmem_shared>> -> memref<10240x16xf32, #tpu.memory_space<vmem_shared>>
        tpu.wait_indirect_dma semaphore(%arg32 : memref<!tpu.dma_semaphore, #tpu.memory_space<semaphore_mem>>) src(%arg11 : memref<128x16xf32, #tpu.memory_space<vmem>>) dst(%dma_wait3A_387 : memref<10240x16xf32, #tpu.memory_space<vmem_shared>>)
        %add3A_388 = arith.constant 10 : i32
        %add3A_389 = arith.addi %mul3A_183, %add3A_388 : i32
        %add3A_390 = arith.constant 2 : i32
        %add3A_391 = arith.addi %add3A_389, %add3A_390 : i32
        %dma_start3A_392 = arith.constant 0 : i32
        %dma_start3A_393 = tpu.memref_slice %arg7[%add3A_391, %dma_start3A_392] : memref<80x128xi32, #tpu.memory_space<vmem>> -> memref<1x128xi32, #tpu.memory_space<vmem>>
        %dma_start3A_394 = tpu.memref_squeeze %dma_start3A_393 : memref<1x128xi32, #tpu.memory_space<vmem>> -> memref<128xi32, #tpu.memory_space<vmem>>
        %dma_start3A_395 = arith.constant 0 : i32
        %dma_start3A_396 = arith.constant 0 : i32
        %dma_start3A_397 = tpu.memref_slice %arg2[%dma_start3A_395, %dma_start3A_396] : memref<10000x16xf32, #tpu.memory_space<hbm>> -> memref<10000x16xf32, #tpu.memory_space<hbm>>
        tpu.enqueue_indirect_dma source(%dma_start3A_397 : memref<10000x16xf32, #tpu.memory_space<hbm>>) target(%arg11 : memref<128x16xf32, #tpu.memory_space<vmem>>) offsets(%dma_start3A_394 : memref<128xi32, #tpu.memory_space<vmem>>) semaphore(%arg22 : memref<!tpu.dma_semaphore, #tpu.memory_space<semaphore_mem>>)
        %add3A_398 = arith.constant 3 : i32
        %add3A_399 = arith.addi %mul3A_183, %add3A_398 : i32
        %dma_wait3A_400 = arith.constant 0 : i32
        %dma_wait3A_401 = tpu.memref_slice %arg8[%add3A_399, %dma_wait3A_400] : memref<80x128xi32, #tpu.memory_space<vmem>> -> memref<1x128xi32, #tpu.memory_space<vmem>>
        %dma_wait3A_402 = tpu.memref_squeeze %dma_wait3A_401 : memref<1x128xi32, #tpu.memory_space<vmem>> -> memref<128xi32, #tpu.memory_space<vmem>>
        %dma_wait3A_403 = arith.constant 0 : i32
        %dma_wait3A_404 = arith.constant 0 : i32
        %dma_wait3A_405 = tpu.memref_slice %arg6[%dma_wait3A_403, %dma_wait3A_404] : memref<10240x16xf32, #tpu.memory_space<vmem_shared>> -> memref<10240x16xf32, #tpu.memory_space<vmem_shared>>
        tpu.wait_indirect_dma semaphore(%arg33 : memref<!tpu.dma_semaphore, #tpu.memory_space<semaphore_mem>>) src(%arg12 : memref<128x16xf32, #tpu.memory_space<vmem>>) dst(%dma_wait3A_405 : memref<10240x16xf32, #tpu.memory_space<vmem_shared>>)
        %add3A_406 = arith.constant 10 : i32
        %add3A_407 = arith.addi %mul3A_183, %add3A_406 : i32
        %add3A_408 = arith.constant 3 : i32
        %add3A_409 = arith.addi %add3A_407, %add3A_408 : i32
        %dma_start3A_410 = arith.constant 0 : i32
        %dma_start3A_411 = tpu.memref_slice %arg7[%add3A_409, %dma_start3A_410] : memref<80x128xi32, #tpu.memory_space<vmem>> -> memref<1x128xi32, #tpu.memory_space<vmem>>
        %dma_start3A_412 = tpu.memref_squeeze %dma_start3A_411 : memref<1x128xi32, #tpu.memory_space<vmem>> -> memref<128xi32, #tpu.memory_space<vmem>>
        %dma_start3A_413 = arith.constant 0 : i32
        %dma_start3A_414 = arith.constant 0 : i32
        %dma_start3A_415 = tpu.memref_slice %arg2[%dma_start3A_413, %dma_start3A_414] : memref<10000x16xf32, #tpu.memory_space<hbm>> -> memref<10000x16xf32, #tpu.memory_space<hbm>>
        tpu.enqueue_indirect_dma source(%dma_start3A_415 : memref<10000x16xf32, #tpu.memory_space<hbm>>) target(%arg12 : memref<128x16xf32, #tpu.memory_space<vmem>>) offsets(%dma_start3A_412 : memref<128xi32, #tpu.memory_space<vmem>>) semaphore(%arg23 : memref<!tpu.dma_semaphore, #tpu.memory_space<semaphore_mem>>)
        %add3A_416 = arith.constant 4 : i32
        %add3A_417 = arith.addi %mul3A_183, %add3A_416 : i32
        %dma_wait3A_418 = arith.constant 0 : i32
        %dma_wait3A_419 = tpu.memref_slice %arg8[%add3A_417, %dma_wait3A_418] : memref<80x128xi32, #tpu.memory_space<vmem>> -> memref<1x128xi32, #tpu.memory_space<vmem>>
        %dma_wait3A_420 = tpu.memref_squeeze %dma_wait3A_419 : memref<1x128xi32, #tpu.memory_space<vmem>> -> memref<128xi32, #tpu.memory_space<vmem>>
        %dma_wait3A_421 = arith.constant 0 : i32
        %dma_wait3A_422 = arith.constant 0 : i32
        %dma_wait3A_423 = tpu.memref_slice %arg6[%dma_wait3A_421, %dma_wait3A_422] : memref<10240x16xf32, #tpu.memory_space<vmem_shared>> -> memref<10240x16xf32, #tpu.memory_space<vmem_shared>>
        tpu.wait_indirect_dma semaphore(%arg34 : memref<!tpu.dma_semaphore, #tpu.memory_space<semaphore_mem>>) src(%arg13 : memref<128x16xf32, #tpu.memory_space<vmem>>) dst(%dma_wait3A_423 : memref<10240x16xf32, #tpu.memory_space<vmem_shared>>)
        %add3A_424 = arith.constant 10 : i32
        %add3A_425 = arith.addi %mul3A_183, %add3A_424 : i32
        %add3A_426 = arith.constant 4 : i32
        %add3A_427 = arith.addi %add3A_425, %add3A_426 : i32
        %dma_start3A_428 = arith.constant 0 : i32
        %dma_start3A_429 = tpu.memref_slice %arg7[%add3A_427, %dma_start3A_428] : memref<80x128xi32, #tpu.memory_space<vmem>> -> memref<1x128xi32, #tpu.memory_space<vmem>>
        %dma_start3A_430 = tpu.memref_squeeze %dma_start3A_429 : memref<1x128xi32, #tpu.memory_space<vmem>> -> memref<128xi32, #tpu.memory_space<vmem>>
        %dma_start3A_431 = arith.constant 0 : i32
        %dma_start3A_432 = arith.constant 0 : i32
        %dma_start3A_433 = tpu.memref_slice %arg2[%dma_start3A_431, %dma_start3A_432] : memref<10000x16xf32, #tpu.memory_space<hbm>> -> memref<10000x16xf32, #tpu.memory_space<hbm>>
        tpu.enqueue_indirect_dma source(%dma_start3A_433 : memref<10000x16xf32, #tpu.memory_space<hbm>>) target(%arg13 : memref<128x16xf32, #tpu.memory_space<vmem>>) offsets(%dma_start3A_430 : memref<128xi32, #tpu.memory_space<vmem>>) semaphore(%arg24 : memref<!tpu.dma_semaphore, #tpu.memory_space<semaphore_mem>>)
        %add3A_434 = arith.constant 5 : i32
        %add3A_435 = arith.addi %mul3A_183, %add3A_434 : i32
        %dma_wait3A_436 = arith.constant 0 : i32
        %dma_wait3A_437 = tpu.memref_slice %arg8[%add3A_435, %dma_wait3A_436] : memref<80x128xi32, #tpu.memory_space<vmem>> -> memref<1x128xi32, #tpu.memory_space<vmem>>
        %dma_wait3A_438 = tpu.memref_squeeze %dma_wait3A_437 : memref<1x128xi32, #tpu.memory_space<vmem>> -> memref<128xi32, #tpu.memory_space<vmem>>
        %dma_wait3A_439 = arith.constant 0 : i32
        %dma_wait3A_440 = arith.constant 0 : i32
        %dma_wait3A_441 = tpu.memref_slice %arg6[%dma_wait3A_439, %dma_wait3A_440] : memref<10240x16xf32, #tpu.memory_space<vmem_shared>> -> memref<10240x16xf32, #tpu.memory_space<vmem_shared>>
        tpu.wait_indirect_dma semaphore(%arg35 : memref<!tpu.dma_semaphore, #tpu.memory_space<semaphore_mem>>) src(%arg14 : memref<128x16xf32, #tpu.memory_space<vmem>>) dst(%dma_wait3A_441 : memref<10240x16xf32, #tpu.memory_space<vmem_shared>>)
        %add3A_442 = arith.constant 10 : i32
        %add3A_443 = arith.addi %mul3A_183, %add3A_442 : i32
        %add3A_444 = arith.constant 5 : i32
        %add3A_445 = arith.addi %add3A_443, %add3A_444 : i32
        %dma_start3A_446 = arith.constant 0 : i32
        %dma_start3A_447 = tpu.memref_slice %arg7[%add3A_445, %dma_start3A_446] : memref<80x128xi32, #tpu.memory_space<vmem>> -> memref<1x128xi32, #tpu.memory_space<vmem>>
        %dma_start3A_448 = tpu.memref_squeeze %dma_start3A_447 : memref<1x128xi32, #tpu.memory_space<vmem>> -> memref<128xi32, #tpu.memory_space<vmem>>
        %dma_start3A_449 = arith.constant 0 : i32
        %dma_start3A_450 = arith.constant 0 : i32
        %dma_start3A_451 = tpu.memref_slice %arg2[%dma_start3A_449, %dma_start3A_450] : memref<10000x16xf32, #tpu.memory_space<hbm>> -> memref<10000x16xf32, #tpu.memory_space<hbm>>
        tpu.enqueue_indirect_dma source(%dma_start3A_451 : memref<10000x16xf32, #tpu.memory_space<hbm>>) target(%arg14 : memref<128x16xf32, #tpu.memory_space<vmem>>) offsets(%dma_start3A_448 : memref<128xi32, #tpu.memory_space<vmem>>) semaphore(%arg25 : memref<!tpu.dma_semaphore, #tpu.memory_space<semaphore_mem>>)
        %add3A_452 = arith.constant 6 : i32
        %add3A_453 = arith.addi %mul3A_183, %add3A_452 : i32
        %dma_wait3A_454 = arith.constant 0 : i32
        %dma_wait3A_455 = tpu.memref_slice %arg8[%add3A_453, %dma_wait3A_454] : memref<80x128xi32, #tpu.memory_space<vmem>> -> memref<1x128xi32, #tpu.memory_space<vmem>>
        %dma_wait3A_456 = tpu.memref_squeeze %dma_wait3A_455 : memref<1x128xi32, #tpu.memory_space<vmem>> -> memref<128xi32, #tpu.memory_space<vmem>>
        %dma_wait3A_457 = arith.constant 0 : i32
        %dma_wait3A_458 = arith.constant 0 : i32
        %dma_wait3A_459 = tpu.memref_slice %arg6[%dma_wait3A_457, %dma_wait3A_458] : memref<10240x16xf32, #tpu.memory_space<vmem_shared>> -> memref<10240x16xf32, #tpu.memory_space<vmem_shared>>
        tpu.wait_indirect_dma semaphore(%arg36 : memref<!tpu.dma_semaphore, #tpu.memory_space<semaphore_mem>>) src(%arg15 : memref<128x16xf32, #tpu.memory_space<vmem>>) dst(%dma_wait3A_459 : memref<10240x16xf32, #tpu.memory_space<vmem_shared>>)
        %add3A_460 = arith.constant 10 : i32
        %add3A_461 = arith.addi %mul3A_183, %add3A_460 : i32
        %add3A_462 = arith.constant 6 : i32
        %add3A_463 = arith.addi %add3A_461, %add3A_462 : i32
        %dma_start3A_464 = arith.constant 0 : i32
        %dma_start3A_465 = tpu.memref_slice %arg7[%add3A_463, %dma_start3A_464] : memref<80x128xi32, #tpu.memory_space<vmem>> -> memref<1x128xi32, #tpu.memory_space<vmem>>
        %dma_start3A_466 = tpu.memref_squeeze %dma_start3A_465 : memref<1x128xi32, #tpu.memory_space<vmem>> -> memref<128xi32, #tpu.memory_space<vmem>>
        %dma_start3A_467 = arith.constant 0 : i32
        %dma_start3A_468 = arith.constant 0 : i32
        %dma_start3A_469 = tpu.memref_slice %arg2[%dma_start3A_467, %dma_start3A_468] : memref<10000x16xf32, #tpu.memory_space<hbm>> -> memref<10000x16xf32, #tpu.memory_space<hbm>>
        tpu.enqueue_indirect_dma source(%dma_start3A_469 : memref<10000x16xf32, #tpu.memory_space<hbm>>) target(%arg15 : memref<128x16xf32, #tpu.memory_space<vmem>>) offsets(%dma_start3A_466 : memref<128xi32, #tpu.memory_space<vmem>>) semaphore(%arg26 : memref<!tpu.dma_semaphore, #tpu.memory_space<semaphore_mem>>)
        %add3A_470 = arith.constant 7 : i32
        %add3A_471 = arith.addi %mul3A_183, %add3A_470 : i32
        %dma_wait3A_472 = arith.constant 0 : i32
        %dma_wait3A_473 = tpu.memref_slice %arg8[%add3A_471, %dma_wait3A_472] : memref<80x128xi32, #tpu.memory_space<vmem>> -> memref<1x128xi32, #tpu.memory_space<vmem>>
        %dma_wait3A_474 = tpu.memref_squeeze %dma_wait3A_473 : memref<1x128xi32, #tpu.memory_space<vmem>> -> memref<128xi32, #tpu.memory_space<vmem>>
        %dma_wait3A_475 = arith.constant 0 : i32
        %dma_wait3A_476 = arith.constant 0 : i32
        %dma_wait3A_477 = tpu.memref_slice %arg6[%dma_wait3A_475, %dma_wait3A_476] : memref<10240x16xf32, #tpu.memory_space<vmem_shared>> -> memref<10240x16xf32, #tpu.memory_space<vmem_shared>>
        tpu.wait_indirect_dma semaphore(%arg37 : memref<!tpu.dma_semaphore, #tpu.memory_space<semaphore_mem>>) src(%arg16 : memref<128x16xf32, #tpu.memory_space<vmem>>) dst(%dma_wait3A_477 : memref<10240x16xf32, #tpu.memory_space<vmem_shared>>)
        %add3A_478 = arith.constant 10 : i32
        %add3A_479 = arith.addi %mul3A_183, %add3A_478 : i32
        %add3A_480 = arith.constant 7 : i32
        %add3A_481 = arith.addi %add3A_479, %add3A_480 : i32
        %dma_start3A_482 = arith.constant 0 : i32
        %dma_start3A_483 = tpu.memref_slice %arg7[%add3A_481, %dma_start3A_482] : memref<80x128xi32, #tpu.memory_space<vmem>> -> memref<1x128xi32, #tpu.memory_space<vmem>>
        %dma_start3A_484 = tpu.memref_squeeze %dma_start3A_483 : memref<1x128xi32, #tpu.memory_space<vmem>> -> memref<128xi32, #tpu.memory_space<vmem>>
        %dma_start3A_485 = arith.constant 0 : i32
        %dma_start3A_486 = arith.constant 0 : i32
        %dma_start3A_487 = tpu.memref_slice %arg2[%dma_start3A_485, %dma_start3A_486] : memref<10000x16xf32, #tpu.memory_space<hbm>> -> memref<10000x16xf32, #tpu.memory_space<hbm>>
        tpu.enqueue_indirect_dma source(%dma_start3A_487 : memref<10000x16xf32, #tpu.memory_space<hbm>>) target(%arg16 : memref<128x16xf32, #tpu.memory_space<vmem>>) offsets(%dma_start3A_484 : memref<128xi32, #tpu.memory_space<vmem>>) semaphore(%arg27 : memref<!tpu.dma_semaphore, #tpu.memory_space<semaphore_mem>>)
        %add3A_488 = arith.constant 8 : i32
        %add3A_489 = arith.addi %mul3A_183, %add3A_488 : i32
        %dma_wait3A_490 = arith.constant 0 : i32
        %dma_wait3A_491 = tpu.memref_slice %arg8[%add3A_489, %dma_wait3A_490] : memref<80x128xi32, #tpu.memory_space<vmem>> -> memref<1x128xi32, #tpu.memory_space<vmem>>
        %dma_wait3A_492 = tpu.memref_squeeze %dma_wait3A_491 : memref<1x128xi32, #tpu.memory_space<vmem>> -> memref<128xi32, #tpu.memory_space<vmem>>
        %dma_wait3A_493 = arith.constant 0 : i32
        %dma_wait3A_494 = arith.constant 0 : i32
        %dma_wait3A_495 = tpu.memref_slice %arg6[%dma_wait3A_493, %dma_wait3A_494] : memref<10240x16xf32, #tpu.memory_space<vmem_shared>> -> memref<10240x16xf32, #tpu.memory_space<vmem_shared>>
        tpu.wait_indirect_dma semaphore(%arg38 : memref<!tpu.dma_semaphore, #tpu.memory_space<semaphore_mem>>) src(%arg17 : memref<128x16xf32, #tpu.memory_space<vmem>>) dst(%dma_wait3A_495 : memref<10240x16xf32, #tpu.memory_space<vmem_shared>>)
        %add3A_496 = arith.constant 10 : i32
        %add3A_497 = arith.addi %mul3A_183, %add3A_496 : i32
        %add3A_498 = arith.constant 8 : i32
        %add3A_499 = arith.addi %add3A_497, %add3A_498 : i32
        %dma_start3A_500 = arith.constant 0 : i32
        %dma_start3A_501 = tpu.memref_slice %arg7[%add3A_499, %dma_start3A_500] : memref<80x128xi32, #tpu.memory_space<vmem>> -> memref<1x128xi32, #tpu.memory_space<vmem>>
        %dma_start3A_502 = tpu.memref_squeeze %dma_start3A_501 : memref<1x128xi32, #tpu.memory_space<vmem>> -> memref<128xi32, #tpu.memory_space<vmem>>
        %dma_start3A_503 = arith.constant 0 : i32
        %dma_start3A_504 = arith.constant 0 : i32
        %dma_start3A_505 = tpu.memref_slice %arg2[%dma_start3A_503, %dma_start3A_504] : memref<10000x16xf32, #tpu.memory_space<hbm>> -> memref<10000x16xf32, #tpu.memory_space<hbm>>
        tpu.enqueue_indirect_dma source(%dma_start3A_505 : memref<10000x16xf32, #tpu.memory_space<hbm>>) target(%arg17 : memref<128x16xf32, #tpu.memory_space<vmem>>) offsets(%dma_start3A_502 : memref<128xi32, #tpu.memory_space<vmem>>) semaphore(%arg28 : memref<!tpu.dma_semaphore, #tpu.memory_space<semaphore_mem>>)
        %add3A_506 = arith.constant 9 : i32
        %add3A_507 = arith.addi %mul3A_183, %add3A_506 : i32
        %dma_wait3A_508 = arith.constant 0 : i32
        %dma_wait3A_509 = tpu.memref_slice %arg8[%add3A_507, %dma_wait3A_508] : memref<80x128xi32, #tpu.memory_space<vmem>> -> memref<1x128xi32, #tpu.memory_space<vmem>>
        %dma_wait3A_510 = tpu.memref_squeeze %dma_wait3A_509 : memref<1x128xi32, #tpu.memory_space<vmem>> -> memref<128xi32, #tpu.memory_space<vmem>>
        %dma_wait3A_511 = arith.constant 0 : i32
        %dma_wait3A_512 = arith.constant 0 : i32
        %dma_wait3A_513 = tpu.memref_slice %arg6[%dma_wait3A_511, %dma_wait3A_512] : memref<10240x16xf32, #tpu.memory_space<vmem_shared>> -> memref<10240x16xf32, #tpu.memory_space<vmem_shared>>
        tpu.wait_indirect_dma semaphore(%arg39 : memref<!tpu.dma_semaphore, #tpu.memory_space<semaphore_mem>>) src(%arg18 : memref<128x16xf32, #tpu.memory_space<vmem>>) dst(%dma_wait3A_513 : memref<10240x16xf32, #tpu.memory_space<vmem_shared>>)
        %add3A_514 = arith.constant 10 : i32
        %add3A_515 = arith.addi %mul3A_183, %add3A_514 : i32
        %add3A_516 = arith.constant 9 : i32
        %add3A_517 = arith.addi %add3A_515, %add3A_516 : i32
        %dma_start3A_518 = arith.constant 0 : i32
        %dma_start3A_519 = tpu.memref_slice %arg7[%add3A_517, %dma_start3A_518] : memref<80x128xi32, #tpu.memory_space<vmem>> -> memref<1x128xi32, #tpu.memory_space<vmem>>
        %dma_start3A_520 = tpu.memref_squeeze %dma_start3A_519 : memref<1x128xi32, #tpu.memory_space<vmem>> -> memref<128xi32, #tpu.memory_space<vmem>>
        %dma_start3A_521 = arith.constant 0 : i32
        %dma_start3A_522 = arith.constant 0 : i32
        %dma_start3A_523 = tpu.memref_slice %arg2[%dma_start3A_521, %dma_start3A_522] : memref<10000x16xf32, #tpu.memory_space<hbm>> -> memref<10000x16xf32, #tpu.memory_space<hbm>>
        tpu.enqueue_indirect_dma source(%dma_start3A_523 : memref<10000x16xf32, #tpu.memory_space<hbm>>) target(%arg18 : memref<128x16xf32, #tpu.memory_space<vmem>>) offsets(%dma_start3A_520 : memref<128xi32, #tpu.memory_space<vmem>>) semaphore(%arg29 : memref<!tpu.dma_semaphore, #tpu.memory_space<semaphore_mem>>)
        %scan3A_524 = arith.constant 0 : i32
        scf.yield %scan3A_524 : i32
      }
      %scan3A_101 = arith.constant 7 : i32
      %dma_wait3A = arith.constant 70 : i32
      %dma_wait3A_102 = arith.constant 0 : i32
      %dma_wait3A_103 = tpu.memref_slice %arg7[%dma_wait3A, %dma_wait3A_102] : memref<80x128xi32, #tpu.memory_space<vmem>> -> memref<1x128xi32, #tpu.memory_space<vmem>>
      %dma_wait3A_104 = tpu.memref_squeeze %dma_wait3A_103 : memref<1x128xi32, #tpu.memory_space<vmem>> -> memref<128xi32, #tpu.memory_space<vmem>>
      %dma_wait3A_105 = arith.constant 0 : i32
      %dma_wait3A_106 = arith.constant 0 : i32
      %dma_wait3A_107 = tpu.memref_slice %arg2[%dma_wait3A_105, %dma_wait3A_106] : memref<10000x16xf32, #tpu.memory_space<hbm>> -> memref<10000x16xf32, #tpu.memory_space<hbm>>
      tpu.wait_indirect_dma semaphore(%arg20 : memref<!tpu.dma_semaphore, #tpu.memory_space<semaphore_mem>>) src(%dma_wait3A_107 : memref<10000x16xf32, #tpu.memory_space<hbm>>) dst(%arg9 : memref<128x16xf32, #tpu.memory_space<vmem>>)
      %run_scoped3A = arith.constant 70 : i32
      "tpu.region"() ({
        %run_scoped3A_180 = tpu.sem_alloc : memref<!tpu.dma_semaphore, #tpu.memory_space<semaphore_mem>>
        %dma_start3A_181 = arith.constant 0 : i32
        %dma_start3A_182 = tpu.memref_slice %arg8[%run_scoped3A, %dma_start3A_181] : memref<80x128xi32, #tpu.memory_space<vmem>> -> memref<1x128xi32, #tpu.memory_space<vmem>>
        %dma_start3A_183 = tpu.memref_squeeze %dma_start3A_182 : memref<1x128xi32, #tpu.memory_space<vmem>> -> memref<128xi32, #tpu.memory_space<vmem>>
        %dma_start3A_184 = arith.constant 0 : i32
        %dma_start3A_185 = arith.constant 0 : i32
        %dma_start3A_186 = tpu.memref_slice %arg6[%dma_start3A_184, %dma_start3A_185] : memref<10240x16xf32, #tpu.memory_space<vmem_shared>> -> memref<10240x16xf32, #tpu.memory_space<vmem_shared>>
        tpu.enqueue_indirect_dma source(%arg9 : memref<128x16xf32, #tpu.memory_space<vmem>>) target(%dma_start3A_186 : memref<10240x16xf32, #tpu.memory_space<vmem_shared>>) offsets(%dma_start3A_183 : memref<128xi32, #tpu.memory_space<vmem>>) semaphore(%run_scoped3A_180 : memref<!tpu.dma_semaphore, #tpu.memory_space<semaphore_mem>>) {add = true}
        %dma_wait3A_187 = arith.constant 0 : i32
        %dma_wait3A_188 = tpu.memref_slice %arg8[%run_scoped3A, %dma_wait3A_187] : memref<80x128xi32, #tpu.memory_space<vmem>> -> memref<1x128xi32, #tpu.memory_space<vmem>>
        %dma_wait3A_189 = tpu.memref_squeeze %dma_wait3A_188 : memref<1x128xi32, #tpu.memory_space<vmem>> -> memref<128xi32, #tpu.memory_space<vmem>>
        %dma_wait3A_190 = arith.constant 0 : i32
        %dma_wait3A_191 = arith.constant 0 : i32
        %dma_wait3A_192 = tpu.memref_slice %arg6[%dma_wait3A_190, %dma_wait3A_191] : memref<10240x16xf32, #tpu.memory_space<vmem_shared>> -> memref<10240x16xf32, #tpu.memory_space<vmem_shared>>
        tpu.wait_indirect_dma semaphore(%run_scoped3A_180 : memref<!tpu.dma_semaphore, #tpu.memory_space<semaphore_mem>>) src(%arg9 : memref<128x16xf32, #tpu.memory_space<vmem>>) dst(%dma_wait3A_192 : memref<10240x16xf32, #tpu.memory_space<vmem_shared>>)
        tpu.yield
      }) : () -> ()
      %dma_wait3A_108 = arith.constant 71 : i32
      %dma_wait3A_109 = arith.constant 0 : i32
      %dma_wait3A_110 = tpu.memref_slice %arg7[%dma_wait3A_108, %dma_wait3A_109] : memref<80x128xi32, #tpu.memory_space<vmem>> -> memref<1x128xi32, #tpu.memory_space<vmem>>
      %dma_wait3A_111 = tpu.memref_squeeze %dma_wait3A_110 : memref<1x128xi32, #tpu.memory_space<vmem>> -> memref<128xi32, #tpu.memory_space<vmem>>
      %dma_wait3A_112 = arith.constant 0 : i32
      %dma_wait3A_113 = arith.constant 0 : i32
      %dma_wait3A_114 = tpu.memref_slice %arg2[%dma_wait3A_112, %dma_wait3A_113] : memref<10000x16xf32, #tpu.memory_space<hbm>> -> memref<10000x16xf32, #tpu.memory_space<hbm>>
      tpu.wait_indirect_dma semaphore(%arg21 : memref<!tpu.dma_semaphore, #tpu.memory_space<semaphore_mem>>) src(%dma_wait3A_114 : memref<10000x16xf32, #tpu.memory_space<hbm>>) dst(%arg10 : memref<128x16xf32, #tpu.memory_space<vmem>>)
      %run_scoped3A_115 = arith.constant 71 : i32
      "tpu.region"() ({
        %run_scoped3A_180 = tpu.sem_alloc : memref<!tpu.dma_semaphore, #tpu.memory_space<semaphore_mem>>
        %dma_start3A_181 = arith.constant 0 : i32
        %dma_start3A_182 = tpu.memref_slice %arg8[%run_scoped3A_115, %dma_start3A_181] : memref<80x128xi32, #tpu.memory_space<vmem>> -> memref<1x128xi32, #tpu.memory_space<vmem>>
        %dma_start3A_183 = tpu.memref_squeeze %dma_start3A_182 : memref<1x128xi32, #tpu.memory_space<vmem>> -> memref<128xi32, #tpu.memory_space<vmem>>
        %dma_start3A_184 = arith.constant 0 : i32
        %dma_start3A_185 = arith.constant 0 : i32
        %dma_start3A_186 = tpu.memref_slice %arg6[%dma_start3A_184, %dma_start3A_185] : memref<10240x16xf32, #tpu.memory_space<vmem_shared>> -> memref<10240x16xf32, #tpu.memory_space<vmem_shared>>
        tpu.enqueue_indirect_dma source(%arg10 : memref<128x16xf32, #tpu.memory_space<vmem>>) target(%dma_start3A_186 : memref<10240x16xf32, #tpu.memory_space<vmem_shared>>) offsets(%dma_start3A_183 : memref<128xi32, #tpu.memory_space<vmem>>) semaphore(%run_scoped3A_180 : memref<!tpu.dma_semaphore, #tpu.memory_space<semaphore_mem>>) {add = true}
        %dma_wait3A_187 = arith.constant 0 : i32
        %dma_wait3A_188 = tpu.memref_slice %arg8[%run_scoped3A_115, %dma_wait3A_187] : memref<80x128xi32, #tpu.memory_space<vmem>> -> memref<1x128xi32, #tpu.memory_space<vmem>>
        %dma_wait3A_189 = tpu.memref_squeeze %dma_wait3A_188 : memref<1x128xi32, #tpu.memory_space<vmem>> -> memref<128xi32, #tpu.memory_space<vmem>>
        %dma_wait3A_190 = arith.constant 0 : i32
        %dma_wait3A_191 = arith.constant 0 : i32
        %dma_wait3A_192 = tpu.memref_slice %arg6[%dma_wait3A_190, %dma_wait3A_191] : memref<10240x16xf32, #tpu.memory_space<vmem_shared>> -> memref<10240x16xf32, #tpu.memory_space<vmem_shared>>
        tpu.wait_indirect_dma semaphore(%run_scoped3A_180 : memref<!tpu.dma_semaphore, #tpu.memory_space<semaphore_mem>>) src(%arg10 : memref<128x16xf32, #tpu.memory_space<vmem>>) dst(%dma_wait3A_192 : memref<10240x16xf32, #tpu.memory_space<vmem_shared>>)
        tpu.yield
      }) : () -> ()
      %dma_wait3A_116 = arith.constant 72 : i32
      %dma_wait3A_117 = arith.constant 0 : i32
      %dma_wait3A_118 = tpu.memref_slice %arg7[%dma_wait3A_116, %dma_wait3A_117] : memref<80x128xi32, #tpu.memory_space<vmem>> -> memref<1x128xi32, #tpu.memory_space<vmem>>
      %dma_wait3A_119 = tpu.memref_squeeze %dma_wait3A_118 : memref<1x128xi32, #tpu.memory_space<vmem>> -> memref<128xi32, #tpu.memory_space<vmem>>
      %dma_wait3A_120 = arith.constant 0 : i32
      %dma_wait3A_121 = arith.constant 0 : i32
      %dma_wait3A_122 = tpu.memref_slice %arg2[%dma_wait3A_120, %dma_wait3A_121] : memref<10000x16xf32, #tpu.memory_space<hbm>> -> memref<10000x16xf32, #tpu.memory_space<hbm>>
      tpu.wait_indirect_dma semaphore(%arg22 : memref<!tpu.dma_semaphore, #tpu.memory_space<semaphore_mem>>) src(%dma_wait3A_122 : memref<10000x16xf32, #tpu.memory_space<hbm>>) dst(%arg11 : memref<128x16xf32, #tpu.memory_space<vmem>>)
      %run_scoped3A_123 = arith.constant 72 : i32
      "tpu.region"() ({
        %run_scoped3A_180 = tpu.sem_alloc : memref<!tpu.dma_semaphore, #tpu.memory_space<semaphore_mem>>
        %dma_start3A_181 = arith.constant 0 : i32
        %dma_start3A_182 = tpu.memref_slice %arg8[%run_scoped3A_123, %dma_start3A_181] : memref<80x128xi32, #tpu.memory_space<vmem>> -> memref<1x128xi32, #tpu.memory_space<vmem>>
        %dma_start3A_183 = tpu.memref_squeeze %dma_start3A_182 : memref<1x128xi32, #tpu.memory_space<vmem>> -> memref<128xi32, #tpu.memory_space<vmem>>
        %dma_start3A_184 = arith.constant 0 : i32
        %dma_start3A_185 = arith.constant 0 : i32
        %dma_start3A_186 = tpu.memref_slice %arg6[%dma_start3A_184, %dma_start3A_185] : memref<10240x16xf32, #tpu.memory_space<vmem_shared>> -> memref<10240x16xf32, #tpu.memory_space<vmem_shared>>
        tpu.enqueue_indirect_dma source(%arg11 : memref<128x16xf32, #tpu.memory_space<vmem>>) target(%dma_start3A_186 : memref<10240x16xf32, #tpu.memory_space<vmem_shared>>) offsets(%dma_start3A_183 : memref<128xi32, #tpu.memory_space<vmem>>) semaphore(%run_scoped3A_180 : memref<!tpu.dma_semaphore, #tpu.memory_space<semaphore_mem>>) {add = true}
        %dma_wait3A_187 = arith.constant 0 : i32
        %dma_wait3A_188 = tpu.memref_slice %arg8[%run_scoped3A_123, %dma_wait3A_187] : memref<80x128xi32, #tpu.memory_space<vmem>> -> memref<1x128xi32, #tpu.memory_space<vmem>>
        %dma_wait3A_189 = tpu.memref_squeeze %dma_wait3A_188 : memref<1x128xi32, #tpu.memory_space<vmem>> -> memref<128xi32, #tpu.memory_space<vmem>>
        %dma_wait3A_190 = arith.constant 0 : i32
        %dma_wait3A_191 = arith.constant 0 : i32
        %dma_wait3A_192 = tpu.memref_slice %arg6[%dma_wait3A_190, %dma_wait3A_191] : memref<10240x16xf32, #tpu.memory_space<vmem_shared>> -> memref<10240x16xf32, #tpu.memory_space<vmem_shared>>
        tpu.wait_indirect_dma semaphore(%run_scoped3A_180 : memref<!tpu.dma_semaphore, #tpu.memory_space<semaphore_mem>>) src(%arg11 : memref<128x16xf32, #tpu.memory_space<vmem>>) dst(%dma_wait3A_192 : memref<10240x16xf32, #tpu.memory_space<vmem_shared>>)
        tpu.yield
      }) : () -> ()
      %dma_wait3A_124 = arith.constant 73 : i32
      %dma_wait3A_125 = arith.constant 0 : i32
      %dma_wait3A_126 = tpu.memref_slice %arg7[%dma_wait3A_124, %dma_wait3A_125] : memref<80x128xi32, #tpu.memory_space<vmem>> -> memref<1x128xi32, #tpu.memory_space<vmem>>
      %dma_wait3A_127 = tpu.memref_squeeze %dma_wait3A_126 : memref<1x128xi32, #tpu.memory_space<vmem>> -> memref<128xi32, #tpu.memory_space<vmem>>
      %dma_wait3A_128 = arith.constant 0 : i32
      %dma_wait3A_129 = arith.constant 0 : i32
      %dma_wait3A_130 = tpu.memref_slice %arg2[%dma_wait3A_128, %dma_wait3A_129] : memref<10000x16xf32, #tpu.memory_space<hbm>> -> memref<10000x16xf32, #tpu.memory_space<hbm>>
      tpu.wait_indirect_dma semaphore(%arg23 : memref<!tpu.dma_semaphore, #tpu.memory_space<semaphore_mem>>) src(%dma_wait3A_130 : memref<10000x16xf32, #tpu.memory_space<hbm>>) dst(%arg12 : memref<128x16xf32, #tpu.memory_space<vmem>>)
      %run_scoped3A_131 = arith.constant 73 : i32
      "tpu.region"() ({
        %run_scoped3A_180 = tpu.sem_alloc : memref<!tpu.dma_semaphore, #tpu.memory_space<semaphore_mem>>
        %dma_start3A_181 = arith.constant 0 : i32
        %dma_start3A_182 = tpu.memref_slice %arg8[%run_scoped3A_131, %dma_start3A_181] : memref<80x128xi32, #tpu.memory_space<vmem>> -> memref<1x128xi32, #tpu.memory_space<vmem>>
        %dma_start3A_183 = tpu.memref_squeeze %dma_start3A_182 : memref<1x128xi32, #tpu.memory_space<vmem>> -> memref<128xi32, #tpu.memory_space<vmem>>
        %dma_start3A_184 = arith.constant 0 : i32
        %dma_start3A_185 = arith.constant 0 : i32
        %dma_start3A_186 = tpu.memref_slice %arg6[%dma_start3A_184, %dma_start3A_185] : memref<10240x16xf32, #tpu.memory_space<vmem_shared>> -> memref<10240x16xf32, #tpu.memory_space<vmem_shared>>
        tpu.enqueue_indirect_dma source(%arg12 : memref<128x16xf32, #tpu.memory_space<vmem>>) target(%dma_start3A_186 : memref<10240x16xf32, #tpu.memory_space<vmem_shared>>) offsets(%dma_start3A_183 : memref<128xi32, #tpu.memory_space<vmem>>) semaphore(%run_scoped3A_180 : memref<!tpu.dma_semaphore, #tpu.memory_space<semaphore_mem>>) {add = true}
        %dma_wait3A_187 = arith.constant 0 : i32
        %dma_wait3A_188 = tpu.memref_slice %arg8[%run_scoped3A_131, %dma_wait3A_187] : memref<80x128xi32, #tpu.memory_space<vmem>> -> memref<1x128xi32, #tpu.memory_space<vmem>>
        %dma_wait3A_189 = tpu.memref_squeeze %dma_wait3A_188 : memref<1x128xi32, #tpu.memory_space<vmem>> -> memref<128xi32, #tpu.memory_space<vmem>>
        %dma_wait3A_190 = arith.constant 0 : i32
        %dma_wait3A_191 = arith.constant 0 : i32
        %dma_wait3A_192 = tpu.memref_slice %arg6[%dma_wait3A_190, %dma_wait3A_191] : memref<10240x16xf32, #tpu.memory_space<vmem_shared>> -> memref<10240x16xf32, #tpu.memory_space<vmem_shared>>
        tpu.wait_indirect_dma semaphore(%run_scoped3A_180 : memref<!tpu.dma_semaphore, #tpu.memory_space<semaphore_mem>>) src(%arg12 : memref<128x16xf32, #tpu.memory_space<vmem>>) dst(%dma_wait3A_192 : memref<10240x16xf32, #tpu.memory_space<vmem_shared>>)
        tpu.yield
      }) : () -> ()
      %dma_wait3A_132 = arith.constant 74 : i32
      %dma_wait3A_133 = arith.constant 0 : i32
      %dma_wait3A_134 = tpu.memref_slice %arg7[%dma_wait3A_132, %dma_wait3A_133] : memref<80x128xi32, #tpu.memory_space<vmem>> -> memref<1x128xi32, #tpu.memory_space<vmem>>
      %dma_wait3A_135 = tpu.memref_squeeze %dma_wait3A_134 : memref<1x128xi32, #tpu.memory_space<vmem>> -> memref<128xi32, #tpu.memory_space<vmem>>
      %dma_wait3A_136 = arith.constant 0 : i32
      %dma_wait3A_137 = arith.constant 0 : i32
      %dma_wait3A_138 = tpu.memref_slice %arg2[%dma_wait3A_136, %dma_wait3A_137] : memref<10000x16xf32, #tpu.memory_space<hbm>> -> memref<10000x16xf32, #tpu.memory_space<hbm>>
      tpu.wait_indirect_dma semaphore(%arg24 : memref<!tpu.dma_semaphore, #tpu.memory_space<semaphore_mem>>) src(%dma_wait3A_138 : memref<10000x16xf32, #tpu.memory_space<hbm>>) dst(%arg13 : memref<128x16xf32, #tpu.memory_space<vmem>>)
      %run_scoped3A_139 = arith.constant 74 : i32
      "tpu.region"() ({
        %run_scoped3A_180 = tpu.sem_alloc : memref<!tpu.dma_semaphore, #tpu.memory_space<semaphore_mem>>
        %dma_start3A_181 = arith.constant 0 : i32
        %dma_start3A_182 = tpu.memref_slice %arg8[%run_scoped3A_139, %dma_start3A_181] : memref<80x128xi32, #tpu.memory_space<vmem>> -> memref<1x128xi32, #tpu.memory_space<vmem>>
        %dma_start3A_183 = tpu.memref_squeeze %dma_start3A_182 : memref<1x128xi32, #tpu.memory_space<vmem>> -> memref<128xi32, #tpu.memory_space<vmem>>
        %dma_start3A_184 = arith.constant 0 : i32
        %dma_start3A_185 = arith.constant 0 : i32
        %dma_start3A_186 = tpu.memref_slice %arg6[%dma_start3A_184, %dma_start3A_185] : memref<10240x16xf32, #tpu.memory_space<vmem_shared>> -> memref<10240x16xf32, #tpu.memory_space<vmem_shared>>
        tpu.enqueue_indirect_dma source(%arg13 : memref<128x16xf32, #tpu.memory_space<vmem>>) target(%dma_start3A_186 : memref<10240x16xf32, #tpu.memory_space<vmem_shared>>) offsets(%dma_start3A_183 : memref<128xi32, #tpu.memory_space<vmem>>) semaphore(%run_scoped3A_180 : memref<!tpu.dma_semaphore, #tpu.memory_space<semaphore_mem>>) {add = true}
        %dma_wait3A_187 = arith.constant 0 : i32
        %dma_wait3A_188 = tpu.memref_slice %arg8[%run_scoped3A_139, %dma_wait3A_187] : memref<80x128xi32, #tpu.memory_space<vmem>> -> memref<1x128xi32, #tpu.memory_space<vmem>>
        %dma_wait3A_189 = tpu.memref_squeeze %dma_wait3A_188 : memref<1x128xi32, #tpu.memory_space<vmem>> -> memref<128xi32, #tpu.memory_space<vmem>>
        %dma_wait3A_190 = arith.constant 0 : i32
        %dma_wait3A_191 = arith.constant 0 : i32
        %dma_wait3A_192 = tpu.memref_slice %arg6[%dma_wait3A_190, %dma_wait3A_191] : memref<10240x16xf32, #tpu.memory_space<vmem_shared>> -> memref<10240x16xf32, #tpu.memory_space<vmem_shared>>
        tpu.wait_indirect_dma semaphore(%run_scoped3A_180 : memref<!tpu.dma_semaphore, #tpu.memory_space<semaphore_mem>>) src(%arg13 : memref<128x16xf32, #tpu.memory_space<vmem>>) dst(%dma_wait3A_192 : memref<10240x16xf32, #tpu.memory_space<vmem_shared>>)
        tpu.yield
      }) : () -> ()
      %dma_wait3A_140 = arith.constant 75 : i32
      %dma_wait3A_141 = arith.constant 0 : i32
      %dma_wait3A_142 = tpu.memref_slice %arg7[%dma_wait3A_140, %dma_wait3A_141] : memref<80x128xi32, #tpu.memory_space<vmem>> -> memref<1x128xi32, #tpu.memory_space<vmem>>
      %dma_wait3A_143 = tpu.memref_squeeze %dma_wait3A_142 : memref<1x128xi32, #tpu.memory_space<vmem>> -> memref<128xi32, #tpu.memory_space<vmem>>
      %dma_wait3A_144 = arith.constant 0 : i32
      %dma_wait3A_145 = arith.constant 0 : i32
      %dma_wait3A_146 = tpu.memref_slice %arg2[%dma_wait3A_144, %dma_wait3A_145] : memref<10000x16xf32, #tpu.memory_space<hbm>> -> memref<10000x16xf32, #tpu.memory_space<hbm>>
      tpu.wait_indirect_dma semaphore(%arg25 : memref<!tpu.dma_semaphore, #tpu.memory_space<semaphore_mem>>) src(%dma_wait3A_146 : memref<10000x16xf32, #tpu.memory_space<hbm>>) dst(%arg14 : memref<128x16xf32, #tpu.memory_space<vmem>>)
      %run_scoped3A_147 = arith.constant 75 : i32
      "tpu.region"() ({
        %run_scoped3A_180 = tpu.sem_alloc : memref<!tpu.dma_semaphore, #tpu.memory_space<semaphore_mem>>
        %dma_start3A_181 = arith.constant 0 : i32
        %dma_start3A_182 = tpu.memref_slice %arg8[%run_scoped3A_147, %dma_start3A_181] : memref<80x128xi32, #tpu.memory_space<vmem>> -> memref<1x128xi32, #tpu.memory_space<vmem>>
        %dma_start3A_183 = tpu.memref_squeeze %dma_start3A_182 : memref<1x128xi32, #tpu.memory_space<vmem>> -> memref<128xi32, #tpu.memory_space<vmem>>
        %dma_start3A_184 = arith.constant 0 : i32
        %dma_start3A_185 = arith.constant 0 : i32
        %dma_start3A_186 = tpu.memref_slice %arg6[%dma_start3A_184, %dma_start3A_185] : memref<10240x16xf32, #tpu.memory_space<vmem_shared>> -> memref<10240x16xf32, #tpu.memory_space<vmem_shared>>
        tpu.enqueue_indirect_dma source(%arg14 : memref<128x16xf32, #tpu.memory_space<vmem>>) target(%dma_start3A_186 : memref<10240x16xf32, #tpu.memory_space<vmem_shared>>) offsets(%dma_start3A_183 : memref<128xi32, #tpu.memory_space<vmem>>) semaphore(%run_scoped3A_180 : memref<!tpu.dma_semaphore, #tpu.memory_space<semaphore_mem>>) {add = true}
        %dma_wait3A_187 = arith.constant 0 : i32
        %dma_wait3A_188 = tpu.memref_slice %arg8[%run_scoped3A_147, %dma_wait3A_187] : memref<80x128xi32, #tpu.memory_space<vmem>> -> memref<1x128xi32, #tpu.memory_space<vmem>>
        %dma_wait3A_189 = tpu.memref_squeeze %dma_wait3A_188 : memref<1x128xi32, #tpu.memory_space<vmem>> -> memref<128xi32, #tpu.memory_space<vmem>>
        %dma_wait3A_190 = arith.constant 0 : i32
        %dma_wait3A_191 = arith.constant 0 : i32
        %dma_wait3A_192 = tpu.memref_slice %arg6[%dma_wait3A_190, %dma_wait3A_191] : memref<10240x16xf32, #tpu.memory_space<vmem_shared>> -> memref<10240x16xf32, #tpu.memory_space<vmem_shared>>
        tpu.wait_indirect_dma semaphore(%run_scoped3A_180 : memref<!tpu.dma_semaphore, #tpu.memory_space<semaphore_mem>>) src(%arg14 : memref<128x16xf32, #tpu.memory_space<vmem>>) dst(%dma_wait3A_192 : memref<10240x16xf32, #tpu.memory_space<vmem_shared>>)
        tpu.yield
      }) : () -> ()
      %dma_wait3A_148 = arith.constant 76 : i32
      %dma_wait3A_149 = arith.constant 0 : i32
      %dma_wait3A_150 = tpu.memref_slice %arg7[%dma_wait3A_148, %dma_wait3A_149] : memref<80x128xi32, #tpu.memory_space<vmem>> -> memref<1x128xi32, #tpu.memory_space<vmem>>
      %dma_wait3A_151 = tpu.memref_squeeze %dma_wait3A_150 : memref<1x128xi32, #tpu.memory_space<vmem>> -> memref<128xi32, #tpu.memory_space<vmem>>
      %dma_wait3A_152 = arith.constant 0 : i32
      %dma_wait3A_153 = arith.constant 0 : i32
      %dma_wait3A_154 = tpu.memref_slice %arg2[%dma_wait3A_152, %dma_wait3A_153] : memref<10000x16xf32, #tpu.memory_space<hbm>> -> memref<10000x16xf32, #tpu.memory_space<hbm>>
      tpu.wait_indirect_dma semaphore(%arg26 : memref<!tpu.dma_semaphore, #tpu.memory_space<semaphore_mem>>) src(%dma_wait3A_154 : memref<10000x16xf32, #tpu.memory_space<hbm>>) dst(%arg15 : memref<128x16xf32, #tpu.memory_space<vmem>>)
      %run_scoped3A_155 = arith.constant 76 : i32
      "tpu.region"() ({
        %run_scoped3A_180 = tpu.sem_alloc : memref<!tpu.dma_semaphore, #tpu.memory_space<semaphore_mem>>
        %dma_start3A_181 = arith.constant 0 : i32
        %dma_start3A_182 = tpu.memref_slice %arg8[%run_scoped3A_155, %dma_start3A_181] : memref<80x128xi32, #tpu.memory_space<vmem>> -> memref<1x128xi32, #tpu.memory_space<vmem>>
        %dma_start3A_183 = tpu.memref_squeeze %dma_start3A_182 : memref<1x128xi32, #tpu.memory_space<vmem>> -> memref<128xi32, #tpu.memory_space<vmem>>
        %dma_start3A_184 = arith.constant 0 : i32
        %dma_start3A_185 = arith.constant 0 : i32
        %dma_start3A_186 = tpu.memref_slice %arg6[%dma_start3A_184, %dma_start3A_185] : memref<10240x16xf32, #tpu.memory_space<vmem_shared>> -> memref<10240x16xf32, #tpu.memory_space<vmem_shared>>
        tpu.enqueue_indirect_dma source(%arg15 : memref<128x16xf32, #tpu.memory_space<vmem>>) target(%dma_start3A_186 : memref<10240x16xf32, #tpu.memory_space<vmem_shared>>) offsets(%dma_start3A_183 : memref<128xi32, #tpu.memory_space<vmem>>) semaphore(%run_scoped3A_180 : memref<!tpu.dma_semaphore, #tpu.memory_space<semaphore_mem>>) {add = true}
        %dma_wait3A_187 = arith.constant 0 : i32
        %dma_wait3A_188 = tpu.memref_slice %arg8[%run_scoped3A_155, %dma_wait3A_187] : memref<80x128xi32, #tpu.memory_space<vmem>> -> memref<1x128xi32, #tpu.memory_space<vmem>>
        %dma_wait3A_189 = tpu.memref_squeeze %dma_wait3A_188 : memref<1x128xi32, #tpu.memory_space<vmem>> -> memref<128xi32, #tpu.memory_space<vmem>>
        %dma_wait3A_190 = arith.constant 0 : i32
        %dma_wait3A_191 = arith.constant 0 : i32
        %dma_wait3A_192 = tpu.memref_slice %arg6[%dma_wait3A_190, %dma_wait3A_191] : memref<10240x16xf32, #tpu.memory_space<vmem_shared>> -> memref<10240x16xf32, #tpu.memory_space<vmem_shared>>
        tpu.wait_indirect_dma semaphore(%run_scoped3A_180 : memref<!tpu.dma_semaphore, #tpu.memory_space<semaphore_mem>>) src(%arg15 : memref<128x16xf32, #tpu.memory_space<vmem>>) dst(%dma_wait3A_192 : memref<10240x16xf32, #tpu.memory_space<vmem_shared>>)
        tpu.yield
      }) : () -> ()
      %dma_wait3A_156 = arith.constant 77 : i32
      %dma_wait3A_157 = arith.constant 0 : i32
      %dma_wait3A_158 = tpu.memref_slice %arg7[%dma_wait3A_156, %dma_wait3A_157] : memref<80x128xi32, #tpu.memory_space<vmem>> -> memref<1x128xi32, #tpu.memory_space<vmem>>
      %dma_wait3A_159 = tpu.memref_squeeze %dma_wait3A_158 : memref<1x128xi32, #tpu.memory_space<vmem>> -> memref<128xi32, #tpu.memory_space<vmem>>
      %dma_wait3A_160 = arith.constant 0 : i32
      %dma_wait3A_161 = arith.constant 0 : i32
      %dma_wait3A_162 = tpu.memref_slice %arg2[%dma_wait3A_160, %dma_wait3A_161] : memref<10000x16xf32, #tpu.memory_space<hbm>> -> memref<10000x16xf32, #tpu.memory_space<hbm>>
      tpu.wait_indirect_dma semaphore(%arg27 : memref<!tpu.dma_semaphore, #tpu.memory_space<semaphore_mem>>) src(%dma_wait3A_162 : memref<10000x16xf32, #tpu.memory_space<hbm>>) dst(%arg16 : memref<128x16xf32, #tpu.memory_space<vmem>>)
      %run_scoped3A_163 = arith.constant 77 : i32
      "tpu.region"() ({
        %run_scoped3A_180 = tpu.sem_alloc : memref<!tpu.dma_semaphore, #tpu.memory_space<semaphore_mem>>
        %dma_start3A_181 = arith.constant 0 : i32
        %dma_start3A_182 = tpu.memref_slice %arg8[%run_scoped3A_163, %dma_start3A_181] : memref<80x128xi32, #tpu.memory_space<vmem>> -> memref<1x128xi32, #tpu.memory_space<vmem>>
        %dma_start3A_183 = tpu.memref_squeeze %dma_start3A_182 : memref<1x128xi32, #tpu.memory_space<vmem>> -> memref<128xi32, #tpu.memory_space<vmem>>
        %dma_start3A_184 = arith.constant 0 : i32
        %dma_start3A_185 = arith.constant 0 : i32
        %dma_start3A_186 = tpu.memref_slice %arg6[%dma_start3A_184, %dma_start3A_185] : memref<10240x16xf32, #tpu.memory_space<vmem_shared>> -> memref<10240x16xf32, #tpu.memory_space<vmem_shared>>
        tpu.enqueue_indirect_dma source(%arg16 : memref<128x16xf32, #tpu.memory_space<vmem>>) target(%dma_start3A_186 : memref<10240x16xf32, #tpu.memory_space<vmem_shared>>) offsets(%dma_start3A_183 : memref<128xi32, #tpu.memory_space<vmem>>) semaphore(%run_scoped3A_180 : memref<!tpu.dma_semaphore, #tpu.memory_space<semaphore_mem>>) {add = true}
        %dma_wait3A_187 = arith.constant 0 : i32
        %dma_wait3A_188 = tpu.memref_slice %arg8[%run_scoped3A_163, %dma_wait3A_187] : memref<80x128xi32, #tpu.memory_space<vmem>> -> memref<1x128xi32, #tpu.memory_space<vmem>>
        %dma_wait3A_189 = tpu.memref_squeeze %dma_wait3A_188 : memref<1x128xi32, #tpu.memory_space<vmem>> -> memref<128xi32, #tpu.memory_space<vmem>>
        %dma_wait3A_190 = arith.constant 0 : i32
        %dma_wait3A_191 = arith.constant 0 : i32
        %dma_wait3A_192 = tpu.memref_slice %arg6[%dma_wait3A_190, %dma_wait3A_191] : memref<10240x16xf32, #tpu.memory_space<vmem_shared>> -> memref<10240x16xf32, #tpu.memory_space<vmem_shared>>
        tpu.wait_indirect_dma semaphore(%run_scoped3A_180 : memref<!tpu.dma_semaphore, #tpu.memory_space<semaphore_mem>>) src(%arg16 : memref<128x16xf32, #tpu.memory_space<vmem>>) dst(%dma_wait3A_192 : memref<10240x16xf32, #tpu.memory_space<vmem_shared>>)
        tpu.yield
      }) : () -> ()
      %dma_wait3A_164 = arith.constant 78 : i32
      %dma_wait3A_165 = arith.constant 0 : i32
      %dma_wait3A_166 = tpu.memref_slice %arg7[%dma_wait3A_164, %dma_wait3A_165] : memref<80x128xi32, #tpu.memory_space<vmem>> -> memref<1x128xi32, #tpu.memory_space<vmem>>
      %dma_wait3A_167 = tpu.memref_squeeze %dma_wait3A_166 : memref<1x128xi32, #tpu.memory_space<vmem>> -> memref<128xi32, #tpu.memory_space<vmem>>
      %dma_wait3A_168 = arith.constant 0 : i32
      %dma_wait3A_169 = arith.constant 0 : i32
      %dma_wait3A_170 = tpu.memref_slice %arg2[%dma_wait3A_168, %dma_wait3A_169] : memref<10000x16xf32, #tpu.memory_space<hbm>> -> memref<10000x16xf32, #tpu.memory_space<hbm>>
      tpu.wait_indirect_dma semaphore(%arg28 : memref<!tpu.dma_semaphore, #tpu.memory_space<semaphore_mem>>) src(%dma_wait3A_170 : memref<10000x16xf32, #tpu.memory_space<hbm>>) dst(%arg17 : memref<128x16xf32, #tpu.memory_space<vmem>>)
      %run_scoped3A_171 = arith.constant 78 : i32
      "tpu.region"() ({
        %run_scoped3A_180 = tpu.sem_alloc : memref<!tpu.dma_semaphore, #tpu.memory_space<semaphore_mem>>
        %dma_start3A_181 = arith.constant 0 : i32
        %dma_start3A_182 = tpu.memref_slice %arg8[%run_scoped3A_171, %dma_start3A_181] : memref<80x128xi32, #tpu.memory_space<vmem>> -> memref<1x128xi32, #tpu.memory_space<vmem>>
        %dma_start3A_183 = tpu.memref_squeeze %dma_start3A_182 : memref<1x128xi32, #tpu.memory_space<vmem>> -> memref<128xi32, #tpu.memory_space<vmem>>
        %dma_start3A_184 = arith.constant 0 : i32
        %dma_start3A_185 = arith.constant 0 : i32
        %dma_start3A_186 = tpu.memref_slice %arg6[%dma_start3A_184, %dma_start3A_185] : memref<10240x16xf32, #tpu.memory_space<vmem_shared>> -> memref<10240x16xf32, #tpu.memory_space<vmem_shared>>
        tpu.enqueue_indirect_dma source(%arg17 : memref<128x16xf32, #tpu.memory_space<vmem>>) target(%dma_start3A_186 : memref<10240x16xf32, #tpu.memory_space<vmem_shared>>) offsets(%dma_start3A_183 : memref<128xi32, #tpu.memory_space<vmem>>) semaphore(%run_scoped3A_180 : memref<!tpu.dma_semaphore, #tpu.memory_space<semaphore_mem>>) {add = true}
        %dma_wait3A_187 = arith.constant 0 : i32
        %dma_wait3A_188 = tpu.memref_slice %arg8[%run_scoped3A_171, %dma_wait3A_187] : memref<80x128xi32, #tpu.memory_space<vmem>> -> memref<1x128xi32, #tpu.memory_space<vmem>>
        %dma_wait3A_189 = tpu.memref_squeeze %dma_wait3A_188 : memref<1x128xi32, #tpu.memory_space<vmem>> -> memref<128xi32, #tpu.memory_space<vmem>>
        %dma_wait3A_190 = arith.constant 0 : i32
        %dma_wait3A_191 = arith.constant 0 : i32
        %dma_wait3A_192 = tpu.memref_slice %arg6[%dma_wait3A_190, %dma_wait3A_191] : memref<10240x16xf32, #tpu.memory_space<vmem_shared>> -> memref<10240x16xf32, #tpu.memory_space<vmem_shared>>
        tpu.wait_indirect_dma semaphore(%run_scoped3A_180 : memref<!tpu.dma_semaphore, #tpu.memory_space<semaphore_mem>>) src(%arg17 : memref<128x16xf32, #tpu.memory_space<vmem>>) dst(%dma_wait3A_192 : memref<10240x16xf32, #tpu.memory_space<vmem_shared>>)
        tpu.yield
      }) : () -> ()
      %dma_wait3A_172 = arith.constant 79 : i32
      %dma_wait3A_173 = arith.constant 0 : i32
      %dma_wait3A_174 = tpu.memref_slice %arg7[%dma_wait3A_172, %dma_wait3A_173] : memref<80x128xi32, #tpu.memory_space<vmem>> -> memref<1x128xi32, #tpu.memory_space<vmem>>
      %dma_wait3A_175 = tpu.memref_squeeze %dma_wait3A_174 : memref<1x128xi32, #tpu.memory_space<vmem>> -> memref<128xi32, #tpu.memory_space<vmem>>
      %dma_wait3A_176 = arith.constant 0 : i32
      %dma_wait3A_177 = arith.constant 0 : i32
      %dma_wait3A_178 = tpu.memref_slice %arg2[%dma_wait3A_176, %dma_wait3A_177] : memref<10000x16xf32, #tpu.memory_space<hbm>> -> memref<10000x16xf32, #tpu.memory_space<hbm>>
      tpu.wait_indirect_dma semaphore(%arg29 : memref<!tpu.dma_semaphore, #tpu.memory_space<semaphore_mem>>) src(%dma_wait3A_178 : memref<10000x16xf32, #tpu.memory_space<hbm>>) dst(%arg18 : memref<128x16xf32, #tpu.memory_space<vmem>>)
      %run_scoped3A_179 = arith.constant 79 : i32
      "tpu.region"() ({
        %run_scoped3A_180 = tpu.sem_alloc : memref<!tpu.dma_semaphore, #tpu.memory_space<semaphore_mem>>
        %dma_start3A_181 = arith.constant 0 : i32
        %dma_start3A_182 = tpu.memref_slice %arg8[%run_scoped3A_179, %dma_start3A_181] : memref<80x128xi32, #tpu.memory_space<vmem>> -> memref<1x128xi32, #tpu.memory_space<vmem>>
        %dma_start3A_183 = tpu.memref_squeeze %dma_start3A_182 : memref<1x128xi32, #tpu.memory_space<vmem>> -> memref<128xi32, #tpu.memory_space<vmem>>
        %dma_start3A_184 = arith.constant 0 : i32
        %dma_start3A_185 = arith.constant 0 : i32
        %dma_start3A_186 = tpu.memref_slice %arg6[%dma_start3A_184, %dma_start3A_185] : memref<10240x16xf32, #tpu.memory_space<vmem_shared>> -> memref<10240x16xf32, #tpu.memory_space<vmem_shared>>
        tpu.enqueue_indirect_dma source(%arg18 : memref<128x16xf32, #tpu.memory_space<vmem>>) target(%dma_start3A_186 : memref<10240x16xf32, #tpu.memory_space<vmem_shared>>) offsets(%dma_start3A_183 : memref<128xi32, #tpu.memory_space<vmem>>) semaphore(%run_scoped3A_180 : memref<!tpu.dma_semaphore, #tpu.memory_space<semaphore_mem>>) {add = true}
        %dma_wait3A_187 = arith.constant 0 : i32
        %dma_wait3A_188 = tpu.memref_slice %arg8[%run_scoped3A_179, %dma_wait3A_187] : memref<80x128xi32, #tpu.memory_space<vmem>> -> memref<1x128xi32, #tpu.memory_space<vmem>>
        %dma_wait3A_189 = tpu.memref_squeeze %dma_wait3A_188 : memref<1x128xi32, #tpu.memory_space<vmem>> -> memref<128xi32, #tpu.memory_space<vmem>>
        %dma_wait3A_190 = arith.constant 0 : i32
        %dma_wait3A_191 = arith.constant 0 : i32
        %dma_wait3A_192 = tpu.memref_slice %arg6[%dma_wait3A_190, %dma_wait3A_191] : memref<10240x16xf32, #tpu.memory_space<vmem_shared>> -> memref<10240x16xf32, #tpu.memory_space<vmem_shared>>
        tpu.wait_indirect_dma semaphore(%run_scoped3A_180 : memref<!tpu.dma_semaphore, #tpu.memory_space<semaphore_mem>>) src(%arg18 : memref<128x16xf32, #tpu.memory_space<vmem>>) dst(%dma_wait3A_192 : memref<10240x16xf32, #tpu.memory_space<vmem_shared>>)
        tpu.yield
      }) : () -> ()
    } else {
    }
    %convert_element_type3A_20 = arith.extui %eq3A_1 : i1 to i32
    %cond3A_21 = arith.constant 0 : i32
    %cond3A_22 = arith.cmpi ne, %convert_element_type3A_20, %cond3A_21 : i32
    scf.if %cond3A_22 {
      %dma_start3A = arith.constant 0 : i32
      %dma_start3A_26 = arith.constant 0 : i32
      %dma_start3A_27 = tpu.memref_slice %arg7[%dma_start3A, %dma_start3A_26] : memref<80x128xi32, #tpu.memory_space<vmem>> -> memref<1x128xi32, #tpu.memory_space<vmem>>
      %dma_start3A_28 = tpu.memref_squeeze %dma_start3A_27 : memref<1x128xi32, #tpu.memory_space<vmem>> -> memref<128xi32, #tpu.memory_space<vmem>>
      %dma_start3A_29 = arith.constant 0 : i32
      %dma_start3A_30 = arith.constant 0 : i32
      %dma_start3A_31 = tpu.memref_slice %arg2[%dma_start3A_29, %dma_start3A_30] : memref<10000x16xf32, #tpu.memory_space<hbm>> -> memref<10000x16xf32, #tpu.memory_space<hbm>>
      tpu.enqueue_indirect_dma source(%dma_start3A_31 : memref<10000x16xf32, #tpu.memory_space<hbm>>) target(%arg9 : memref<128x16xf32, #tpu.memory_space<vmem>>) offsets(%dma_start3A_28 : memref<128xi32, #tpu.memory_space<vmem>>) semaphore(%arg20 : memref<!tpu.dma_semaphore, #tpu.memory_space<semaphore_mem>>)
      %dma_start3A_32 = arith.constant 1 : i32
      %dma_start3A_33 = arith.constant 0 : i32
      %dma_start3A_34 = tpu.memref_slice %arg7[%dma_start3A_32, %dma_start3A_33] : memref<80x128xi32, #tpu.memory_space<vmem>> -> memref<1x128xi32, #tpu.memory_space<vmem>>
      %dma_start3A_35 = tpu.memref_squeeze %dma_start3A_34 : memref<1x128xi32, #tpu.memory_space<vmem>> -> memref<128xi32, #tpu.memory_space<vmem>>
      %dma_start3A_36 = arith.constant 0 : i32
      %dma_start3A_37 = arith.constant 0 : i32
      %dma_start3A_38 = tpu.memref_slice %arg2[%dma_start3A_36, %dma_start3A_37] : memref<10000x16xf32, #tpu.memory_space<hbm>> -> memref<10000x16xf32, #tpu.memory_space<hbm>>
      tpu.enqueue_indirect_dma source(%dma_start3A_38 : memref<10000x16xf32, #tpu.memory_space<hbm>>) target(%arg10 : memref<128x16xf32, #tpu.memory_space<vmem>>) offsets(%dma_start3A_35 : memref<128xi32, #tpu.memory_space<vmem>>) semaphore(%arg21 : memref<!tpu.dma_semaphore, #tpu.memory_space<semaphore_mem>>)
      %dma_start3A_39 = arith.constant 2 : i32
      %dma_start3A_40 = arith.constant 0 : i32
      %dma_start3A_41 = tpu.memref_slice %arg7[%dma_start3A_39, %dma_start3A_40] : memref<80x128xi32, #tpu.memory_space<vmem>> -> memref<1x128xi32, #tpu.memory_space<vmem>>
      %dma_start3A_42 = tpu.memref_squeeze %dma_start3A_41 : memref<1x128xi32, #tpu.memory_space<vmem>> -> memref<128xi32, #tpu.memory_space<vmem>>
      %dma_start3A_43 = arith.constant 0 : i32
      %dma_start3A_44 = arith.constant 0 : i32
      %dma_start3A_45 = tpu.memref_slice %arg2[%dma_start3A_43, %dma_start3A_44] : memref<10000x16xf32, #tpu.memory_space<hbm>> -> memref<10000x16xf32, #tpu.memory_space<hbm>>
      tpu.enqueue_indirect_dma source(%dma_start3A_45 : memref<10000x16xf32, #tpu.memory_space<hbm>>) target(%arg11 : memref<128x16xf32, #tpu.memory_space<vmem>>) offsets(%dma_start3A_42 : memref<128xi32, #tpu.memory_space<vmem>>) semaphore(%arg22 : memref<!tpu.dma_semaphore, #tpu.memory_space<semaphore_mem>>)
      %dma_start3A_46 = arith.constant 3 : i32
      %dma_start3A_47 = arith.constant 0 : i32
      %dma_start3A_48 = tpu.memref_slice %arg7[%dma_start3A_46, %dma_start3A_47] : memref<80x128xi32, #tpu.memory_space<vmem>> -> memref<1x128xi32, #tpu.memory_space<vmem>>
      %dma_start3A_49 = tpu.memref_squeeze %dma_start3A_48 : memref<1x128xi32, #tpu.memory_space<vmem>> -> memref<128xi32, #tpu.memory_space<vmem>>
      %dma_start3A_50 = arith.constant 0 : i32
      %dma_start3A_51 = arith.constant 0 : i32
      %dma_start3A_52 = tpu.memref_slice %arg2[%dma_start3A_50, %dma_start3A_51] : memref<10000x16xf32, #tpu.memory_space<hbm>> -> memref<10000x16xf32, #tpu.memory_space<hbm>>
      tpu.enqueue_indirect_dma source(%dma_start3A_52 : memref<10000x16xf32, #tpu.memory_space<hbm>>) target(%arg12 : memref<128x16xf32, #tpu.memory_space<vmem>>) offsets(%dma_start3A_49 : memref<128xi32, #tpu.memory_space<vmem>>) semaphore(%arg23 : memref<!tpu.dma_semaphore, #tpu.memory_space<semaphore_mem>>)
      %scan3A_53 = arith.constant 0 : i32
      %scan3A_54 = arith.constant 0 : i32
      %scan3A_55 = arith.constant 4 : i32
      %scan3A_56 = arith.addi %scan3A_54, %scan3A_55 : i32
      %scan3A_57 = arith.constant 1 : i32
      %scan3A_58 = scf.for %scan3A_90 = %scan3A_54 to %scan3A_56 step %scan3A_57 iter_args(%scan3A_91 = %scan3A_53) -> (i32)  : i32 {
        %mul3A_92 = arith.constant 4 : i32
        %mul3A_93 = arith.muli %mul3A_92, %scan3A_90 : i32
        %add3A_94 = arith.constant 0 : i32
        %add3A_95 = arith.addi %mul3A_93, %add3A_94 : i32
        %dma_wait3A_96 = arith.constant 0 : i32
        %dma_wait3A_97 = tpu.memref_slice %arg7[%add3A_95, %dma_wait3A_96] : memref<80x128xi32, #tpu.memory_space<vmem>> -> memref<1x128xi32, #tpu.memory_space<vmem>>
        %dma_wait3A_98 = tpu.memref_squeeze %dma_wait3A_97 : memref<1x128xi32, #tpu.memory_space<vmem>> -> memref<128xi32, #tpu.memory_space<vmem>>
        %dma_wait3A_99 = arith.constant 0 : i32
        %dma_wait3A_100 = arith.constant 0 : i32
        %dma_wait3A_101 = tpu.memref_slice %arg2[%dma_wait3A_99, %dma_wait3A_100] : memref<10000x16xf32, #tpu.memory_space<hbm>> -> memref<10000x16xf32, #tpu.memory_space<hbm>>
        tpu.wait_indirect_dma semaphore(%arg20 : memref<!tpu.dma_semaphore, #tpu.memory_space<semaphore_mem>>) src(%dma_wait3A_101 : memref<10000x16xf32, #tpu.memory_space<hbm>>) dst(%arg9 : memref<128x16xf32, #tpu.memory_space<vmem>>)
        %add3A_102 = arith.constant 0 : i32
        %add3A_103 = arith.addi %mul3A_93, %add3A_102 : i32
        %dma_start3A_104 = arith.constant 0 : i32
        %dma_start3A_105 = tpu.memref_slice %arg8[%add3A_103, %dma_start3A_104] : memref<80x128xi32, #tpu.memory_space<vmem>> -> memref<1x128xi32, #tpu.memory_space<vmem>>
        %dma_start3A_106 = tpu.memref_squeeze %dma_start3A_105 : memref<1x128xi32, #tpu.memory_space<vmem>> -> memref<128xi32, #tpu.memory_space<vmem>>
        %dma_start3A_107 = arith.constant 0 : i32
        %dma_start3A_108 = arith.constant 0 : i32
        %dma_start3A_109 = tpu.memref_slice %arg6[%dma_start3A_107, %dma_start3A_108] : memref<10240x16xf32, #tpu.memory_space<vmem_shared>> -> memref<10240x16xf32, #tpu.memory_space<vmem_shared>>
        tpu.enqueue_indirect_dma source(%arg9 : memref<128x16xf32, #tpu.memory_space<vmem>>) target(%dma_start3A_109 : memref<10240x16xf32, #tpu.memory_space<vmem_shared>>) offsets(%dma_start3A_106 : memref<128xi32, #tpu.memory_space<vmem>>) semaphore(%arg30 : memref<!tpu.dma_semaphore, #tpu.memory_space<semaphore_mem>>) {add = true}
        %add3A_110 = arith.constant 1 : i32
        %add3A_111 = arith.addi %mul3A_93, %add3A_110 : i32
        %dma_wait3A_112 = arith.constant 0 : i32
        %dma_wait3A_113 = tpu.memref_slice %arg7[%add3A_111, %dma_wait3A_112] : memref<80x128xi32, #tpu.memory_space<vmem>> -> memref<1x128xi32, #tpu.memory_space<vmem>>
        %dma_wait3A_114 = tpu.memref_squeeze %dma_wait3A_113 : memref<1x128xi32, #tpu.memory_space<vmem>> -> memref<128xi32, #tpu.memory_space<vmem>>
        %dma_wait3A_115 = arith.constant 0 : i32
        %dma_wait3A_116 = arith.constant 0 : i32
        %dma_wait3A_117 = tpu.memref_slice %arg2[%dma_wait3A_115, %dma_wait3A_116] : memref<10000x16xf32, #tpu.memory_space<hbm>> -> memref<10000x16xf32, #tpu.memory_space<hbm>>
        tpu.wait_indirect_dma semaphore(%arg21 : memref<!tpu.dma_semaphore, #tpu.memory_space<semaphore_mem>>) src(%dma_wait3A_117 : memref<10000x16xf32, #tpu.memory_space<hbm>>) dst(%arg10 : memref<128x16xf32, #tpu.memory_space<vmem>>)
        %add3A_118 = arith.constant 1 : i32
        %add3A_119 = arith.addi %mul3A_93, %add3A_118 : i32
        %dma_start3A_120 = arith.constant 0 : i32
        %dma_start3A_121 = tpu.memref_slice %arg8[%add3A_119, %dma_start3A_120] : memref<80x128xi32, #tpu.memory_space<vmem>> -> memref<1x128xi32, #tpu.memory_space<vmem>>
        %dma_start3A_122 = tpu.memref_squeeze %dma_start3A_121 : memref<1x128xi32, #tpu.memory_space<vmem>> -> memref<128xi32, #tpu.memory_space<vmem>>
        %dma_start3A_123 = arith.constant 0 : i32
        %dma_start3A_124 = arith.constant 0 : i32
        %dma_start3A_125 = tpu.memref_slice %arg6[%dma_start3A_123, %dma_start3A_124] : memref<10240x16xf32, #tpu.memory_space<vmem_shared>> -> memref<10240x16xf32, #tpu.memory_space<vmem_shared>>
        tpu.enqueue_indirect_dma source(%arg10 : memref<128x16xf32, #tpu.memory_space<vmem>>) target(%dma_start3A_125 : memref<10240x16xf32, #tpu.memory_space<vmem_shared>>) offsets(%dma_start3A_122 : memref<128xi32, #tpu.memory_space<vmem>>) semaphore(%arg31 : memref<!tpu.dma_semaphore, #tpu.memory_space<semaphore_mem>>) {add = true}
        %add3A_126 = arith.constant 2 : i32
        %add3A_127 = arith.addi %mul3A_93, %add3A_126 : i32
        %dma_wait3A_128 = arith.constant 0 : i32
        %dma_wait3A_129 = tpu.memref_slice %arg7[%add3A_127, %dma_wait3A_128] : memref<80x128xi32, #tpu.memory_space<vmem>> -> memref<1x128xi32, #tpu.memory_space<vmem>>
        %dma_wait3A_130 = tpu.memref_squeeze %dma_wait3A_129 : memref<1x128xi32, #tpu.memory_space<vmem>> -> memref<128xi32, #tpu.memory_space<vmem>>
        %dma_wait3A_131 = arith.constant 0 : i32
        %dma_wait3A_132 = arith.constant 0 : i32
        %dma_wait3A_133 = tpu.memref_slice %arg2[%dma_wait3A_131, %dma_wait3A_132] : memref<10000x16xf32, #tpu.memory_space<hbm>> -> memref<10000x16xf32, #tpu.memory_space<hbm>>
        tpu.wait_indirect_dma semaphore(%arg22 : memref<!tpu.dma_semaphore, #tpu.memory_space<semaphore_mem>>) src(%dma_wait3A_133 : memref<10000x16xf32, #tpu.memory_space<hbm>>) dst(%arg11 : memref<128x16xf32, #tpu.memory_space<vmem>>)
        %add3A_134 = arith.constant 2 : i32
        %add3A_135 = arith.addi %mul3A_93, %add3A_134 : i32
        %dma_start3A_136 = arith.constant 0 : i32
        %dma_start3A_137 = tpu.memref_slice %arg8[%add3A_135, %dma_start3A_136] : memref<80x128xi32, #tpu.memory_space<vmem>> -> memref<1x128xi32, #tpu.memory_space<vmem>>
        %dma_start3A_138 = tpu.memref_squeeze %dma_start3A_137 : memref<1x128xi32, #tpu.memory_space<vmem>> -> memref<128xi32, #tpu.memory_space<vmem>>
        %dma_start3A_139 = arith.constant 0 : i32
        %dma_start3A_140 = arith.constant 0 : i32
        %dma_start3A_141 = tpu.memref_slice %arg6[%dma_start3A_139, %dma_start3A_140] : memref<10240x16xf32, #tpu.memory_space<vmem_shared>> -> memref<10240x16xf32, #tpu.memory_space<vmem_shared>>
        tpu.enqueue_indirect_dma source(%arg11 : memref<128x16xf32, #tpu.memory_space<vmem>>) target(%dma_start3A_141 : memref<10240x16xf32, #tpu.memory_space<vmem_shared>>) offsets(%dma_start3A_138 : memref<128xi32, #tpu.memory_space<vmem>>) semaphore(%arg32 : memref<!tpu.dma_semaphore, #tpu.memory_space<semaphore_mem>>) {add = true}
        %add3A_142 = arith.constant 3 : i32
        %add3A_143 = arith.addi %mul3A_93, %add3A_142 : i32
        %dma_wait3A_144 = arith.constant 0 : i32
        %dma_wait3A_145 = tpu.memref_slice %arg7[%add3A_143, %dma_wait3A_144] : memref<80x128xi32, #tpu.memory_space<vmem>> -> memref<1x128xi32, #tpu.memory_space<vmem>>
        %dma_wait3A_146 = tpu.memref_squeeze %dma_wait3A_145 : memref<1x128xi32, #tpu.memory_space<vmem>> -> memref<128xi32, #tpu.memory_space<vmem>>
        %dma_wait3A_147 = arith.constant 0 : i32
        %dma_wait3A_148 = arith.constant 0 : i32
        %dma_wait3A_149 = tpu.memref_slice %arg2[%dma_wait3A_147, %dma_wait3A_148] : memref<10000x16xf32, #tpu.memory_space<hbm>> -> memref<10000x16xf32, #tpu.memory_space<hbm>>
        tpu.wait_indirect_dma semaphore(%arg23 : memref<!tpu.dma_semaphore, #tpu.memory_space<semaphore_mem>>) src(%dma_wait3A_149 : memref<10000x16xf32, #tpu.memory_space<hbm>>) dst(%arg12 : memref<128x16xf32, #tpu.memory_space<vmem>>)
        %add3A_150 = arith.constant 3 : i32
        %add3A_151 = arith.addi %mul3A_93, %add3A_150 : i32
        %dma_start3A_152 = arith.constant 0 : i32
        %dma_start3A_153 = tpu.memref_slice %arg8[%add3A_151, %dma_start3A_152] : memref<80x128xi32, #tpu.memory_space<vmem>> -> memref<1x128xi32, #tpu.memory_space<vmem>>
        %dma_start3A_154 = tpu.memref_squeeze %dma_start3A_153 : memref<1x128xi32, #tpu.memory_space<vmem>> -> memref<128xi32, #tpu.memory_space<vmem>>
        %dma_start3A_155 = arith.constant 0 : i32
        %dma_start3A_156 = arith.constant 0 : i32
        %dma_start3A_157 = tpu.memref_slice %arg6[%dma_start3A_155, %dma_start3A_156] : memref<10240x16xf32, #tpu.memory_space<vmem_shared>> -> memref<10240x16xf32, #tpu.memory_space<vmem_shared>>
        tpu.enqueue_indirect_dma source(%arg12 : memref<128x16xf32, #tpu.memory_space<vmem>>) target(%dma_start3A_157 : memref<10240x16xf32, #tpu.memory_space<vmem_shared>>) offsets(%dma_start3A_154 : memref<128xi32, #tpu.memory_space<vmem>>) semaphore(%arg33 : memref<!tpu.dma_semaphore, #tpu.memory_space<semaphore_mem>>) {add = true}
        %add3A_158 = arith.constant 0 : i32
        %add3A_159 = arith.addi %mul3A_93, %add3A_158 : i32
        %dma_wait3A_160 = arith.constant 0 : i32
        %dma_wait3A_161 = tpu.memref_slice %arg8[%add3A_159, %dma_wait3A_160] : memref<80x128xi32, #tpu.memory_space<vmem>> -> memref<1x128xi32, #tpu.memory_space<vmem>>
        %dma_wait3A_162 = tpu.memref_squeeze %dma_wait3A_161 : memref<1x128xi32, #tpu.memory_space<vmem>> -> memref<128xi32, #tpu.memory_space<vmem>>
        %dma_wait3A_163 = arith.constant 0 : i32
        %dma_wait3A_164 = arith.constant 0 : i32
        %dma_wait3A_165 = tpu.memref_slice %arg6[%dma_wait3A_163, %dma_wait3A_164] : memref<10240x16xf32, #tpu.memory_space<vmem_shared>> -> memref<10240x16xf32, #tpu.memory_space<vmem_shared>>
        tpu.wait_indirect_dma semaphore(%arg30 : memref<!tpu.dma_semaphore, #tpu.memory_space<semaphore_mem>>) src(%arg9 : memref<128x16xf32, #tpu.memory_space<vmem>>) dst(%dma_wait3A_165 : memref<10240x16xf32, #tpu.memory_space<vmem_shared>>)
        %add3A_166 = arith.constant 4 : i32
        %add3A_167 = arith.addi %mul3A_93, %add3A_166 : i32
        %add3A_168 = arith.constant 0 : i32
        %add3A_169 = arith.addi %add3A_167, %add3A_168 : i32
        %dma_start3A_170 = arith.constant 0 : i32
        %dma_start3A_171 = tpu.memref_slice %arg7[%add3A_169, %dma_start3A_170] : memref<80x128xi32, #tpu.memory_space<vmem>> -> memref<1x128xi32, #tpu.memory_space<vmem>>
        %dma_start3A_172 = tpu.memref_squeeze %dma_start3A_171 : memref<1x128xi32, #tpu.memory_space<vmem>> -> memref<128xi32, #tpu.memory_space<vmem>>
        %dma_start3A_173 = arith.constant 0 : i32
        %dma_start3A_174 = arith.constant 0 : i32
        %dma_start3A_175 = tpu.memref_slice %arg2[%dma_start3A_173, %dma_start3A_174] : memref<10000x16xf32, #tpu.memory_space<hbm>> -> memref<10000x16xf32, #tpu.memory_space<hbm>>
        tpu.enqueue_indirect_dma source(%dma_start3A_175 : memref<10000x16xf32, #tpu.memory_space<hbm>>) target(%arg9 : memref<128x16xf32, #tpu.memory_space<vmem>>) offsets(%dma_start3A_172 : memref<128xi32, #tpu.memory_space<vmem>>) semaphore(%arg20 : memref<!tpu.dma_semaphore, #tpu.memory_space<semaphore_mem>>)
        %add3A_176 = arith.constant 1 : i32
        %add3A_177 = arith.addi %mul3A_93, %add3A_176 : i32
        %dma_wait3A_178 = arith.constant 0 : i32
        %dma_wait3A_179 = tpu.memref_slice %arg8[%add3A_177, %dma_wait3A_178] : memref<80x128xi32, #tpu.memory_space<vmem>> -> memref<1x128xi32, #tpu.memory_space<vmem>>
        %dma_wait3A_180 = tpu.memref_squeeze %dma_wait3A_179 : memref<1x128xi32, #tpu.memory_space<vmem>> -> memref<128xi32, #tpu.memory_space<vmem>>
        %dma_wait3A_181 = arith.constant 0 : i32
        %dma_wait3A_182 = arith.constant 0 : i32
        %dma_wait3A_183 = tpu.memref_slice %arg6[%dma_wait3A_181, %dma_wait3A_182] : memref<10240x16xf32, #tpu.memory_space<vmem_shared>> -> memref<10240x16xf32, #tpu.memory_space<vmem_shared>>
        tpu.wait_indirect_dma semaphore(%arg31 : memref<!tpu.dma_semaphore, #tpu.memory_space<semaphore_mem>>) src(%arg10 : memref<128x16xf32, #tpu.memory_space<vmem>>) dst(%dma_wait3A_183 : memref<10240x16xf32, #tpu.memory_space<vmem_shared>>)
        %add3A_184 = arith.constant 4 : i32
        %add3A_185 = arith.addi %mul3A_93, %add3A_184 : i32
        %add3A_186 = arith.constant 1 : i32
        %add3A_187 = arith.addi %add3A_185, %add3A_186 : i32
        %dma_start3A_188 = arith.constant 0 : i32
        %dma_start3A_189 = tpu.memref_slice %arg7[%add3A_187, %dma_start3A_188] : memref<80x128xi32, #tpu.memory_space<vmem>> -> memref<1x128xi32, #tpu.memory_space<vmem>>
        %dma_start3A_190 = tpu.memref_squeeze %dma_start3A_189 : memref<1x128xi32, #tpu.memory_space<vmem>> -> memref<128xi32, #tpu.memory_space<vmem>>
        %dma_start3A_191 = arith.constant 0 : i32
        %dma_start3A_192 = arith.constant 0 : i32
        %dma_start3A_193 = tpu.memref_slice %arg2[%dma_start3A_191, %dma_start3A_192] : memref<10000x16xf32, #tpu.memory_space<hbm>> -> memref<10000x16xf32, #tpu.memory_space<hbm>>
        tpu.enqueue_indirect_dma source(%dma_start3A_193 : memref<10000x16xf32, #tpu.memory_space<hbm>>) target(%arg10 : memref<128x16xf32, #tpu.memory_space<vmem>>) offsets(%dma_start3A_190 : memref<128xi32, #tpu.memory_space<vmem>>) semaphore(%arg21 : memref<!tpu.dma_semaphore, #tpu.memory_space<semaphore_mem>>)
        %add3A_194 = arith.constant 2 : i32
        %add3A_195 = arith.addi %mul3A_93, %add3A_194 : i32
        %dma_wait3A_196 = arith.constant 0 : i32
        %dma_wait3A_197 = tpu.memref_slice %arg8[%add3A_195, %dma_wait3A_196] : memref<80x128xi32, #tpu.memory_space<vmem>> -> memref<1x128xi32, #tpu.memory_space<vmem>>
        %dma_wait3A_198 = tpu.memref_squeeze %dma_wait3A_197 : memref<1x128xi32, #tpu.memory_space<vmem>> -> memref<128xi32, #tpu.memory_space<vmem>>
        %dma_wait3A_199 = arith.constant 0 : i32
        %dma_wait3A_200 = arith.constant 0 : i32
        %dma_wait3A_201 = tpu.memref_slice %arg6[%dma_wait3A_199, %dma_wait3A_200] : memref<10240x16xf32, #tpu.memory_space<vmem_shared>> -> memref<10240x16xf32, #tpu.memory_space<vmem_shared>>
        tpu.wait_indirect_dma semaphore(%arg32 : memref<!tpu.dma_semaphore, #tpu.memory_space<semaphore_mem>>) src(%arg11 : memref<128x16xf32, #tpu.memory_space<vmem>>) dst(%dma_wait3A_201 : memref<10240x16xf32, #tpu.memory_space<vmem_shared>>)
        %add3A_202 = arith.constant 4 : i32
        %add3A_203 = arith.addi %mul3A_93, %add3A_202 : i32
        %add3A_204 = arith.constant 2 : i32
        %add3A_205 = arith.addi %add3A_203, %add3A_204 : i32
        %dma_start3A_206 = arith.constant 0 : i32
        %dma_start3A_207 = tpu.memref_slice %arg7[%add3A_205, %dma_start3A_206] : memref<80x128xi32, #tpu.memory_space<vmem>> -> memref<1x128xi32, #tpu.memory_space<vmem>>
        %dma_start3A_208 = tpu.memref_squeeze %dma_start3A_207 : memref<1x128xi32, #tpu.memory_space<vmem>> -> memref<128xi32, #tpu.memory_space<vmem>>
        %dma_start3A_209 = arith.constant 0 : i32
        %dma_start3A_210 = arith.constant 0 : i32
        %dma_start3A_211 = tpu.memref_slice %arg2[%dma_start3A_209, %dma_start3A_210] : memref<10000x16xf32, #tpu.memory_space<hbm>> -> memref<10000x16xf32, #tpu.memory_space<hbm>>
        tpu.enqueue_indirect_dma source(%dma_start3A_211 : memref<10000x16xf32, #tpu.memory_space<hbm>>) target(%arg11 : memref<128x16xf32, #tpu.memory_space<vmem>>) offsets(%dma_start3A_208 : memref<128xi32, #tpu.memory_space<vmem>>) semaphore(%arg22 : memref<!tpu.dma_semaphore, #tpu.memory_space<semaphore_mem>>)
        %add3A_212 = arith.constant 3 : i32
        %add3A_213 = arith.addi %mul3A_93, %add3A_212 : i32
        %dma_wait3A_214 = arith.constant 0 : i32
        %dma_wait3A_215 = tpu.memref_slice %arg8[%add3A_213, %dma_wait3A_214] : memref<80x128xi32, #tpu.memory_space<vmem>> -> memref<1x128xi32, #tpu.memory_space<vmem>>
        %dma_wait3A_216 = tpu.memref_squeeze %dma_wait3A_215 : memref<1x128xi32, #tpu.memory_space<vmem>> -> memref<128xi32, #tpu.memory_space<vmem>>
        %dma_wait3A_217 = arith.constant 0 : i32
        %dma_wait3A_218 = arith.constant 0 : i32
        %dma_wait3A_219 = tpu.memref_slice %arg6[%dma_wait3A_217, %dma_wait3A_218] : memref<10240x16xf32, #tpu.memory_space<vmem_shared>> -> memref<10240x16xf32, #tpu.memory_space<vmem_shared>>
        tpu.wait_indirect_dma semaphore(%arg33 : memref<!tpu.dma_semaphore, #tpu.memory_space<semaphore_mem>>) src(%arg12 : memref<128x16xf32, #tpu.memory_space<vmem>>) dst(%dma_wait3A_219 : memref<10240x16xf32, #tpu.memory_space<vmem_shared>>)
        %add3A_220 = arith.constant 4 : i32
        %add3A_221 = arith.addi %mul3A_93, %add3A_220 : i32
        %add3A_222 = arith.constant 3 : i32
        %add3A_223 = arith.addi %add3A_221, %add3A_222 : i32
        %dma_start3A_224 = arith.constant 0 : i32
        %dma_start3A_225 = tpu.memref_slice %arg7[%add3A_223, %dma_start3A_224] : memref<80x128xi32, #tpu.memory_space<vmem>> -> memref<1x128xi32, #tpu.memory_space<vmem>>
        %dma_start3A_226 = tpu.memref_squeeze %dma_start3A_225 : memref<1x128xi32, #tpu.memory_space<vmem>> -> memref<128xi32, #tpu.memory_space<vmem>>
        %dma_start3A_227 = arith.constant 0 : i32
        %dma_start3A_228 = arith.constant 0 : i32
        %dma_start3A_229 = tpu.memref_slice %arg2[%dma_start3A_227, %dma_start3A_228] : memref<10000x16xf32, #tpu.memory_space<hbm>> -> memref<10000x16xf32, #tpu.memory_space<hbm>>
        tpu.enqueue_indirect_dma source(%dma_start3A_229 : memref<10000x16xf32, #tpu.memory_space<hbm>>) target(%arg12 : memref<128x16xf32, #tpu.memory_space<vmem>>) offsets(%dma_start3A_226 : memref<128xi32, #tpu.memory_space<vmem>>) semaphore(%arg23 : memref<!tpu.dma_semaphore, #tpu.memory_space<semaphore_mem>>)
        %scan3A_230 = arith.constant 0 : i32
        scf.yield %scan3A_230 : i32
      }
      %scan3A_59 = arith.constant 4 : i32
      %dma_wait3A = arith.constant 16 : i32
      %dma_wait3A_60 = arith.constant 0 : i32
      %dma_wait3A_61 = tpu.memref_slice %arg7[%dma_wait3A, %dma_wait3A_60] : memref<80x128xi32, #tpu.memory_space<vmem>> -> memref<1x128xi32, #tpu.memory_space<vmem>>
      %dma_wait3A_62 = tpu.memref_squeeze %dma_wait3A_61 : memref<1x128xi32, #tpu.memory_space<vmem>> -> memref<128xi32, #tpu.memory_space<vmem>>
      %dma_wait3A_63 = arith.constant 0 : i32
      %dma_wait3A_64 = arith.constant 0 : i32
      %dma_wait3A_65 = tpu.memref_slice %arg2[%dma_wait3A_63, %dma_wait3A_64] : memref<10000x16xf32, #tpu.memory_space<hbm>> -> memref<10000x16xf32, #tpu.memory_space<hbm>>
      tpu.wait_indirect_dma semaphore(%arg20 : memref<!tpu.dma_semaphore, #tpu.memory_space<semaphore_mem>>) src(%dma_wait3A_65 : memref<10000x16xf32, #tpu.memory_space<hbm>>) dst(%arg9 : memref<128x16xf32, #tpu.memory_space<vmem>>)
      %run_scoped3A = arith.constant 16 : i32
      "tpu.region"() ({
        %run_scoped3A_90 = tpu.sem_alloc : memref<!tpu.dma_semaphore, #tpu.memory_space<semaphore_mem>>
        %dma_start3A_91 = arith.constant 0 : i32
        %dma_start3A_92 = tpu.memref_slice %arg8[%run_scoped3A, %dma_start3A_91] : memref<80x128xi32, #tpu.memory_space<vmem>> -> memref<1x128xi32, #tpu.memory_space<vmem>>
        %dma_start3A_93 = tpu.memref_squeeze %dma_start3A_92 : memref<1x128xi32, #tpu.memory_space<vmem>> -> memref<128xi32, #tpu.memory_space<vmem>>
        %dma_start3A_94 = arith.constant 0 : i32
        %dma_start3A_95 = arith.constant 0 : i32
        %dma_start3A_96 = tpu.memref_slice %arg6[%dma_start3A_94, %dma_start3A_95] : memref<10240x16xf32, #tpu.memory_space<vmem_shared>> -> memref<10240x16xf32, #tpu.memory_space<vmem_shared>>
        tpu.enqueue_indirect_dma source(%arg9 : memref<128x16xf32, #tpu.memory_space<vmem>>) target(%dma_start3A_96 : memref<10240x16xf32, #tpu.memory_space<vmem_shared>>) offsets(%dma_start3A_93 : memref<128xi32, #tpu.memory_space<vmem>>) semaphore(%run_scoped3A_90 : memref<!tpu.dma_semaphore, #tpu.memory_space<semaphore_mem>>) {add = true}
        %dma_wait3A_97 = arith.constant 0 : i32
        %dma_wait3A_98 = tpu.memref_slice %arg8[%run_scoped3A, %dma_wait3A_97] : memref<80x128xi32, #tpu.memory_space<vmem>> -> memref<1x128xi32, #tpu.memory_space<vmem>>
        %dma_wait3A_99 = tpu.memref_squeeze %dma_wait3A_98 : memref<1x128xi32, #tpu.memory_space<vmem>> -> memref<128xi32, #tpu.memory_space<vmem>>
        %dma_wait3A_100 = arith.constant 0 : i32
        %dma_wait3A_101 = arith.constant 0 : i32
        %dma_wait3A_102 = tpu.memref_slice %arg6[%dma_wait3A_100, %dma_wait3A_101] : memref<10240x16xf32, #tpu.memory_space<vmem_shared>> -> memref<10240x16xf32, #tpu.memory_space<vmem_shared>>
        tpu.wait_indirect_dma semaphore(%run_scoped3A_90 : memref<!tpu.dma_semaphore, #tpu.memory_space<semaphore_mem>>) src(%arg9 : memref<128x16xf32, #tpu.memory_space<vmem>>) dst(%dma_wait3A_102 : memref<10240x16xf32, #tpu.memory_space<vmem_shared>>)
        tpu.yield
      }) : () -> ()
      %dma_wait3A_66 = arith.constant 17 : i32
      %dma_wait3A_67 = arith.constant 0 : i32
      %dma_wait3A_68 = tpu.memref_slice %arg7[%dma_wait3A_66, %dma_wait3A_67] : memref<80x128xi32, #tpu.memory_space<vmem>> -> memref<1x128xi32, #tpu.memory_space<vmem>>
      %dma_wait3A_69 = tpu.memref_squeeze %dma_wait3A_68 : memref<1x128xi32, #tpu.memory_space<vmem>> -> memref<128xi32, #tpu.memory_space<vmem>>
      %dma_wait3A_70 = arith.constant 0 : i32
      %dma_wait3A_71 = arith.constant 0 : i32
      %dma_wait3A_72 = tpu.memref_slice %arg2[%dma_wait3A_70, %dma_wait3A_71] : memref<10000x16xf32, #tpu.memory_space<hbm>> -> memref<10000x16xf32, #tpu.memory_space<hbm>>
      tpu.wait_indirect_dma semaphore(%arg21 : memref<!tpu.dma_semaphore, #tpu.memory_space<semaphore_mem>>) src(%dma_wait3A_72 : memref<10000x16xf32, #tpu.memory_space<hbm>>) dst(%arg10 : memref<128x16xf32, #tpu.memory_space<vmem>>)
      %run_scoped3A_73 = arith.constant 17 : i32
      "tpu.region"() ({
        %run_scoped3A_90 = tpu.sem_alloc : memref<!tpu.dma_semaphore, #tpu.memory_space<semaphore_mem>>
        %dma_start3A_91 = arith.constant 0 : i32
        %dma_start3A_92 = tpu.memref_slice %arg8[%run_scoped3A_73, %dma_start3A_91] : memref<80x128xi32, #tpu.memory_space<vmem>> -> memref<1x128xi32, #tpu.memory_space<vmem>>
        %dma_start3A_93 = tpu.memref_squeeze %dma_start3A_92 : memref<1x128xi32, #tpu.memory_space<vmem>> -> memref<128xi32, #tpu.memory_space<vmem>>
        %dma_start3A_94 = arith.constant 0 : i32
        %dma_start3A_95 = arith.constant 0 : i32
        %dma_start3A_96 = tpu.memref_slice %arg6[%dma_start3A_94, %dma_start3A_95] : memref<10240x16xf32, #tpu.memory_space<vmem_shared>> -> memref<10240x16xf32, #tpu.memory_space<vmem_shared>>
        tpu.enqueue_indirect_dma source(%arg10 : memref<128x16xf32, #tpu.memory_space<vmem>>) target(%dma_start3A_96 : memref<10240x16xf32, #tpu.memory_space<vmem_shared>>) offsets(%dma_start3A_93 : memref<128xi32, #tpu.memory_space<vmem>>) semaphore(%run_scoped3A_90 : memref<!tpu.dma_semaphore, #tpu.memory_space<semaphore_mem>>) {add = true}
        %dma_wait3A_97 = arith.constant 0 : i32
        %dma_wait3A_98 = tpu.memref_slice %arg8[%run_scoped3A_73, %dma_wait3A_97] : memref<80x128xi32, #tpu.memory_space<vmem>> -> memref<1x128xi32, #tpu.memory_space<vmem>>
        %dma_wait3A_99 = tpu.memref_squeeze %dma_wait3A_98 : memref<1x128xi32, #tpu.memory_space<vmem>> -> memref<128xi32, #tpu.memory_space<vmem>>
        %dma_wait3A_100 = arith.constant 0 : i32
        %dma_wait3A_101 = arith.constant 0 : i32
        %dma_wait3A_102 = tpu.memref_slice %arg6[%dma_wait3A_100, %dma_wait3A_101] : memref<10240x16xf32, #tpu.memory_space<vmem_shared>> -> memref<10240x16xf32, #tpu.memory_space<vmem_shared>>
        tpu.wait_indirect_dma semaphore(%run_scoped3A_90 : memref<!tpu.dma_semaphore, #tpu.memory_space<semaphore_mem>>) src(%arg10 : memref<128x16xf32, #tpu.memory_space<vmem>>) dst(%dma_wait3A_102 : memref<10240x16xf32, #tpu.memory_space<vmem_shared>>)
        tpu.yield
      }) : () -> ()
      %dma_wait3A_74 = arith.constant 18 : i32
      %dma_wait3A_75 = arith.constant 0 : i32
      %dma_wait3A_76 = tpu.memref_slice %arg7[%dma_wait3A_74, %dma_wait3A_75] : memref<80x128xi32, #tpu.memory_space<vmem>> -> memref<1x128xi32, #tpu.memory_space<vmem>>
      %dma_wait3A_77 = tpu.memref_squeeze %dma_wait3A_76 : memref<1x128xi32, #tpu.memory_space<vmem>> -> memref<128xi32, #tpu.memory_space<vmem>>
      %dma_wait3A_78 = arith.constant 0 : i32
      %dma_wait3A_79 = arith.constant 0 : i32
      %dma_wait3A_80 = tpu.memref_slice %arg2[%dma_wait3A_78, %dma_wait3A_79] : memref<10000x16xf32, #tpu.memory_space<hbm>> -> memref<10000x16xf32, #tpu.memory_space<hbm>>
      tpu.wait_indirect_dma semaphore(%arg22 : memref<!tpu.dma_semaphore, #tpu.memory_space<semaphore_mem>>) src(%dma_wait3A_80 : memref<10000x16xf32, #tpu.memory_space<hbm>>) dst(%arg11 : memref<128x16xf32, #tpu.memory_space<vmem>>)
      %run_scoped3A_81 = arith.constant 18 : i32
      "tpu.region"() ({
        %run_scoped3A_90 = tpu.sem_alloc : memref<!tpu.dma_semaphore, #tpu.memory_space<semaphore_mem>>
        %dma_start3A_91 = arith.constant 0 : i32
        %dma_start3A_92 = tpu.memref_slice %arg8[%run_scoped3A_81, %dma_start3A_91] : memref<80x128xi32, #tpu.memory_space<vmem>> -> memref<1x128xi32, #tpu.memory_space<vmem>>
        %dma_start3A_93 = tpu.memref_squeeze %dma_start3A_92 : memref<1x128xi32, #tpu.memory_space<vmem>> -> memref<128xi32, #tpu.memory_space<vmem>>
        %dma_start3A_94 = arith.constant 0 : i32
        %dma_start3A_95 = arith.constant 0 : i32
        %dma_start3A_96 = tpu.memref_slice %arg6[%dma_start3A_94, %dma_start3A_95] : memref<10240x16xf32, #tpu.memory_space<vmem_shared>> -> memref<10240x16xf32, #tpu.memory_space<vmem_shared>>
        tpu.enqueue_indirect_dma source(%arg11 : memref<128x16xf32, #tpu.memory_space<vmem>>) target(%dma_start3A_96 : memref<10240x16xf32, #tpu.memory_space<vmem_shared>>) offsets(%dma_start3A_93 : memref<128xi32, #tpu.memory_space<vmem>>) semaphore(%run_scoped3A_90 : memref<!tpu.dma_semaphore, #tpu.memory_space<semaphore_mem>>) {add = true}
        %dma_wait3A_97 = arith.constant 0 : i32
        %dma_wait3A_98 = tpu.memref_slice %arg8[%run_scoped3A_81, %dma_wait3A_97] : memref<80x128xi32, #tpu.memory_space<vmem>> -> memref<1x128xi32, #tpu.memory_space<vmem>>
        %dma_wait3A_99 = tpu.memref_squeeze %dma_wait3A_98 : memref<1x128xi32, #tpu.memory_space<vmem>> -> memref<128xi32, #tpu.memory_space<vmem>>
        %dma_wait3A_100 = arith.constant 0 : i32
        %dma_wait3A_101 = arith.constant 0 : i32
        %dma_wait3A_102 = tpu.memref_slice %arg6[%dma_wait3A_100, %dma_wait3A_101] : memref<10240x16xf32, #tpu.memory_space<vmem_shared>> -> memref<10240x16xf32, #tpu.memory_space<vmem_shared>>
        tpu.wait_indirect_dma semaphore(%run_scoped3A_90 : memref<!tpu.dma_semaphore, #tpu.memory_space<semaphore_mem>>) src(%arg11 : memref<128x16xf32, #tpu.memory_space<vmem>>) dst(%dma_wait3A_102 : memref<10240x16xf32, #tpu.memory_space<vmem_shared>>)
        tpu.yield
      }) : () -> ()
      %dma_wait3A_82 = arith.constant 19 : i32
      %dma_wait3A_83 = arith.constant 0 : i32
      %dma_wait3A_84 = tpu.memref_slice %arg7[%dma_wait3A_82, %dma_wait3A_83] : memref<80x128xi32, #tpu.memory_space<vmem>> -> memref<1x128xi32, #tpu.memory_space<vmem>>
      %dma_wait3A_85 = tpu.memref_squeeze %dma_wait3A_84 : memref<1x128xi32, #tpu.memory_space<vmem>> -> memref<128xi32, #tpu.memory_space<vmem>>
      %dma_wait3A_86 = arith.constant 0 : i32
      %dma_wait3A_87 = arith.constant 0 : i32
      %dma_wait3A_88 = tpu.memref_slice %arg2[%dma_wait3A_86, %dma_wait3A_87] : memref<10000x16xf32, #tpu.memory_space<hbm>> -> memref<10000x16xf32, #tpu.memory_space<hbm>>
      tpu.wait_indirect_dma semaphore(%arg23 : memref<!tpu.dma_semaphore, #tpu.memory_space<semaphore_mem>>) src(%dma_wait3A_88 : memref<10000x16xf32, #tpu.memory_space<hbm>>) dst(%arg12 : memref<128x16xf32, #tpu.memory_space<vmem>>)
      %run_scoped3A_89 = arith.constant 19 : i32
      "tpu.region"() ({
        %run_scoped3A_90 = tpu.sem_alloc : memref<!tpu.dma_semaphore, #tpu.memory_space<semaphore_mem>>
        %dma_start3A_91 = arith.constant 0 : i32
        %dma_start3A_92 = tpu.memref_slice %arg8[%run_scoped3A_89, %dma_start3A_91] : memref<80x128xi32, #tpu.memory_space<vmem>> -> memref<1x128xi32, #tpu.memory_space<vmem>>
        %dma_start3A_93 = tpu.memref_squeeze %dma_start3A_92 : memref<1x128xi32, #tpu.memory_space<vmem>> -> memref<128xi32, #tpu.memory_space<vmem>>
        %dma_start3A_94 = arith.constant 0 : i32
        %dma_start3A_95 = arith.constant 0 : i32
        %dma_start3A_96 = tpu.memref_slice %arg6[%dma_start3A_94, %dma_start3A_95] : memref<10240x16xf32, #tpu.memory_space<vmem_shared>> -> memref<10240x16xf32, #tpu.memory_space<vmem_shared>>
        tpu.enqueue_indirect_dma source(%arg12 : memref<128x16xf32, #tpu.memory_space<vmem>>) target(%dma_start3A_96 : memref<10240x16xf32, #tpu.memory_space<vmem_shared>>) offsets(%dma_start3A_93 : memref<128xi32, #tpu.memory_space<vmem>>) semaphore(%run_scoped3A_90 : memref<!tpu.dma_semaphore, #tpu.memory_space<semaphore_mem>>) {add = true}
        %dma_wait3A_97 = arith.constant 0 : i32
        %dma_wait3A_98 = tpu.memref_slice %arg8[%run_scoped3A_89, %dma_wait3A_97] : memref<80x128xi32, #tpu.memory_space<vmem>> -> memref<1x128xi32, #tpu.memory_space<vmem>>
        %dma_wait3A_99 = tpu.memref_squeeze %dma_wait3A_98 : memref<1x128xi32, #tpu.memory_space<vmem>> -> memref<128xi32, #tpu.memory_space<vmem>>
        %dma_wait3A_100 = arith.constant 0 : i32
        %dma_wait3A_101 = arith.constant 0 : i32
        %dma_wait3A_102 = tpu.memref_slice %arg6[%dma_wait3A_100, %dma_wait3A_101] : memref<10240x16xf32, #tpu.memory_space<vmem_shared>> -> memref<10240x16xf32, #tpu.memory_space<vmem_shared>>
        tpu.wait_indirect_dma semaphore(%run_scoped3A_90 : memref<!tpu.dma_semaphore, #tpu.memory_space<semaphore_mem>>) src(%arg12 : memref<128x16xf32, #tpu.memory_space<vmem>>) dst(%dma_wait3A_102 : memref<10240x16xf32, #tpu.memory_space<vmem_shared>>)
        tpu.yield
      }) : () -> ()
    } else {
    }
    %barrier3A_23 = arith.constant 0 : index
    tpu.barrier barrier_id(%barrier3A_23)
    %mul3A_24 = arith.constant 640 : i32
    %mul3A_25 = arith.muli %arg1, %mul3A_24 : i32
    "tpu.region"() ({
      %run_scoped3A = tpu.sem_alloc : memref<!tpu.dma_semaphore, #tpu.memory_space<semaphore_mem>>
      %dma_start3A = arith.constant 0 : i32
      %dma_start3A_26 = tpu.memref_slice %arg5[%arg0, %mul3A_25, %dma_start3A] : memref<2x10240x16xf32, #tpu.memory_space<hbm>> -> memref<1x640x16xf32, #tpu.memory_space<hbm>>
      %dma_start3A_27 = tpu.memref_squeeze %dma_start3A_26 : memref<1x640x16xf32, #tpu.memory_space<hbm>> -> memref<640x16xf32, #tpu.memory_space<hbm>>
      %dma_start3A_28 = arith.constant 0 : i32
      %dma_start3A_29 = tpu.memref_slice %arg6[%mul3A_25, %dma_start3A_28] : memref<10240x16xf32, #tpu.memory_space<vmem_shared>> -> memref<640x16xf32, #tpu.memory_space<vmem_shared>>
      tpu.enqueue_dma source(%dma_start3A_29 : memref<640x16xf32, #tpu.memory_space<vmem_shared>>) target(%dma_start3A_27 : memref<640x16xf32, #tpu.memory_space<hbm>>) target_semaphore(%run_scoped3A : memref<!tpu.dma_semaphore, #tpu.memory_space<semaphore_mem>>)
      %dma_wait3A = arith.constant 0 : i32
      %dma_wait3A_30 = tpu.memref_slice %arg5[%arg0, %mul3A_25, %dma_wait3A] : memref<2x10240x16xf32, #tpu.memory_space<hbm>> -> memref<1x640x16xf32, #tpu.memory_space<hbm>>
      %dma_wait3A_31 = tpu.memref_squeeze %dma_wait3A_30 : memref<1x640x16xf32, #tpu.memory_space<hbm>> -> memref<640x16xf32, #tpu.memory_space<hbm>>
      %dma_wait3A_32 = arith.constant 0 : i32
      %dma_wait3A_33 = tpu.memref_slice %arg6[%mul3A_25, %dma_wait3A_32] : memref<10240x16xf32, #tpu.memory_space<vmem_shared>> -> memref<640x16xf32, #tpu.memory_space<vmem_shared>>
      tpu.wait_dma2 semaphore(%run_scoped3A : memref<!tpu.dma_semaphore, #tpu.memory_space<semaphore_mem>>) src(%dma_wait3A_33 : memref<640x16xf32, #tpu.memory_space<vmem_shared>>) dst(%dma_wait3A_31 : memref<640x16xf32, #tpu.memory_space<hbm>>)
      tpu.yield
    }) : () -> ()
    return
  }
}

module attributes {stable_mosaic.version = 14 : i64} {
  func.func @_tc_mm_body(%arg0: memref<1250x1024xf32, #tpu.memory_space<vmem>>, %arg1: memref<1024x128xf32, #tpu.memory_space<vmem>>, %arg2: memref<1250x128xf32, #tpu.memory_space<vmem>>) attributes {dimension_semantics = [], scalar_prefetch = 0 : i64, scratch_operands = 0 : i64, tpu.core_type = #tpu.core_type<tc>} {
    %get3A = arith.constant 0 : index
    %get3A_0 = arith.constant 0 : index
    %get3A_1 = vector.load %arg0[%get3A, %get3A_0] : memref<1250x1024xf32, #tpu.memory_space<vmem>>, vector<1250x1024xf32>
    %get3A_2 = arith.constant 0 : index
    %get3A_3 = arith.constant 0 : index
    %get3A_4 = vector.load %arg1[%get3A_2, %get3A_3] : memref<1024x128xf32, #tpu.memory_space<vmem>>, vector<1024x128xf32>
    %dot_general3A = arith.constant dense<0.000000e+00> : vector<1250x128xf32>
    %dot_general3A_5 = tpu.matmul %get3A_1, %get3A_4, %dot_general3A {dimension_numbers = #tpu.dot_dimension_numbers<[1], [0], [0], [1], [0, 0, 1, 1], [], []>, transpose_lhs_hint = false} : vector<1250x1024xf32>, vector<1024x128xf32>, vector<1250x128xf32> -> vector<1250x128xf32>
    %swap3A = arith.constant 0 : index
    %swap3A_6 = arith.constant 0 : index
    %swap3A_7 = vector.load %arg2[%swap3A, %swap3A_6] : memref<1250x128xf32, #tpu.memory_space<vmem>>, vector<1250x128xf32>
    tpu.vector_store %arg2[%swap3A, %swap3A_6], %dot_general3A_5 {strides = array<i32>} : memref<1250x128xf32, #tpu.memory_space<vmem>>, vector<1250x128xf32>,
    return
  }
}

module attributes {stable_mosaic.version = 14 : i64} {
  func.func @_tc_scale_body(%arg0: memref<1250x128xf32, #tpu.memory_space<vmem>>, %arg1: memref<2x1280x8xf32, #tpu.memory_space<vmem>>, %arg2: memref<1280x128xf32, #tpu.memory_space<vmem>>, %arg3: memref<1250x128xf32, #tpu.memory_space<vmem>>) attributes {dimension_semantics = [], scalar_prefetch = 0 : i64, scratch_operands = 0 : i64, tpu.core_type = #tpu.core_type<tc>} {
    %iota3A = tpu.iota {dimensions = array<i32: 0>} : vector<8x8xi32>
    %iota3A_0 = tpu.iota {dimensions = array<i32: 1>} : vector<8x8xi32>
    %add3A = arith.constant 0 : i32
    %add3A_1 = vector.broadcast %add3A : i32 to vector<8x8xi32>
    %add3A_2 = arith.addi %iota3A, %add3A_1 : vector<8x8xi32>
    %eq3A = arith.cmpi eq, %add3A_2, %iota3A_0 : vector<8x8xi32>
    %convert_element_type3A = arith.extui %eq3A : vector<8x8xi1> to vector<8x8xi32>
    %convert_element_type3A_3 = arith.sitofp %convert_element_type3A : vector<8x8xi32> to vector<8x8xf32>
    %broadcast_in_dim3A = vector.shape_cast %convert_element_type3A_3 : vector<8x8xf32> to vector<8x8x1xf32>
    %broadcast_in_dim3A_4 = vector.broadcast %broadcast_in_dim3A : vector<8x8x1xf32> to vector<8x8x16xf32>
    %reshape3A = vector.shape_cast %broadcast_in_dim3A_4 : vector<8x8x16xf32> to vector<8x128xf32>
    %get3A = arith.constant 0 : index
    %get3A_5 = arith.constant 0 : index
    %get3A_6 = arith.constant 0 : index
    %get3A_7 = vector.load %arg1[%get3A, %get3A_5, %get3A_6] : memref<2x1280x8xf32, #tpu.memory_space<vmem>>, vector<1x1280x8xf32>
    %get3A_8 = vector.shape_cast %get3A_7 : vector<1x1280x8xf32> to vector<1280x8xf32>
    %get3A_9 = arith.constant 1 : index
    %get3A_10 = arith.constant 0 : index
    %get3A_11 = arith.constant 0 : index
    %get3A_12 = vector.load %arg1[%get3A_9, %get3A_10, %get3A_11] : memref<2x1280x8xf32, #tpu.memory_space<vmem>>, vector<1x1280x8xf32>
    %get3A_13 = vector.shape_cast %get3A_12 : vector<1x1280x8xf32> to vector<1280x8xf32>
    %add3A_14 = arith.addf %get3A_8, %get3A_13 : vector<1280x8xf32>
    %dot_general3A = arith.constant dense<0.000000e+00> : vector<1280x128xf32>
    %dot_general3A_15 = tpu.matmul %add3A_14, %reshape3A, %dot_general3A {dimension_numbers = #tpu.dot_dimension_numbers<[1], [0], [0], [1], [0, 0, 1, 1], [], []>, transpose_lhs_hint = false} : vector<1280x8xf32>, vector<8x128xf32>, vector<1280x128xf32> -> vector<1280x128xf32>
    %add3A_16 = arith.constant 1.000000e+00 : f32
    %add3A_17 = vector.broadcast %add3A_16 : f32 to vector<1280x128xf32>
    %add3A_18 = arith.addf %dot_general3A_15, %add3A_17 : vector<1280x128xf32>
    %rsqrt3A = math.rsqrt %add3A_18 : vector<1280x128xf32>
    %swap3A = arith.constant 0 : index
    %swap3A_19 = arith.constant 0 : index
    %swap3A_20 = vector.load %arg2[%swap3A, %swap3A_19] : memref<1280x128xf32, #tpu.memory_space<vmem>>, vector<1280x128xf32>
    tpu.vector_store %arg2[%swap3A, %swap3A_19], %rsqrt3A {strides = array<i32>} : memref<1280x128xf32, #tpu.memory_space<vmem>>, vector<1280x128xf32>,
    %get3A_21 = arith.constant 0 : index
    %get3A_22 = arith.constant 0 : index
    %get3A_23 = vector.load %arg0[%get3A_21, %get3A_22] : memref<1250x128xf32, #tpu.memory_space<vmem>>, vector<1250x128xf32>
    %slice3A = vector.extract_strided_slice %rsqrt3A {offsets = [0, 0], sizes = [1250, 128], strides = [1, 1]} : vector<1280x128xf32> to vector<1250x128xf32>
    %mul3A = arith.mulf %get3A_23, %slice3A : vector<1250x128xf32>
    %swap3A_24 = arith.constant 0 : index
    %swap3A_25 = arith.constant 0 : index
    %swap3A_26 = vector.load %arg3[%swap3A_24, %swap3A_25] : memref<1250x128xf32, #tpu.memory_space<vmem>>, vector<1250x128xf32>
    tpu.vector_store %arg3[%swap3A_24, %swap3A_25], %mul3A {strides = array<i32>} : memref<1250x128xf32, #tpu.memory_space<vmem>>, vector<1250x128xf32>,
    return
  }
}

module attributes {stable_mosaic.version = 14 : i64} {
  func.func @_tc_b_body(%arg0: memref<1250x128xf32, #tpu.memory_space<vmem>>, %arg1: memref<2x1280x128xf32, #tpu.memory_space<vmem>>, %arg2: memref<1280x128xf32, #tpu.memory_space<vmem>>, %arg3: memref<128x128xf32, #tpu.memory_space<vmem>>, %arg4: memref<1x128xf32, #tpu.memory_space<vmem>>, %arg5: memref<1250x128xf32, #tpu.memory_space<vmem>>) attributes {dimension_semantics = [], scalar_prefetch = 0 : i64, scratch_operands = 0 : i64, tpu.core_type = #tpu.core_type<tc>} {
    %get3A = arith.constant 0 : index
    %get3A_0 = arith.constant 0 : index
    %get3A_1 = vector.load %arg2[%get3A, %get3A_0] : memref<1280x128xf32, #tpu.memory_space<vmem>>, vector<1250x128xf32>
    %get3A_2 = arith.constant 0 : index
    %get3A_3 = arith.constant 0 : index
    %get3A_4 = arith.constant 0 : index
    %get3A_5 = vector.load %arg1[%get3A_2, %get3A_3, %get3A_4] : memref<2x1280x128xf32, #tpu.memory_space<vmem>>, vector<1x1250x128xf32>
    %get3A_6 = vector.shape_cast %get3A_5 : vector<1x1250x128xf32> to vector<1250x128xf32>
    %get3A_7 = arith.constant 1 : index
    %get3A_8 = arith.constant 0 : index
    %get3A_9 = arith.constant 0 : index
    %get3A_10 = vector.load %arg1[%get3A_7, %get3A_8, %get3A_9] : memref<2x1280x128xf32, #tpu.memory_space<vmem>>, vector<1x1250x128xf32>
    %get3A_11 = vector.shape_cast %get3A_10 : vector<1x1250x128xf32> to vector<1250x128xf32>
    %add3A = arith.addf %get3A_6, %get3A_11 : vector<1250x128xf32>
    %get3A_12 = arith.constant 0 : index
    %get3A_13 = arith.constant 0 : index
    %get3A_14 = vector.load %arg0[%get3A_12, %get3A_13] : memref<1250x128xf32, #tpu.memory_space<vmem>>, vector<1250x128xf32>
    %add3A_15 = arith.addf %add3A, %get3A_14 : vector<1250x128xf32>
    %mul3A = arith.mulf %add3A_15, %get3A_1 : vector<1250x128xf32>
    %get3A_16 = arith.constant 0 : index
    %get3A_17 = arith.constant 0 : index
    %get3A_18 = vector.load %arg4[%get3A_16, %get3A_17] : memref<1x128xf32, #tpu.memory_space<vmem>>, vector<1x128xf32>
    %add3A_19 = vector.broadcast %get3A_18 : vector<1x128xf32> to vector<1250x128xf32>
    %add3A_20 = arith.addf %mul3A, %add3A_19 : vector<1250x128xf32>
    %max3A = arith.constant 0.000000e+00 : f32
    %max3A_21 = vector.broadcast %max3A : f32 to vector<1250x128xf32>
    %max3A_22 = arith.maximumf %add3A_20, %max3A_21 : vector<1250x128xf32>
    %get3A_23 = arith.constant 0 : index
    %get3A_24 = arith.constant 0 : index
    %get3A_25 = vector.load %arg3[%get3A_23, %get3A_24] : memref<128x128xf32, #tpu.memory_space<vmem>>, vector<128x128xf32>
    %dot_general3A = arith.constant dense<0.000000e+00> : vector<1250x128xf32>
    %dot_general3A_26 = tpu.matmul %max3A_22, %get3A_25, %dot_general3A {dimension_numbers = #tpu.dot_dimension_numbers<[1], [0], [0], [1], [0, 0, 1, 1], [], []>, transpose_lhs_hint = false} : vector<1250x128xf32>, vector<128x128xf32>, vector<1250x128xf32> -> vector<1250x128xf32>
    %mul3A_27 = arith.mulf %dot_general3A_26, %get3A_1 : vector<1250x128xf32>
    %swap3A = arith.constant 0 : index
    %swap3A_28 = arith.constant 0 : index
    %swap3A_29 = vector.load %arg5[%swap3A, %swap3A_28] : memref<1250x128xf32, #tpu.memory_space<vmem>>, vector<1250x128xf32>
    tpu.vector_store %arg5[%swap3A, %swap3A_28], %mul3A_27 {strides = array<i32>} : memref<1250x128xf32, #tpu.memory_space<vmem>>, vector<1250x128xf32>,
    return
  }
}

module attributes {stable_mosaic.version = 14 : i64} {
  func.func @_tc_c_body(%arg0: memref<1250x128xf32, #tpu.memory_space<vmem>>, %arg1: memref<2x1280x128xf32, #tpu.memory_space<vmem>>, %arg2: memref<1280x128xf32, #tpu.memory_space<vmem>>, %arg3: memref<1x128xf32, #tpu.memory_space<vmem>>, %arg4: memref<1250x128xf32, #tpu.memory_space<vmem>>) attributes {dimension_semantics = [], scalar_prefetch = 0 : i64, scratch_operands = 0 : i64, tpu.core_type = #tpu.core_type<tc>} {
    %get3A = arith.constant 0 : index
    %get3A_0 = arith.constant 0 : index
    %get3A_1 = arith.constant 0 : index
    %get3A_2 = vector.load %arg1[%get3A, %get3A_0, %get3A_1] : memref<2x1280x128xf32, #tpu.memory_space<vmem>>, vector<1x1250x128xf32>
    %get3A_3 = vector.shape_cast %get3A_2 : vector<1x1250x128xf32> to vector<1250x128xf32>
    %get3A_4 = arith.constant 1 : index
    %get3A_5 = arith.constant 0 : index
    %get3A_6 = arith.constant 0 : index
    %get3A_7 = vector.load %arg1[%get3A_4, %get3A_5, %get3A_6] : memref<2x1280x128xf32, #tpu.memory_space<vmem>>, vector<1x1250x128xf32>
    %get3A_8 = vector.shape_cast %get3A_7 : vector<1x1250x128xf32> to vector<1250x128xf32>
    %add3A = arith.addf %get3A_3, %get3A_8 : vector<1250x128xf32>
    %get3A_9 = arith.constant 0 : index
    %get3A_10 = arith.constant 0 : index
    %get3A_11 = vector.load %arg0[%get3A_9, %get3A_10] : memref<1250x128xf32, #tpu.memory_space<vmem>>, vector<1250x128xf32>
    %add3A_12 = arith.addf %add3A, %get3A_11 : vector<1250x128xf32>
    %get3A_13 = arith.constant 0 : index
    %get3A_14 = arith.constant 0 : index
    %get3A_15 = vector.load %arg2[%get3A_13, %get3A_14] : memref<1280x128xf32, #tpu.memory_space<vmem>>, vector<1250x128xf32>
    %mul3A = arith.mulf %add3A_12, %get3A_15 : vector<1250x128xf32>
    %get3A_16 = arith.constant 0 : index
    %get3A_17 = arith.constant 0 : index
    %get3A_18 = vector.load %arg3[%get3A_16, %get3A_17] : memref<1x128xf32, #tpu.memory_space<vmem>>, vector<1x128xf32>
    %add3A_19 = vector.broadcast %get3A_18 : vector<1x128xf32> to vector<1250x128xf32>
    %add3A_20 = arith.addf %mul3A, %add3A_19 : vector<1250x128xf32>
    %swap3A = arith.constant 0 : index
    %swap3A_21 = arith.constant 0 : index
    %swap3A_22 = vector.load %arg4[%swap3A, %swap3A_21] : memref<1250x128xf32, #tpu.memory_space<vmem>>, vector<1250x128xf32>
    tpu.vector_store %arg4[%swap3A, %swap3A_21], %add3A_20 {strides = array<i32>} : memref<1250x128xf32, #tpu.memory_space<vmem>>, vector<1250x128xf32>,
    return
  }
}

</mosaic_0001>

<sc_bundles>
// kernel: kernel.12.cloned.1.call-start
scs
__scs_entry_jumppad:
0x0: {  	(pc) =	sbr.rel $0x88, $3  }
0x1: {  	(tag) =	ssettag $0x0;
	lr =	simm.s32 $0x1  }
0x2: {  	[smem:$0x3F9B] =	sst lr;
	_ =	strace $0xD0000000  }
0x3: {  	_ = 	snop  }
0x4: {  	_ = 	snop  }
0x5: {  	_ = 	snop  }
0x6: {  	_ = 	snop  }
0x7: {  	_ = 	snop  }
__scs_overlays_trampoline_lowered:
0x8: {  	[smem:$0x3FAA] =	sst s0  }
0x9: {  	[smem:$0x3FAB] =	sst s1  }
0xa: {  	[smem:$0x3FAC] =	sst s2  }
0xb: {  	[smem:$0x3FAD] =	sst s3  }
0xc: {  	[smem:$0x3FAE] =	sst s4  }
0xd: {  	[smem:$0x3FAF] =	sst s5  }
0xe: {  	[smem:$0x3FB0] =	sst s6  }
0xf: {  	[smem:$0x3FB1] =	sst s7  }
0x10: {  	[smem:$0x3FB2] =	sst s8  }
0x11: {  	[smem:$0x3FB3] =	sst s9;
	s0 =	simm.s32 @!p0 $0x0  }
0x12: {  	s1 =	sld [smem:$0x3F99];
	s0 =	simm.s32 @p0 $0x1  }
0x13: {  	[smem:$0x3FB4] =	sst s0;
	s0 =	simm.s32 @!p1 $0x0  }
0x14: {  	s2 =	sld [smem:$0x3F98];
	s0 =	simm.s32 @p1 $0x1  }
0x15: {  	[smem:$0x3FB5] =	sst s0;
	s0 =	simm.s32 @!p2 $0x0  }
0x16: {  	s3 =	sld [smem:$0x3FDB];
	s0 =	simm.s32 @p2 $0x1  }
0x17: {  	s4 =	simm.s32 $0x1BF5;
	[smem:$0x3FB7] =	sst s0  }
0x18: {  	s0 =	sld [smem:$0x3F9A];
	_ =	swait.ge [sflag:s4], $0x0  }
0x19: {  	s7 =	sld [smem:$0x3F9B]  }
0x1a: {  	s8 =	sadd.s32 $0xFFFFE003, lr  }
0x1b: {  	s9 =	sadd.s32 $0xFFFFFEF7, lr;
	s5 =	simm.s32 $0xFFFFFFFF;
	p2 =	slt.u32 s8, $0xFFFFF086  }
0x1c: {  	p1 =	slt.u32 s9, $0xF7A;
	s5 =	simm.s32 @!p2 $0x0  }
0x1d: {  	s5 =	simm.s32 @p1 $0x1;
	p0 =	seq.s32 s7, s2  }
0x1e: {  	s7 =	smul.u32 @!p0 $0xF7A, s2;
	p2 =	seq.s32 @!p0 s5, $0x0  }
0x1f: {  	s9 =	smul.u32 $0xF7A, s1;
	s8 =	simm.s32 @!p0 $0x1BF5;
	p2 =	por !p2, p0  }
0x20: {  	[sflag:s8] =	ssyncset.s32 @!p0 $0xFFFFF086;
	s6 =	sadd.s32 @!p0 s3, s7;
	s7 =	simm.s32 @!p0 $0x108  }
0x21: {  	s3 =	sadd.s32 s3, s9;
	s6 =	sadd.s32 @!p0 $0x88, s6;
	s7 =	simm.s32 @p2 $0x1082  }
0x22: {  	[simem:s7], [sflag:s8] =	dma.local @!p0 [hbm:s6], $0xF7A  }
0x23: {  	s9 =	sor.u32 $0xD0000000, s2;
	s6 =	simm.s32 $0x108;
	_ =	swait.ge @!p0 [sflag:s8], $0x0  }
0x24: {  	s3 =	sadd.s32 $0x88, s3;
	s6 =	simm.s32 @!p1 $0x1082;
	[sflag:s4] =	ssyncset.s32 $0xFFFFF086  }
0x25: {  	[simem:s6], [sflag:s4] =	dma.local [hbm:s3], $0xF7A  }
0x26: {  	[smem:$0x3F9B] =	sst s1;
	(tag) =	ssettag s2;
	_ =	strace s9  }
0x27: {  	s1 =	sld [smem:$0x3FAB]  }
0x28: {  	s2 =	sld [smem:$0x3FAC]  }
0x29: {  	s4 =	sld [smem:$0x3FAE]  }
0x2a: {  	p0 =	seq.s32 s5, $0x0;
	s5 =	sld [smem:$0x3FAF]  }
0x2b: {  	s6 =	sld [smem:$0x3FB0]  }
0x2c: {  	s7 =	sld [smem:$0x3FB1]  }
0x2d: {  	s3 =	simm.s32 $0x108;
	s8 =	sld [smem:$0x3FB2]  }
0x2e: {  	s3 =	simm.s32 @!p0 $0x1082;
	s9 =	sld [smem:$0x3FB3]  }
0x2f: {  	lr =	sadd.s32 s0, s3;
	s0 =	sld [smem:$0x3FAA]  }
0x30: {  	s3 =	sld [smem:$0x3FAD]  }
0x31: {  	[smem:$0x3FB6] =	sst s10  }
0x32: {  	s10 =	sld [smem:$0x3FB4];
	_ =	sdelay $0x3  }
0x33: {  	p0 =	seq.s32 s10, $0x1;
	s10 =	sld [smem:$0x3FB6];
	_ =	sdelay $0x3  }
0x34: {  	[smem:$0x3FB6] =	sst s10  }
0x35: {  	s10 =	sld [smem:$0x3FB5];
	_ =	sdelay $0x3  }
0x36: {  	p1 =	seq.s32 s10, $0x1;
	s10 =	sld [smem:$0x3FB6];
	_ =	sdelay $0x3  }
0x37: {  	[smem:$0x3FB6] =	sst s10  }
0x38: {  	s10 =	sld [smem:$0x3FB7]  }
0x39: {  	_ = 	snop;
	(pc) =	sbr.ind lr, $3  }
0x3a: {  	_ = 	snop  }
0x3b: {  	_ = 	snop  }
0x3c: {  	p2 =	seq.s32 s10, $0x1;
	s10 =	sld [smem:$0x3FB6]  }
0x3d: {  	_ =	shalt  }
0x3e: {  	_ =	shalt  }
0x3f: {  	_ =	shalt  }
0x40: {  	_ =	shalt  }
0x41: {  	_ =	shalt  }
0x42: {  	_ =	shalt  }
0x43: {  	_ =	shalt  }
0x44: {  	_ =	shalt  }
0x45: {  	_ =	shalt  }
0x46: {  	_ =	shalt  }
0x47: {  	_ =	shalt  }
0x48: {  	_ =	shalt  }
0x49: {  	_ =	shalt  }
0x4a: {  	_ =	shalt  }
0x4b: {  	_ =	shalt  }
0x4c: {  	_ =	shalt  }
0x4d: {  	_ =	shalt  }
0x4e: {  	_ =	shalt  }
0x4f: {  	_ =	shalt  }
0x50: {  	_ =	shalt  }
0x51: {  	_ =	shalt  }
0x52: {  	_ =	shalt  }
0x53: {  	_ =	shalt  }
0x54: {  	_ =	shalt  }
0x55: {  	_ =	shalt  }
0x56: {  	_ =	shalt  }
0x57: {  	_ =	shalt  }
0x58: {  	_ =	shalt  }
0x59: {  	_ =	shalt  }
0x5a: {  	_ =	shalt  }
0x5b: {  	_ =	shalt  }
0x5c: {  	_ =	shalt  }
0x5d: {  	_ =	shalt  }
0x5e: {  	_ =	shalt  }
0x5f: {  	_ =	shalt  }
0x60: {  	_ =	shalt  }
0x61: {  	_ =	shalt  }
0x62: {  	_ =	shalt  }
0x63: {  	_ =	shalt  }
0x64: {  	_ =	shalt  }
0x65: {  	_ =	shalt  }
0x66: {  	_ =	shalt  }
0x67: {  	_ =	shalt  }
0x68: {  	_ =	shalt  }
0x69: {  	_ =	shalt  }
0x6a: {  	_ =	shalt  }
0x6b: {  	_ =	shalt  }
0x6c: {  	_ =	shalt  }
0x6d: {  	_ =	shalt  }
0x6e: {  	_ =	shalt  }
0x6f: {  	_ =	shalt  }
0x70: {  	_ =	shalt  }
0x71: {  	_ =	shalt  }
0x72: {  	_ =	shalt  }
0x73: {  	_ =	shalt  }
0x74: {  	_ =	shalt  }
0x75: {  	_ =	shalt  }
0x76: {  	_ =	shalt  }
0x77: {  	_ =	shalt  }
0x78: {  	_ =	shalt  }
0x79: {  	_ =	shalt  }
0x7a: {  	_ =	shalt  }
0x7b: {  	_ =	shalt  }
0x7c: {  	_ =	shalt  }
0x7d: {  	_ =	shalt  }
0x7e: {  	_ =	shalt  }
0x7f: {  	_ =	shalt  }
0x80: {  	_ =	shalt  }
0x81: {  	_ =	shalt  }
0x82: {  	_ =	shalt  }
0x83: {  	_ =	shalt  }
0x84: {  	_ =	shalt  }
0x85: {  	_ =	shalt  }
0x86: {  	_ =	shalt  }
0x87: {  	_ =	shalt  }
.Lfunc_end0:
.L_simem_size_0:
called_computation.1_lowered:
.L_overlay_start_0:
0x88: {  	s2 =	sld [smem:$0x3FD9]  }
0x89: {  	s3 =	sld [smem:$0x3FFE];
	_ =	sdelay $0x1  }
0x8a: {  	s1 =	srdreg.scid  }
0x8b: {  	s0 =	sand.u32 $0x1, s1  }
0x8c: {  	s17 =	sshll.u32 s0, $0xA;
	s2 =	sadd.s32 s3, s2  }
0x8d: {  	s2 =	sadd.s32 s2, s17  }
0x8e: {  	[smem:$0x3FC2] =	sst s2  }
0x8f: {  	_ = 	snop  }
0x90: {  	s2 =	sld [smem:$0x3FD0];
	(tm) =	ssettm $0x1  }
0x91: {  	s18 =	sld [smem:$0x3FFB];
	_ =	sdelay $0x3  }
0x92: {  	_ =	strace s18  }
0x93: {  	s3 =	sld [smem:$0x3FFC];
	_ =	sdelay $0x3  }
0x94: {  	_ =	strace s3  }
0x95: {  	s3 =	sld [smem:$0x3FFD];
	_ =	sdelay $0x3  }
0x96: {  	_ =	strace s3  }
0x97: {  	_ =	strace $0x8FFFFFFF  }
0x98: {  	s19 =	sld [smem:$0x3FDB];
	_ =	sdelay $0x1  }
0x99: {  	s4 =	simm.s32 $_scs_section_size  }
0x9a: {  	s5 =	simm.s32 $_size__tile_overlayer_lowered;
	s6 =	simm.s32 $_tile_overlayer_lowered  }
0x9b: {  	s22 =	simm.s32 $0x1BFF;
	s21 =	sshll.u32 s6, $0x1;
	s3 =	sadd.s32 s4, s19  }
0x9c: {  	s7 =	simm.s32 $0x0;
	s20 =	sshll.u32 s5, $0x1;
	s5 =	sadd.s32 s21, s3  }
0x9d: {  	[timem:s7], [sflag:s22] =	dma.local [hbm:s5], s20  }
0x9e: {  	_ =	swait.ge [sflag:s22], s20  }
0x9f: {  	s4 =	ssub.s32 $0x0, s20;
	[sflag:s22] =	ssyncset.done $0x0  }
0xa0: {  	[sflag:s22] =	ssyncadd.s32 s4;
	_ =	sdelay $0x1  }
0xa1: {  	s23 =	simm.s32 $0x1B8B  }
0xa2: {  	_ =	swait.ge [sflag:s23], $0x1  }
0xa3: {  	[sflag:s23] =	ssyncset.done $0x0  }
0xa4: {  	s25 =	simm.s32 $0x1B8E;
	s24 =	sld [smem:$0x3FFE];
	[sflag:s23] =	ssyncadd.s32 $0xFFFFFFFF  }
0xa5: {  	s26 =	simm.s32 $execute0_lowered;
	[smem:$0x3FD2] =	sst s25  }
0xa6: {  	s5 =	sshll.u32 s26, $0x1;
	_ =	strace $0x80000049;
	[dreg:$0x1] =	wrdreg $0xFFFFFFFF  }
0xa7: {  	s28 =	simm.s32 $_size_execute0_lowered;
	s3 =	sadd.s32 s3, s5;
	[dreg:$0x0] =	wrdreg $0x0  }
0xa8: {  	s5 =	sshll.u32 s28, $0x1;
	[dreg:$0x2] =	wrdreg s3  }
0xa9: {  	[dreg:$0x3] =	wrdreg s5  }
0xaa: {  	[dreg:$0x4] =	wrdreg $0xC0  }
0xab: {  	_ =	task [dreg:s7], $0x5FFFF  }
0xac: {  	[dreg:$0x1] =	wrdreg $0xFFFFFFFF  }
0xad: {  	[dreg:$0x0] =	wrdreg $0x60  }
0xae: {  	[dreg:$0x2] =	wrdreg s2  }
0xaf: {  	[dreg:$0x3] =	wrdreg s24  }
0xb0: {  	[dreg:$0x4] =	wrdreg $0x0  }
0xb1: {  	[dreg:$0x5] =	wrdreg $0x9  }
0xb2: {  	_ =	task.clear_ibuf [dreg:s7], $0x6FFFF;
	_ =	strace $0x90000049  }
0xb3: {  	s29 =	simm.s32 $0x9;
	_ =	strace $0x8000004B  }
0xb4: {  	_ =	swait.ge [sflag:s29], $0x1  }
0xb5: {  	[sflag:s29] =	ssyncadd.s32 $0xFFFFFFFF  }
0xb6: {  	_ =	strace $0x9000004B  }
0xb7: {  	_ =	sfence  }
0xb8: {  	s30 =	sld [smem:$0x0];
	_ =	sdelay $0x2  }
0xb9: {  	s31 =	sshll.u32 s1, $0xD;
	s1 =	sshrl.u32 s1, $0x2  }
0xba: {  	s3 =	sand.u32 $0x4000, s31;
	s1 =	sadd.s32 s1, s30  }
0xbb: {  	s0 =	sor.u32 s3, s0;
	s1 =	sshll.u32 s1, $0x11  }
0xbc: {  	s0 =	sor.u32 s1, s0  }
0xbd: {  	s0 =	sadd.s32 $0x8F2B, s0  }
0xbe: {  	[sflag:s0] =	ssyncadd.remote.s32 $0x1  }
0xbf: {  	_ =	sfence.sel $0xFFFF  }
0xc0: {  	[dreg:$0x0] =	wrdreg $0xFFFFFFFF;
	(pc) =	sbr.abs _section_cstart, $3  }
0xc1: {  	[dreg:$0x1] =	wrdreg $0xFFFFFFFF  }
0xc2: {  	_ =	task.clear_ibuf [dreg:s7], $0x2FFFF;
	_ =	strace $0x9FFFFFFF  }
0xc3: {  	(tm) =	ssettm $0x7FFFFFFF  }
tec
execute0_lowered:
.L_overlay_start_1:
0x0: {  	(tag) =	ssettag $0x1  }
0x1: {  	s1 =	rddreg [dreg:$0x0]  }
0x2: {  	s0 =	srdreg.scid;
	s2 =	rddreg [dreg:$0x1]  }
0x3: {  	s7 =	stileid.u32;
	s3 =	rddreg [dreg:$0x2]  }
0x4: {  	s8 =	simm.s32 $0x0;
	s16 =	simm.s32 $0x80;
	s28 =	simm.s32 $0xB  }
0x5: {  	s12 =	simm.s32 $0xC;
	s18 =	simm.s32 $0xD;
	s20 =	simm.s32 $0xE  }
0x6: {  	s30 =	simm.s32 $0x3;
	s29 =	simm.s32 $0xB;
	s31 =	simm.s32 $0xB000  }
0x7: {  	s0 =	sand.u32 $0x1, s0;
	s4 =	smul.u32 $0x2800, s7;
	[smem:$0x7FF] =	sst s8  }
0x8: {  	s25 =	sadd.s32 $0xC300, s2;
	s5 =	sshll.u32 s0, $0x4;
	s6 =	smul.u32 $0x28000, s0  }
0x9: {  	_ =	strace $0x8000004A;
	s0 =	ssub.s32 $0x2, s0;
	[dreg:$0x7] =	wrdreg s25  }
0xa: {  	s25 =	simm.s32 $0x3;
	s5 =	sor.u32 s7, s5;
	s22 =	sshrl.u32 s0, $0x1  }
0xb: {  	s7 =	smul.u32 $0x500, s5;
	s6 =	sadd.s32 s4, s6;
	s4 =	sadd.s32 s4, s3  }
0xc: {  	s0 =	ssub.s32 s0, s22;
	s6 =	sshrl.u32 s6, $0x3;
	[dreg:$0x4] =	wrdreg s4  }
0xd: {  	s0 =	smax.u32 s0, $0x1;
	s7 =	sadd.s32 s7, s2;
	s6 =	sadd.s32 s6, s2  }
.Ltmp0:
0xe: {  	s2 =	sadd.s32 $0x16100, s2;
	[dreg:$0xa] =	wrdreg s0;
	(pc) =	sbr.rel .LBB2_1-.Ltmp0, $4  }
0xf: {  	p0 =	sne.s32 s5, $0x1F;
	s23 =	sadd.s32 $0x2800, s7;
	[dreg:$0x8] =	wrdreg s2  }
0x10: {  	s0 =	simm.s32 $0x0;
	s24 =	sadd.s32 $0xC600, s7;
	[dreg:$0x5] =	wrdreg s23  }
0x11: {  	s26 =	sadd.s32 $0x16400, s6;
	s2 =	simm.s32 $0x4;
	[dreg:$0x6] =	wrdreg s24  }
0x12: {  	v0 =	vimm.f32 $0.0e+00;
	[dreg:$0x9] =	wrdreg s26;
	s26 =	simm.s32 $0x9000;
	s24 =	simm.s32 $0x2  }
.LBB2_4:
0x13: {  	s7 =	simm.s32 $0x0;
	s21 =	rddreg [dreg:$0x7];
	s4 =	simm.s32 $0x2800  }
0x14: {  	[tilespmem:s4], [sflag:$0x15] =	stream.linear.gather [hbm4b:s21+s7], $0xA00, $0x38;
	[tilespmem:$0xF000] =	vst v63  }
0x15: {  	_ =	swait.ge [sflag:s23], $0xA00  }
0x16: {  	[sflag:s23] =	ssyncset.done $0x0  }
0x17: {  	s5 =	simm.s32 $0x5000;
	s10 =	rddreg [dreg:$0x8];
	[sflag:s23] =	ssyncadd.s32 $0xFFFFF600  }
0x18: {  	[tilespmem:s5], [sflag:$0x15] =	stream.linear.gather [hbm4b:s10+s7], $0xA00, $0x38;
	[tilespmem:$0xF000] =	vst v63  }
0x19: {  	_ =	swait.ge [sflag:s23], $0xA00  }
0x1a: {  	[sflag:s23] =	ssyncset.done $0x0  }
0x1b: {  	[sflag:s23] =	ssyncadd.s32 $0xFFFFF600  }
0x1c: {  	s7 =	simm.s32 $0x7800;
	[bflag:$0x0] =	sbarrier.arrive $0xFFFF  }
0x1d: {  	[tilespmem:s7], [sflag:$0x1] =	stream.indirect.gather [hbm4b:s1+s16], $0x10, s4, s16, $0xb8;
	[tilespmem:$0xF000] =	vst v63  }
0x1e: {  	s8 =	simm.s32 $0x2880;
	s9 =	simm.s32 $0x8000  }
0x1f: {  	[tilespmem:s9], [sflag:$0x2] =	stream.indirect.gather [hbm4b:s1+s16], $0x10, s8, s16, $0xb8;
	[tilespmem:$0xF000] =	vst v63  }
0x20: {  	s11 =	simm.s32 $0x2900;
	s13 =	simm.s32 $0x8800  }
0x21: {  	[tilespmem:s13], [sflag:$0x3] =	stream.indirect.gather [hbm4b:s1+s16], $0x10, s11, s16, $0xb8;
	[tilespmem:$0xF000] =	vst v63  }
0x22: {  	s14 =	simm.s32 $0x2980;
	s4 =	simm.s32 $0x1  }
0x23: {  	[tilespmem:s26], [sflag:$0x4] =	stream.indirect.gather [hbm4b:s1+s16], $0x10, s14, s16, $0xb8;
	[tilespmem:$0xF000] =	vst v63  }
0x24: {  	_ =	swait.ge [sflag:s4], $0x800  }
0x25: {  	[sflag:s4] =	ssyncset.done $0x0  }
0x26: {  	[sflag:s4] =	ssyncadd.s32 $0xFFFFF800  }
0x27: {  	[spmem:s3] =	stream.indirect.scatter.add.f32 [tilespmem:s7], [sflag:$0xB], $0x10, s5, s16, $0xb8;
	[tilespmem:$0xF000] =	vst v63  }
0x28: {  	_ =	swait.ge [sflag:s24], $0x800  }
0x29: {  	[sflag:s24] =	ssyncset.done $0x0  }
0x2a: {  	s15 =	simm.s32 $0x5080;
	s8 =	simm.s32 $0x8000;
	[sflag:s24] =	ssyncadd.s32 $0xFFFFF800  }
0x2b: {  	[spmem:s3] =	stream.indirect.scatter.add.f32 [tilespmem:s8], [sflag:$0xC], $0x10, s15, s16, $0xb8;
	[tilespmem:$0xF000] =	vst v63  }
0x2c: {  	_ =	swait.ge [sflag:s25], $0x800  }
0x2d: {  	[sflag:s25] =	ssyncset.done $0x0  }
0x2e: {  	s17 =	simm.s32 $0x5100;
	s9 =	simm.s32 $0x8800;
	[sflag:s25] =	ssyncadd.s32 $0xFFFFF800  }
0x2f: {  	[spmem:s3] =	stream.indirect.scatter.add.f32 [tilespmem:s9], [sflag:$0xD], $0x10, s17, s16, $0xb8;
	[tilespmem:$0xF000] =	vst v63  }
0x30: {  	_ =	swait.ge [sflag:s2], $0x800  }
0x31: {  	[sflag:s2] =	ssyncset.done $0x0  }
0x32: {  	s19 =	simm.s32 $0x5180;
	[sflag:s2] =	ssyncadd.s32 $0xFFFFF800  }
0x33: {  	[spmem:s3] =	stream.indirect.scatter.add.f32 [tilespmem:s26], [sflag:$0xE], $0x10, s19, s16, $0xb8;
	[tilespmem:$0xF000] =	vst v63  }
0x34: {  	_ =	swait.ge [sflag:s28], $0x800  }
0x35: {  	[sflag:s28] =	ssyncset.done $0x0  }
0x36: {  	s22 =	simm.s32 $0x2A00;
	[sflag:s28] =	ssyncadd.s32 $0xFFFFF800  }
0x37: {  	[tilespmem:s7], [sflag:$0x1] =	stream.indirect.gather [hbm4b:s1+s16], $0x10, s22, s16, $0xb8;
	[tilespmem:$0xF000] =	vst v63  }
0x38: {  	_ =	swait.ge [sflag:s12], $0x800  }
0x39: {  	[sflag:s12] =	ssyncset.done $0x0  }
0x3a: {  	s5 =	simm.s32 $0x2A80;
	[sflag:s12] =	ssyncadd.s32 $0xFFFFF800  }
0x3b: {  	[tilespmem:s8], [sflag:$0x2] =	stream.indirect.gather [hbm4b:s1+s16], $0x10, s5, s16, $0xb8;
	[tilespmem:$0xF000] =	vst v63  }
0x3c: {  	_ =	swait.ge [sflag:s18], $0x800  }
0x3d: {  	[sflag:s18] =	ssyncset.done $0x0  }
0x3e: {  	s6 =	simm.s32 $0x2B00;
	[sflag:s18] =	ssyncadd.s32 $0xFFFFF800  }
0x3f: {  	[tilespmem:s9], [sflag:$0x3] =	stream.indirect.gather [hbm4b:s1+s16], $0x10, s6, s16, $0xb8;
	[tilespmem:$0xF000] =	vst v63  }
0x40: {  	_ =	swait.ge [sflag:s20], $0x800  }
0x41: {  	[sflag:s20] =	ssyncset.done $0x0  }
0x42: {  	s10 =	simm.s32 $0x2B80;
	[sflag:s20] =	ssyncadd.s32 $0xFFFFF800  }
0x43: {  	[tilespmem:s26], [sflag:$0x4] =	stream.indirect.gather [hbm4b:s1+s16], $0x10, s10, s16, $0xb8;
	[tilespmem:$0xF000] =	vst v63  }
0x44: {  	_ =	swait.ge [sflag:s4], $0x800  }
0x45: {  	[sflag:s4] =	ssyncset.done $0x0  }
0x46: {  	s11 =	simm.s32 $0x5200;
	[sflag:s4] =	ssyncadd.s32 $0xFFFFF800  }
0x47: {  	[spmem:s3] =	stream.indirect.scatter.add.f32 [tilespmem:s7], [sflag:$0xB], $0x10, s11, s16, $0xb8;
	[tilespmem:$0xF000] =	vst v63  }
0x48: {  	_ =	swait.ge [sflag:s24], $0x800  }
0x49: {  	[sflag:s24] =	ssyncset.done $0x0  }
0x4a: {  	s13 =	simm.s32 $0x5280;
	[sflag:s24] =	ssyncadd.s32 $0xFFFFF800  }
0x4b: {  	[spmem:s3] =	stream.indirect.scatter.add.f32 [tilespmem:s8], [sflag:$0xC], $0x10, s13, s16, $0xb8;
	[tilespmem:$0xF000] =	vst v63  }
0x4c: {  	_ =	swait.ge [sflag:s25], $0x800  }
0x4d: {  	[sflag:s25] =	ssyncset.done $0x0  }
0x4e: {  	s14 =	simm.s32 $0x5300;
	[sflag:s25] =	ssyncadd.s32 $0xFFFFF800  }
0x4f: {  	[spmem:s3] =	stream.indirect.scatter.add.f32 [tilespmem:s9], [sflag:$0xD], $0x10, s14, s16, $0xb8;
	[tilespmem:$0xF000] =	vst v63  }
0x50: {  	_ =	swait.ge [sflag:s2], $0x800  }
0x51: {  	[sflag:s2] =	ssyncset.done $0x0  }
0x52: {  	s15 =	simm.s32 $0x5380;
	[sflag:s2] =	ssyncadd.s32 $0xFFFFF800  }
0x53: {  	[spmem:s3] =	stream.indirect.scatter.add.f32 [tilespmem:s26], [sflag:$0xE], $0x10, s15, s16, $0xb8;
	[tilespmem:$0xF000] =	vst v63  }
0x54: {  	_ =	swait.ge [sflag:s28], $0x800  }
0x55: {  	[sflag:s28] =	ssyncset.done $0x0  }
0x56: {  	s17 =	simm.s32 $0x2C00;
	[sflag:s28] =	ssyncadd.s32 $0xFFFFF800  }
0x57: {  	[tilespmem:s7], [sflag:$0x1] =	stream.indirect.gather [hbm4b:s1+s16], $0x10, s17, s16, $0xb8;
	[tilespmem:$0xF000] =	vst v63  }
0x58: {  	_ =	swait.ge [sflag:s12], $0x800  }
0x59: {  	[sflag:s12] =	ssyncset.done $0x0  }
0x5a: {  	s19 =	simm.s32 $0x2C80;
	[sflag:s12] =	ssyncadd.s32 $0xFFFFF800  }
0x5b: {  	[tilespmem:s8], [sflag:$0x2] =	stream.indirect.gather [hbm4b:s1+s16], $0x10, s19, s16, $0xb8;
	[tilespmem:$0xF000] =	vst v63  }
0x5c: {  	_ =	swait.ge [sflag:s18], $0x800  }
0x5d: {  	[sflag:s18] =	ssyncset.done $0x0  }
0x5e: {  	s22 =	simm.s32 $0x2D00;
	[sflag:s18] =	ssyncadd.s32 $0xFFFFF800  }
0x5f: {  	[tilespmem:s9], [sflag:$0x3] =	stream.indirect.gather [hbm4b:s1+s16], $0x10, s22, s16, $0xb8;
	[tilespmem:$0xF000] =	vst v63  }
0x60: {  	_ =	swait.ge [sflag:s20], $0x800  }
0x61: {  	[sflag:s20] =	ssyncset.done $0x0  }
0x62: {  	s5 =	simm.s32 $0x2D80;
	[sflag:s20] =	ssyncadd.s32 $0xFFFFF800  }
0x63: {  	[tilespmem:s26], [sflag:$0x4] =	stream.indirect.gather [hbm4b:s1+s16], $0x10, s5, s16, $0xb8;
	[tilespmem:$0xF000] =	vst v63  }
0x64: {  	_ =	swait.ge [sflag:s4], $0x800  }
0x65: {  	[sflag:s4] =	ssyncset.done $0x0  }
0x66: {  	s6 =	simm.s32 $0x5400;
	[sflag:s4] =	ssyncadd.s32 $0xFFFFF800  }
0x67: {  	[spmem:s3] =	stream.indirect.scatter.add.f32 [tilespmem:s7], [sflag:$0xB], $0x10, s6, s16, $0xb8;
	[tilespmem:$0xF000] =	vst v63  }
0x68: {  	_ =	swait.ge [sflag:s24], $0x800  }
0x69: {  	[sflag:s24] =	ssyncset.done $0x0  }
0x6a: {  	s10 =	simm.s32 $0x5480;
	[sflag:s24] =	ssyncadd.s32 $0xFFFFF800  }
0x6b: {  	[spmem:s3] =	stream.indirect.scatter.add.f32 [tilespmem:s8], [sflag:$0xC], $0x10, s10, s16, $0xb8;
	[tilespmem:$0xF000] =	vst v63  }
0x6c: {  	_ =	swait.ge [sflag:s25], $0x800  }
0x6d: {  	[sflag:s25] =	ssyncset.done $0x0  }
0x6e: {  	s11 =	simm.s32 $0x5500;
	[sflag:s25] =	ssyncadd.s32 $0xFFFFF800  }
0x6f: {  	[spmem:s3] =	stream.indirect.scatter.add.f32 [tilespmem:s9], [sflag:$0xD], $0x10, s11, s16, $0xb8;
	[tilespmem:$0xF000] =	vst v63  }
0x70: {  	_ =	swait.ge [sflag:s2], $0x800  }
0x71: {  	[sflag:s2] =	ssyncset.done $0x0  }
0x72: {  	s13 =	simm.s32 $0x5580;
	[sflag:s2] =	ssyncadd.s32 $0xFFFFF800  }
0x73: {  	[spmem:s3] =	stream.indirect.scatter.add.f32 [tilespmem:s26], [sflag:$0xE], $0x10, s13, s16, $0xb8;
	[tilespmem:$0xF000] =	vst v63  }
0x74: {  	_ =	swait.ge [sflag:s28], $0x800  }
0x75: {  	[sflag:s28] =	ssyncset.done $0x0  }
0x76: {  	s14 =	simm.s32 $0x2E00;
	[sflag:s28] =	ssyncadd.s32 $0xFFFFF800  }
0x77: {  	[tilespmem:s7], [sflag:$0x1] =	stream.indirect.gather [hbm4b:s1+s16], $0x10, s14, s16, $0xb8;
	[tilespmem:$0xF000] =	vst v63  }
0x78: {  	_ =	swait.ge [sflag:s12], $0x800  }
0x79: {  	[sflag:s12] =	ssyncset.done $0x0  }
0x7a: {  	s15 =	simm.s32 $0x2E80;
	[sflag:s12] =	ssyncadd.s32 $0xFFFFF800  }
0x7b: {  	[tilespmem:s8], [sflag:$0x2] =	stream.indirect.gather [hbm4b:s1+s16], $0x10, s15, s16, $0xb8;
	[tilespmem:$0xF000] =	vst v63  }
0x7c: {  	_ =	swait.ge [sflag:s18], $0x800  }
0x7d: {  	[sflag:s18] =	ssyncset.done $0x0  }
0x7e: {  	s17 =	simm.s32 $0x2F00;
	[sflag:s18] =	ssyncadd.s32 $0xFFFFF800  }
0x7f: {  	[tilespmem:s9], [sflag:$0x3] =	stream.indirect.gather [hbm4b:s1+s16], $0x10, s17, s16, $0xb8;
	[tilespmem:$0xF000] =	vst v63  }
0x80: {  	_ =	swait.ge [sflag:s20], $0x800  }
0x81: {  	[sflag:s20] =	ssyncset.done $0x0  }
0x82: {  	s19 =	simm.s32 $0x2F80;
	[sflag:s20] =	ssyncadd.s32 $0xFFFFF800  }
0x83: {  	[tilespmem:s26], [sflag:$0x4] =	stream.indirect.gather [hbm4b:s1+s16], $0x10, s19, s16, $0xb8;
	[tilespmem:$0xF000] =	vst v63  }
0x84: {  	_ =	swait.ge [sflag:s4], $0x800  }
0x85: {  	[sflag:s4] =	ssyncset.done $0x0  }
0x86: {  	s22 =	simm.s32 $0x5600;
	[sflag:s4] =	ssyncadd.s32 $0xFFFFF800  }
0x87: {  	[spmem:s3] =	stream.indirect.scatter.add.f32 [tilespmem:s7], [sflag:$0xB], $0x10, s22, s16, $0xb8;
	[tilespmem:$0xF000] =	vst v63  }
0x88: {  	_ =	swait.ge [sflag:s24], $0x800  }
0x89: {  	[sflag:s24] =	ssyncset.done $0x0  }
0x8a: {  	s5 =	simm.s32 $0x5680;
	[sflag:s24] =	ssyncadd.s32 $0xFFFFF800  }
0x8b: {  	[spmem:s3] =	stream.indirect.scatter.add.f32 [tilespmem:s8], [sflag:$0xC], $0x10, s5, s16, $0xb8;
	[tilespmem:$0xF000] =	vst v63  }
0x8c: {  	_ =	swait.ge [sflag:s25], $0x800  }
0x8d: {  	[sflag:s25] =	ssyncset.done $0x0  }
0x8e: {  	s6 =	simm.s32 $0x5700;
	[sflag:s25] =	ssyncadd.s32 $0xFFFFF800  }
0x8f: {  	[spmem:s3] =	stream.indirect.scatter.add.f32 [tilespmem:s9], [sflag:$0xD], $0x10, s6, s16, $0xb8;
	[tilespmem:$0xF000] =	vst v63  }
0x90: {  	_ =	swait.ge [sflag:s2], $0x800  }
0x91: {  	[sflag:s2] =	ssyncset.done $0x0  }
0x92: {  	s10 =	simm.s32 $0x5780;
	[sflag:s2] =	ssyncadd.s32 $0xFFFFF800  }
0x93: {  	[spmem:s3] =	stream.indirect.scatter.add.f32 [tilespmem:s26], [sflag:$0xE], $0x10, s10, s16, $0xb8;
	[tilespmem:$0xF000] =	vst v63  }
0x94: {  	_ =	swait.ge [sflag:s28], $0x800  }
0x95: {  	[sflag:s28] =	ssyncset.done $0x0  }
0x96: {  	s11 =	simm.s32 $0x3000;
	[sflag:s28] =	ssyncadd.s32 $0xFFFFF800  }
0x97: {  	[tilespmem:s7], [sflag:$0x1] =	stream.indirect.gather [hbm4b:s1+s16], $0x10, s11, s16, $0xb8;
	[tilespmem:$0xF000] =	vst v63  }
0x98: {  	_ =	swait.ge [sflag:s12], $0x800  }
0x99: {  	[sflag:s12] =	ssyncset.done $0x0  }
0x9a: {  	s13 =	simm.s32 $0x3080;
	[sflag:s12] =	ssyncadd.s32 $0xFFFFF800  }
0x9b: {  	[tilespmem:s8], [sflag:$0x2] =	stream.indirect.gather [hbm4b:s1+s16], $0x10, s13, s16, $0xb8;
	[tilespmem:$0xF000] =	vst v63  }
0x9c: {  	_ =	swait.ge [sflag:s18], $0x800  }
0x9d: {  	[sflag:s18] =	ssyncset.done $0x0  }
0x9e: {  	s14 =	simm.s32 $0x3100;
	[sflag:s18] =	ssyncadd.s32 $0xFFFFF800  }
0x9f: {  	[tilespmem:s9], [sflag:$0x3] =	stream.indirect.gather [hbm4b:s1+s16], $0x10, s14, s16, $0xb8;
	[tilespmem:$0xF000] =	vst v63  }
0xa0: {  	_ =	swait.ge [sflag:s20], $0x800  }
0xa1: {  	[sflag:s20] =	ssyncset.done $0x0  }
0xa2: {  	s15 =	simm.s32 $0x3180;
	[sflag:s20] =	ssyncadd.s32 $0xFFFFF800  }
0xa3: {  	[tilespmem:s26], [sflag:$0x4] =	stream.indirect.gather [hbm4b:s1+s16], $0x10, s15, s16, $0xb8;
	[tilespmem:$0xF000] =	vst v63  }
0xa4: {  	_ =	swait.ge [sflag:s4], $0x800  }
0xa5: {  	[sflag:s4] =	ssyncset.done $0x0  }
0xa6: {  	s17 =	simm.s32 $0x5800;
	[sflag:s4] =	ssyncadd.s32 $0xFFFFF800  }
0xa7: {  	[spmem:s3] =	stream.indirect.scatter.add.f32 [tilespmem:s7], [sflag:$0x15], $0x10, s17, s16, $0xb8;
	[tilespmem:$0xF000] =	vst v63  }
0xa8: {  	_ =	swait.ge [sflag:s23], $0x800  }
0xa9: {  	[sflag:s23] =	ssyncset.done $0x0  }
0xaa: {  	[sflag:s23] =	ssyncadd.s32 $0xFFFFF800  }
0xab: {  	_ =	swait.ge [sflag:s24], $0x800  }
0xac: {  	[sflag:s24] =	ssyncset.done $0x0  }
0xad: {  	s19 =	simm.s32 $0x5880;
	[sflag:s24] =	ssyncadd.s32 $0xFFFFF800  }
0xae: {  	[spmem:s3] =	stream.indirect.scatter.add.f32 [tilespmem:s8], [sflag:$0x15], $0x10, s19, s16, $0xb8;
	[tilespmem:$0xF000] =	vst v63  }
0xaf: {  	_ =	swait.ge [sflag:s23], $0x800  }
0xb0: {  	[sflag:s23] =	ssyncset.done $0x0  }
0xb1: {  	[sflag:s23] =	ssyncadd.s32 $0xFFFFF800  }
0xb2: {  	_ =	swait.ge [sflag:s25], $0x800  }
0xb3: {  	[sflag:s25] =	ssyncset.done $0x0  }
0xb4: {  	s21 =	simm.s32 $0x5900;
	[sflag:s25] =	ssyncadd.s32 $0xFFFFF800  }
0xb5: {  	[spmem:s3] =	stream.indirect.scatter.add.f32 [tilespmem:s9], [sflag:$0x15], $0x10, s21, s16, $0xb8;
	[tilespmem:$0xF000] =	vst v63  }
0xb6: {  	_ =	swait.ge [sflag:s23], $0x800  }
0xb7: {  	[sflag:s23] =	ssyncset.done $0x0  }
0xb8: {  	[sflag:s23] =	ssyncadd.s32 $0xFFFFF800  }
0xb9: {  	_ =	swait.ge [sflag:s2], $0x800  }
0xba: {  	[sflag:s2] =	ssyncset.done $0x0  }
0xbb: {  	s22 =	simm.s32 $0x5980;
	[sflag:s2] =	ssyncadd.s32 $0xFFFFF800  }
0xbc: {  	[spmem:s3] =	stream.indirect.scatter.add.f32 [tilespmem:s26], [sflag:$0x15], $0x10, s22, s16, $0xb8;
	[tilespmem:$0xF000] =	vst v63  }
.LBB2_8:
0xbd: {  	_ =	swait.ge [sflag:s23], $0x800  }
0xbe: {  	[sflag:s23] =	ssyncset.done $0x0  }
0xbf: {  	[sflag:s23] =	ssyncadd.s32 $0xFFFFF800  }
0xc0: {  	s7 =	stileid.u32;
	[bflag:$0x0] =	sbarrier.arrive $0xFFFF  }
0xc1: {  	s22 =	simm.s32 $0x15;
	s7 =	sshll.u32 s7, $0x6;
	s21 =	rddreg [dreg:$0x4]  }
0xc2: {  	s7 =	sor.u32 $0x1C15, s7;
	s19 =	rddreg [dreg:$0x9];
	s21 =	sshrl.u32 s21, $0x3  }
0xc3: {  	[hbm:s19], [sflag:s7] =	dma.local [spmem:s21], $0x500  }
0xc4: {  	_ =	swait.ge [sflag:s22], $0x500  }
0xc5: {  	s0 =	sadd.s32 $0x1, s0;
	s23 =	rddreg [dreg:$0xa]  }
0xc6: {  	p1 =	sne.s32 s0, s23  }
.Ltmp1:
0xc7: {  	_ = 	snop;
	(pc) =	sbr.rel @!p1 .LBB2_9-.Ltmp1, $3  }
0xc8: {  	_ =	sdelay $0x1  }
0xc9: {  	[sflag:s22] =	ssyncset.done $0x0  }
0xca: {  	[sflag:s22] =	ssyncadd.s32 $0xFFFFFB00  }
.LBB2_1:
0xcb: {  	s21 =	simm.s32 $0xC840  }
0xcc: {  	[tilespmem:s21+$0xFFFFFFC0] =	vst v0  }
0xcd: {  	[tilespmem:s21+$0x30] =	vst v0  }
0xce: {  	[tilespmem:s21+$0x20] =	vst v0  }
0xcf: {  	[tilespmem:s21+$0x10] =	vst v0  }
0xd0: {  	[tilespmem:s21+$0x0] =	vst v0  }
0xd1: {  	[tilespmem:s21+$0xFFFFFFF0] =	vst v0  }
0xd2: {  	s23 =	simm.s32 $0x0;
	[tilespmem:s21+$0xFFFFFFE0] =	vst v0  }
.LBB2_2:
0xd3: {  	s23 =	sadd.s32 $0x8, s23;
	[tilespmem:s21+$0xFFFFFFD0] =	vst v0;
	s21 =	sadd.s32 $0x80, s21  }
0xd4: {  	[tilespmem:s21+$0xFFFFFFC0] =	vst v0;
	p1 =	slt.u32 s23, $0x278  }
0xd5: {  	[tilespmem:s21+$0x30] =	vst v0  }
.Ltmp2:
0xd6: {  	[tilespmem:s21+$0x20] =	vst v0;
	(pc) =	sbr.rel @p1 .LBB2_2-.Ltmp2, $4  }
0xd7: {  	[tilespmem:s21+$0x10] =	vst v0  }
0xd8: {  	[tilespmem:s21+$0x0] =	vst v0  }
0xd9: {  	[tilespmem:s21+$0xFFFFFFF0] =	vst v0  }
0xda: {  	[tilespmem:s21+$0xFFFFFFE0] =	vst v0  }
0xdb: {  	[tilespmem:s21+$0xFFFFFFD0] =	vst v0;
	s7 =	rddreg [dreg:$0x4];
	s23 =	simm.s32 $0xC800  }
0xdc: {  	[spmem:s7] =	stream.linear.scatter [tilespmem:s23], [sflag:$0x15], $0x2800, $0x38;
	[tilespmem:$0xF000] =	vst v63  }
.Ltmp3:
0xdd: {  	_ = 	snop;
	(pc) =	sbr.rel @!p0 .LBB2_4-.Ltmp3, $4  }
0xde: {  	s23 =	simm.s32 $0x15  }
0xdf: {  	_ =	swait.ge [sflag:s23], $0x2800  }
0xe0: {  	[sflag:s23] =	ssyncset.done $0x0  }
0xe1: {  	[sflag:s23] =	ssyncadd.s32 $0xFFFFD800  }
0xe2: {  	[dreg:$0xb] =	wrdreg s0  }
0xe3: {  	s2 =	simm.s32 $0x0;
	s7 =	rddreg [dreg:$0x5];
	s22 =	simm.s32 $0x2800  }
0xe4: {  	[tilespmem:s22], [sflag:$0x15] =	stream.linear.gather [hbm4b:s7+s2], $0x2800, $0x38;
	[tilespmem:$0xF000] =	vst v63  }
0xe5: {  	_ =	swait.ge [sflag:s23], $0x2800  }
0xe6: {  	[sflag:s23] =	ssyncset.done $0x0  }
0xe7: {  	s21 =	simm.s32 $0x5000;
	s24 =	rddreg [dreg:$0x6];
	[sflag:s23] =	ssyncadd.s32 $0xFFFFD800  }
0xe8: {  	[tilespmem:s21], [sflag:$0x15] =	stream.linear.gather [hbm4b:s24+s2], $0x2800, $0x38;
	[tilespmem:$0xF000] =	vst v63  }
0xe9: {  	_ =	swait.ge [sflag:s23], $0x2800  }
0xea: {  	[sflag:s23] =	ssyncset.done $0x0  }
0xeb: {  	[sflag:s23] =	ssyncadd.s32 $0xFFFFD800  }
0xec: {  	s15 =	simm.s32 $0x7800;
	[bflag:$0x0] =	sbarrier.arrive $0xFFFF  }
0xed: {  	[tilespmem:s15], [sflag:$0x1] =	stream.indirect.gather [hbm4b:s1+s16], $0x10, s22, s16, $0xb8;
	[tilespmem:$0xF000] =	vst v63  }
0xee: {  	s25 =	simm.s32 $0x2880;
	s11 =	simm.s32 $0x8000  }
0xef: {  	[tilespmem:s11], [sflag:$0x2] =	stream.indirect.gather [hbm4b:s1+s16], $0x10, s25, s16, $0xb8;
	[tilespmem:$0xF000] =	vst v63  }
0xf0: {  	s26 =	simm.s32 $0x2900;
	s10 =	simm.s32 $0x8800  }
0xf1: {  	[tilespmem:s10], [sflag:$0x3] =	stream.indirect.gather [hbm4b:s1+s16], $0x10, s26, s16, $0xb8;
	[tilespmem:$0xF000] =	vst v63  }
0xf2: {  	s5 =	simm.s32 $0x9000;
	s21 =	simm.s32 $0x2980  }
0xf3: {  	[tilespmem:s5], [sflag:$0x4] =	stream.indirect.gather [hbm4b:s1+s16], $0x10, s21, s16, $0xb8;
	[tilespmem:$0xF000] =	vst v63  }
0xf4: {  	s8 =	simm.s32 $0x9800;
	s25 =	simm.s32 $0x2A00  }
0xf5: {  	[tilespmem:s8], [sflag:$0x5] =	stream.indirect.gather [hbm4b:s1+s16], $0x10, s25, s16, $0xb8;
	[tilespmem:$0xF000] =	vst v63  }
0xf6: {  	s6 =	simm.s32 $0xA000;
	s26 =	simm.s32 $0x2A80  }
0xf7: {  	[tilespmem:s6], [sflag:$0x6] =	stream.indirect.gather [hbm4b:s1+s16], $0x10, s26, s16, $0xb8;
	[tilespmem:$0xF000] =	vst v63  }
0xf8: {  	s22 =	simm.s32 $0xA800;
	s21 =	simm.s32 $0x2B00  }
0xf9: {  	[tilespmem:s22], [sflag:$0x7] =	stream.indirect.gather [hbm4b:s1+s16], $0x10, s21, s16, $0xb8;
	[tilespmem:$0xF000] =	vst v63  }
0xfa: {  	s4 =	simm.s32 $0xB000;
	s25 =	simm.s32 $0x2B80  }
0xfb: {  	[tilespmem:s4], [sflag:$0x8] =	stream.indirect.gather [hbm4b:s1+s16], $0x10, s25, s16, $0xb8;
	[tilespmem:$0xF000] =	vst v63  }
0xfc: {  	s23 =	simm.s32 $0xB800;
	s26 =	simm.s32 $0x2C00  }
0xfd: {  	[tilespmem:s23], [sflag:$0x9] =	stream.indirect.gather [hbm4b:s1+s16], $0x10, s26, s16, $0xb8;
	[tilespmem:$0xF000] =	vst v63  }
0xfe: {  	s0 =	simm.s32 $0xC000;
	s7 =	simm.s32 $0x1;
	s21 =	simm.s32 $0x2C80  }
0xff: {  	[tilespmem:s0], [sflag:$0xA] =	stream.indirect.gather [hbm4b:s1+s16], $0x10, s21, s16, $0xb8;
	[tilespmem:$0xF000] =	vst v63  }
0x100: {  	_ =	swait.ge [sflag:s7], $0x800  }
0x101: {  	[sflag:s7] =	ssyncset.done $0x0  }
0x102: {  	s28 =	simm.s32 $0x2;
	s25 =	simm.s32 $0x5000;
	[sflag:s7] =	ssyncadd.s32 $0xFFFFF800  }
0x103: {  	[spmem:s3] =	stream.indirect.scatter.add.f32 [tilespmem:s15], [sflag:$0xB], $0x10, s25, s16, $0xb8;
	[tilespmem:$0xF000] =	vst v63  }
0x104: {  	_ =	swait.ge [sflag:s28], $0x800  }
0x105: {  	[sflag:s28] =	ssyncset.done $0x0  }
0x106: {  	s26 =	simm.s32 $0x5080;
	[sflag:s28] =	ssyncadd.s32 $0xFFFFF800  }
0x107: {  	[spmem:s3] =	stream.indirect.scatter.add.f32 [tilespmem:s11], [sflag:$0xC], $0x10, s26, s16, $0xb8;
	[tilespmem:$0xF000] =	vst v63  }
0x108: {  	_ =	swait.ge [sflag:s30], $0x800  }
0x109: {  	[sflag:s30] =	ssyncset.done $0x0  }
0x10a: {  	s2 =	simm.s32 $0x4;
	s25 =	simm.s32 $0x5100;
	[sflag:s30] =	ssyncadd.s32 $0xFFFFF800  }
0x10b: {  	[spmem:s3] =	stream.indirect.scatter.add.f32 [tilespmem:s10], [sflag:$0xD], $0x10, s25, s16, $0xb8;
	[tilespmem:$0xF000] =	vst v63  }
0x10c: {  	_ =	swait.ge [sflag:s2], $0x800  }
0x10d: {  	[sflag:s2] =	ssyncset.done $0x0  }
0x10e: {  	s24 =	simm.s32 $0x5;
	s26 =	simm.s32 $0x5180;
	[sflag:s2] =	ssyncadd.s32 $0xFFFFF800  }
0x10f: {  	[spmem:s3] =	stream.indirect.scatter.add.f32 [tilespmem:s5], [sflag:$0xE], $0x10, s26, s16, $0xb8;
	[tilespmem:$0xF000] =	vst v63  }
0x110: {  	_ =	swait.ge [sflag:s24], $0x800  }
0x111: {  	[sflag:s24] =	ssyncset.done $0x0  }
0x112: {  	s19 =	simm.s32 $0x6;
	s25 =	simm.s32 $0x5200;
	[sflag:s24] =	ssyncadd.s32 $0xFFFFF800  }
0x113: {  	[spmem:s3] =	stream.indirect.scatter.add.f32 [tilespmem:s8], [sflag:$0xF], $0x10, s25, s16, $0xb8;
	[tilespmem:$0xF000] =	vst v63  }
0x114: {  	_ =	swait.ge [sflag:s19], $0x800  }
0x115: {  	[sflag:s19] =	ssyncset.done $0x0  }
0x116: {  	s14 =	simm.s32 $0x7;
	s26 =	simm.s32 $0x5280;
	[sflag:s19] =	ssyncadd.s32 $0xFFFFF800  }
0x117: {  	[spmem:s3] =	stream.indirect.scatter.add.f32 [tilespmem:s6], [sflag:$0x10], $0x10, s26, s16, $0xb8;
	[tilespmem:$0xF000] =	vst v63  }
0x118: {  	_ =	swait.ge [sflag:s14], $0x800  }
0x119: {  	[sflag:s14] =	ssyncset.done $0x0  }
0x11a: {  	s17 =	simm.s32 $0x8;
	s19 =	simm.s32 $0x5300;
	[sflag:s14] =	ssyncadd.s32 $0xFFFFF800  }
0x11b: {  	[spmem:s3] =	stream.indirect.scatter.add.f32 [tilespmem:s22], [sflag:$0x11], $0x10, s19, s16, $0xb8;
	[tilespmem:$0xF000] =	vst v63  }
0x11c: {  	_ =	swait.ge [sflag:s17], $0x800  }
0x11d: {  	[sflag:s17] =	ssyncset.done $0x0  }
0x11e: {  	s13 =	simm.s32 $0x9;
	s24 =	simm.s32 $0x5380;
	[sflag:s17] =	ssyncadd.s32 $0xFFFFF800  }
0x11f: {  	[spmem:s3] =	stream.indirect.scatter.add.f32 [tilespmem:s4], [sflag:$0x12], $0x10, s24, s16, $0xb8;
	[tilespmem:$0xF000] =	vst v63  }
0x120: {  	_ =	swait.ge [sflag:s13], $0x800  }
0x121: {  	[sflag:s13] =	ssyncset.done $0x0  }
0x122: {  	s9 =	simm.s32 $0xA;
	s25 =	simm.s32 $0x5400;
	[sflag:s13] =	ssyncadd.s32 $0xFFFFF800  }
0x123: {  	[spmem:s3] =	stream.indirect.scatter.add.f32 [tilespmem:s23], [sflag:$0x13], $0x10, s25, s16, $0xb8;
	[tilespmem:$0xF000] =	vst v63  }
0x124: {  	_ =	swait.ge [sflag:s9], $0x800  }
0x125: {  	[sflag:s9] =	ssyncset.done $0x0  }
0x126: {  	s26 =	simm.s32 $0x5480;
	[sflag:s9] =	ssyncadd.s32 $0xFFFFF800  }
0x127: {  	[spmem:s3] =	stream.indirect.scatter.add.f32 [tilespmem:s0], [sflag:$0x14], $0x10, s26, s16, $0xb8;
	[tilespmem:$0xF000] =	vst v63  }
0x128: {  	_ =	swait.ge [sflag:s29], $0x800  }
0x129: {  	[sflag:s29] =	ssyncset.done $0x0  }
0x12a: {  	s12 =	simm.s32 $0xC;
	s0 =	simm.s32 $0x2D00;
	[sflag:s29] =	ssyncadd.s32 $0xFFFFF800  }
0x12b: {  	[tilespmem:s15], [sflag:$0x1] =	stream.indirect.gather [hbm4b:s1+s16], $0x10, s0, s16, $0xb8;
	[tilespmem:$0xF000] =	vst v63  }
0x12c: {  	_ =	swait.ge [sflag:s12], $0x800  }
0x12d: {  	[sflag:s12] =	ssyncset.done $0x0  }
0x12e: {  	s18 =	simm.s32 $0xD;
	s9 =	simm.s32 $0x2D80;
	[sflag:s12] =	ssyncadd.s32 $0xFFFFF800  }
0x12f: {  	[tilespmem:s11], [sflag:$0x2] =	stream.indirect.gather [hbm4b:s1+s16], $0x10, s9, s16, $0xb8;
	[tilespmem:$0xF000] =	vst v63  }
0x130: {  	_ =	swait.ge [sflag:s18], $0x800  }
0x131: {  	[sflag:s18] =	ssyncset.done $0x0  }
0x132: {  	s20 =	simm.s32 $0xE;
	s11 =	simm.s32 $0x2E00;
	[sflag:s18] =	ssyncadd.s32 $0xFFFFF800  }
0x133: {  	[tilespmem:s10], [sflag:$0x3] =	stream.indirect.gather [hbm4b:s1+s16], $0x10, s11, s16, $0xb8;
	[tilespmem:$0xF000] =	vst v63  }
0x134: {  	_ =	swait.ge [sflag:s20], $0x800  }
0x135: {  	[sflag:s20] =	ssyncset.done $0x0  }
0x136: {  	s17 =	simm.s32 $0xF;
	s13 =	simm.s32 $0x2E80;
	[sflag:s20] =	ssyncadd.s32 $0xFFFFF800  }
0x137: {  	[tilespmem:s5], [sflag:$0x4] =	stream.indirect.gather [hbm4b:s1+s16], $0x10, s13, s16, $0xb8;
	[tilespmem:$0xF000] =	vst v63  }
0x138: {  	_ =	swait.ge [sflag:s17], $0x800  }
0x139: {  	[sflag:s17] =	ssyncset.done $0x0  }
0x13a: {  	s14 =	simm.s32 $0x2F00;
	s19 =	simm.s32 $0x10;
	[sflag:s17] =	ssyncadd.s32 $0xFFFFF800  }
0x13b: {  	[tilespmem:s8], [sflag:$0x5] =	stream.indirect.gather [hbm4b:s1+s16], $0x10, s14, s16, $0xb8;
	[tilespmem:$0xF000] =	vst v63  }
0x13c: {  	_ =	swait.ge [sflag:s19], $0x800  }
0x13d: {  	[sflag:s19] =	ssyncset.done $0x0  }
0x13e: {  	s15 =	simm.s32 $0x2F80;
	[sflag:s19] =	ssyncadd.s32 $0xFFFFF800  }
0x13f: {  	[tilespmem:s6], [sflag:$0x6] =	stream.indirect.gather [hbm4b:s1+s16], $0x10, s15, s16, $0xb8;
	[tilespmem:$0xF000] =	vst v63  }
0x140: {  	s6 =	simm.s32 $0x11  }
0x141: {  	_ =	swait.ge [sflag:s6], $0x800  }
0x142: {  	[sflag:s6] =	ssyncset.done $0x0  }
0x143: {  	s24 =	simm.s32 $0x3000;
	[sflag:s6] =	ssyncadd.s32 $0xFFFFF800  }
0x144: {  	[tilespmem:s22], [sflag:$0x7] =	stream.indirect.gather [hbm4b:s1+s16], $0x10, s24, s16, $0xb8;
	[tilespmem:$0xF000] =	vst v63  }
0x145: {  	s22 =	simm.s32 $0x12  }
0x146: {  	_ =	swait.ge [sflag:s22], $0x800  }
0x147: {  	[sflag:s22] =	ssyncset.done $0x0  }
0x148: {  	s25 =	simm.s32 $0x3080;
	s0 =	simm.s32 $0x13;
	[sflag:s22] =	ssyncadd.s32 $0xFFFFF800  }
0x149: {  	[tilespmem:s4], [sflag:$0x8] =	stream.indirect.gather [hbm4b:s1+s16], $0x10, s25, s16, $0xb8;
	[tilespmem:$0xF000] =	vst v63  }
0x14a: {  	_ =	swait.ge [sflag:s0], $0x800  }
0x14b: {  	[sflag:s0] =	ssyncset.done $0x0  }
0x14c: {  	s26 =	simm.s32 $0x3100;
	s25 =	simm.s32 $0x14;
	[sflag:s0] =	ssyncadd.s32 $0xFFFFF800  }
0x14d: {  	[tilespmem:s23], [sflag:$0x9] =	stream.indirect.gather [hbm4b:s1+s16], $0x10, s26, s16, $0xb8;
	[tilespmem:$0xF000] =	vst v63  }
0x14e: {  	_ =	swait.ge [sflag:s25], $0x800  }
0x14f: {  	[sflag:s25] =	ssyncset.done $0x0  }
0x150: {  	s21 =	simm.s32 $0x1400;
	s23 =	simm.s32 $0x3180;
	[sflag:s25] =	ssyncadd.s32 $0xFFFFF800  }
.LBB2_6:
0x151: {  	s24 =	simm.s32 $0xC000  }
0x152: {  	[tilespmem:s24], [sflag:$0xA] =	stream.indirect.gather [hbm4b:s1+s16], $0x10, s23, s16, $0xb8;
	[tilespmem:$0xF000] =	vst v63  }
0x153: {  	s23 =	smov.u32 s21  }
0x154: {  	p1 =	sne.s32 s21, $0x7800;
	s21 =	sadd.s32 $0x1400, s21;
	_ =	swait.ge [sflag:s7], $0x800  }
0x155: {  	s23 =	sshra.s32 s23, $0x2;
	[sflag:s7] =	ssyncset.done $0x0  }
0x156: {  	s11 =	simm.s32 $0x7800;
	[sflag:s7] =	ssyncadd.s32 $0xFFFFF800;
	s7 =	sadd.s32 $0x5000, s23  }
0x157: {  	[spmem:s3] =	stream.indirect.scatter.add.f32 [tilespmem:s11], [sflag:$0xB], $0x10, s7, s16, $0xb8;
	[tilespmem:$0xF000] =	vst v63  }
0x158: {  	_ =	swait.ge [sflag:s28], $0x800  }
0x159: {  	[sflag:s28] =	ssyncset.done $0x0  }
0x15a: {  	s5 =	simm.s32 $0x8000;
	s7 =	sadd.s32 $0x5080, s23;
	[sflag:s28] =	ssyncadd.s32 $0xFFFFF800  }
0x15b: {  	[spmem:s3] =	stream.indirect.scatter.add.f32 [tilespmem:s5], [sflag:$0xC], $0x10, s7, s16, $0xb8;
	[tilespmem:$0xF000] =	vst v63  }
0x15c: {  	_ =	swait.ge [sflag:s30], $0x800  }
0x15d: {  	[sflag:s30] =	ssyncset.done $0x0  }
0x15e: {  	s10 =	simm.s32 $0x8800;
	s7 =	sadd.s32 $0x5100, s23;
	[sflag:s30] =	ssyncadd.s32 $0xFFFFF800  }
0x15f: {  	[spmem:s3] =	stream.indirect.scatter.add.f32 [tilespmem:s10], [sflag:$0xD], $0x10, s7, s16, $0xb8;
	[tilespmem:$0xF000] =	vst v63  }
0x160: {  	_ =	swait.ge [sflag:s2], $0x800  }
0x161: {  	s13 =	simm.s32 $0x9000;
	[sflag:s2] =	ssyncset.done $0x0  }
0x162: {  	s4 =	simm.s32 $0x5;
	s7 =	sadd.s32 $0x5180, s23;
	[sflag:s2] =	ssyncadd.s32 $0xFFFFF800  }
0x163: {  	[spmem:s3] =	stream.indirect.scatter.add.f32 [tilespmem:s13], [sflag:$0xE], $0x10, s7, s16, $0xb8;
	[tilespmem:$0xF000] =	vst v63  }
0x164: {  	_ =	swait.ge [sflag:s4], $0x800  }
0x165: {  	s8 =	simm.s32 $0x9800;
	[sflag:s4] =	ssyncset.done $0x0  }
0x166: {  	s7 =	sadd.s32 $0x5200, s23;
	[sflag:s4] =	ssyncadd.s32 $0xFFFFF800;
	s4 =	simm.s32 $0x6  }
0x167: {  	[spmem:s3] =	stream.indirect.scatter.add.f32 [tilespmem:s8], [sflag:$0xF], $0x10, s7, s16, $0xb8;
	[tilespmem:$0xF000] =	vst v63  }
0x168: {  	_ =	swait.ge [sflag:s4], $0x800  }
0x169: {  	s9 =	simm.s32 $0xA000;
	[sflag:s4] =	ssyncset.done $0x0  }
0x16a: {  	s7 =	sadd.s32 $0x5280, s23;
	[sflag:s4] =	ssyncadd.s32 $0xFFFFF800;
	s4 =	simm.s32 $0x7  }
0x16b: {  	[spmem:s3] =	stream.indirect.scatter.add.f32 [tilespmem:s9], [sflag:$0x10], $0x10, s7, s16, $0xb8;
	[tilespmem:$0xF000] =	vst v63  }
0x16c: {  	_ =	swait.ge [sflag:s4], $0x800  }
0x16d: {  	s26 =	simm.s32 $0xA800;
	[sflag:s4] =	ssyncset.done $0x0  }
0x16e: {  	s7 =	sadd.s32 $0x5300, s23;
	[sflag:s4] =	ssyncadd.s32 $0xFFFFF800;
	s4 =	simm.s32 $0x8  }
0x16f: {  	[spmem:s3] =	stream.indirect.scatter.add.f32 [tilespmem:s26], [sflag:$0x11], $0x10, s7, s16, $0xb8;
	[tilespmem:$0xF000] =	vst v63  }
0x170: {  	_ =	swait.ge [sflag:s4], $0x800  }
0x171: {  	[sflag:s4] =	ssyncset.done $0x0  }
0x172: {  	s7 =	sadd.s32 $0x5380, s23;
	[sflag:s4] =	ssyncadd.s32 $0xFFFFF800;
	s4 =	simm.s32 $0x9  }
0x173: {  	[spmem:s3] =	stream.indirect.scatter.add.f32 [tilespmem:s31], [sflag:$0x12], $0x10, s7, s16, $0xb8;
	[tilespmem:$0xF000] =	vst v63  }
0x174: {  	_ =	swait.ge [sflag:s4], $0x800  }
0x175: {  	[sflag:s4] =	ssyncset.done $0x0  }
0x176: {  	s7 =	sadd.s32 $0x5400, s23;
	[sflag:s4] =	ssyncadd.s32 $0xFFFFF800;
	s4 =	simm.s32 $0xB800  }
0x177: {  	[spmem:s3] =	stream.indirect.scatter.add.f32 [tilespmem:s4], [sflag:$0x13], $0x10, s7, s16, $0xb8;
	[tilespmem:$0xF000] =	vst v63  }
0x178: {  	s7 =	simm.s32 $0xA  }
0x179: {  	_ =	swait.ge [sflag:s7], $0x800  }
0x17a: {  	[sflag:s7] =	ssyncset.done $0x0  }
0x17b: {  	[sflag:s7] =	ssyncadd.s32 $0xFFFFF800;
	s7 =	sadd.s32 $0x5480, s23  }
0x17c: {  	[spmem:s3] =	stream.indirect.scatter.add.f32 [tilespmem:s24], [sflag:$0x14], $0x10, s7, s16, $0xb8;
	[tilespmem:$0xF000] =	vst v63  }
0x17d: {  	_ =	swait.ge [sflag:s29], $0x800  }
0x17e: {  	[sflag:s29] =	ssyncset.done $0x0  }
0x17f: {  	s15 =	simm.s32 $0x7800;
	s7 =	sadd.s32 $0x2D00, s23;
	[sflag:s29] =	ssyncadd.s32 $0xFFFFF800  }
0x180: {  	[tilespmem:s11], [sflag:$0x1] =	stream.indirect.gather [hbm4b:s1+s16], $0x10, s7, s16, $0xb8;
	[tilespmem:$0xF000] =	vst v63  }
0x181: {  	_ =	swait.ge [sflag:s12], $0x800  }
0x182: {  	[sflag:s12] =	ssyncset.done $0x0  }
0x183: {  	s7 =	sadd.s32 $0x2D80, s23;
	s11 =	simm.s32 $0x8000;
	[sflag:s12] =	ssyncadd.s32 $0xFFFFF800  }
0x184: {  	[tilespmem:s5], [sflag:$0x2] =	stream.indirect.gather [hbm4b:s1+s16], $0x10, s7, s16, $0xb8;
	[tilespmem:$0xF000] =	vst v63  }
0x185: {  	_ =	swait.ge [sflag:s18], $0x800  }
0x186: {  	[sflag:s18] =	ssyncset.done $0x0  }
0x187: {  	s14 =	simm.s32 $0x8800;
	s7 =	sadd.s32 $0x2E00, s23;
	[sflag:s18] =	ssyncadd.s32 $0xFFFFF800  }
0x188: {  	[tilespmem:s10], [sflag:$0x3] =	stream.indirect.gather [hbm4b:s1+s16], $0x10, s7, s16, $0xb8;
	[tilespmem:$0xF000] =	vst v63  }
0x189: {  	_ =	swait.ge [sflag:s20], $0x800  }
0x18a: {  	[sflag:s20] =	ssyncset.done $0x0  }
0x18b: {  	s5 =	simm.s32 $0x9000;
	s7 =	sadd.s32 $0x2E80, s23;
	[sflag:s20] =	ssyncadd.s32 $0xFFFFF800  }
0x18c: {  	[tilespmem:s13], [sflag:$0x4] =	stream.indirect.gather [hbm4b:s1+s16], $0x10, s7, s16, $0xb8;
	[tilespmem:$0xF000] =	vst v63  }
0x18d: {  	_ =	swait.ge [sflag:s17], $0x800  }
0x18e: {  	[sflag:s17] =	ssyncset.done $0x0  }
0x18f: {  	s7 =	sadd.s32 $0x2F00, s23;
	s13 =	simm.s32 $0x9800;
	[sflag:s17] =	ssyncadd.s32 $0xFFFFF800  }
0x190: {  	[tilespmem:s8], [sflag:$0x5] =	stream.indirect.gather [hbm4b:s1+s16], $0x10, s7, s16, $0xb8;
	[tilespmem:$0xF000] =	vst v63  }
0x191: {  	_ =	swait.ge [sflag:s19], $0x800  }
0x192: {  	[sflag:s19] =	ssyncset.done $0x0  }
0x193: {  	s7 =	sadd.s32 $0x2F80, s23;
	s8 =	simm.s32 $0xA000;
	[sflag:s19] =	ssyncadd.s32 $0xFFFFF800  }
0x194: {  	[tilespmem:s9], [sflag:$0x6] =	stream.indirect.gather [hbm4b:s1+s16], $0x10, s7, s16, $0xb8;
	[tilespmem:$0xF000] =	vst v63  }
0x195: {  	_ =	swait.ge [sflag:s6], $0x800  }
0x196: {  	[sflag:s6] =	ssyncset.done $0x0  }
0x197: {  	s7 =	sadd.s32 $0x3000, s23;
	s9 =	simm.s32 $0xA800;
	[sflag:s6] =	ssyncadd.s32 $0xFFFFF800  }
0x198: {  	[tilespmem:s26], [sflag:$0x7] =	stream.indirect.gather [hbm4b:s1+s16], $0x10, s7, s16, $0xb8;
	[tilespmem:$0xF000] =	vst v63  }
0x199: {  	_ =	swait.ge [sflag:s22], $0x800  }
0x19a: {  	[sflag:s22] =	ssyncset.done $0x0  }
0x19b: {  	s7 =	sadd.s32 $0x3080, s23;
	s26 =	simm.s32 $0xB000;
	[sflag:s22] =	ssyncadd.s32 $0xFFFFF800  }
0x19c: {  	[tilespmem:s31], [sflag:$0x8] =	stream.indirect.gather [hbm4b:s1+s16], $0x10, s7, s16, $0xb8;
	[tilespmem:$0xF000] =	vst v63  }
0x19d: {  	_ =	swait.ge [sflag:s0], $0x800  }
0x19e: {  	[sflag:s0] =	ssyncset.done $0x0  }
0x19f: {  	s7 =	sadd.s32 $0x3100, s23;
	[sflag:s0] =	ssyncadd.s32 $0xFFFFF800  }
0x1a0: {  	[tilespmem:s4], [sflag:$0x9] =	stream.indirect.gather [hbm4b:s1+s16], $0x10, s7, s16, $0xb8;
	[tilespmem:$0xF000] =	vst v63  }
.Ltmp4:
0x1a1: {  	_ = 	snop;
	(pc) =	sbr.rel @p1 .LBB2_6-.Ltmp4, $4  }
0x1a2: {  	s24 =	simm.s32 $0xB800;
	s7 =	simm.s32 $0x1  }
0x1a3: {  	_ =	swait.ge [sflag:s25], $0x800  }
0x1a4: {  	[sflag:s25] =	ssyncset.done $0x0  }
0x1a5: {  	s23 =	sadd.s32 $0x3180, s23;
	[sflag:s25] =	ssyncadd.s32 $0xFFFFF800  }
0x1a6: {  	s6 =	simm.s32 $0xC000  }
0x1a7: {  	[tilespmem:s6], [sflag:$0xA] =	stream.indirect.gather [hbm4b:s1+s16], $0x10, s23, s16, $0xb8;
	[tilespmem:$0xF000] =	vst v63  }
0x1a8: {  	_ =	swait.ge [sflag:s7], $0x800  }
0x1a9: {  	[sflag:s7] =	ssyncset.done $0x0  }
0x1aa: {  	s0 =	simm.s32 $0x7300;
	s23 =	simm.s32 $0x15;
	[sflag:s7] =	ssyncadd.s32 $0xFFFFF800  }
0x1ab: {  	[spmem:s3] =	stream.indirect.scatter.add.f32 [tilespmem:s15], [sflag:$0x15], $0x10, s0, s16, $0xb8;
	[tilespmem:$0xF000] =	vst v63  }
0x1ac: {  	_ =	swait.ge [sflag:s23], $0x800  }
0x1ad: {  	[sflag:s23] =	ssyncset.done $0x0  }
0x1ae: {  	[sflag:s23] =	ssyncadd.s32 $0xFFFFF800  }
0x1af: {  	_ =	swait.ge [sflag:s28], $0x800  }
0x1b0: {  	[sflag:s28] =	ssyncset.done $0x0  }
0x1b1: {  	s4 =	simm.s32 $0x7380;
	[sflag:s28] =	ssyncadd.s32 $0xFFFFF800  }
0x1b2: {  	[spmem:s3] =	stream.indirect.scatter.add.f32 [tilespmem:s11], [sflag:$0x15], $0x10, s4, s16, $0xb8;
	[tilespmem:$0xF000] =	vst v63  }
0x1b3: {  	_ =	swait.ge [sflag:s23], $0x800  }
0x1b4: {  	[sflag:s23] =	ssyncset.done $0x0  }
0x1b5: {  	[sflag:s23] =	ssyncadd.s32 $0xFFFFF800  }
0x1b6: {  	_ =	swait.ge [sflag:s30], $0x800  }
0x1b7: {  	[sflag:s30] =	ssyncset.done $0x0  }
0x1b8: {  	s7 =	simm.s32 $0x7400;
	[sflag:s30] =	ssyncadd.s32 $0xFFFFF800  }
0x1b9: {  	[spmem:s3] =	stream.indirect.scatter.add.f32 [tilespmem:s14], [sflag:$0x15], $0x10, s7, s16, $0xb8;
	[tilespmem:$0xF000] =	vst v63  }
0x1ba: {  	_ =	swait.ge [sflag:s23], $0x800  }
0x1bb: {  	[sflag:s23] =	ssyncset.done $0x0  }
0x1bc: {  	[sflag:s23] =	ssyncadd.s32 $0xFFFFF800  }
0x1bd: {  	_ =	swait.ge [sflag:s2], $0x800  }
0x1be: {  	[sflag:s2] =	ssyncset.done $0x0  }
0x1bf: {  	s10 =	simm.s32 $0x7480;
	[sflag:s2] =	ssyncadd.s32 $0xFFFFF800  }
0x1c0: {  	[spmem:s3] =	stream.indirect.scatter.add.f32 [tilespmem:s5], [sflag:$0x15], $0x10, s10, s16, $0xb8;
	[tilespmem:$0xF000] =	vst v63  }
0x1c1: {  	_ =	swait.ge [sflag:s23], $0x800  }
0x1c2: {  	[sflag:s23] =	ssyncset.done $0x0  }
0x1c3: {  	s11 =	simm.s32 $0x5;
	[sflag:s23] =	ssyncadd.s32 $0xFFFFF800  }
0x1c4: {  	_ =	swait.ge [sflag:s11], $0x800  }
0x1c5: {  	[sflag:s11] =	ssyncset.done $0x0  }
0x1c6: {  	s12 =	simm.s32 $0x7500;
	[sflag:s11] =	ssyncadd.s32 $0xFFFFF800  }
0x1c7: {  	[spmem:s3] =	stream.indirect.scatter.add.f32 [tilespmem:s13], [sflag:$0x15], $0x10, s12, s16, $0xb8;
	[tilespmem:$0xF000] =	vst v63  }
0x1c8: {  	_ =	swait.ge [sflag:s23], $0x800  }
0x1c9: {  	[sflag:s23] =	ssyncset.done $0x0  }
0x1ca: {  	s14 =	simm.s32 $0x6;
	[sflag:s23] =	ssyncadd.s32 $0xFFFFF800  }
0x1cb: {  	_ =	swait.ge [sflag:s14], $0x800  }
0x1cc: {  	[sflag:s14] =	ssyncset.done $0x0  }
0x1cd: {  	s15 =	simm.s32 $0x7580;
	[sflag:s14] =	ssyncadd.s32 $0xFFFFF800  }
0x1ce: {  	[spmem:s3] =	stream.indirect.scatter.add.f32 [tilespmem:s8], [sflag:$0x15], $0x10, s15, s16, $0xb8;
	[tilespmem:$0xF000] =	vst v63  }
0x1cf: {  	_ =	swait.ge [sflag:s23], $0x800  }
0x1d0: {  	[sflag:s23] =	ssyncset.done $0x0  }
0x1d1: {  	s17 =	simm.s32 $0x7;
	[sflag:s23] =	ssyncadd.s32 $0xFFFFF800  }
0x1d2: {  	_ =	swait.ge [sflag:s17], $0x800  }
0x1d3: {  	[sflag:s17] =	ssyncset.done $0x0  }
0x1d4: {  	s18 =	simm.s32 $0x7600;
	[sflag:s17] =	ssyncadd.s32 $0xFFFFF800  }
0x1d5: {  	[spmem:s3] =	stream.indirect.scatter.add.f32 [tilespmem:s9], [sflag:$0x15], $0x10, s18, s16, $0xb8;
	[tilespmem:$0xF000] =	vst v63  }
0x1d6: {  	_ =	swait.ge [sflag:s23], $0x800  }
0x1d7: {  	[sflag:s23] =	ssyncset.done $0x0  }
0x1d8: {  	s19 =	simm.s32 $0x8;
	[sflag:s23] =	ssyncadd.s32 $0xFFFFF800  }
0x1d9: {  	_ =	swait.ge [sflag:s19], $0x800  }
0x1da: {  	[sflag:s19] =	ssyncset.done $0x0  }
0x1db: {  	s20 =	simm.s32 $0x7680;
	[sflag:s19] =	ssyncadd.s32 $0xFFFFF800  }
0x1dc: {  	[spmem:s3] =	stream.indirect.scatter.add.f32 [tilespmem:s26], [sflag:$0x15], $0x10, s20, s16, $0xb8;
	[tilespmem:$0xF000] =	vst v63  }
0x1dd: {  	_ =	swait.ge [sflag:s23], $0x800  }
0x1de: {  	[sflag:s23] =	ssyncset.done $0x0  }
0x1df: {  	s21 =	simm.s32 $0x9;
	[sflag:s23] =	ssyncadd.s32 $0xFFFFF800  }
0x1e0: {  	_ =	swait.ge [sflag:s21], $0x800  }
0x1e1: {  	[sflag:s21] =	ssyncset.done $0x0  }
0x1e2: {  	s22 =	simm.s32 $0x7700;
	[sflag:s21] =	ssyncadd.s32 $0xFFFFF800  }
0x1e3: {  	[spmem:s3] =	stream.indirect.scatter.add.f32 [tilespmem:s24], [sflag:$0x15], $0x10, s22, s16, $0xb8;
	[tilespmem:$0xF000] =	vst v63  }
0x1e4: {  	_ =	swait.ge [sflag:s23], $0x800  }
0x1e5: {  	s25 =	simm.s32 $0xA;
	[sflag:s23] =	ssyncset.done $0x0  }
0x1e6: {  	s28 =	simm.s32 $0xB;
	s2 =	simm.s32 $0x4;
	[sflag:s23] =	ssyncadd.s32 $0xFFFFF800  }
.Ltmp5:
0x1e7: {  	s12 =	simm.s32 $0xC;
	_ =	swait.ge [sflag:s25], $0x800;
	(pc) =	sbr.rel .LBB2_8-.Ltmp5, $4  }
0x1e8: {  	s18 =	simm.s32 $0xD;
	s26 =	simm.s32 $0x7780;
	[sflag:s25] =	ssyncset.done $0x0  }
0x1e9: {  	s20 =	simm.s32 $0xE;
	s24 =	simm.s32 $0x2;
	[sflag:s25] =	ssyncadd.s32 $0xFFFFF800  }
0x1ea: {  	[spmem:s3] =	stream.indirect.scatter.add.f32 [tilespmem:s6], [sflag:$0x15], $0x10, s26, s16, $0xb8;
	[tilespmem:$0xF000] =	vst v63  }
0x1eb: {  	s0 =	rddreg [dreg:$0xb];
	s25 =	simm.s32 $0x3;
	s26 =	simm.s32 $0x9000  }
.LBB2_9:
0x1ec: {  	_ =	sfence.sel $0x180000  }
0x1ed: {  	[bflag:$0x0] =	sbarrier.arrive $0xFFFF  }
0x1ee: {  	_ =	strace $0x9000004A  }
0x1ef: {  	s0 =	stileid.u32;
	[bflag:$0x2] =	sbarrier.arrive $0xFFFF  }
0x1f0: {  	p0 =	sne.s32 s0, $0x0;
	s0 =	rddreg [dreg:$0x3]  }
0x1f1: {  	s0 =	sadd.s32 @!p0 $0x100000, s0  }
0x1f2: {  	[sflag:s0] =	ssyncadd.tile.s32 @!p0 $0x1;
	_ =	shalt  }
.Lfunc_end2:
_tile_overlayer_lowered:
.L_overlay_start_2:
0x1f3: {  	(tag) =	ssettag $0x2  }
0x1f4: {  	s0 =	rddreg [dreg:$0x0];
	s2 =	stileid.u32  }
0x1f5: {  	s1 =	rddreg [dreg:$0x1];
	p0 =	sne.s32 s2, $0x0  }
0x1f6: {  	s3 =	rddreg [dreg:$0x2];
	[bflag:$0x3] =	sbarrier.arrive $0xFFFF;
	s2 =	simm.s32 @!p0 $0x1C15  }
0x1f7: {  	[timem:s3], [sflag:s2] =	dma.local @!p0 [hbm:s0], s1  }
0x1f8: {  	s0 =	simm.s32 @!p0 $0x15  }
0x1f9: {  	_ =	swait.ge @!p0 [sflag:s0], s1  }
0x1fa: {  	s1 =	ssub.s32 @!p0 $0x0, s1;
	[sflag:s0] =	ssyncset.done @!p0 $0x0  }
0x1fb: {  	[sflag:s0] =	ssyncadd.s32 @!p0 s1  }
0x1fc: {  	[bflag:$0x3] =	sbarrier.arrive $0xFFFF  }
0x1fd: {  	_ =	shalt  }

// kernel: kernel.15.cloned.1.call-start
scs
__scs_entry_jumppad:
0x0: {  	(pc) =	sbr.rel $0x88, $3  }
0x1: {  	(tag) =	ssettag $0x0;
	lr =	simm.s32 $0x1  }
0x2: {  	[smem:$0x3F9B] =	sst lr;
	_ =	strace $0xD0000000  }
0x3: {  	_ = 	snop  }
0x4: {  	_ = 	snop  }
0x5: {  	_ = 	snop  }
0x6: {  	_ = 	snop  }
0x7: {  	_ = 	snop  }
__scs_overlays_trampoline_lowered:
0x8: {  	[smem:$0x3FAA] =	sst s0  }
0x9: {  	[smem:$0x3FAB] =	sst s1  }
0xa: {  	[smem:$0x3FAC] =	sst s2  }
0xb: {  	[smem:$0x3FAD] =	sst s3  }
0xc: {  	[smem:$0x3FAE] =	sst s4  }
0xd: {  	[smem:$0x3FAF] =	sst s5  }
0xe: {  	[smem:$0x3FB0] =	sst s6  }
0xf: {  	[smem:$0x3FB1] =	sst s7  }
0x10: {  	[smem:$0x3FB2] =	sst s8  }
0x11: {  	[smem:$0x3FB3] =	sst s9;
	s0 =	simm.s32 @!p0 $0x0  }
0x12: {  	s1 =	sld [smem:$0x3F99];
	s0 =	simm.s32 @p0 $0x1  }
0x13: {  	[smem:$0x3FB4] =	sst s0;
	s0 =	simm.s32 @!p1 $0x0  }
0x14: {  	s2 =	sld [smem:$0x3F98];
	s0 =	simm.s32 @p1 $0x1  }
0x15: {  	[smem:$0x3FB5] =	sst s0;
	s0 =	simm.s32 @!p2 $0x0  }
0x16: {  	s3 =	sld [smem:$0x3FDB];
	s0 =	simm.s32 @p2 $0x1  }
0x17: {  	s4 =	simm.s32 $0x1BF5;
	[smem:$0x3FB7] =	sst s0  }
0x18: {  	s0 =	sld [smem:$0x3F9A];
	_ =	swait.ge [sflag:s4], $0x0  }
0x19: {  	s7 =	sld [smem:$0x3F9B]  }
0x1a: {  	s8 =	sadd.s32 $0xFFFFE003, lr  }
0x1b: {  	s9 =	sadd.s32 $0xFFFFFEF7, lr;
	s5 =	simm.s32 $0xFFFFFFFF;
	p2 =	slt.u32 s8, $0xFFFFF086  }
0x1c: {  	p1 =	slt.u32 s9, $0xF7A;
	s5 =	simm.s32 @!p2 $0x0  }
0x1d: {  	s5 =	simm.s32 @p1 $0x1;
	p0 =	seq.s32 s7, s2  }
0x1e: {  	s7 =	smul.u32 @!p0 $0xF7A, s2;
	p2 =	seq.s32 @!p0 s5, $0x0  }
0x1f: {  	s9 =	smul.u32 $0xF7A, s1;
	s8 =	simm.s32 @!p0 $0x1BF5;
	p2 =	por !p2, p0  }
0x20: {  	[sflag:s8] =	ssyncset.s32 @!p0 $0xFFFFF086;
	s6 =	sadd.s32 @!p0 s3, s7;
	s7 =	simm.s32 @!p0 $0x108  }
0x21: {  	s3 =	sadd.s32 s3, s9;
	s6 =	sadd.s32 @!p0 $0x88, s6;
	s7 =	simm.s32 @p2 $0x1082  }
0x22: {  	[simem:s7], [sflag:s8] =	dma.local @!p0 [hbm:s6], $0xF7A  }
0x23: {  	s9 =	sor.u32 $0xD0000000, s2;
	s6 =	simm.s32 $0x108;
	_ =	swait.ge @!p0 [sflag:s8], $0x0  }
0x24: {  	s3 =	sadd.s32 $0x88, s3;
	s6 =	simm.s32 @!p1 $0x1082;
	[sflag:s4] =	ssyncset.s32 $0xFFFFF086  }
0x25: {  	[simem:s6], [sflag:s4] =	dma.local [hbm:s3], $0xF7A  }
0x26: {  	[smem:$0x3F9B] =	sst s1;
	(tag) =	ssettag s2;
	_ =	strace s9  }
0x27: {  	s1 =	sld [smem:$0x3FAB]  }
0x28: {  	s2 =	sld [smem:$0x3FAC]  }
0x29: {  	s4 =	sld [smem:$0x3FAE]  }
0x2a: {  	p0 =	seq.s32 s5, $0x0;
	s5 =	sld [smem:$0x3FAF]  }
0x2b: {  	s6 =	sld [smem:$0x3FB0]  }
0x2c: {  	s7 =	sld [smem:$0x3FB1]  }
0x2d: {  	s3 =	simm.s32 $0x108;
	s8 =	sld [smem:$0x3FB2]  }
0x2e: {  	s3 =	simm.s32 @!p0 $0x1082;
	s9 =	sld [smem:$0x3FB3]  }
0x2f: {  	lr =	sadd.s32 s0, s3;
	s0 =	sld [smem:$0x3FAA]  }
0x30: {  	s3 =	sld [smem:$0x3FAD]  }
0x31: {  	[smem:$0x3FB6] =	sst s10  }
0x32: {  	s10 =	sld [smem:$0x3FB4];
	_ =	sdelay $0x3  }
0x33: {  	p0 =	seq.s32 s10, $0x1;
	s10 =	sld [smem:$0x3FB6];
	_ =	sdelay $0x3  }
0x34: {  	[smem:$0x3FB6] =	sst s10  }
0x35: {  	s10 =	sld [smem:$0x3FB5];
	_ =	sdelay $0x3  }
0x36: {  	p1 =	seq.s32 s10, $0x1;
	s10 =	sld [smem:$0x3FB6];
	_ =	sdelay $0x3  }
0x37: {  	[smem:$0x3FB6] =	sst s10  }
0x38: {  	s10 =	sld [smem:$0x3FB7]  }
0x39: {  	_ = 	snop;
	(pc) =	sbr.ind lr, $3  }
0x3a: {  	_ = 	snop  }
0x3b: {  	_ = 	snop  }
0x3c: {  	p2 =	seq.s32 s10, $0x1;
	s10 =	sld [smem:$0x3FB6]  }
0x3d: {  	_ =	shalt  }
0x3e: {  	_ =	shalt  }
0x3f: {  	_ =	shalt  }
0x40: {  	_ =	shalt  }
0x41: {  	_ =	shalt  }
0x42: {  	_ =	shalt  }
0x43: {  	_ =	shalt  }
0x44: {  	_ =	shalt  }
0x45: {  	_ =	shalt  }
0x46: {  	_ =	shalt  }
0x47: {  	_ =	shalt  }
0x48: {  	_ =	shalt  }
0x49: {  	_ =	shalt  }
0x4a: {  	_ =	shalt  }
0x4b: {  	_ =	shalt  }
0x4c: {  	_ =	shalt  }
0x4d: {  	_ =	shalt  }
0x4e: {  	_ =	shalt  }
0x4f: {  	_ =	shalt  }
0x50: {  	_ =	shalt  }
0x51: {  	_ =	shalt  }
0x52: {  	_ =	shalt  }
0x53: {  	_ =	shalt  }
0x54: {  	_ =	shalt  }
0x55: {  	_ =	shalt  }
0x56: {  	_ =	shalt  }
0x57: {  	_ =	shalt  }
0x58: {  	_ =	shalt  }
0x59: {  	_ =	shalt  }
0x5a: {  	_ =	shalt  }
0x5b: {  	_ =	shalt  }
0x5c: {  	_ =	shalt  }
0x5d: {  	_ =	shalt  }
0x5e: {  	_ =	shalt  }
0x5f: {  	_ =	shalt  }
0x60: {  	_ =	shalt  }
0x61: {  	_ =	shalt  }
0x62: {  	_ =	shalt  }
0x63: {  	_ =	shalt  }
0x64: {  	_ =	shalt  }
0x65: {  	_ =	shalt  }
0x66: {  	_ =	shalt  }
0x67: {  	_ =	shalt  }
0x68: {  	_ =	shalt  }
0x69: {  	_ =	shalt  }
0x6a: {  	_ =	shalt  }
0x6b: {  	_ =	shalt  }
0x6c: {  	_ =	shalt  }
0x6d: {  	_ =	shalt  }
0x6e: {  	_ =	shalt  }
0x6f: {  	_ =	shalt  }
0x70: {  	_ =	shalt  }
0x71: {  	_ =	shalt  }
0x72: {  	_ =	shalt  }
0x73: {  	_ =	shalt  }
0x74: {  	_ =	shalt  }
0x75: {  	_ =	shalt  }
0x76: {  	_ =	shalt  }
0x77: {  	_ =	shalt  }
0x78: {  	_ =	shalt  }
0x79: {  	_ =	shalt  }
0x7a: {  	_ =	shalt  }
0x7b: {  	_ =	shalt  }
0x7c: {  	_ =	shalt  }
0x7d: {  	_ =	shalt  }
0x7e: {  	_ =	shalt  }
0x7f: {  	_ =	shalt  }
0x80: {  	_ =	shalt  }
0x81: {  	_ =	shalt  }
0x82: {  	_ =	shalt  }
0x83: {  	_ =	shalt  }
0x84: {  	_ =	shalt  }
0x85: {  	_ =	shalt  }
0x86: {  	_ =	shalt  }
0x87: {  	_ =	shalt  }
.Lfunc_end0:
.L_simem_size_0:
called_computation.2_lowered:
.L_overlay_start_0:
0x88: {  	s2 =	sld [smem:$0x3FD9]  }
0x89: {  	s3 =	sld [smem:$0x3FFE];
	_ =	sdelay $0x1  }
0x8a: {  	s1 =	srdreg.scid  }
0x8b: {  	s0 =	sand.u32 $0x1, s1  }
0x8c: {  	s17 =	sshll.u32 s0, $0xA;
	s2 =	sadd.s32 s3, s2  }
0x8d: {  	s2 =	sadd.s32 s2, s17  }
0x8e: {  	[smem:$0x3FC2] =	sst s2  }
0x8f: {  	_ = 	snop  }
0x90: {  	s2 =	sld [smem:$0x3FD0];
	(tm) =	ssettm $0x1  }
0x91: {  	s18 =	sld [smem:$0x3FFB];
	_ =	sdelay $0x3  }
0x92: {  	_ =	strace s18  }
0x93: {  	s3 =	sld [smem:$0x3FFC];
	_ =	sdelay $0x3  }
0x94: {  	_ =	strace s3  }
0x95: {  	s3 =	sld [smem:$0x3FFD];
	_ =	sdelay $0x3  }
0x96: {  	_ =	strace s3  }
0x97: {  	_ =	strace $0x8FFFFFFF  }
0x98: {  	s19 =	sld [smem:$0x3FDB];
	_ =	sdelay $0x1  }
0x99: {  	s4 =	simm.s32 $_scs_section_size  }
0x9a: {  	s5 =	simm.s32 $_size__tile_overlayer_lowered;
	s6 =	simm.s32 $_tile_overlayer_lowered  }
0x9b: {  	s22 =	simm.s32 $0x1BFF;
	s21 =	sshll.u32 s6, $0x1;
	s3 =	sadd.s32 s4, s19  }
0x9c: {  	s7 =	simm.s32 $0x0;
	s20 =	sshll.u32 s5, $0x1;
	s5 =	sadd.s32 s21, s3  }
0x9d: {  	[timem:s7], [sflag:s22] =	dma.local [hbm:s5], s20  }
0x9e: {  	_ =	swait.ge [sflag:s22], s20  }
0x9f: {  	s4 =	ssub.s32 $0x0, s20;
	[sflag:s22] =	ssyncset.done $0x0  }
0xa0: {  	[sflag:s22] =	ssyncadd.s32 s4;
	_ =	sdelay $0x1  }
0xa1: {  	s23 =	simm.s32 $0x1B8B  }
0xa2: {  	_ =	swait.ge [sflag:s23], $0x1  }
0xa3: {  	[sflag:s23] =	ssyncset.done $0x0  }
0xa4: {  	s25 =	simm.s32 $0x1B8E;
	s24 =	sld [smem:$0x3FFE];
	[sflag:s23] =	ssyncadd.s32 $0xFFFFFFFF  }
0xa5: {  	s26 =	simm.s32 $execute0_lowered;
	[smem:$0x3FD2] =	sst s25  }
0xa6: {  	s5 =	sshll.u32 s26, $0x1;
	_ =	strace $0x8000004C;
	[dreg:$0x1] =	wrdreg $0xFFFFFFFF  }
0xa7: {  	s28 =	simm.s32 $_size_execute0_lowered;
	s3 =	sadd.s32 s3, s5;
	[dreg:$0x0] =	wrdreg $0x0  }
0xa8: {  	s5 =	sshll.u32 s28, $0x1;
	[dreg:$0x2] =	wrdreg s3  }
0xa9: {  	[dreg:$0x3] =	wrdreg s5  }
0xaa: {  	[dreg:$0x4] =	wrdreg $0xC0  }
0xab: {  	_ =	task [dreg:s7], $0x5FFFF  }
0xac: {  	[dreg:$0x1] =	wrdreg $0xFFFFFFFF  }
0xad: {  	[dreg:$0x0] =	wrdreg $0x60  }
0xae: {  	[dreg:$0x2] =	wrdreg s2  }
0xaf: {  	[dreg:$0x3] =	wrdreg s24  }
0xb0: {  	[dreg:$0x4] =	wrdreg $0x0  }
0xb1: {  	[dreg:$0x5] =	wrdreg $0x9  }
0xb2: {  	_ =	task.clear_ibuf [dreg:s7], $0x6FFFF;
	_ =	strace $0x9000004C  }
0xb3: {  	s29 =	simm.s32 $0x9;
	_ =	strace $0x8000004E  }
0xb4: {  	_ =	swait.ge [sflag:s29], $0x1  }
0xb5: {  	[sflag:s29] =	ssyncadd.s32 $0xFFFFFFFF  }
0xb6: {  	_ =	strace $0x9000004E  }
0xb7: {  	_ =	sfence  }
0xb8: {  	s30 =	sld [smem:$0x0];
	_ =	sdelay $0x2  }
0xb9: {  	s31 =	sshll.u32 s1, $0xD;
	s1 =	sshrl.u32 s1, $0x2  }
0xba: {  	s3 =	sand.u32 $0x4000, s31;
	s1 =	sadd.s32 s1, s30  }
0xbb: {  	s0 =	sor.u32 s3, s0;
	s1 =	sshll.u32 s1, $0x11  }
0xbc: {  	s0 =	sor.u32 s1, s0  }
0xbd: {  	s0 =	sadd.s32 $0x8F2B, s0  }
0xbe: {  	[sflag:s0] =	ssyncadd.remote.s32 $0x1  }
0xbf: {  	_ =	sfence.sel $0xFFFF  }
0xc0: {  	[dreg:$0x0] =	wrdreg $0xFFFFFFFF;
	(pc) =	sbr.abs _section_cstart, $3  }
0xc1: {  	[dreg:$0x1] =	wrdreg $0xFFFFFFFF  }
0xc2: {  	_ =	task.clear_ibuf [dreg:s7], $0x2FFFF;
	_ =	strace $0x9FFFFFFF  }
0xc3: {  	(tm) =	ssettm $0x7FFFFFFF  }
tec
execute0_lowered:
.L_overlay_start_1:
0x0: {  	(tag) =	ssettag $0x1  }
0x1: {  	s1 =	rddreg [dreg:$0x0]  }
0x2: {  	s0 =	srdreg.scid;
	s2 =	rddreg [dreg:$0x1]  }
0x3: {  	s7 =	stileid.u32;
	s3 =	rddreg [dreg:$0x2]  }
0x4: {  	s8 =	simm.s32 $0x0;
	s16 =	simm.s32 $0x80;
	s28 =	simm.s32 $0xB  }
0x5: {  	s12 =	simm.s32 $0xC;
	s18 =	simm.s32 $0xD;
	s20 =	simm.s32 $0xE  }
0x6: {  	s30 =	simm.s32 $0x3;
	s29 =	simm.s32 $0xB;
	s31 =	simm.s32 $0xB000  }
0x7: {  	s0 =	sand.u32 $0x1, s0;
	s4 =	smul.u32 $0x2800, s7;
	[smem:$0x7FF] =	sst s8  }
0x8: {  	s25 =	sadd.s32 $0xC300, s2;
	s5 =	sshll.u32 s0, $0x4;
	s6 =	smul.u32 $0x28000, s0  }
0x9: {  	_ =	strace $0x8000004D;
	s0 =	ssub.s32 $0x2, s0;
	[dreg:$0x7] =	wrdreg s25  }
0xa: {  	s25 =	simm.s32 $0x3;
	s5 =	sor.u32 s7, s5;
	s22 =	sshrl.u32 s0, $0x1  }
0xb: {  	s7 =	smul.u32 $0x500, s5;
	s6 =	sadd.s32 s4, s6;
	s4 =	sadd.s32 s4, s3  }
0xc: {  	s0 =	ssub.s32 s0, s22;
	s6 =	sshrl.u32 s6, $0x3;
	[dreg:$0x4] =	wrdreg s4  }
0xd: {  	s0 =	smax.u32 s0, $0x1;
	s7 =	sadd.s32 s7, s2;
	s6 =	sadd.s32 s6, s2  }
.Ltmp0:
0xe: {  	s2 =	sadd.s32 $0x16100, s2;
	[dreg:$0xa] =	wrdreg s0;
	(pc) =	sbr.rel .LBB2_1-.Ltmp0, $4  }
0xf: {  	p0 =	sne.s32 s5, $0x1F;
	s23 =	sadd.s32 $0x2800, s7;
	[dreg:$0x8] =	wrdreg s2  }
0x10: {  	s0 =	simm.s32 $0x0;
	s24 =	sadd.s32 $0xC600, s7;
	[dreg:$0x5] =	wrdreg s23  }
0x11: {  	s26 =	sadd.s32 $0x16400, s6;
	s2 =	simm.s32 $0x4;
	[dreg:$0x6] =	wrdreg s24  }
0x12: {  	v0 =	vimm.f32 $0.0e+00;
	[dreg:$0x9] =	wrdreg s26;
	s26 =	simm.s32 $0x9000;
	s24 =	simm.s32 $0x2  }
.LBB2_4:
0x13: {  	s7 =	simm.s32 $0x0;
	s21 =	rddreg [dreg:$0x7];
	s4 =	simm.s32 $0x2800  }
0x14: {  	[tilespmem:s4], [sflag:$0x15] =	stream.linear.gather [hbm4b:s21+s7], $0xA00, $0x38;
	[tilespmem:$0xF000] =	vst v63  }
0x15: {  	_ =	swait.ge [sflag:s23], $0xA00  }
0x16: {  	[sflag:s23] =	ssyncset.done $0x0  }
0x17: {  	s5 =	simm.s32 $0x5000;
	s10 =	rddreg [dreg:$0x8];
	[sflag:s23] =	ssyncadd.s32 $0xFFFFF600  }
0x18: {  	[tilespmem:s5], [sflag:$0x15] =	stream.linear.gather [hbm4b:s10+s7], $0xA00, $0x38;
	[tilespmem:$0xF000] =	vst v63  }
0x19: {  	_ =	swait.ge [sflag:s23], $0xA00  }
0x1a: {  	[sflag:s23] =	ssyncset.done $0x0  }
0x1b: {  	[sflag:s23] =	ssyncadd.s32 $0xFFFFF600  }
0x1c: {  	s7 =	simm.s32 $0x7800;
	[bflag:$0x0] =	sbarrier.arrive $0xFFFF  }
0x1d: {  	[tilespmem:s7], [sflag:$0x1] =	stream.indirect.gather [hbm4b:s1+s16], $0x10, s4, s16, $0xb8;
	[tilespmem:$0xF000] =	vst v63  }
0x1e: {  	s8 =	simm.s32 $0x2880;
	s9 =	simm.s32 $0x8000  }
0x1f: {  	[tilespmem:s9], [sflag:$0x2] =	stream.indirect.gather [hbm4b:s1+s16], $0x10, s8, s16, $0xb8;
	[tilespmem:$0xF000] =	vst v63  }
0x20: {  	s11 =	simm.s32 $0x2900;
	s13 =	simm.s32 $0x8800  }
0x21: {  	[tilespmem:s13], [sflag:$0x3] =	stream.indirect.gather [hbm4b:s1+s16], $0x10, s11, s16, $0xb8;
	[tilespmem:$0xF000] =	vst v63  }
0x22: {  	s14 =	simm.s32 $0x2980;
	s4 =	simm.s32 $0x1  }
0x23: {  	[tilespmem:s26], [sflag:$0x4] =	stream.indirect.gather [hbm4b:s1+s16], $0x10, s14, s16, $0xb8;
	[tilespmem:$0xF000] =	vst v63  }
0x24: {  	_ =	swait.ge [sflag:s4], $0x800  }
0x25: {  	[sflag:s4] =	ssyncset.done $0x0  }
0x26: {  	[sflag:s4] =	ssyncadd.s32 $0xFFFFF800  }
0x27: {  	[spmem:s3] =	stream.indirect.scatter.add.f32 [tilespmem:s7], [sflag:$0xB], $0x10, s5, s16, $0xb8;
	[tilespmem:$0xF000] =	vst v63  }
0x28: {  	_ =	swait.ge [sflag:s24], $0x800  }
0x29: {  	[sflag:s24] =	ssyncset.done $0x0  }
0x2a: {  	s15 =	simm.s32 $0x5080;
	s8 =	simm.s32 $0x8000;
	[sflag:s24] =	ssyncadd.s32 $0xFFFFF800  }
0x2b: {  	[spmem:s3] =	stream.indirect.scatter.add.f32 [tilespmem:s8], [sflag:$0xC], $0x10, s15, s16, $0xb8;
	[tilespmem:$0xF000] =	vst v63  }
0x2c: {  	_ =	swait.ge [sflag:s25], $0x800  }
0x2d: {  	[sflag:s25] =	ssyncset.done $0x0  }
0x2e: {  	s17 =	simm.s32 $0x5100;
	s9 =	simm.s32 $0x8800;
	[sflag:s25] =	ssyncadd.s32 $0xFFFFF800  }
0x2f: {  	[spmem:s3] =	stream.indirect.scatter.add.f32 [tilespmem:s9], [sflag:$0xD], $0x10, s17, s16, $0xb8;
	[tilespmem:$0xF000] =	vst v63  }
0x30: {  	_ =	swait.ge [sflag:s2], $0x800  }
0x31: {  	[sflag:s2] =	ssyncset.done $0x0  }
0x32: {  	s19 =	simm.s32 $0x5180;
	[sflag:s2] =	ssyncadd.s32 $0xFFFFF800  }
0x33: {  	[spmem:s3] =	stream.indirect.scatter.add.f32 [tilespmem:s26], [sflag:$0xE], $0x10, s19, s16, $0xb8;
	[tilespmem:$0xF000] =	vst v63  }
0x34: {  	_ =	swait.ge [sflag:s28], $0x800  }
0x35: {  	[sflag:s28] =	ssyncset.done $0x0  }
0x36: {  	s22 =	simm.s32 $0x2A00;
	[sflag:s28] =	ssyncadd.s32 $0xFFFFF800  }
0x37: {  	[tilespmem:s7], [sflag:$0x1] =	stream.indirect.gather [hbm4b:s1+s16], $0x10, s22, s16, $0xb8;
	[tilespmem:$0xF000] =	vst v63  }
0x38: {  	_ =	swait.ge [sflag:s12], $0x800  }
0x39: {  	[sflag:s12] =	ssyncset.done $0x0  }
0x3a: {  	s5 =	simm.s32 $0x2A80;
	[sflag:s12] =	ssyncadd.s32 $0xFFFFF800  }
0x3b: {  	[tilespmem:s8], [sflag:$0x2] =	stream.indirect.gather [hbm4b:s1+s16], $0x10, s5, s16, $0xb8;
	[tilespmem:$0xF000] =	vst v63  }
0x3c: {  	_ =	swait.ge [sflag:s18], $0x800  }
0x3d: {  	[sflag:s18] =	ssyncset.done $0x0  }
0x3e: {  	s6 =	simm.s32 $0x2B00;
	[sflag:s18] =	ssyncadd.s32 $0xFFFFF800  }
0x3f: {  	[tilespmem:s9], [sflag:$0x3] =	stream.indirect.gather [hbm4b:s1+s16], $0x10, s6, s16, $0xb8;
	[tilespmem:$0xF000] =	vst v63  }
0x40: {  	_ =	swait.ge [sflag:s20], $0x800  }
0x41: {  	[sflag:s20] =	ssyncset.done $0x0  }
0x42: {  	s10 =	simm.s32 $0x2B80;
	[sflag:s20] =	ssyncadd.s32 $0xFFFFF800  }
0x43: {  	[tilespmem:s26], [sflag:$0x4] =	stream.indirect.gather [hbm4b:s1+s16], $0x10, s10, s16, $0xb8;
	[tilespmem:$0xF000] =	vst v63  }
0x44: {  	_ =	swait.ge [sflag:s4], $0x800  }
0x45: {  	[sflag:s4] =	ssyncset.done $0x0  }
0x46: {  	s11 =	simm.s32 $0x5200;
	[sflag:s4] =	ssyncadd.s32 $0xFFFFF800  }
0x47: {  	[spmem:s3] =	stream.indirect.scatter.add.f32 [tilespmem:s7], [sflag:$0xB], $0x10, s11, s16, $0xb8;
	[tilespmem:$0xF000] =	vst v63  }
0x48: {  	_ =	swait.ge [sflag:s24], $0x800  }
0x49: {  	[sflag:s24] =	ssyncset.done $0x0  }
0x4a: {  	s13 =	simm.s32 $0x5280;
	[sflag:s24] =	ssyncadd.s32 $0xFFFFF800  }
0x4b: {  	[spmem:s3] =	stream.indirect.scatter.add.f32 [tilespmem:s8], [sflag:$0xC], $0x10, s13, s16, $0xb8;
	[tilespmem:$0xF000] =	vst v63  }
0x4c: {  	_ =	swait.ge [sflag:s25], $0x800  }
0x4d: {  	[sflag:s25] =	ssyncset.done $0x0  }
0x4e: {  	s14 =	simm.s32 $0x5300;
	[sflag:s25] =	ssyncadd.s32 $0xFFFFF800  }
0x4f: {  	[spmem:s3] =	stream.indirect.scatter.add.f32 [tilespmem:s9], [sflag:$0xD], $0x10, s14, s16, $0xb8;
	[tilespmem:$0xF000] =	vst v63  }
0x50: {  	_ =	swait.ge [sflag:s2], $0x800  }
0x51: {  	[sflag:s2] =	ssyncset.done $0x0  }
0x52: {  	s15 =	simm.s32 $0x5380;
	[sflag:s2] =	ssyncadd.s32 $0xFFFFF800  }
0x53: {  	[spmem:s3] =	stream.indirect.scatter.add.f32 [tilespmem:s26], [sflag:$0xE], $0x10, s15, s16, $0xb8;
	[tilespmem:$0xF000] =	vst v63  }
0x54: {  	_ =	swait.ge [sflag:s28], $0x800  }
0x55: {  	[sflag:s28] =	ssyncset.done $0x0  }
0x56: {  	s17 =	simm.s32 $0x2C00;
	[sflag:s28] =	ssyncadd.s32 $0xFFFFF800  }
0x57: {  	[tilespmem:s7], [sflag:$0x1] =	stream.indirect.gather [hbm4b:s1+s16], $0x10, s17, s16, $0xb8;
	[tilespmem:$0xF000] =	vst v63  }
0x58: {  	_ =	swait.ge [sflag:s12], $0x800  }
0x59: {  	[sflag:s12] =	ssyncset.done $0x0  }
0x5a: {  	s19 =	simm.s32 $0x2C80;
	[sflag:s12] =	ssyncadd.s32 $0xFFFFF800  }
0x5b: {  	[tilespmem:s8], [sflag:$0x2] =	stream.indirect.gather [hbm4b:s1+s16], $0x10, s19, s16, $0xb8;
	[tilespmem:$0xF000] =	vst v63  }
0x5c: {  	_ =	swait.ge [sflag:s18], $0x800  }
0x5d: {  	[sflag:s18] =	ssyncset.done $0x0  }
0x5e: {  	s22 =	simm.s32 $0x2D00;
	[sflag:s18] =	ssyncadd.s32 $0xFFFFF800  }
0x5f: {  	[tilespmem:s9], [sflag:$0x3] =	stream.indirect.gather [hbm4b:s1+s16], $0x10, s22, s16, $0xb8;
	[tilespmem:$0xF000] =	vst v63  }
0x60: {  	_ =	swait.ge [sflag:s20], $0x800  }
0x61: {  	[sflag:s20] =	ssyncset.done $0x0  }
0x62: {  	s5 =	simm.s32 $0x2D80;
	[sflag:s20] =	ssyncadd.s32 $0xFFFFF800  }
0x63: {  	[tilespmem:s26], [sflag:$0x4] =	stream.indirect.gather [hbm4b:s1+s16], $0x10, s5, s16, $0xb8;
	[tilespmem:$0xF000] =	vst v63  }
0x64: {  	_ =	swait.ge [sflag:s4], $0x800  }
0x65: {  	[sflag:s4] =	ssyncset.done $0x0  }
0x66: {  	s6 =	simm.s32 $0x5400;
	[sflag:s4] =	ssyncadd.s32 $0xFFFFF800  }
0x67: {  	[spmem:s3] =	stream.indirect.scatter.add.f32 [tilespmem:s7], [sflag:$0xB], $0x10, s6, s16, $0xb8;
	[tilespmem:$0xF000] =	vst v63  }
0x68: {  	_ =	swait.ge [sflag:s24], $0x800  }
0x69: {  	[sflag:s24] =	ssyncset.done $0x0  }
0x6a: {  	s10 =	simm.s32 $0x5480;
	[sflag:s24] =	ssyncadd.s32 $0xFFFFF800  }
0x6b: {  	[spmem:s3] =	stream.indirect.scatter.add.f32 [tilespmem:s8], [sflag:$0xC], $0x10, s10, s16, $0xb8;
	[tilespmem:$0xF000] =	vst v63  }
0x6c: {  	_ =	swait.ge [sflag:s25], $0x800  }
0x6d: {  	[sflag:s25] =	ssyncset.done $0x0  }
0x6e: {  	s11 =	simm.s32 $0x5500;
	[sflag:s25] =	ssyncadd.s32 $0xFFFFF800  }
0x6f: {  	[spmem:s3] =	stream.indirect.scatter.add.f32 [tilespmem:s9], [sflag:$0xD], $0x10, s11, s16, $0xb8;
	[tilespmem:$0xF000] =	vst v63  }
0x70: {  	_ =	swait.ge [sflag:s2], $0x800  }
0x71: {  	[sflag:s2] =	ssyncset.done $0x0  }
0x72: {  	s13 =	simm.s32 $0x5580;
	[sflag:s2] =	ssyncadd.s32 $0xFFFFF800  }
0x73: {  	[spmem:s3] =	stream.indirect.scatter.add.f32 [tilespmem:s26], [sflag:$0xE], $0x10, s13, s16, $0xb8;
	[tilespmem:$0xF000] =	vst v63  }
0x74: {  	_ =	swait.ge [sflag:s28], $0x800  }
0x75: {  	[sflag:s28] =	ssyncset.done $0x0  }
0x76: {  	s14 =	simm.s32 $0x2E00;
	[sflag:s28] =	ssyncadd.s32 $0xFFFFF800  }
0x77: {  	[tilespmem:s7], [sflag:$0x1] =	stream.indirect.gather [hbm4b:s1+s16], $0x10, s14, s16, $0xb8;
	[tilespmem:$0xF000] =	vst v63  }
0x78: {  	_ =	swait.ge [sflag:s12], $0x800  }
0x79: {  	[sflag:s12] =	ssyncset.done $0x0  }
0x7a: {  	s15 =	simm.s32 $0x2E80;
	[sflag:s12] =	ssyncadd.s32 $0xFFFFF800  }
0x7b: {  	[tilespmem:s8], [sflag:$0x2] =	stream.indirect.gather [hbm4b:s1+s16], $0x10, s15, s16, $0xb8;
	[tilespmem:$0xF000] =	vst v63  }
0x7c: {  	_ =	swait.ge [sflag:s18], $0x800  }
0x7d: {  	[sflag:s18] =	ssyncset.done $0x0  }
0x7e: {  	s17 =	simm.s32 $0x2F00;
	[sflag:s18] =	ssyncadd.s32 $0xFFFFF800  }
0x7f: {  	[tilespmem:s9], [sflag:$0x3] =	stream.indirect.gather [hbm4b:s1+s16], $0x10, s17, s16, $0xb8;
	[tilespmem:$0xF000] =	vst v63  }
0x80: {  	_ =	swait.ge [sflag:s20], $0x800  }
0x81: {  	[sflag:s20] =	ssyncset.done $0x0  }
0x82: {  	s19 =	simm.s32 $0x2F80;
	[sflag:s20] =	ssyncadd.s32 $0xFFFFF800  }
0x83: {  	[tilespmem:s26], [sflag:$0x4] =	stream.indirect.gather [hbm4b:s1+s16], $0x10, s19, s16, $0xb8;
	[tilespmem:$0xF000] =	vst v63  }
0x84: {  	_ =	swait.ge [sflag:s4], $0x800  }
0x85: {  	[sflag:s4] =	ssyncset.done $0x0  }
0x86: {  	s22 =	simm.s32 $0x5600;
	[sflag:s4] =	ssyncadd.s32 $0xFFFFF800  }
0x87: {  	[spmem:s3] =	stream.indirect.scatter.add.f32 [tilespmem:s7], [sflag:$0xB], $0x10, s22, s16, $0xb8;
	[tilespmem:$0xF000] =	vst v63  }
0x88: {  	_ =	swait.ge [sflag:s24], $0x800  }
0x89: {  	[sflag:s24] =	ssyncset.done $0x0  }
0x8a: {  	s5 =	simm.s32 $0x5680;
	[sflag:s24] =	ssyncadd.s32 $0xFFFFF800  }
0x8b: {  	[spmem:s3] =	stream.indirect.scatter.add.f32 [tilespmem:s8], [sflag:$0xC], $0x10, s5, s16, $0xb8;
	[tilespmem:$0xF000] =	vst v63  }
0x8c: {  	_ =	swait.ge [sflag:s25], $0x800  }
0x8d: {  	[sflag:s25] =	ssyncset.done $0x0  }
0x8e: {  	s6 =	simm.s32 $0x5700;
	[sflag:s25] =	ssyncadd.s32 $0xFFFFF800  }
0x8f: {  	[spmem:s3] =	stream.indirect.scatter.add.f32 [tilespmem:s9], [sflag:$0xD], $0x10, s6, s16, $0xb8;
	[tilespmem:$0xF000] =	vst v63  }
0x90: {  	_ =	swait.ge [sflag:s2], $0x800  }
0x91: {  	[sflag:s2] =	ssyncset.done $0x0  }
0x92: {  	s10 =	simm.s32 $0x5780;
	[sflag:s2] =	ssyncadd.s32 $0xFFFFF800  }
0x93: {  	[spmem:s3] =	stream.indirect.scatter.add.f32 [tilespmem:s26], [sflag:$0xE], $0x10, s10, s16, $0xb8;
	[tilespmem:$0xF000] =	vst v63  }
0x94: {  	_ =	swait.ge [sflag:s28], $0x800  }
0x95: {  	[sflag:s28] =	ssyncset.done $0x0  }
0x96: {  	s11 =	simm.s32 $0x3000;
	[sflag:s28] =	ssyncadd.s32 $0xFFFFF800  }
0x97: {  	[tilespmem:s7], [sflag:$0x1] =	stream.indirect.gather [hbm4b:s1+s16], $0x10, s11, s16, $0xb8;
	[tilespmem:$0xF000] =	vst v63  }
0x98: {  	_ =	swait.ge [sflag:s12], $0x800  }
0x99: {  	[sflag:s12] =	ssyncset.done $0x0  }
0x9a: {  	s13 =	simm.s32 $0x3080;
	[sflag:s12] =	ssyncadd.s32 $0xFFFFF800  }
0x9b: {  	[tilespmem:s8], [sflag:$0x2] =	stream.indirect.gather [hbm4b:s1+s16], $0x10, s13, s16, $0xb8;
	[tilespmem:$0xF000] =	vst v63  }
0x9c: {  	_ =	swait.ge [sflag:s18], $0x800  }
0x9d: {  	[sflag:s18] =	ssyncset.done $0x0  }
0x9e: {  	s14 =	simm.s32 $0x3100;
	[sflag:s18] =	ssyncadd.s32 $0xFFFFF800  }
0x9f: {  	[tilespmem:s9], [sflag:$0x3] =	stream.indirect.gather [hbm4b:s1+s16], $0x10, s14, s16, $0xb8;
	[tilespmem:$0xF000] =	vst v63  }
0xa0: {  	_ =	swait.ge [sflag:s20], $0x800  }
0xa1: {  	[sflag:s20] =	ssyncset.done $0x0  }
0xa2: {  	s15 =	simm.s32 $0x3180;
	[sflag:s20] =	ssyncadd.s32 $0xFFFFF800  }
0xa3: {  	[tilespmem:s26], [sflag:$0x4] =	stream.indirect.gather [hbm4b:s1+s16], $0x10, s15, s16, $0xb8;
	[tilespmem:$0xF000] =	vst v63  }
0xa4: {  	_ =	swait.ge [sflag:s4], $0x800  }
0xa5: {  	[sflag:s4] =	ssyncset.done $0x0  }
0xa6: {  	s17 =	simm.s32 $0x5800;
	[sflag:s4] =	ssyncadd.s32 $0xFFFFF800  }
0xa7: {  	[spmem:s3] =	stream.indirect.scatter.add.f32 [tilespmem:s7], [sflag:$0x15], $0x10, s17, s16, $0xb8;
	[tilespmem:$0xF000] =	vst v63  }
0xa8: {  	_ =	swait.ge [sflag:s23], $0x800  }
0xa9: {  	[sflag:s23] =	ssyncset.done $0x0  }
0xaa: {  	[sflag:s23] =	ssyncadd.s32 $0xFFFFF800  }
0xab: {  	_ =	swait.ge [sflag:s24], $0x800  }
0xac: {  	[sflag:s24] =	ssyncset.done $0x0  }
0xad: {  	s19 =	simm.s32 $0x5880;
	[sflag:s24] =	ssyncadd.s32 $0xFFFFF800  }
0xae: {  	[spmem:s3] =	stream.indirect.scatter.add.f32 [tilespmem:s8], [sflag:$0x15], $0x10, s19, s16, $0xb8;
	[tilespmem:$0xF000] =	vst v63  }
0xaf: {  	_ =	swait.ge [sflag:s23], $0x800  }
0xb0: {  	[sflag:s23] =	ssyncset.done $0x0  }
0xb1: {  	[sflag:s23] =	ssyncadd.s32 $0xFFFFF800  }
0xb2: {  	_ =	swait.ge [sflag:s25], $0x800  }
0xb3: {  	[sflag:s25] =	ssyncset.done $0x0  }
0xb4: {  	s21 =	simm.s32 $0x5900;
	[sflag:s25] =	ssyncadd.s32 $0xFFFFF800  }
0xb5: {  	[spmem:s3] =	stream.indirect.scatter.add.f32 [tilespmem:s9], [sflag:$0x15], $0x10, s21, s16, $0xb8;
	[tilespmem:$0xF000] =	vst v63  }
0xb6: {  	_ =	swait.ge [sflag:s23], $0x800  }
0xb7: {  	[sflag:s23] =	ssyncset.done $0x0  }
0xb8: {  	[sflag:s23] =	ssyncadd.s32 $0xFFFFF800  }
0xb9: {  	_ =	swait.ge [sflag:s2], $0x800  }
0xba: {  	[sflag:s2] =	ssyncset.done $0x0  }
0xbb: {  	s22 =	simm.s32 $0x5980;
	[sflag:s2] =	ssyncadd.s32 $0xFFFFF800  }
0xbc: {  	[spmem:s3] =	stream.indirect.scatter.add.f32 [tilespmem:s26], [sflag:$0x15], $0x10, s22, s16, $0xb8;
	[tilespmem:$0xF000] =	vst v63  }
.LBB2_8:
0xbd: {  	_ =	swait.ge [sflag:s23], $0x800  }
0xbe: {  	[sflag:s23] =	ssyncset.done $0x0  }
0xbf: {  	[sflag:s23] =	ssyncadd.s32 $0xFFFFF800  }
0xc0: {  	s7 =	stileid.u32;
	[bflag:$0x0] =	sbarrier.arrive $0xFFFF  }
0xc1: {  	s22 =	simm.s32 $0x15;
	s7 =	sshll.u32 s7, $0x6;
	s21 =	rddreg [dreg:$0x4]  }
0xc2: {  	s7 =	sor.u32 $0x1C15, s7;
	s19 =	rddreg [dreg:$0x9];
	s21 =	sshrl.u32 s21, $0x3  }
0xc3: {  	[hbm:s19], [sflag:s7] =	dma.local [spmem:s21], $0x500  }
0xc4: {  	_ =	swait.ge [sflag:s22], $0x500  }
0xc5: {  	s0 =	sadd.s32 $0x1, s0;
	s23 =	rddreg [dreg:$0xa]  }
0xc6: {  	p1 =	sne.s32 s0, s23  }
.Ltmp1:
0xc7: {  	_ = 	snop;
	(pc) =	sbr.rel @!p1 .LBB2_9-.Ltmp1, $3  }
0xc8: {  	_ =	sdelay $0x1  }
0xc9: {  	[sflag:s22] =	ssyncset.done $0x0  }
0xca: {  	[sflag:s22] =	ssyncadd.s32 $0xFFFFFB00  }
.LBB2_1:
0xcb: {  	s21 =	simm.s32 $0xC840  }
0xcc: {  	[tilespmem:s21+$0xFFFFFFC0] =	vst v0  }
0xcd: {  	[tilespmem:s21+$0x30] =	vst v0  }
0xce: {  	[tilespmem:s21+$0x20] =	vst v0  }
0xcf: {  	[tilespmem:s21+$0x10] =	vst v0  }
0xd0: {  	[tilespmem:s21+$0x0] =	vst v0  }
0xd1: {  	[tilespmem:s21+$0xFFFFFFF0] =	vst v0  }
0xd2: {  	s23 =	simm.s32 $0x0;
	[tilespmem:s21+$0xFFFFFFE0] =	vst v0  }
.LBB2_2:
0xd3: {  	s23 =	sadd.s32 $0x8, s23;
	[tilespmem:s21+$0xFFFFFFD0] =	vst v0;
	s21 =	sadd.s32 $0x80, s21  }
0xd4: {  	[tilespmem:s21+$0xFFFFFFC0] =	vst v0;
	p1 =	slt.u32 s23, $0x278  }
0xd5: {  	[tilespmem:s21+$0x30] =	vst v0  }
.Ltmp2:
0xd6: {  	[tilespmem:s21+$0x20] =	vst v0;
	(pc) =	sbr.rel @p1 .LBB2_2-.Ltmp2, $4  }
0xd7: {  	[tilespmem:s21+$0x10] =	vst v0  }
0xd8: {  	[tilespmem:s21+$0x0] =	vst v0  }
0xd9: {  	[tilespmem:s21+$0xFFFFFFF0] =	vst v0  }
0xda: {  	[tilespmem:s21+$0xFFFFFFE0] =	vst v0  }
0xdb: {  	[tilespmem:s21+$0xFFFFFFD0] =	vst v0;
	s7 =	rddreg [dreg:$0x4];
	s23 =	simm.s32 $0xC800  }
0xdc: {  	[spmem:s7] =	stream.linear.scatter [tilespmem:s23], [sflag:$0x15], $0x2800, $0x38;
	[tilespmem:$0xF000] =	vst v63  }
.Ltmp3:
0xdd: {  	_ = 	snop;
	(pc) =	sbr.rel @!p0 .LBB2_4-.Ltmp3, $4  }
0xde: {  	s23 =	simm.s32 $0x15  }
0xdf: {  	_ =	swait.ge [sflag:s23], $0x2800  }
0xe0: {  	[sflag:s23] =	ssyncset.done $0x0  }
0xe1: {  	[sflag:s23] =	ssyncadd.s32 $0xFFFFD800  }
0xe2: {  	[dreg:$0xb] =	wrdreg s0  }
0xe3: {  	s2 =	simm.s32 $0x0;
	s7 =	rddreg [dreg:$0x5];
	s22 =	simm.s32 $0x2800  }
0xe4: {  	[tilespmem:s22], [sflag:$0x15] =	stream.linear.gather [hbm4b:s7+s2], $0x2800, $0x38;
	[tilespmem:$0xF000] =	vst v63  }
0xe5: {  	_ =	swait.ge [sflag:s23], $0x2800  }
0xe6: {  	[sflag:s23] =	ssyncset.done $0x0  }
0xe7: {  	s21 =	simm.s32 $0x5000;
	s24 =	rddreg [dreg:$0x6];
	[sflag:s23] =	ssyncadd.s32 $0xFFFFD800  }
0xe8: {  	[tilespmem:s21], [sflag:$0x15] =	stream.linear.gather [hbm4b:s24+s2], $0x2800, $0x38;
	[tilespmem:$0xF000] =	vst v63  }
0xe9: {  	_ =	swait.ge [sflag:s23], $0x2800  }
0xea: {  	[sflag:s23] =	ssyncset.done $0x0  }
0xeb: {  	[sflag:s23] =	ssyncadd.s32 $0xFFFFD800  }
0xec: {  	s15 =	simm.s32 $0x7800;
	[bflag:$0x0] =	sbarrier.arrive $0xFFFF  }
0xed: {  	[tilespmem:s15], [sflag:$0x1] =	stream.indirect.gather [hbm4b:s1+s16], $0x10, s22, s16, $0xb8;
	[tilespmem:$0xF000] =	vst v63  }
0xee: {  	s25 =	simm.s32 $0x2880;
	s11 =	simm.s32 $0x8000  }
0xef: {  	[tilespmem:s11], [sflag:$0x2] =	stream.indirect.gather [hbm4b:s1+s16], $0x10, s25, s16, $0xb8;
	[tilespmem:$0xF000] =	vst v63  }
0xf0: {  	s26 =	simm.s32 $0x2900;
	s10 =	simm.s32 $0x8800  }
0xf1: {  	[tilespmem:s10], [sflag:$0x3] =	stream.indirect.gather [hbm4b:s1+s16], $0x10, s26, s16, $0xb8;
	[tilespmem:$0xF000] =	vst v63  }
0xf2: {  	s5 =	simm.s32 $0x9000;
	s21 =	simm.s32 $0x2980  }
0xf3: {  	[tilespmem:s5], [sflag:$0x4] =	stream.indirect.gather [hbm4b:s1+s16], $0x10, s21, s16, $0xb8;
	[tilespmem:$0xF000] =	vst v63  }
0xf4: {  	s8 =	simm.s32 $0x9800;
	s25 =	simm.s32 $0x2A00  }
0xf5: {  	[tilespmem:s8], [sflag:$0x5] =	stream.indirect.gather [hbm4b:s1+s16], $0x10, s25, s16, $0xb8;
	[tilespmem:$0xF000] =	vst v63  }
0xf6: {  	s6 =	simm.s32 $0xA000;
	s26 =	simm.s32 $0x2A80  }
0xf7: {  	[tilespmem:s6], [sflag:$0x6] =	stream.indirect.gather [hbm4b:s1+s16], $0x10, s26, s16, $0xb8;
	[tilespmem:$0xF000] =	vst v63  }
0xf8: {  	s22 =	simm.s32 $0xA800;
	s21 =	simm.s32 $0x2B00  }
0xf9: {  	[tilespmem:s22], [sflag:$0x7] =	stream.indirect.gather [hbm4b:s1+s16], $0x10, s21, s16, $0xb8;
	[tilespmem:$0xF000] =	vst v63  }
0xfa: {  	s4 =	simm.s32 $0xB000;
	s25 =	simm.s32 $0x2B80  }
0xfb: {  	[tilespmem:s4], [sflag:$0x8] =	stream.indirect.gather [hbm4b:s1+s16], $0x10, s25, s16, $0xb8;
	[tilespmem:$0xF000] =	vst v63  }
0xfc: {  	s23 =	simm.s32 $0xB800;
	s26 =	simm.s32 $0x2C00  }
0xfd: {  	[tilespmem:s23], [sflag:$0x9] =	stream.indirect.gather [hbm4b:s1+s16], $0x10, s26, s16, $0xb8;
	[tilespmem:$0xF000] =	vst v63  }
0xfe: {  	s0 =	simm.s32 $0xC000;
	s7 =	simm.s32 $0x1;
	s21 =	simm.s32 $0x2C80  }
0xff: {  	[tilespmem:s0], [sflag:$0xA] =	stream.indirect.gather [hbm4b:s1+s16], $0x10, s21, s16, $0xb8;
	[tilespmem:$0xF000] =	vst v63  }
0x100: {  	_ =	swait.ge [sflag:s7], $0x800  }
0x101: {  	[sflag:s7] =	ssyncset.done $0x0  }
0x102: {  	s28 =	simm.s32 $0x2;
	s25 =	simm.s32 $0x5000;
	[sflag:s7] =	ssyncadd.s32 $0xFFFFF800  }
0x103: {  	[spmem:s3] =	stream.indirect.scatter.add.f32 [tilespmem:s15], [sflag:$0xB], $0x10, s25, s16, $0xb8;
	[tilespmem:$0xF000] =	vst v63  }
0x104: {  	_ =	swait.ge [sflag:s28], $0x800  }
0x105: {  	[sflag:s28] =	ssyncset.done $0x0  }
0x106: {  	s26 =	simm.s32 $0x5080;
	[sflag:s28] =	ssyncadd.s32 $0xFFFFF800  }
0x107: {  	[spmem:s3] =	stream.indirect.scatter.add.f32 [tilespmem:s11], [sflag:$0xC], $0x10, s26, s16, $0xb8;
	[tilespmem:$0xF000] =	vst v63  }
0x108: {  	_ =	swait.ge [sflag:s30], $0x800  }
0x109: {  	[sflag:s30] =	ssyncset.done $0x0  }
0x10a: {  	s2 =	simm.s32 $0x4;
	s25 =	simm.s32 $0x5100;
	[sflag:s30] =	ssyncadd.s32 $0xFFFFF800  }
0x10b: {  	[spmem:s3] =	stream.indirect.scatter.add.f32 [tilespmem:s10], [sflag:$0xD], $0x10, s25, s16, $0xb8;
	[tilespmem:$0xF000] =	vst v63  }
0x10c: {  	_ =	swait.ge [sflag:s2], $0x800  }
0x10d: {  	[sflag:s2] =	ssyncset.done $0x0  }
0x10e: {  	s24 =	simm.s32 $0x5;
	s26 =	simm.s32 $0x5180;
	[sflag:s2] =	ssyncadd.s32 $0xFFFFF800  }
0x10f: {  	[spmem:s3] =	stream.indirect.scatter.add.f32 [tilespmem:s5], [sflag:$0xE], $0x10, s26, s16, $0xb8;
	[tilespmem:$0xF000] =	vst v63  }
0x110: {  	_ =	swait.ge [sflag:s24], $0x800  }
0x111: {  	[sflag:s24] =	ssyncset.done $0x0  }
0x112: {  	s19 =	simm.s32 $0x6;
	s25 =	simm.s32 $0x5200;
	[sflag:s24] =	ssyncadd.s32 $0xFFFFF800  }
0x113: {  	[spmem:s3] =	stream.indirect.scatter.add.f32 [tilespmem:s8], [sflag:$0xF], $0x10, s25, s16, $0xb8;
	[tilespmem:$0xF000] =	vst v63  }
0x114: {  	_ =	swait.ge [sflag:s19], $0x800  }
0x115: {  	[sflag:s19] =	ssyncset.done $0x0  }
0x116: {  	s14 =	simm.s32 $0x7;
	s26 =	simm.s32 $0x5280;
	[sflag:s19] =	ssyncadd.s32 $0xFFFFF800  }
0x117: {  	[spmem:s3] =	stream.indirect.scatter.add.f32 [tilespmem:s6], [sflag:$0x10], $0x10, s26, s16, $0xb8;
	[tilespmem:$0xF000] =	vst v63  }
0x118: {  	_ =	swait.ge [sflag:s14], $0x800  }
0x119: {  	[sflag:s14] =	ssyncset.done $0x0  }
0x11a: {  	s17 =	simm.s32 $0x8;
	s19 =	simm.s32 $0x5300;
	[sflag:s14] =	ssyncadd.s32 $0xFFFFF800  }
0x11b: {  	[spmem:s3] =	stream.indirect.scatter.add.f32 [tilespmem:s22], [sflag:$0x11], $0x10, s19, s16, $0xb8;
	[tilespmem:$0xF000] =	vst v63  }
0x11c: {  	_ =	swait.ge [sflag:s17], $0x800  }
0x11d: {  	[sflag:s17] =	ssyncset.done $0x0  }
0x11e: {  	s13 =	simm.s32 $0x9;
	s24 =	simm.s32 $0x5380;
	[sflag:s17] =	ssyncadd.s32 $0xFFFFF800  }
0x11f: {  	[spmem:s3] =	stream.indirect.scatter.add.f32 [tilespmem:s4], [sflag:$0x12], $0x10, s24, s16, $0xb8;
	[tilespmem:$0xF000] =	vst v63  }
0x120: {  	_ =	swait.ge [sflag:s13], $0x800  }
0x121: {  	[sflag:s13] =	ssyncset.done $0x0  }
0x122: {  	s9 =	simm.s32 $0xA;
	s25 =	simm.s32 $0x5400;
	[sflag:s13] =	ssyncadd.s32 $0xFFFFF800  }
0x123: {  	[spmem:s3] =	stream.indirect.scatter.add.f32 [tilespmem:s23], [sflag:$0x13], $0x10, s25, s16, $0xb8;
	[tilespmem:$0xF000] =	vst v63  }
0x124: {  	_ =	swait.ge [sflag:s9], $0x800  }
0x125: {  	[sflag:s9] =	ssyncset.done $0x0  }
0x126: {  	s26 =	simm.s32 $0x5480;
	[sflag:s9] =	ssyncadd.s32 $0xFFFFF800  }
0x127: {  	[spmem:s3] =	stream.indirect.scatter.add.f32 [tilespmem:s0], [sflag:$0x14], $0x10, s26, s16, $0xb8;
	[tilespmem:$0xF000] =	vst v63  }
0x128: {  	_ =	swait.ge [sflag:s29], $0x800  }
0x129: {  	[sflag:s29] =	ssyncset.done $0x0  }
0x12a: {  	s12 =	simm.s32 $0xC;
	s0 =	simm.s32 $0x2D00;
	[sflag:s29] =	ssyncadd.s32 $0xFFFFF800  }
0x12b: {  	[tilespmem:s15], [sflag:$0x1] =	stream.indirect.gather [hbm4b:s1+s16], $0x10, s0, s16, $0xb8;
	[tilespmem:$0xF000] =	vst v63  }
0x12c: {  	_ =	swait.ge [sflag:s12], $0x800  }
0x12d: {  	[sflag:s12] =	ssyncset.done $0x0  }
0x12e: {  	s18 =	simm.s32 $0xD;
	s9 =	simm.s32 $0x2D80;
	[sflag:s12] =	ssyncadd.s32 $0xFFFFF800  }
0x12f: {  	[tilespmem:s11], [sflag:$0x2] =	stream.indirect.gather [hbm4b:s1+s16], $0x10, s9, s16, $0xb8;
	[tilespmem:$0xF000] =	vst v63  }
0x130: {  	_ =	swait.ge [sflag:s18], $0x800  }
0x131: {  	[sflag:s18] =	ssyncset.done $0x0  }
0x132: {  	s20 =	simm.s32 $0xE;
	s11 =	simm.s32 $0x2E00;
	[sflag:s18] =	ssyncadd.s32 $0xFFFFF800  }
0x133: {  	[tilespmem:s10], [sflag:$0x3] =	stream.indirect.gather [hbm4b:s1+s16], $0x10, s11, s16, $0xb8;
	[tilespmem:$0xF000] =	vst v63  }
0x134: {  	_ =	swait.ge [sflag:s20], $0x800  }
0x135: {  	[sflag:s20] =	ssyncset.done $0x0  }
0x136: {  	s17 =	simm.s32 $0xF;
	s13 =	simm.s32 $0x2E80;
	[sflag:s20] =	ssyncadd.s32 $0xFFFFF800  }
0x137: {  	[tilespmem:s5], [sflag:$0x4] =	stream.indirect.gather [hbm4b:s1+s16], $0x10, s13, s16, $0xb8;
	[tilespmem:$0xF000] =	vst v63  }
0x138: {  	_ =	swait.ge [sflag:s17], $0x800  }
0x139: {  	[sflag:s17] =	ssyncset.done $0x0  }
0x13a: {  	s14 =	simm.s32 $0x2F00;
	s19 =	simm.s32 $0x10;
	[sflag:s17] =	ssyncadd.s32 $0xFFFFF800  }
0x13b: {  	[tilespmem:s8], [sflag:$0x5] =	stream.indirect.gather [hbm4b:s1+s16], $0x10, s14, s16, $0xb8;
	[tilespmem:$0xF000] =	vst v63  }
0x13c: {  	_ =	swait.ge [sflag:s19], $0x800  }
0x13d: {  	[sflag:s19] =	ssyncset.done $0x0  }
0x13e: {  	s15 =	simm.s32 $0x2F80;
	[sflag:s19] =	ssyncadd.s32 $0xFFFFF800  }
0x13f: {  	[tilespmem:s6], [sflag:$0x6] =	stream.indirect.gather [hbm4b:s1+s16], $0x10, s15, s16, $0xb8;
	[tilespmem:$0xF000] =	vst v63  }
0x140: {  	s6 =	simm.s32 $0x11  }
0x141: {  	_ =	swait.ge [sflag:s6], $0x800  }
0x142: {  	[sflag:s6] =	ssyncset.done $0x0  }
0x143: {  	s24 =	simm.s32 $0x3000;
	[sflag:s6] =	ssyncadd.s32 $0xFFFFF800  }
0x144: {  	[tilespmem:s22], [sflag:$0x7] =	stream.indirect.gather [hbm4b:s1+s16], $0x10, s24, s16, $0xb8;
	[tilespmem:$0xF000] =	vst v63  }
0x145: {  	s22 =	simm.s32 $0x12  }
0x146: {  	_ =	swait.ge [sflag:s22], $0x800  }
0x147: {  	[sflag:s22] =	ssyncset.done $0x0  }
0x148: {  	s25 =	simm.s32 $0x3080;
	s0 =	simm.s32 $0x13;
	[sflag:s22] =	ssyncadd.s32 $0xFFFFF800  }
0x149: {  	[tilespmem:s4], [sflag:$0x8] =	stream.indirect.gather [hbm4b:s1+s16], $0x10, s25, s16, $0xb8;
	[tilespmem:$0xF000] =	vst v63  }
0x14a: {  	_ =	swait.ge [sflag:s0], $0x800  }
0x14b: {  	[sflag:s0] =	ssyncset.done $0x0  }
0x14c: {  	s26 =	simm.s32 $0x3100;
	s25 =	simm.s32 $0x14;
	[sflag:s0] =	ssyncadd.s32 $0xFFFFF800  }
0x14d: {  	[tilespmem:s23], [sflag:$0x9] =	stream.indirect.gather [hbm4b:s1+s16], $0x10, s26, s16, $0xb8;
	[tilespmem:$0xF000] =	vst v63  }
0x14e: {  	_ =	swait.ge [sflag:s25], $0x800  }
0x14f: {  	[sflag:s25] =	ssyncset.done $0x0  }
0x150: {  	s21 =	simm.s32 $0x1400;
	s23 =	simm.s32 $0x3180;
	[sflag:s25] =	ssyncadd.s32 $0xFFFFF800  }
.LBB2_6:
0x151: {  	s24 =	simm.s32 $0xC000  }
0x152: {  	[tilespmem:s24], [sflag:$0xA] =	stream.indirect.gather [hbm4b:s1+s16], $0x10, s23, s16, $0xb8;
	[tilespmem:$0xF000] =	vst v63  }
0x153: {  	s23 =	smov.u32 s21  }
0x154: {  	p1 =	sne.s32 s21, $0x7800;
	s21 =	sadd.s32 $0x1400, s21;
	_ =	swait.ge [sflag:s7], $0x800  }
0x155: {  	s23 =	sshra.s32 s23, $0x2;
	[sflag:s7] =	ssyncset.done $0x0  }
0x156: {  	s11 =	simm.s32 $0x7800;
	[sflag:s7] =	ssyncadd.s32 $0xFFFFF800;
	s7 =	sadd.s32 $0x5000, s23  }
0x157: {  	[spmem:s3] =	stream.indirect.scatter.add.f32 [tilespmem:s11], [sflag:$0xB], $0x10, s7, s16, $0xb8;
	[tilespmem:$0xF000] =	vst v63  }
0x158: {  	_ =	swait.ge [sflag:s28], $0x800  }
0x159: {  	[sflag:s28] =	ssyncset.done $0x0  }
0x15a: {  	s5 =	simm.s32 $0x8000;
	s7 =	sadd.s32 $0x5080, s23;
	[sflag:s28] =	ssyncadd.s32 $0xFFFFF800  }
0x15b: {  	[spmem:s3] =	stream.indirect.scatter.add.f32 [tilespmem:s5], [sflag:$0xC], $0x10, s7, s16, $0xb8;
	[tilespmem:$0xF000] =	vst v63  }
0x15c: {  	_ =	swait.ge [sflag:s30], $0x800  }
0x15d: {  	[sflag:s30] =	ssyncset.done $0x0  }
0x15e: {  	s10 =	simm.s32 $0x8800;
	s7 =	sadd.s32 $0x5100, s23;
	[sflag:s30] =	ssyncadd.s32 $0xFFFFF800  }
0x15f: {  	[spmem:s3] =	stream.indirect.scatter.add.f32 [tilespmem:s10], [sflag:$0xD], $0x10, s7, s16, $0xb8;
	[tilespmem:$0xF000] =	vst v63  }
0x160: {  	_ =	swait.ge [sflag:s2], $0x800  }
0x161: {  	s13 =	simm.s32 $0x9000;
	[sflag:s2] =	ssyncset.done $0x0  }
0x162: {  	s4 =	simm.s32 $0x5;
	s7 =	sadd.s32 $0x5180, s23;
	[sflag:s2] =	ssyncadd.s32 $0xFFFFF800  }
0x163: {  	[spmem:s3] =	stream.indirect.scatter.add.f32 [tilespmem:s13], [sflag:$0xE], $0x10, s7, s16, $0xb8;
	[tilespmem:$0xF000] =	vst v63  }
0x164: {  	_ =	swait.ge [sflag:s4], $0x800  }
0x165: {  	s8 =	simm.s32 $0x9800;
	[sflag:s4] =	ssyncset.done $0x0  }
0x166: {  	s7 =	sadd.s32 $0x5200, s23;
	[sflag:s4] =	ssyncadd.s32 $0xFFFFF800;
	s4 =	simm.s32 $0x6  }
0x167: {  	[spmem:s3] =	stream.indirect.scatter.add.f32 [tilespmem:s8], [sflag:$0xF], $0x10, s7, s16, $0xb8;
	[tilespmem:$0xF000] =	vst v63  }
0x168: {  	_ =	swait.ge [sflag:s4], $0x800  }
0x169: {  	s9 =	simm.s32 $0xA000;
	[sflag:s4] =	ssyncset.done $0x0  }
0x16a: {  	s7 =	sadd.s32 $0x5280, s23;
	[sflag:s4] =	ssyncadd.s32 $0xFFFFF800;
	s4 =	simm.s32 $0x7  }
0x16b: {  	[spmem:s3] =	stream.indirect.scatter.add.f32 [tilespmem:s9], [sflag:$0x10], $0x10, s7, s16, $0xb8;
	[tilespmem:$0xF000] =	vst v63  }
0x16c: {  	_ =	swait.ge [sflag:s4], $0x800  }
0x16d: {  	s26 =	simm.s32 $0xA800;
	[sflag:s4] =	ssyncset.done $0x0  }
0x16e: {  	s7 =	sadd.s32 $0x5300, s23;
	[sflag:s4] =	ssyncadd.s32 $0xFFFFF800;
	s4 =	simm.s32 $0x8  }
0x16f: {  	[spmem:s3] =	stream.indirect.scatter.add.f32 [tilespmem:s26], [sflag:$0x11], $0x10, s7, s16, $0xb8;
	[tilespmem:$0xF000] =	vst v63  }
0x170: {  	_ =	swait.ge [sflag:s4], $0x800  }
0x171: {  	[sflag:s4] =	ssyncset.done $0x0  }
0x172: {  	s7 =	sadd.s32 $0x5380, s23;
	[sflag:s4] =	ssyncadd.s32 $0xFFFFF800;
	s4 =	simm.s32 $0x9  }
0x173: {  	[spmem:s3] =	stream.indirect.scatter.add.f32 [tilespmem:s31], [sflag:$0x12], $0x10, s7, s16, $0xb8;
	[tilespmem:$0xF000] =	vst v63  }
0x174: {  	_ =	swait.ge [sflag:s4], $0x800  }
0x175: {  	[sflag:s4] =	ssyncset.done $0x0  }
0x176: {  	s7 =	sadd.s32 $0x5400, s23;
	[sflag:s4] =	ssyncadd.s32 $0xFFFFF800;
	s4 =	simm.s32 $0xB800  }
0x177: {  	[spmem:s3] =	stream.indirect.scatter.add.f32 [tilespmem:s4], [sflag:$0x13], $0x10, s7, s16, $0xb8;
	[tilespmem:$0xF000] =	vst v63  }
0x178: {  	s7 =	simm.s32 $0xA  }
0x179: {  	_ =	swait.ge [sflag:s7], $0x800  }
0x17a: {  	[sflag:s7] =	ssyncset.done $0x0  }
0x17b: {  	[sflag:s7] =	ssyncadd.s32 $0xFFFFF800;
	s7 =	sadd.s32 $0x5480, s23  }
0x17c: {  	[spmem:s3] =	stream.indirect.scatter.add.f32 [tilespmem:s24], [sflag:$0x14], $0x10, s7, s16, $0xb8;
	[tilespmem:$0xF000] =	vst v63  }
0x17d: {  	_ =	swait.ge [sflag:s29], $0x800  }
0x17e: {  	[sflag:s29] =	ssyncset.done $0x0  }
0x17f: {  	s15 =	simm.s32 $0x7800;
	s7 =	sadd.s32 $0x2D00, s23;
	[sflag:s29] =	ssyncadd.s32 $0xFFFFF800  }
0x180: {  	[tilespmem:s11], [sflag:$0x1] =	stream.indirect.gather [hbm4b:s1+s16], $0x10, s7, s16, $0xb8;
	[tilespmem:$0xF000] =	vst v63  }
0x181: {  	_ =	swait.ge [sflag:s12], $0x800  }
0x182: {  	[sflag:s12] =	ssyncset.done $0x0  }
0x183: {  	s7 =	sadd.s32 $0x2D80, s23;
	s11 =	simm.s32 $0x8000;
	[sflag:s12] =	ssyncadd.s32 $0xFFFFF800  }
0x184: {  	[tilespmem:s5], [sflag:$0x2] =	stream.indirect.gather [hbm4b:s1+s16], $0x10, s7, s16, $0xb8;
	[tilespmem:$0xF000] =	vst v63  }
0x185: {  	_ =	swait.ge [sflag:s18], $0x800  }
0x186: {  	[sflag:s18] =	ssyncset.done $0x0  }
0x187: {  	s14 =	simm.s32 $0x8800;
	s7 =	sadd.s32 $0x2E00, s23;
	[sflag:s18] =	ssyncadd.s32 $0xFFFFF800  }
0x188: {  	[tilespmem:s10], [sflag:$0x3] =	stream.indirect.gather [hbm4b:s1+s16], $0x10, s7, s16, $0xb8;
	[tilespmem:$0xF000] =	vst v63  }
0x189: {  	_ =	swait.ge [sflag:s20], $0x800  }
0x18a: {  	[sflag:s20] =	ssyncset.done $0x0  }
0x18b: {  	s5 =	simm.s32 $0x9000;
	s7 =	sadd.s32 $0x2E80, s23;
	[sflag:s20] =	ssyncadd.s32 $0xFFFFF800  }
0x18c: {  	[tilespmem:s13], [sflag:$0x4] =	stream.indirect.gather [hbm4b:s1+s16], $0x10, s7, s16, $0xb8;
	[tilespmem:$0xF000] =	vst v63  }
0x18d: {  	_ =	swait.ge [sflag:s17], $0x800  }
0x18e: {  	[sflag:s17] =	ssyncset.done $0x0  }
0x18f: {  	s7 =	sadd.s32 $0x2F00, s23;
	s13 =	simm.s32 $0x9800;
	[sflag:s17] =	ssyncadd.s32 $0xFFFFF800  }
0x190: {  	[tilespmem:s8], [sflag:$0x5] =	stream.indirect.gather [hbm4b:s1+s16], $0x10, s7, s16, $0xb8;
	[tilespmem:$0xF000] =	vst v63  }
0x191: {  	_ =	swait.ge [sflag:s19], $0x800  }
0x192: {  	[sflag:s19] =	ssyncset.done $0x0  }
0x193: {  	s7 =	sadd.s32 $0x2F80, s23;
	s8 =	simm.s32 $0xA000;
	[sflag:s19] =	ssyncadd.s32 $0xFFFFF800  }
0x194: {  	[tilespmem:s9], [sflag:$0x6] =	stream.indirect.gather [hbm4b:s1+s16], $0x10, s7, s16, $0xb8;
	[tilespmem:$0xF000] =	vst v63  }
0x195: {  	_ =	swait.ge [sflag:s6], $0x800  }
0x196: {  	[sflag:s6] =	ssyncset.done $0x0  }
0x197: {  	s7 =	sadd.s32 $0x3000, s23;
	s9 =	simm.s32 $0xA800;
	[sflag:s6] =	ssyncadd.s32 $0xFFFFF800  }
0x198: {  	[tilespmem:s26], [sflag:$0x7] =	stream.indirect.gather [hbm4b:s1+s16], $0x10, s7, s16, $0xb8;
	[tilespmem:$0xF000] =	vst v63  }
0x199: {  	_ =	swait.ge [sflag:s22], $0x800  }
0x19a: {  	[sflag:s22] =	ssyncset.done $0x0  }
0x19b: {  	s7 =	sadd.s32 $0x3080, s23;
	s26 =	simm.s32 $0xB000;
	[sflag:s22] =	ssyncadd.s32 $0xFFFFF800  }
0x19c: {  	[tilespmem:s31], [sflag:$0x8] =	stream.indirect.gather [hbm4b:s1+s16], $0x10, s7, s16, $0xb8;
	[tilespmem:$0xF000] =	vst v63  }
0x19d: {  	_ =	swait.ge [sflag:s0], $0x800  }
0x19e: {  	[sflag:s0] =	ssyncset.done $0x0  }
0x19f: {  	s7 =	sadd.s32 $0x3100, s23;
	[sflag:s0] =	ssyncadd.s32 $0xFFFFF800  }
0x1a0: {  	[tilespmem:s4], [sflag:$0x9] =	stream.indirect.gather [hbm4b:s1+s16], $0x10, s7, s16, $0xb8;
	[tilespmem:$0xF000] =	vst v63  }
.Ltmp4:
0x1a1: {  	_ = 	snop;
	(pc) =	sbr.rel @p1 .LBB2_6-.Ltmp4, $4  }
0x1a2: {  	s24 =	simm.s32 $0xB800;
	s7 =	simm.s32 $0x1  }
0x1a3: {  	_ =	swait.ge [sflag:s25], $0x800  }
0x1a4: {  	[sflag:s25] =	ssyncset.done $0x0  }
0x1a5: {  	s23 =	sadd.s32 $0x3180, s23;
	[sflag:s25] =	ssyncadd.s32 $0xFFFFF800  }
0x1a6: {  	s6 =	simm.s32 $0xC000  }
0x1a7: {  	[tilespmem:s6], [sflag:$0xA] =	stream.indirect.gather [hbm4b:s1+s16], $0x10, s23, s16, $0xb8;
	[tilespmem:$0xF000] =	vst v63  }
0x1a8: {  	_ =	swait.ge [sflag:s7], $0x800  }
0x1a9: {  	[sflag:s7] =	ssyncset.done $0x0  }
0x1aa: {  	s0 =	simm.s32 $0x7300;
	s23 =	simm.s32 $0x15;
	[sflag:s7] =	ssyncadd.s32 $0xFFFFF800  }
0x1ab: {  	[spmem:s3] =	stream.indirect.scatter.add.f32 [tilespmem:s15], [sflag:$0x15], $0x10, s0, s16, $0xb8;
	[tilespmem:$0xF000] =	vst v63  }
0x1ac: {  	_ =	swait.ge [sflag:s23], $0x800  }
0x1ad: {  	[sflag:s23] =	ssyncset.done $0x0  }
0x1ae: {  	[sflag:s23] =	ssyncadd.s32 $0xFFFFF800  }
0x1af: {  	_ =	swait.ge [sflag:s28], $0x800  }
0x1b0: {  	[sflag:s28] =	ssyncset.done $0x0  }
0x1b1: {  	s4 =	simm.s32 $0x7380;
	[sflag:s28] =	ssyncadd.s32 $0xFFFFF800  }
0x1b2: {  	[spmem:s3] =	stream.indirect.scatter.add.f32 [tilespmem:s11], [sflag:$0x15], $0x10, s4, s16, $0xb8;
	[tilespmem:$0xF000] =	vst v63  }
0x1b3: {  	_ =	swait.ge [sflag:s23], $0x800  }
0x1b4: {  	[sflag:s23] =	ssyncset.done $0x0  }
0x1b5: {  	[sflag:s23] =	ssyncadd.s32 $0xFFFFF800  }
0x1b6: {  	_ =	swait.ge [sflag:s30], $0x800  }
0x1b7: {  	[sflag:s30] =	ssyncset.done $0x0  }
0x1b8: {  	s7 =	simm.s32 $0x7400;
	[sflag:s30] =	ssyncadd.s32 $0xFFFFF800  }
0x1b9: {  	[spmem:s3] =	stream.indirect.scatter.add.f32 [tilespmem:s14], [sflag:$0x15], $0x10, s7, s16, $0xb8;
	[tilespmem:$0xF000] =	vst v63  }
0x1ba: {  	_ =	swait.ge [sflag:s23], $0x800  }
0x1bb: {  	[sflag:s23] =	ssyncset.done $0x0  }
0x1bc: {  	[sflag:s23] =	ssyncadd.s32 $0xFFFFF800  }
0x1bd: {  	_ =	swait.ge [sflag:s2], $0x800  }
0x1be: {  	[sflag:s2] =	ssyncset.done $0x0  }
0x1bf: {  	s10 =	simm.s32 $0x7480;
	[sflag:s2] =	ssyncadd.s32 $0xFFFFF800  }
0x1c0: {  	[spmem:s3] =	stream.indirect.scatter.add.f32 [tilespmem:s5], [sflag:$0x15], $0x10, s10, s16, $0xb8;
	[tilespmem:$0xF000] =	vst v63  }
0x1c1: {  	_ =	swait.ge [sflag:s23], $0x800  }
0x1c2: {  	[sflag:s23] =	ssyncset.done $0x0  }
0x1c3: {  	s11 =	simm.s32 $0x5;
	[sflag:s23] =	ssyncadd.s32 $0xFFFFF800  }
0x1c4: {  	_ =	swait.ge [sflag:s11], $0x800  }
0x1c5: {  	[sflag:s11] =	ssyncset.done $0x0  }
0x1c6: {  	s12 =	simm.s32 $0x7500;
	[sflag:s11] =	ssyncadd.s32 $0xFFFFF800  }
0x1c7: {  	[spmem:s3] =	stream.indirect.scatter.add.f32 [tilespmem:s13], [sflag:$0x15], $0x10, s12, s16, $0xb8;
	[tilespmem:$0xF000] =	vst v63  }
0x1c8: {  	_ =	swait.ge [sflag:s23], $0x800  }
0x1c9: {  	[sflag:s23] =	ssyncset.done $0x0  }
0x1ca: {  	s14 =	simm.s32 $0x6;
	[sflag:s23] =	ssyncadd.s32 $0xFFFFF800  }
0x1cb: {  	_ =	swait.ge [sflag:s14], $0x800  }
0x1cc: {  	[sflag:s14] =	ssyncset.done $0x0  }
0x1cd: {  	s15 =	simm.s32 $0x7580;
	[sflag:s14] =	ssyncadd.s32 $0xFFFFF800  }
0x1ce: {  	[spmem:s3] =	stream.indirect.scatter.add.f32 [tilespmem:s8], [sflag:$0x15], $0x10, s15, s16, $0xb8;
	[tilespmem:$0xF000] =	vst v63  }
0x1cf: {  	_ =	swait.ge [sflag:s23], $0x800  }
0x1d0: {  	[sflag:s23] =	ssyncset.done $0x0  }
0x1d1: {  	s17 =	simm.s32 $0x7;
	[sflag:s23] =	ssyncadd.s32 $0xFFFFF800  }
0x1d2: {  	_ =	swait.ge [sflag:s17], $0x800  }
0x1d3: {  	[sflag:s17] =	ssyncset.done $0x0  }
0x1d4: {  	s18 =	simm.s32 $0x7600;
	[sflag:s17] =	ssyncadd.s32 $0xFFFFF800  }
0x1d5: {  	[spmem:s3] =	stream.indirect.scatter.add.f32 [tilespmem:s9], [sflag:$0x15], $0x10, s18, s16, $0xb8;
	[tilespmem:$0xF000] =	vst v63  }
0x1d6: {  	_ =	swait.ge [sflag:s23], $0x800  }
0x1d7: {  	[sflag:s23] =	ssyncset.done $0x0  }
0x1d8: {  	s19 =	simm.s32 $0x8;
	[sflag:s23] =	ssyncadd.s32 $0xFFFFF800  }
0x1d9: {  	_ =	swait.ge [sflag:s19], $0x800  }
0x1da: {  	[sflag:s19] =	ssyncset.done $0x0  }
0x1db: {  	s20 =	simm.s32 $0x7680;
	[sflag:s19] =	ssyncadd.s32 $0xFFFFF800  }
0x1dc: {  	[spmem:s3] =	stream.indirect.scatter.add.f32 [tilespmem:s26], [sflag:$0x15], $0x10, s20, s16, $0xb8;
	[tilespmem:$0xF000] =	vst v63  }
0x1dd: {  	_ =	swait.ge [sflag:s23], $0x800  }
0x1de: {  	[sflag:s23] =	ssyncset.done $0x0  }
0x1df: {  	s21 =	simm.s32 $0x9;
	[sflag:s23] =	ssyncadd.s32 $0xFFFFF800  }
0x1e0: {  	_ =	swait.ge [sflag:s21], $0x800  }
0x1e1: {  	[sflag:s21] =	ssyncset.done $0x0  }
0x1e2: {  	s22 =	simm.s32 $0x7700;
	[sflag:s21] =	ssyncadd.s32 $0xFFFFF800  }
0x1e3: {  	[spmem:s3] =	stream.indirect.scatter.add.f32 [tilespmem:s24], [sflag:$0x15], $0x10, s22, s16, $0xb8;
	[tilespmem:$0xF000] =	vst v63  }
0x1e4: {  	_ =	swait.ge [sflag:s23], $0x800  }
0x1e5: {  	s25 =	simm.s32 $0xA;
	[sflag:s23] =	ssyncset.done $0x0  }
0x1e6: {  	s28 =	simm.s32 $0xB;
	s2 =	simm.s32 $0x4;
	[sflag:s23] =	ssyncadd.s32 $0xFFFFF800  }
.Ltmp5:
0x1e7: {  	s12 =	simm.s32 $0xC;
	_ =	swait.ge [sflag:s25], $0x800;
	(pc) =	sbr.rel .LBB2_8-.Ltmp5, $4  }
0x1e8: {  	s18 =	simm.s32 $0xD;
	s26 =	simm.s32 $0x7780;
	[sflag:s25] =	ssyncset.done $0x0  }
0x1e9: {  	s20 =	simm.s32 $0xE;
	s24 =	simm.s32 $0x2;
	[sflag:s25] =	ssyncadd.s32 $0xFFFFF800  }
0x1ea: {  	[spmem:s3] =	stream.indirect.scatter.add.f32 [tilespmem:s6], [sflag:$0x15], $0x10, s26, s16, $0xb8;
	[tilespmem:$0xF000] =	vst v63  }
0x1eb: {  	s0 =	rddreg [dreg:$0xb];
	s25 =	simm.s32 $0x3;
	s26 =	simm.s32 $0x9000  }
.LBB2_9:
0x1ec: {  	_ =	sfence.sel $0x180000  }
0x1ed: {  	[bflag:$0x0] =	sbarrier.arrive $0xFFFF  }
0x1ee: {  	_ =	strace $0x9000004D  }
0x1ef: {  	s0 =	stileid.u32;
	[bflag:$0x2] =	sbarrier.arrive $0xFFFF  }
0x1f0: {  	p0 =	sne.s32 s0, $0x0;
	s0 =	rddreg [dreg:$0x3]  }
0x1f1: {  	s0 =	sadd.s32 @!p0 $0x100000, s0  }
0x1f2: {  	[sflag:s0] =	ssyncadd.tile.s32 @!p0 $0x1;
	_ =	shalt  }
.Lfunc_end2:
_tile_overlayer_lowered:
.L_overlay_start_2:
0x1f3: {  	(tag) =	ssettag $0x2  }
0x1f4: {  	s0 =	rddreg [dreg:$0x0];
	s2 =	stileid.u32  }
0x1f5: {  	s1 =	rddreg [dreg:$0x1];
	p0 =	sne.s32 s2, $0x0  }
0x1f6: {  	s3 =	rddreg [dreg:$0x2];
	[bflag:$0x3] =	sbarrier.arrive $0xFFFF;
	s2 =	simm.s32 @!p0 $0x1C15  }
0x1f7: {  	[timem:s3], [sflag:s2] =	dma.local @!p0 [hbm:s0], s1  }
0x1f8: {  	s0 =	simm.s32 @!p0 $0x15  }
0x1f9: {  	_ =	swait.ge @!p0 [sflag:s0], s1  }
0x1fa: {  	s1 =	ssub.s32 @!p0 $0x0, s1;
	[sflag:s0] =	ssyncset.done @!p0 $0x0  }
0x1fb: {  	[sflag:s0] =	ssyncadd.s32 @!p0 s1  }
0x1fc: {  	[bflag:$0x3] =	sbarrier.arrive $0xFFFF  }
0x1fd: {  	_ =	shalt  }

// kernel: kernel.9.cloned.1.call-start
scs
__scs_entry_jumppad:
0x0: {  	(pc) =	sbr.rel $0x88, $3  }
0x1: {  	(tag) =	ssettag $0x0;
	lr =	simm.s32 $0x1  }
0x2: {  	[smem:$0x3F9B] =	sst lr;
	_ =	strace $0xD0000000  }
0x3: {  	_ = 	snop  }
0x4: {  	_ = 	snop  }
0x5: {  	_ = 	snop  }
0x6: {  	_ = 	snop  }
0x7: {  	_ = 	snop  }
__scs_overlays_trampoline_lowered:
0x8: {  	[smem:$0x3FAA] =	sst s0  }
0x9: {  	[smem:$0x3FAB] =	sst s1  }
0xa: {  	[smem:$0x3FAC] =	sst s2  }
0xb: {  	[smem:$0x3FAD] =	sst s3  }
0xc: {  	[smem:$0x3FAE] =	sst s4  }
0xd: {  	[smem:$0x3FAF] =	sst s5  }
0xe: {  	[smem:$0x3FB0] =	sst s6  }
0xf: {  	[smem:$0x3FB1] =	sst s7  }
0x10: {  	[smem:$0x3FB2] =	sst s8  }
0x11: {  	[smem:$0x3FB3] =	sst s9;
	s0 =	simm.s32 @!p0 $0x0  }
0x12: {  	s1 =	sld [smem:$0x3F99];
	s0 =	simm.s32 @p0 $0x1  }
0x13: {  	[smem:$0x3FB4] =	sst s0;
	s0 =	simm.s32 @!p1 $0x0  }
0x14: {  	s2 =	sld [smem:$0x3F98];
	s0 =	simm.s32 @p1 $0x1  }
0x15: {  	[smem:$0x3FB5] =	sst s0;
	s0 =	simm.s32 @!p2 $0x0  }
0x16: {  	s3 =	sld [smem:$0x3FDB];
	s0 =	simm.s32 @p2 $0x1  }
0x17: {  	s4 =	simm.s32 $0x1BF5;
	[smem:$0x3FB7] =	sst s0  }
0x18: {  	s0 =	sld [smem:$0x3F9A];
	_ =	swait.ge [sflag:s4], $0x0  }
0x19: {  	s7 =	sld [smem:$0x3F9B]  }
0x1a: {  	s8 =	sadd.s32 $0xFFFFE003, lr  }
0x1b: {  	s9 =	sadd.s32 $0xFFFFFEF7, lr;
	s5 =	simm.s32 $0xFFFFFFFF;
	p2 =	slt.u32 s8, $0xFFFFF086  }
0x1c: {  	p1 =	slt.u32 s9, $0xF7A;
	s5 =	simm.s32 @!p2 $0x0  }
0x1d: {  	s5 =	simm.s32 @p1 $0x1;
	p0 =	seq.s32 s7, s2  }
0x1e: {  	s7 =	smul.u32 @!p0 $0xF7A, s2;
	p2 =	seq.s32 @!p0 s5, $0x0  }
0x1f: {  	s9 =	smul.u32 $0xF7A, s1;
	s8 =	simm.s32 @!p0 $0x1BF5;
	p2 =	por !p2, p0  }
0x20: {  	[sflag:s8] =	ssyncset.s32 @!p0 $0xFFFFF086;
	s6 =	sadd.s32 @!p0 s3, s7;
	s7 =	simm.s32 @!p0 $0x108  }
0x21: {  	s3 =	sadd.s32 s3, s9;
	s6 =	sadd.s32 @!p0 $0x88, s6;
	s7 =	simm.s32 @p2 $0x1082  }
0x22: {  	[simem:s7], [sflag:s8] =	dma.local @!p0 [hbm:s6], $0xF7A  }
0x23: {  	s9 =	sor.u32 $0xD0000000, s2;
	s6 =	simm.s32 $0x108;
	_ =	swait.ge @!p0 [sflag:s8], $0x0  }
0x24: {  	s3 =	sadd.s32 $0x88, s3;
	s6 =	simm.s32 @!p1 $0x1082;
	[sflag:s4] =	ssyncset.s32 $0xFFFFF086  }
0x25: {  	[simem:s6], [sflag:s4] =	dma.local [hbm:s3], $0xF7A  }
0x26: {  	[smem:$0x3F9B] =	sst s1;
	(tag) =	ssettag s2;
	_ =	strace s9  }
0x27: {  	s1 =	sld [smem:$0x3FAB]  }
0x28: {  	s2 =	sld [smem:$0x3FAC]  }
0x29: {  	s4 =	sld [smem:$0x3FAE]  }
0x2a: {  	p0 =	seq.s32 s5, $0x0;
	s5 =	sld [smem:$0x3FAF]  }
0x2b: {  	s6 =	sld [smem:$0x3FB0]  }
0x2c: {  	s7 =	sld [smem:$0x3FB1]  }
0x2d: {  	s3 =	simm.s32 $0x108;
	s8 =	sld [smem:$0x3FB2]  }
0x2e: {  	s3 =	simm.s32 @!p0 $0x1082;
	s9 =	sld [smem:$0x3FB3]  }
0x2f: {  	lr =	sadd.s32 s0, s3;
	s0 =	sld [smem:$0x3FAA]  }
0x30: {  	s3 =	sld [smem:$0x3FAD]  }
0x31: {  	[smem:$0x3FB6] =	sst s10  }
0x32: {  	s10 =	sld [smem:$0x3FB4];
	_ =	sdelay $0x3  }
0x33: {  	p0 =	seq.s32 s10, $0x1;
	s10 =	sld [smem:$0x3FB6];
	_ =	sdelay $0x3  }
0x34: {  	[smem:$0x3FB6] =	sst s10  }
0x35: {  	s10 =	sld [smem:$0x3FB5];
	_ =	sdelay $0x3  }
0x36: {  	p1 =	seq.s32 s10, $0x1;
	s10 =	sld [smem:$0x3FB6];
	_ =	sdelay $0x3  }
0x37: {  	[smem:$0x3FB6] =	sst s10  }
0x38: {  	s10 =	sld [smem:$0x3FB7]  }
0x39: {  	_ = 	snop;
	(pc) =	sbr.ind lr, $3  }
0x3a: {  	_ = 	snop  }
0x3b: {  	_ = 	snop  }
0x3c: {  	p2 =	seq.s32 s10, $0x1;
	s10 =	sld [smem:$0x3FB6]  }
0x3d: {  	_ =	shalt  }
0x3e: {  	_ =	shalt  }
0x3f: {  	_ =	shalt  }
0x40: {  	_ =	shalt  }
0x41: {  	_ =	shalt  }
0x42: {  	_ =	shalt  }
0x43: {  	_ =	shalt  }
0x44: {  	_ =	shalt  }
0x45: {  	_ =	shalt  }
0x46: {  	_ =	shalt  }
0x47: {  	_ =	shalt  }
0x48: {  	_ =	shalt  }
0x49: {  	_ =	shalt  }
0x4a: {  	_ =	shalt  }
0x4b: {  	_ =	shalt  }
0x4c: {  	_ =	shalt  }
0x4d: {  	_ =	shalt  }
0x4e: {  	_ =	shalt  }
0x4f: {  	_ =	shalt  }
0x50: {  	_ =	shalt  }
0x51: {  	_ =	shalt  }
0x52: {  	_ =	shalt  }
0x53: {  	_ =	shalt  }
0x54: {  	_ =	shalt  }
0x55: {  	_ =	shalt  }
0x56: {  	_ =	shalt  }
0x57: {  	_ =	shalt  }
0x58: {  	_ =	shalt  }
0x59: {  	_ =	shalt  }
0x5a: {  	_ =	shalt  }
0x5b: {  	_ =	shalt  }
0x5c: {  	_ =	shalt  }
0x5d: {  	_ =	shalt  }
0x5e: {  	_ =	shalt  }
0x5f: {  	_ =	shalt  }
0x60: {  	_ =	shalt  }
0x61: {  	_ =	shalt  }
0x62: {  	_ =	shalt  }
0x63: {  	_ =	shalt  }
0x64: {  	_ =	shalt  }
0x65: {  	_ =	shalt  }
0x66: {  	_ =	shalt  }
0x67: {  	_ =	shalt  }
0x68: {  	_ =	shalt  }
0x69: {  	_ =	shalt  }
0x6a: {  	_ =	shalt  }
0x6b: {  	_ =	shalt  }
0x6c: {  	_ =	shalt  }
0x6d: {  	_ =	shalt  }
0x6e: {  	_ =	shalt  }
0x6f: {  	_ =	shalt  }
0x70: {  	_ =	shalt  }
0x71: {  	_ =	shalt  }
0x72: {  	_ =	shalt  }
0x73: {  	_ =	shalt  }
0x74: {  	_ =	shalt  }
0x75: {  	_ =	shalt  }
0x76: {  	_ =	shalt  }
0x77: {  	_ =	shalt  }
0x78: {  	_ =	shalt  }
0x79: {  	_ =	shalt  }
0x7a: {  	_ =	shalt  }
0x7b: {  	_ =	shalt  }
0x7c: {  	_ =	shalt  }
0x7d: {  	_ =	shalt  }
0x7e: {  	_ =	shalt  }
0x7f: {  	_ =	shalt  }
0x80: {  	_ =	shalt  }
0x81: {  	_ =	shalt  }
0x82: {  	_ =	shalt  }
0x83: {  	_ =	shalt  }
0x84: {  	_ =	shalt  }
0x85: {  	_ =	shalt  }
0x86: {  	_ =	shalt  }
0x87: {  	_ =	shalt  }
.Lfunc_end0:
.L_simem_size_0:
called_computation_lowered:
.L_overlay_start_0:
0x88: {  	s2 =	sld [smem:$0x3FD9]  }
0x89: {  	s3 =	sld [smem:$0x3FFE];
	_ =	sdelay $0x1  }
0x8a: {  	s1 =	srdreg.scid  }
0x8b: {  	s0 =	sand.u32 $0x1, s1  }
0x8c: {  	s17 =	sshll.u32 s0, $0xA;
	s2 =	sadd.s32 s3, s2  }
0x8d: {  	s2 =	sadd.s32 s2, s17  }
0x8e: {  	[smem:$0x3FC2] =	sst s2  }
0x8f: {  	_ = 	snop  }
0x90: {  	s2 =	sld [smem:$0x3FD0];
	(tm) =	ssettm $0x1  }
0x91: {  	s18 =	sld [smem:$0x3FFB];
	_ =	sdelay $0x3  }
0x92: {  	_ =	strace s18  }
0x93: {  	s3 =	sld [smem:$0x3FFC];
	_ =	sdelay $0x3  }
0x94: {  	_ =	strace s3  }
0x95: {  	s3 =	sld [smem:$0x3FFD];
	_ =	sdelay $0x3  }
0x96: {  	_ =	strace s3  }
0x97: {  	_ =	strace $0x8FFFFFFF  }
0x98: {  	s19 =	sld [smem:$0x3FDB];
	_ =	sdelay $0x1  }
0x99: {  	s4 =	simm.s32 $_scs_section_size  }
0x9a: {  	s5 =	simm.s32 $_size__tile_overlayer_lowered;
	s6 =	simm.s32 $_tile_overlayer_lowered  }
0x9b: {  	s22 =	simm.s32 $0x1BFF;
	s21 =	sshll.u32 s6, $0x1;
	s3 =	sadd.s32 s4, s19  }
0x9c: {  	s7 =	simm.s32 $0x0;
	s20 =	sshll.u32 s5, $0x1;
	s5 =	sadd.s32 s21, s3  }
0x9d: {  	[timem:s7], [sflag:s22] =	dma.local [hbm:s5], s20  }
0x9e: {  	_ =	swait.ge [sflag:s22], s20  }
0x9f: {  	s4 =	ssub.s32 $0x0, s20;
	[sflag:s22] =	ssyncset.done $0x0  }
0xa0: {  	[sflag:s22] =	ssyncadd.s32 s4;
	_ =	sdelay $0x1  }
0xa1: {  	s23 =	simm.s32 $0x1B8B  }
0xa2: {  	_ =	swait.ge [sflag:s23], $0x1  }
0xa3: {  	[sflag:s23] =	ssyncset.done $0x0  }
0xa4: {  	s25 =	simm.s32 $0x1B8E;
	s24 =	sld [smem:$0x3FFE];
	[sflag:s23] =	ssyncadd.s32 $0xFFFFFFFF  }
0xa5: {  	s26 =	simm.s32 $execute0_lowered;
	[smem:$0x3FD2] =	sst s25  }
0xa6: {  	s5 =	sshll.u32 s26, $0x1;
	_ =	strace $0x80000046;
	[dreg:$0x1] =	wrdreg $0xFFFFFFFF  }
0xa7: {  	s28 =	simm.s32 $_size_execute0_lowered;
	s3 =	sadd.s32 s3, s5;
	[dreg:$0x0] =	wrdreg $0x0  }
0xa8: {  	s5 =	sshll.u32 s28, $0x1;
	[dreg:$0x2] =	wrdreg s3  }
0xa9: {  	[dreg:$0x3] =	wrdreg s5  }
0xaa: {  	[dreg:$0x4] =	wrdreg $0xC0  }
0xab: {  	_ =	task [dreg:s7], $0x5FFFF  }
0xac: {  	[dreg:$0x1] =	wrdreg $0xFFFFFFFF  }
0xad: {  	[dreg:$0x0] =	wrdreg $0x60  }
0xae: {  	[dreg:$0x2] =	wrdreg s24  }
0xaf: {  	[dreg:$0x3] =	wrdreg s2  }
0xb0: {  	[dreg:$0x4] =	wrdreg $0x0  }
0xb1: {  	[dreg:$0x5] =	wrdreg $0x9  }
0xb2: {  	_ =	task.clear_ibuf [dreg:s7], $0x6FFFF;
	_ =	strace $0x90000046  }
0xb3: {  	s29 =	simm.s32 $0x9;
	_ =	strace $0x80000048  }
0xb4: {  	_ =	swait.ge [sflag:s29], $0x1  }
0xb5: {  	[sflag:s29] =	ssyncadd.s32 $0xFFFFFFFF  }
0xb6: {  	_ =	strace $0x90000048  }
0xb7: {  	_ =	sfence  }
0xb8: {  	s30 =	sld [smem:$0x0];
	_ =	sdelay $0x2  }
0xb9: {  	s31 =	sshll.u32 s1, $0xD;
	s1 =	sshrl.u32 s1, $0x2  }
0xba: {  	s3 =	sand.u32 $0x4000, s31;
	s1 =	sadd.s32 s1, s30  }
0xbb: {  	s0 =	sor.u32 s3, s0;
	s1 =	sshll.u32 s1, $0x11  }
0xbc: {  	s0 =	sor.u32 s1, s0  }
0xbd: {  	s0 =	sadd.s32 $0x8F2B, s0  }
0xbe: {  	[sflag:s0] =	ssyncadd.remote.s32 $0x1  }
0xbf: {  	_ =	sfence.sel $0xFFFF  }
0xc0: {  	[dreg:$0x0] =	wrdreg $0xFFFFFFFF;
	(pc) =	sbr.abs _section_cstart, $3  }
0xc1: {  	[dreg:$0x1] =	wrdreg $0xFFFFFFFF  }
0xc2: {  	_ =	task.clear_ibuf [dreg:s7], $0x2FFFF;
	_ =	strace $0x9FFFFFFF  }
0xc3: {  	(tm) =	ssettm $0x7FFFFFFF  }
tec
execute0_lowered:
.L_overlay_start_1:
0x0: {  	(tag) =	ssettag $0x1  }
0x1: {  	s3 =	rddreg [dreg:$0x0]  }
0x2: {  	s0 =	srdreg.scid;
	s7 =	rddreg [dreg:$0x1]  }
0x3: {  	s6 =	simm.s32 $0x0;
	s11 =	simm.s32 $0x280;
	s12 =	simm.s32 $0x80  }
0x4: {  	s13 =	simm.s32 $0x2A80;
	s14 =	simm.s32 $0x300;
	s15 =	simm.s32 $0x380  }
0x5: {  	s16 =	simm.s32 $0x400;
	s17 =	simm.s32 $0x480;
	s18 =	simm.s32 $0x500  }
0x6: {  	s19 =	simm.s32 $0x580;
	s20 =	simm.s32 $0x600;
	s21 =	simm.s32 $0x1  }
0x7: {  	s22 =	simm.s32 $0x2;
	s23 =	simm.s32 $0x3;
	s24 =	simm.s32 $0x4  }
0x8: {  	s28 =	simm.s32 $0x7;
	s29 =	simm.s32 $0x8;
	s30 =	simm.s32 $0x0  }
0x9: {  	s1 =	sand.u32 $0x1, s0;
	s0 =	stileid.u32;
	[smem:$0x7FF] =	sst s6  }
0xa: {  	s6 =	sadd.s32 $0x16100, s3;
	s2 =	sshll.u32 s1, $0x4;
	s5 =	smul.u32 $0x280, s0  }
0xb: {  	s25 =	ssub.s32 $0x2, s1;
	s1 =	smul.u32 $0x2800, s1;
	s9 =	sor.u32 s0, s2  }
0xc: {  	s2 =	rddreg [dreg:$0x2];
	s26 =	sshrl.u32 s25, $0x1;
	s4 =	smul.u32 $0x500, s9  }
.Ltmp0:
0xd: {  	_ =	strace $0x80000047;
	s10 =	ssub.s32 s25, s26;
	(pc) =	sbr.rel .LBB2_1-.Ltmp0, $4  }
0xe: {  	s1 =	sadd.s32 s5, s1;
	p0 =	sne.s32 s9, $0x1F;
	s25 =	simm.s32 $0x5  }
0xf: {  	s26 =	simm.s32 $0x6;
	s1 =	sshrl.u32 s1, $0x3;
	s8 =	sadd.s32 s4, s3  }
0x10: {  	s4 =	sadd.s32 s5, s2;
	s7 =	sadd.s32 s7, s1;
	s31 =	sadd.s32 $0xC600, s8  }
0x11: {  	v0 =	vimm.f32 $1.000000000e+00;
	v1 =	vimm.f32 $0.0e+00;
	s8 =	smax.u32 s10, $0x1;
	s10 =	simm.s32 $0x9;
	[dreg:$0x4] =	wrdreg s31  }
.LBB2_2:
0x12: {  	[tilespmem:s11], [sflag:$0x9] =	stream.linear.gather [hbm4b:s6+s1], $0xA00, $0x38;
	[tilespmem:$0x2D80] =	vst v63  }
0x13: {  	_ =	swait.ge [sflag:s10], $0xA00  }
0x14: {  	[sflag:s10] =	ssyncset.done $0x0  }
0x15: {  	[sflag:s10] =	ssyncadd.s32 $0xFFFFF600  }
0x16: {  	[bflag:$0x0] =	sbarrier.arrive $0xFFFF  }
0x17: {  	[spmem:s2] =	stream.indirect.scatter.add.f32 [tilespmem:s13], [sflag:$0x1], $0x1, s11, s12, $0xb8;
	[tilespmem:$0x2D80] =	vst v63  }
0x18: {  	_ = 	snop  }
0x19: {  	[spmem:s2] =	stream.indirect.scatter.add.f32 [tilespmem:s13], [sflag:$0x2], $0x1, s14, s12, $0xb8;
	[tilespmem:$0x2D80] =	vst v63  }
0x1a: {  	_ = 	snop  }
0x1b: {  	[spmem:s2] =	stream.indirect.scatter.add.f32 [tilespmem:s13], [sflag:$0x3], $0x1, s15, s12, $0xb8;
	[tilespmem:$0x2D80] =	vst v63  }
0x1c: {  	s31 =	simm.s32 $0x1  }
0x1d: {  	[spmem:s2] =	stream.indirect.scatter.add.f32 [tilespmem:s13], [sflag:$0x4], $0x1, s16, s12, $0xb8;
	[tilespmem:$0x2D80] =	vst v63  }
0x1e: {  	_ =	swait.ge [sflag:s31], $0x80  }
0x1f: {  	[sflag:s31] =	ssyncset.done $0x0  }
0x20: {  	s1 =	simm.s32 $0x2;
	[sflag:s31] =	ssyncadd.s32 $0xFFFFFF80  }
0x21: {  	[spmem:s2] =	stream.indirect.scatter.add.f32 [tilespmem:s13], [sflag:$0x1], $0x1, s17, s12, $0xb8;
	[tilespmem:$0x2D80] =	vst v63  }
0x22: {  	_ =	swait.ge [sflag:s1], $0x80  }
0x23: {  	[sflag:s1] =	ssyncset.done $0x0  }
0x24: {  	s3 =	simm.s32 $0x3;
	[sflag:s1] =	ssyncadd.s32 $0xFFFFFF80  }
0x25: {  	[spmem:s2] =	stream.indirect.scatter.add.f32 [tilespmem:s13], [sflag:$0x2], $0x1, s18, s12, $0xb8;
	[tilespmem:$0x2D80] =	vst v63  }
0x26: {  	_ =	swait.ge [sflag:s3], $0x80  }
0x27: {  	[sflag:s3] =	ssyncset.done $0x0  }
0x28: {  	s9 =	simm.s32 $0x4;
	[sflag:s3] =	ssyncadd.s32 $0xFFFFFF80  }
0x29: {  	[spmem:s2] =	stream.indirect.scatter.add.f32 [tilespmem:s13], [sflag:$0x3], $0x1, s19, s12, $0xb8;
	[tilespmem:$0x2D80] =	vst v63  }
0x2a: {  	_ =	swait.ge [sflag:s9], $0x80  }
0x2b: {  	[sflag:s9] =	ssyncset.done $0x0  }
0x2c: {  	[sflag:s9] =	ssyncadd.s32 $0xFFFFFF80  }
0x2d: {  	[spmem:s2] =	stream.indirect.scatter.add.f32 [tilespmem:s13], [sflag:$0x4], $0x1, s20, s12, $0xb8;
	[tilespmem:$0x2D80] =	vst v63  }
0x2e: {  	_ =	swait.ge [sflag:s31], $0x80  }
0x2f: {  	[sflag:s31] =	ssyncset.done $0x0  }
0x30: {  	s5 =	simm.s32 $0x680;
	[sflag:s31] =	ssyncadd.s32 $0xFFFFFF80  }
0x31: {  	[spmem:s2] =	stream.indirect.scatter.add.f32 [tilespmem:s13], [sflag:$0x1], $0x1, s5, s12, $0xb8;
	[tilespmem:$0x2D80] =	vst v63  }
0x32: {  	_ =	swait.ge [sflag:s1], $0x80  }
0x33: {  	[sflag:s1] =	ssyncset.done $0x0  }
0x34: {  	s5 =	simm.s32 $0x700;
	[sflag:s1] =	ssyncadd.s32 $0xFFFFFF80  }
0x35: {  	[spmem:s2] =	stream.indirect.scatter.add.f32 [tilespmem:s13], [sflag:$0x2], $0x1, s5, s12, $0xb8;
	[tilespmem:$0x2D80] =	vst v63  }
0x36: {  	_ =	swait.ge [sflag:s3], $0x80  }
0x37: {  	[sflag:s3] =	ssyncset.done $0x0  }
0x38: {  	s5 =	simm.s32 $0x780;
	[sflag:s3] =	ssyncadd.s32 $0xFFFFFF80  }
0x39: {  	[spmem:s2] =	stream.indirect.scatter.add.f32 [tilespmem:s13], [sflag:$0x3], $0x1, s5, s12, $0xb8;
	[tilespmem:$0x2D80] =	vst v63  }
0x3a: {  	_ =	swait.ge [sflag:s9], $0x80  }
0x3b: {  	[sflag:s9] =	ssyncset.done $0x0  }
0x3c: {  	s5 =	simm.s32 $0x800;
	[sflag:s9] =	ssyncadd.s32 $0xFFFFFF80  }
0x3d: {  	[spmem:s2] =	stream.indirect.scatter.add.f32 [tilespmem:s13], [sflag:$0x4], $0x1, s5, s12, $0xb8;
	[tilespmem:$0x2D80] =	vst v63  }
0x3e: {  	_ =	swait.ge [sflag:s31], $0x80  }
0x3f: {  	[sflag:s31] =	ssyncset.done $0x0  }
0x40: {  	s5 =	simm.s32 $0x880;
	[sflag:s31] =	ssyncadd.s32 $0xFFFFFF80  }
0x41: {  	[spmem:s2] =	stream.indirect.scatter.add.f32 [tilespmem:s13], [sflag:$0x1], $0x1, s5, s12, $0xb8;
	[tilespmem:$0x2D80] =	vst v63  }
0x42: {  	_ =	swait.ge [sflag:s1], $0x80  }
0x43: {  	[sflag:s1] =	ssyncset.done $0x0  }
0x44: {  	s5 =	simm.s32 $0x900;
	[sflag:s1] =	ssyncadd.s32 $0xFFFFFF80  }
0x45: {  	[spmem:s2] =	stream.indirect.scatter.add.f32 [tilespmem:s13], [sflag:$0x2], $0x1, s5, s12, $0xb8;
	[tilespmem:$0x2D80] =	vst v63  }
0x46: {  	_ =	swait.ge [sflag:s3], $0x80  }
0x47: {  	[sflag:s3] =	ssyncset.done $0x0  }
0x48: {  	s5 =	simm.s32 $0x980;
	[sflag:s3] =	ssyncadd.s32 $0xFFFFFF80  }
0x49: {  	[spmem:s2] =	stream.indirect.scatter.add.f32 [tilespmem:s13], [sflag:$0x3], $0x1, s5, s12, $0xb8;
	[tilespmem:$0x2D80] =	vst v63  }
0x4a: {  	_ =	swait.ge [sflag:s9], $0x80  }
0x4b: {  	[sflag:s9] =	ssyncset.done $0x0  }
0x4c: {  	s5 =	simm.s32 $0xA00;
	[sflag:s9] =	ssyncadd.s32 $0xFFFFFF80  }
0x4d: {  	[spmem:s2] =	stream.indirect.scatter.add.f32 [tilespmem:s13], [sflag:$0x4], $0x1, s5, s12, $0xb8;
	[tilespmem:$0x2D80] =	vst v63  }
0x4e: {  	_ =	swait.ge [sflag:s31], $0x80  }
0x4f: {  	[sflag:s31] =	ssyncset.done $0x0  }
0x50: {  	s5 =	simm.s32 $0xA80;
	[sflag:s31] =	ssyncadd.s32 $0xFFFFFF80  }
0x51: {  	[spmem:s2] =	stream.indirect.scatter.add.f32 [tilespmem:s13], [sflag:$0x1], $0x1, s5, s12, $0xb8;
	[tilespmem:$0x2D80] =	vst v63  }
0x52: {  	_ =	swait.ge [sflag:s1], $0x80  }
0x53: {  	[sflag:s1] =	ssyncset.done $0x0  }
0x54: {  	s5 =	simm.s32 $0xB00;
	[sflag:s1] =	ssyncadd.s32 $0xFFFFFF80  }
0x55: {  	[spmem:s2] =	stream.indirect.scatter.add.f32 [tilespmem:s13], [sflag:$0x2], $0x1, s5, s12, $0xb8;
	[tilespmem:$0x2D80] =	vst v63  }
0x56: {  	_ =	swait.ge [sflag:s3], $0x80  }
0x57: {  	[sflag:s3] =	ssyncset.done $0x0  }
0x58: {  	s5 =	simm.s32 $0xB80;
	[sflag:s3] =	ssyncadd.s32 $0xFFFFFF80  }
0x59: {  	[spmem:s2] =	stream.indirect.scatter.add.f32 [tilespmem:s13], [sflag:$0x3], $0x1, s5, s12, $0xb8;
	[tilespmem:$0x2D80] =	vst v63  }
0x5a: {  	_ =	swait.ge [sflag:s9], $0x80  }
0x5b: {  	[sflag:s9] =	ssyncset.done $0x0  }
0x5c: {  	s14 =	simm.s32 $0x300;
	s5 =	simm.s32 $0xC00;
	[sflag:s9] =	ssyncadd.s32 $0xFFFFFF80  }
0x5d: {  	[spmem:s2] =	stream.indirect.scatter.add.f32 [tilespmem:s13], [sflag:$0x4], $0x1, s5, s12, $0xb8;
	[tilespmem:$0x2D80] =	vst v63  }
.LBB2_6:
0x5e: {  	_ =	swait.ge [sflag:s31], $0x80  }
0x5f: {  	[sflag:s31] =	ssyncset.done $0x0  }
0x60: {  	[sflag:s31] =	ssyncadd.s32 $0xFFFFFF80  }
0x61: {  	_ =	swait.ge [sflag:s1], $0x80  }
0x62: {  	[sflag:s1] =	ssyncset.done $0x0  }
0x63: {  	[sflag:s1] =	ssyncadd.s32 $0xFFFFFF80  }
0x64: {  	_ =	swait.ge [sflag:s3], $0x80  }
0x65: {  	[sflag:s3] =	ssyncset.done $0x0  }
0x66: {  	[sflag:s3] =	ssyncadd.s32 $0xFFFFFF80  }
0x67: {  	s30 =	sadd.s32 $0x1, s30;
	_ =	swait.ge [sflag:s9], $0x80  }
0x68: {  	p1 =	sne.s32 s30, s8;
	[sflag:s9] =	ssyncset.done $0x0  }
0x69: {  	s31 =	sshrl.u32 s4, $0x3;
	[sflag:s9] =	ssyncadd.s32 $0xFFFFFF80;
	s9 =	sshll.u32 s0, $0x6  }
.Ltmp1:
0x6a: {  	[bflag:$0x0] =	sbarrier.arrive $0xFFFF;
	s1 =	sor.u32 $0x1C09, s9;
	(pc) =	sbr.rel @!p1 .LBB2_7-.Ltmp1, $4  }
0x6b: {  	[hbm:s7], [sflag:s1] =	dma.local [spmem:s31], $0x50  }
0x6c: {  	_ =	swait.ge [sflag:s10], $0x50  }
0x6d: {  	[sflag:s10] =	ssyncset.done $0x0  }
0x6e: {  	[sflag:s10] =	ssyncadd.s32 $0xFFFFFFB0  }
.LBB2_1:
0x6f: {  	[tilespmem:$0x2A80] =	vst v0  }
0x70: {  	[tilespmem:$0x2A90] =	vst v0  }
0x71: {  	[tilespmem:$0x2AA0] =	vst v0  }
0x72: {  	[tilespmem:$0x2AB0] =	vst v0  }
0x73: {  	[tilespmem:$0x2AC0] =	vst v0  }
0x74: {  	[tilespmem:$0x2AD0] =	vst v0  }
0x75: {  	[tilespmem:$0x2AE0] =	vst v0  }
0x76: {  	[tilespmem:$0x2AF0] =	vst v0  }
0x77: {  	[tilespmem:$0x2B00] =	vst v1  }
0x78: {  	[tilespmem:$0x2B10] =	vst v1  }
0x79: {  	[tilespmem:$0x2B20] =	vst v1  }
0x7a: {  	[tilespmem:$0x2B30] =	vst v1  }
0x7b: {  	[tilespmem:$0x2B40] =	vst v1  }
0x7c: {  	[tilespmem:$0x2B50] =	vst v1  }
0x7d: {  	[tilespmem:$0x2B60] =	vst v1  }
0x7e: {  	[tilespmem:$0x2B70] =	vst v1  }
0x7f: {  	[tilespmem:$0x2B80] =	vst v1  }
0x80: {  	[tilespmem:$0x2B90] =	vst v1  }
0x81: {  	[tilespmem:$0x2BA0] =	vst v1  }
0x82: {  	[tilespmem:$0x2BB0] =	vst v1  }
0x83: {  	[tilespmem:$0x2BC0] =	vst v1  }
0x84: {  	[tilespmem:$0x2BD0] =	vst v1  }
0x85: {  	[tilespmem:$0x2BE0] =	vst v1  }
0x86: {  	[tilespmem:$0x2BF0] =	vst v1  }
0x87: {  	[tilespmem:$0x2C00] =	vst v1  }
0x88: {  	[tilespmem:$0x2C10] =	vst v1  }
0x89: {  	[tilespmem:$0x2C20] =	vst v1  }
0x8a: {  	[tilespmem:$0x2C30] =	vst v1  }
0x8b: {  	[tilespmem:$0x2C40] =	vst v1  }
0x8c: {  	[tilespmem:$0x2C50] =	vst v1  }
0x8d: {  	[tilespmem:$0x2C60] =	vst v1  }
0x8e: {  	[tilespmem:$0x2C70] =	vst v1  }
0x8f: {  	[tilespmem:$0x2C80] =	vst v1  }
0x90: {  	[tilespmem:$0x2C90] =	vst v1  }
0x91: {  	[tilespmem:$0x2CA0] =	vst v1  }
0x92: {  	[tilespmem:$0x2CB0] =	vst v1  }
0x93: {  	[tilespmem:$0x2CC0] =	vst v1  }
0x94: {  	[tilespmem:$0x2CD0] =	vst v1  }
0x95: {  	[tilespmem:$0x2CE0] =	vst v1  }
0x96: {  	[tilespmem:$0x2CF0] =	vst v1  }
0x97: {  	[tilespmem:$0x2D00] =	vst v1  }
0x98: {  	[tilespmem:$0x2D10] =	vst v1  }
0x99: {  	[tilespmem:$0x2D20] =	vst v1  }
0x9a: {  	[tilespmem:$0x2D30] =	vst v1  }
0x9b: {  	[tilespmem:$0x2D40] =	vst v1  }
0x9c: {  	[tilespmem:$0x2D50] =	vst v1  }
0x9d: {  	[tilespmem:$0x2D60] =	vst v1  }
.Ltmp2:
0x9e: {  	[tilespmem:$0x2D70] =	vst v1;
	s1 =	simm.s32 $0x2B00;
	(pc) =	sbr.rel @!p0 .LBB2_2-.Ltmp2, $4  }
0x9f: {  	[spmem:s4] =	stream.linear.scatter [tilespmem:s1], [sflag:$0x9], $0x280, $0x38;
	[tilespmem:$0x2D80] =	vst v63  }
0xa0: {  	_ =	swait.ge [sflag:s10], $0x280  }
0xa1: {  	[sflag:s10] =	ssyncset.done $0x0  }
0xa2: {  	s1 =	simm.s32 $0x0;
	[sflag:s10] =	ssyncadd.s32 $0xFFFFFD80  }
0xa3: {  	s3 =	rddreg [dreg:$0x4]  }
0xa4: {  	[tilespmem:s11], [sflag:$0x9] =	stream.linear.gather [hbm4b:s3+s1], $0x2800, $0x38;
	[tilespmem:$0x2D80] =	vst v63  }
0xa5: {  	_ =	swait.ge [sflag:s10], $0x2800  }
0xa6: {  	[sflag:s10] =	ssyncset.done $0x0  }
0xa7: {  	[sflag:s10] =	ssyncadd.s32 $0xFFFFD800  }
0xa8: {  	[bflag:$0x0] =	sbarrier.arrive $0xFFFF  }
0xa9: {  	[spmem:s2] =	stream.indirect.scatter.add.f32 [tilespmem:s13], [sflag:$0x1], $0x1, s11, s12, $0xb8;
	[tilespmem:$0x2D80] =	vst v63  }
0xaa: {  	_ = 	snop  }
0xab: {  	[spmem:s2] =	stream.indirect.scatter.add.f32 [tilespmem:s13], [sflag:$0x2], $0x1, s14, s12, $0xb8;
	[tilespmem:$0x2D80] =	vst v63  }
0xac: {  	_ = 	snop  }
0xad: {  	[spmem:s2] =	stream.indirect.scatter.add.f32 [tilespmem:s13], [sflag:$0x3], $0x1, s15, s12, $0xb8;
	[tilespmem:$0x2D80] =	vst v63  }
0xae: {  	_ = 	snop  }
0xaf: {  	[spmem:s2] =	stream.indirect.scatter.add.f32 [tilespmem:s13], [sflag:$0x4], $0x1, s16, s12, $0xb8;
	[tilespmem:$0x2D80] =	vst v63  }
0xb0: {  	_ = 	snop  }
0xb1: {  	[spmem:s2] =	stream.indirect.scatter.add.f32 [tilespmem:s13], [sflag:$0x5], $0x1, s17, s12, $0xb8;
	[tilespmem:$0x2D80] =	vst v63  }
0xb2: {  	_ = 	snop  }
0xb3: {  	[spmem:s2] =	stream.indirect.scatter.add.f32 [tilespmem:s13], [sflag:$0x6], $0x1, s18, s12, $0xb8;
	[tilespmem:$0x2D80] =	vst v63  }
0xb4: {  	_ = 	snop  }
0xb5: {  	[spmem:s2] =	stream.indirect.scatter.add.f32 [tilespmem:s13], [sflag:$0x7], $0x1, s19, s12, $0xb8;
	[tilespmem:$0x2D80] =	vst v63  }
0xb6: {  	_ = 	snop  }
0xb7: {  	[spmem:s2] =	stream.indirect.scatter.add.f32 [tilespmem:s13], [sflag:$0x8], $0x1, s20, s12, $0xb8;
	[tilespmem:$0x2D80] =	vst v63  }
0xb8: {  	_ =	swait.ge [sflag:s21], $0x80  }
0xb9: {  	[sflag:s21] =	ssyncset.done $0x0  }
0xba: {  	s9 =	simm.s32 $0x680;
	[sflag:s21] =	ssyncadd.s32 $0xFFFFFF80  }
0xbb: {  	[spmem:s2] =	stream.indirect.scatter.add.f32 [tilespmem:s13], [sflag:$0x1], $0x1, s9, s12, $0xb8;
	[tilespmem:$0x2D80] =	vst v63  }
0xbc: {  	_ =	swait.ge [sflag:s22], $0x80  }
0xbd: {  	[sflag:s22] =	ssyncset.done $0x0  }
0xbe: {  	s3 =	simm.s32 $0x700;
	[sflag:s22] =	ssyncadd.s32 $0xFFFFFF80  }
0xbf: {  	[spmem:s2] =	stream.indirect.scatter.add.f32 [tilespmem:s13], [sflag:$0x2], $0x1, s3, s12, $0xb8;
	[tilespmem:$0x2D80] =	vst v63  }
0xc0: {  	_ =	swait.ge [sflag:s23], $0x80  }
0xc1: {  	[sflag:s23] =	ssyncset.done $0x0  }
0xc2: {  	s5 =	simm.s32 $0x780;
	[sflag:s23] =	ssyncadd.s32 $0xFFFFFF80  }
0xc3: {  	[spmem:s2] =	stream.indirect.scatter.add.f32 [tilespmem:s13], [sflag:$0x3], $0x1, s5, s12, $0xb8;
	[tilespmem:$0x2D80] =	vst v63  }
0xc4: {  	_ =	swait.ge [sflag:s24], $0x80  }
0xc5: {  	[sflag:s24] =	ssyncset.done $0x0  }
0xc6: {  	s9 =	simm.s32 $0x800;
	[sflag:s24] =	ssyncadd.s32 $0xFFFFFF80  }
0xc7: {  	[spmem:s2] =	stream.indirect.scatter.add.f32 [tilespmem:s13], [sflag:$0x4], $0x1, s9, s12, $0xb8;
	[tilespmem:$0x2D80] =	vst v63  }
0xc8: {  	_ =	swait.ge [sflag:s25], $0x80  }
0xc9: {  	[sflag:s25] =	ssyncset.done $0x0  }
0xca: {  	s3 =	simm.s32 $0x880;
	[sflag:s25] =	ssyncadd.s32 $0xFFFFFF80  }
0xcb: {  	[spmem:s2] =	stream.indirect.scatter.add.f32 [tilespmem:s13], [sflag:$0x5], $0x1, s3, s12, $0xb8;
	[tilespmem:$0x2D80] =	vst v63  }
0xcc: {  	_ =	swait.ge [sflag:s26], $0x80  }
0xcd: {  	[sflag:s26] =	ssyncset.done $0x0  }
0xce: {  	s5 =	simm.s32 $0x900;
	[sflag:s26] =	ssyncadd.s32 $0xFFFFFF80  }
0xcf: {  	[spmem:s2] =	stream.indirect.scatter.add.f32 [tilespmem:s13], [sflag:$0x6], $0x1, s5, s12, $0xb8;
	[tilespmem:$0x2D80] =	vst v63  }
0xd0: {  	_ =	swait.ge [sflag:s28], $0x80  }
0xd1: {  	[sflag:s28] =	ssyncset.done $0x0  }
0xd2: {  	s9 =	simm.s32 $0x980;
	[sflag:s28] =	ssyncadd.s32 $0xFFFFFF80  }
0xd3: {  	[spmem:s2] =	stream.indirect.scatter.add.f32 [tilespmem:s13], [sflag:$0x7], $0x1, s9, s12, $0xb8;
	[tilespmem:$0x2D80] =	vst v63  }
0xd4: {  	_ =	swait.ge [sflag:s29], $0x80  }
0xd5: {  	[sflag:s29] =	ssyncset.done $0x0  }
0xd6: {  	s31 =	simm.s32 $0x1000;
	s1 =	simm.s32 $0xA00;
	[sflag:s29] =	ssyncadd.s32 $0xFFFFFF80  }
.LBB2_4:
0xd7: {  	[spmem:s2] =	stream.indirect.scatter.add.f32 [tilespmem:s13], [sflag:$0x8], $0x1, s1, s12, $0xb8;
	[tilespmem:$0x2D80] =	vst v63  }
0xd8: {  	s1 =	smov.u32 s31  }
0xd9: {  	p1 =	sne.s32 s31, $0x8000;
	s31 =	sadd.s32 $0x1000, s31;
	_ =	swait.ge [sflag:s21], $0x80  }
0xda: {  	s1 =	sshra.s32 s1, $0x2;
	[sflag:s21] =	ssyncset.done $0x0  }
0xdb: {  	s3 =	sadd.s32 $0x680, s1;
	[sflag:s21] =	ssyncadd.s32 $0xFFFFFF80  }
0xdc: {  	[spmem:s2] =	stream.indirect.scatter.add.f32 [tilespmem:s13], [sflag:$0x1], $0x1, s3, s12, $0xb8;
	[tilespmem:$0x2D80] =	vst v63  }
0xdd: {  	_ =	swait.ge [sflag:s22], $0x80  }
0xde: {  	[sflag:s22] =	ssyncset.done $0x0  }
0xdf: {  	s3 =	sadd.s32 $0x700, s1;
	[sflag:s22] =	ssyncadd.s32 $0xFFFFFF80  }
0xe0: {  	[spmem:s2] =	stream.indirect.scatter.add.f32 [tilespmem:s13], [sflag:$0x2], $0x1, s3, s12, $0xb8;
	[tilespmem:$0x2D80] =	vst v63  }
0xe1: {  	_ =	swait.ge [sflag:s23], $0x80  }
0xe2: {  	[sflag:s23] =	ssyncset.done $0x0  }
0xe3: {  	s3 =	sadd.s32 $0x780, s1;
	[sflag:s23] =	ssyncadd.s32 $0xFFFFFF80  }
0xe4: {  	[spmem:s2] =	stream.indirect.scatter.add.f32 [tilespmem:s13], [sflag:$0x3], $0x1, s3, s12, $0xb8;
	[tilespmem:$0x2D80] =	vst v63  }
0xe5: {  	_ =	swait.ge [sflag:s24], $0x80  }
0xe6: {  	[sflag:s24] =	ssyncset.done $0x0  }
0xe7: {  	s3 =	sadd.s32 $0x800, s1;
	[sflag:s24] =	ssyncadd.s32 $0xFFFFFF80  }
0xe8: {  	[spmem:s2] =	stream.indirect.scatter.add.f32 [tilespmem:s13], [sflag:$0x4], $0x1, s3, s12, $0xb8;
	[tilespmem:$0x2D80] =	vst v63  }
0xe9: {  	_ =	swait.ge [sflag:s25], $0x80  }
0xea: {  	[sflag:s25] =	ssyncset.done $0x0  }
0xeb: {  	s3 =	sadd.s32 $0x880, s1;
	[sflag:s25] =	ssyncadd.s32 $0xFFFFFF80  }
0xec: {  	[spmem:s2] =	stream.indirect.scatter.add.f32 [tilespmem:s13], [sflag:$0x5], $0x1, s3, s12, $0xb8;
	[tilespmem:$0x2D80] =	vst v63  }
0xed: {  	_ =	swait.ge [sflag:s26], $0x80  }
0xee: {  	[sflag:s26] =	ssyncset.done $0x0  }
0xef: {  	s3 =	sadd.s32 $0x900, s1;
	[sflag:s26] =	ssyncadd.s32 $0xFFFFFF80  }
0xf0: {  	[spmem:s2] =	stream.indirect.scatter.add.f32 [tilespmem:s13], [sflag:$0x6], $0x1, s3, s12, $0xb8;
	[tilespmem:$0x2D80] =	vst v63  }
0xf1: {  	_ =	swait.ge [sflag:s28], $0x80  }
0xf2: {  	[sflag:s28] =	ssyncset.done $0x0  }
.Ltmp3:
0xf3: {  	s3 =	sadd.s32 $0x980, s1;
	[sflag:s28] =	ssyncadd.s32 $0xFFFFFF80;
	(pc) =	sbr.rel @p1 .LBB2_4-.Ltmp3, $4  }
0xf4: {  	[spmem:s2] =	stream.indirect.scatter.add.f32 [tilespmem:s13], [sflag:$0x7], $0x1, s3, s12, $0xb8;
	[tilespmem:$0x2D80] =	vst v63  }
0xf5: {  	_ =	swait.ge [sflag:s29], $0x80  }
0xf6: {  	[sflag:s29] =	ssyncset.done $0x0  }
0xf7: {  	s1 =	sadd.s32 $0xA00, s1;
	[sflag:s29] =	ssyncadd.s32 $0xFFFFFF80  }
0xf8: {  	[spmem:s2] =	stream.indirect.scatter.add.f32 [tilespmem:s13], [sflag:$0x8], $0x1, s1, s12, $0xb8;
	[tilespmem:$0x2D80] =	vst v63  }
0xf9: {  	_ =	swait.ge [sflag:s21], $0x80  }
0xfa: {  	[sflag:s21] =	ssyncset.done $0x0  }
0xfb: {  	[sflag:s21] =	ssyncadd.s32 $0xFFFFFF80  }
0xfc: {  	_ =	swait.ge [sflag:s22], $0x80  }
0xfd: {  	[sflag:s22] =	ssyncset.done $0x0  }
0xfe: {  	[sflag:s22] =	ssyncadd.s32 $0xFFFFFF80  }
0xff: {  	_ =	swait.ge [sflag:s23], $0x80  }
.Ltmp4:
0x100: {  	[sflag:s23] =	ssyncset.done $0x0;
	(pc) =	sbr.rel .LBB2_6-.Ltmp4, $4  }
0x101: {  	[sflag:s23] =	ssyncadd.s32 $0xFFFFFF80  }
0x102: {  	_ =	swait.ge [sflag:s24], $0x80  }
0x103: {  	s9 =	simm.s32 $0x8;
	s3 =	simm.s32 $0x7;
	[sflag:s24] =	ssyncset.done $0x0  }
0x104: {  	s1 =	simm.s32 $0x6;
	s31 =	simm.s32 $0x5;
	[sflag:s24] =	ssyncadd.s32 $0xFFFFFF80  }
.LBB2_7:
0x105: {  	_ =	sfence.sel $0x180000  }
0x106: {  	[bflag:$0x0] =	sbarrier.arrive $0xFFFF  }
0x107: {  	_ =	strace $0x90000047  }
0x108: {  	[bflag:$0x2] =	sbarrier.arrive $0xFFFF  }
0x109: {  	p0 =	sne.s32 s0, $0x0;
	s0 =	rddreg [dreg:$0x3]  }
0x10a: {  	s0 =	sadd.s32 @!p0 $0x100000, s0  }
0x10b: {  	[sflag:s0] =	ssyncadd.tile.s32 @!p0 $0x1;
	_ =	shalt  }
.Lfunc_end2:
_tile_overlayer_lowered:
.L_overlay_start_2:
0x10c: {  	(tag) =	ssettag $0x2  }
0x10d: {  	s0 =	rddreg [dreg:$0x0];
	s2 =	stileid.u32  }
0x10e: {  	s1 =	rddreg [dreg:$0x1];
	p0 =	sne.s32 s2, $0x0  }
0x10f: {  	s3 =	rddreg [dreg:$0x2];
	[bflag:$0x3] =	sbarrier.arrive $0xFFFF;
	s2 =	simm.s32 @!p0 $0x1C09  }
0x110: {  	[timem:s3], [sflag:s2] =	dma.local @!p0 [hbm:s0], s1  }
0x111: {  	s0 =	simm.s32 @!p0 $0x9  }
0x112: {  	_ =	swait.ge @!p0 [sflag:s0], s1  }
0x113: {  	s1 =	ssub.s32 @!p0 $0x0, s1;
	[sflag:s0] =	ssyncset.done @!p0 $0x0  }
0x114: {  	[sflag:s0] =	ssyncadd.s32 @!p0 s1  }
0x115: {  	[bflag:$0x3] =	sbarrier.arrive $0xFFFF  }
0x116: {  	_ =	shalt  }

</sc_bundles>
